<compile_context>
chip_gen: v7x
topology: tpu7x:2x2x1
jax: 0.10.2.dev20260603
libtpu: 0.0.44.dev20260713+nightly
codegen_flags: <defaults>
</compile_context>

<pallas_src>
import functools

import jax
import jax.numpy as jnp
from jax import lax
from jax.experimental import pallas as pl
from jax.experimental.pallas import tpu as pltpu, tpu_sc as plsc

N_NODES = 10000
N_PAD = 10240
IN_DIM = 128
OUT_DIM = 128
NC = 2
NS = 16
NW = NC * NS
CHUNK = 40
NBUF = 6
GDEPTH = 4
RDEPTH = 12
SDEPTH = 8
SPT = N_PAD // NS
LANES = 16


def _sc_aggregate(n_chunks):
    mesh = plsc.VectorSubcoreMesh(core_axis_name="c", subcore_axis_name="s")

    @functools.partial(
        pl.kernel,
        mesh=mesh,
        out_type=jax.ShapeDtypeStruct((NC, N_PAD, IN_DIM), jnp.float32),
        compiler_params=pltpu.CompilerParams(needs_layout_passes=False),
        scratch_types=[
            [pltpu.VMEM((CHUNK, IN_DIM), jnp.float32) for _ in range(NBUF)],
            pltpu.VMEM((RDEPTH, CHUNK), jnp.int32),
            pltpu.VMEM((RDEPTH, CHUNK), jnp.int32),
            pltpu.VMEM((RDEPTH, CHUNK), jnp.float32),
            [pltpu.SemaphoreType.DMA for _ in range(NBUF)],
            [pltpu.SemaphoreType.DMA for _ in range(NBUF)],
            [pltpu.SemaphoreType.DMA for _ in range(RDEPTH)],
            pltpu.VMEM_SHARED((N_PAD, IN_DIM), jnp.float32),
        ],
    )
    def agg_kernel(x_hbm, src_hbm, dst_hbm, w_hbm, zeros_hbm, out_hbm,
                   rows, src_r, dst_r, w_r, gsem, ssem, isem, acc_sh):
        c = lax.axis_index("c")
        s = lax.axis_index("s")
        wid = c * NS + s
        n_groups = n_chunks // RDEPTH

        def stage_start(j, slot):
            pltpu.async_copy(src_hbm.at[wid, j], src_r.at[slot], isem[slot])
            pltpu.async_copy(dst_hbm.at[wid, j], dst_r.at[slot], isem[slot])
            pltpu.async_copy(w_hbm.at[wid, j], w_r.at[slot], isem[slot])

        def stage_wait(j, slot):
            pltpu.make_async_copy(src_hbm.at[wid, j], src_r.at[slot],
                                  isem[slot]).wait()
            pltpu.make_async_copy(dst_hbm.at[wid, j], dst_r.at[slot],
                                  isem[slot]).wait()
            pltpu.make_async_copy(w_hbm.at[wid, j], w_r.at[slot],
                                  isem[slot]).wait()

        def gather_start(islot, rslot):
            return pltpu.async_copy(x_hbm.at[src_r.at[islot]], rows[rslot],
                                    gsem[rslot])

        for k in range(SDEPTH):
            stage_start(k, k)
        pltpu.sync_copy(zeros_hbm, acc_sh.at[pl.ds(s * SPT, SPT)])
        for k in range(GDEPTH):
            stage_wait(k, k)
            gather_start(k, k)
        plsc.subcore_barrier()

        def group_body(g, carry):
            for b in range(RDEPTH):
                j = g * RDEPTH + b
                rb = b % NBUF
                rows_b = rows[rb]
                pltpu.make_async_copy(x_hbm.at[src_r.at[b]], rows_b,
                                      gsem[rb]).wait()
                brow = jnp.full((LANES,), b, jnp.int32)

                def edge_body(i, carry2, rows_b=rows_b, brow=brow):
                    wvec = plsc.load_gather(
                        w_r, [brow, jnp.full((LANES,), i, jnp.int32)])
                    for col in range(IN_DIM // LANES):
                        sl = pl.ds(col * LANES, LANES)
                        rows_b[i, sl] = rows_b[i, sl] * wvec
                    return carry2

                lax.fori_loop(0, CHUNK, edge_body, 0)
                cp = pltpu.async_copy(rows_b, acc_sh.at[dst_r.at[b]],
                                      ssem[rb], add=True)
                rbg = (rb + GDEPTH) % NBUF
                bg = (b + GDEPTH) % RDEPTH

                @pl.when(j + GDEPTH < n_chunks)
                def _prefetch(j=j, b=b, rbg=rbg, bg=bg):
                    @pl.when(j >= NBUF - GDEPTH)
                    def _drain(b=b, rbg=rbg):
                        pltpu.make_async_copy(
                            rows[rbg],
                            acc_sh.at[dst_r.at[(b + GDEPTH) % RDEPTH]],
                            ssem[rbg]).wait()
                    stage_wait(j + GDEPTH, bg)
                    gather_start(bg, rbg)

                @pl.when(j + SDEPTH < n_chunks)
                def _stage(j=j, b=b):
                    stage_start(j + SDEPTH, (b + SDEPTH) % RDEPTH)

                if b >= RDEPTH - NBUF:
                    @pl.when(g == n_groups - 1)
                    def _tail(cp=cp):
                        cp.wait()
            return carry

        lax.fori_loop(0, n_groups, group_body, 0)
        plsc.subcore_barrier()

        pltpu.sync_copy(acc_sh.at[pl.ds(s * SPT, SPT)],
                        out_hbm.at[c, pl.ds(s * SPT, SPT)])

    return agg_kernel


def _mm_body(p_ref, wt_ref, o_ref):
    acc = p_ref[0] + p_ref[1]
    o_ref[...] = jnp.dot(acc, wt_ref[...], preferred_element_type=jnp.float32)


def kernel(node_emb, edges, edge_weight, W):
    n_edges = edges.shape[1]
    epw = pl.cdiv(n_edges, NW * RDEPTH * CHUNK) * RDEPTH * CHUNK
    n_chunks = epw // CHUNK
    pad = NW * epw - n_edges

    src = jnp.pad(edges[1].astype(jnp.int32), (0, pad)).reshape(NW, n_chunks, CHUNK)
    src = src + (jnp.arange(NW, dtype=jnp.int32) // NS * N_NODES)[:, None, None]
    dst = jnp.pad(edges[0].astype(jnp.int32), (0, pad)).reshape(NW, n_chunks, CHUNK)
    w = jnp.pad(edge_weight, (0, pad)).reshape(NW, n_chunks, CHUNK)
    zeros = jnp.zeros((SPT, IN_DIM), jnp.float32)
    x2 = jnp.concatenate([node_emb, node_emb], axis=0)

    partials = _sc_aggregate(n_chunks)(x2, src, dst, w, zeros)

    bm = 1280
    out = pl.pallas_call(
        _mm_body,
        grid=(N_PAD // bm,),
        in_specs=[
            pl.BlockSpec((NC, bm, IN_DIM), lambda i: (0, i, 0)),
            pl.BlockSpec((IN_DIM, OUT_DIM), lambda i: (0, 0)),
        ],
        out_specs=pl.BlockSpec((bm, OUT_DIM), lambda i: (i, 0)),
        out_shape=jax.ShapeDtypeStruct((N_PAD, OUT_DIM), jnp.float32),
    )(partials, W.T)
    return out[:N_NODES]

# --- scband reference (transcript-rebuilt; emitter-appended) ---
"""Pipeline reference for scband-gcnconv-20667382628530 (READ-ONLY COPY).

The authoritative reference and input builder live on the scoring server;
editing this copy changes nothing except your own understanding.
"""

import jax, jax.numpy as jnp
import numpy as np

N_NODES = 10000
N_EDGES = 320000
IN_DIM = 128
OUT_DIM = 128


def setup_inputs(seed: int = 0) -> dict:
    key = jax.random.key(seed)
    k1, k2, k3, k4 = jax.random.split(key, 4)
    node_emb = jax.random.normal(k1, (N_NODES, IN_DIM), dtype=jnp.float32)
    edges = jax.random.randint(k2, (2, N_EDGES), 0, N_NODES, dtype=jnp.int64)
    edge_weight = jax.random.uniform(k3, (N_EDGES,), dtype=jnp.float32)
    # nn.Linear(in_dim, out_dim, bias=False) weight: [out_dim, in_dim]
    bound = 1.0 / np.sqrt(IN_DIM)
    W = jax.random.uniform(k4, (OUT_DIM, IN_DIM), dtype=jnp.float32, minval=-bound, maxval=bound)
    return {"node_emb": node_emb, "edges": edges, "edge_weight": edge_weight, "W": W}


def reference(node_emb, edges, edge_weight, W):
    # node_emb = self.weight(node_emb)
    h = node_emb @ W.T
    # sparse COO matrix A[dst, src] = edge_weight; out = A @ h
    dst = edges[0]
    src = edges[1]
    msgs = jnp.take(h, src, axis=0) * edge_weight[:, None]
    out = jax.ops.segment_sum(msgs, dst, num_segments=node_emb.shape[0])
    return out

if __name__ == "__main__":
    import jax
    _d = setup_inputs()
    print(jax.jit(kernel)(*tuple(_d.values())))

</pallas_src>

<mosaic_0001>
#map = affine_map<(d0, d1) -> (0, 0)>
#map1 = affine_map<(d0, d1) -> (0, 0, 0)>
module attributes {stable_mosaic.version = 14 : i64} {
  func.func @agg_kernel(%arg0: i32, %arg1: i32, %arg2: memref<20000x128xf32, #tpu.memory_space<hbm>>, %arg3: memref<32x252x40xi32, #tpu.memory_space<hbm>>, %arg4: memref<32x252x40xi32, #tpu.memory_space<hbm>>, %arg5: memref<32x252x40xf32, #tpu.memory_space<hbm>>, %arg6: memref<640x128xf32, #tpu.memory_space<hbm>>, %arg7: memref<2x10240x128xf32, #tpu.memory_space<hbm>>, %arg8: memref<40x128xf32, #tpu.memory_space<vmem>>, %arg9: memref<40x128xf32, #tpu.memory_space<vmem>>, %arg10: memref<40x128xf32, #tpu.memory_space<vmem>>, %arg11: memref<40x128xf32, #tpu.memory_space<vmem>>, %arg12: memref<40x128xf32, #tpu.memory_space<vmem>>, %arg13: memref<40x128xf32, #tpu.memory_space<vmem>>, %arg14: memref<12x40xi32, #tpu.memory_space<vmem>>, %arg15: memref<12x40xi32, #tpu.memory_space<vmem>>, %arg16: memref<12x40xf32, #tpu.memory_space<vmem>>, %arg17: memref<!tpu.dma_semaphore, #tpu.memory_space<semaphore_mem>>, %arg18: memref<!tpu.dma_semaphore, #tpu.memory_space<semaphore_mem>>, %arg19: memref<!tpu.dma_semaphore, #tpu.memory_space<semaphore_mem>>, %arg20: memref<!tpu.dma_semaphore, #tpu.memory_space<semaphore_mem>>, %arg21: memref<!tpu.dma_semaphore, #tpu.memory_space<semaphore_mem>>, %arg22: memref<!tpu.dma_semaphore, #tpu.memory_space<semaphore_mem>>, %arg23: memref<!tpu.dma_semaphore, #tpu.memory_space<semaphore_mem>>, %arg24: memref<!tpu.dma_semaphore, #tpu.memory_space<semaphore_mem>>, %arg25: memref<!tpu.dma_semaphore, #tpu.memory_space<semaphore_mem>>, %arg26: memref<!tpu.dma_semaphore, #tpu.memory_space<semaphore_mem>>, %arg27: memref<!tpu.dma_semaphore, #tpu.memory_space<semaphore_mem>>, %arg28: memref<!tpu.dma_semaphore, #tpu.memory_space<semaphore_mem>>, %arg29: memref<!tpu.dma_semaphore, #tpu.memory_space<semaphore_mem>>, %arg30: memref<!tpu.dma_semaphore, #tpu.memory_space<semaphore_mem>>, %arg31: memref<!tpu.dma_semaphore, #tpu.memory_space<semaphore_mem>>, %arg32: memref<!tpu.dma_semaphore, #tpu.memory_space<semaphore_mem>>, %arg33: memref<!tpu.dma_semaphore, #tpu.memory_space<semaphore_mem>>, %arg34: memref<!tpu.dma_semaphore, #tpu.memory_space<semaphore_mem>>, %arg35: memref<!tpu.dma_semaphore, #tpu.memory_space<semaphore_mem>>, %arg36: memref<!tpu.dma_semaphore, #tpu.memory_space<semaphore_mem>>, %arg37: memref<!tpu.dma_semaphore, #tpu.memory_space<semaphore_mem>>, %arg38: memref<!tpu.dma_semaphore, #tpu.memory_space<semaphore_mem>>, %arg39: memref<!tpu.dma_semaphore, #tpu.memory_space<semaphore_mem>>, %arg40: memref<!tpu.dma_semaphore, #tpu.memory_space<semaphore_mem>>, %arg41: memref<10240x128xf32, #tpu.memory_space<vmem_shared>>) attributes {dimension_semantics = [#tpu.dimension_semantics<core_parallel>, #tpu.dimension_semantics<subcore_parallel>], iteration_bounds = array<i64: 2, 16>, scalar_prefetch = 0 : i64, scratch_operands = 34 : i64, tpu.core_type = #tpu.core_type<sc_vector_subcore>, window_params = [{transform_indices = #map}, {transform_indices = #map1}, {transform_indices = #map1}, {transform_indices = #map1}, {transform_indices = #map}, {transform_indices = #map1}]} {
    %mul3A = arith.constant 16 : i32
    %mul3A_0 = arith.muli %arg0, %mul3A : i32
    %add3A = arith.addi %mul3A_0, %arg1 : i32
    %dma_start3A = arith.constant 0 : i32
    %dma_start3A_1 = arith.constant 0 : i32
    %dma_start3A_2 = arith.constant 0 : i32
    %dma_start3A_3 = tpu.memref_slice %arg14[%dma_start3A_1, %dma_start3A_2] : memref<12x40xi32, #tpu.memory_space<vmem>> -> memref<1x40xi32, #tpu.memory_space<vmem>>
    %dma_start3A_4 = tpu.memref_squeeze %dma_start3A_3 : memref<1x40xi32, #tpu.memory_space<vmem>> -> memref<40xi32, #tpu.memory_space<vmem>>
    %dma_start3A_5 = arith.constant 0 : i32
    %dma_start3A_6 = tpu.memref_slice %arg3[%add3A, %dma_start3A, %dma_start3A_5] : memref<32x252x40xi32, #tpu.memory_space<hbm>> -> memref<1x1x40xi32, #tpu.memory_space<hbm>>
    %dma_start3A_7 = tpu.memref_squeeze %dma_start3A_6 : memref<1x1x40xi32, #tpu.memory_space<hbm>> -> memref<40xi32, #tpu.memory_space<hbm>>
    %dma_start3A_8 = arith.constant 0 : i32
    %dma_start3A_9 = tpu.memref_slice %arg14[%dma_start3A_1, %dma_start3A_8] : memref<12x40xi32, #tpu.memory_space<vmem>> -> memref<1x40xi32, #tpu.memory_space<vmem>>
    %dma_start3A_10 = tpu.memref_squeeze %dma_start3A_9 : memref<1x40xi32, #tpu.memory_space<vmem>> -> memref<40xi32, #tpu.memory_space<vmem>>
    %dma_start3A_11 = arith.constant 0 : i32
    %dma_start3A_12 = tpu.memref_slice %arg3[%add3A, %dma_start3A, %dma_start3A_11] : memref<32x252x40xi32, #tpu.memory_space<hbm>> -> memref<1x1x40xi32, #tpu.memory_space<hbm>>
    %dma_start3A_13 = tpu.memref_squeeze %dma_start3A_12 : memref<1x1x40xi32, #tpu.memory_space<hbm>> -> memref<40xi32, #tpu.memory_space<hbm>>
    tpu.enqueue_dma source(%dma_start3A_13 : memref<40xi32, #tpu.memory_space<hbm>>) target(%dma_start3A_10 : memref<40xi32, #tpu.memory_space<vmem>>) target_semaphore(%arg29 : memref<!tpu.dma_semaphore, #tpu.memory_space<semaphore_mem>>)
    %dma_start3A_14 = arith.constant 0 : i32
    %dma_start3A_15 = arith.constant 0 : i32
    %dma_start3A_16 = arith.constant 0 : i32
    %dma_start3A_17 = tpu.memref_slice %arg15[%dma_start3A_15, %dma_start3A_16] : memref<12x40xi32, #tpu.memory_space<vmem>> -> memref<1x40xi32, #tpu.memory_space<vmem>>
    %dma_start3A_18 = tpu.memref_squeeze %dma_start3A_17 : memref<1x40xi32, #tpu.memory_space<vmem>> -> memref<40xi32, #tpu.memory_space<vmem>>
    %dma_start3A_19 = arith.constant 0 : i32
    %dma_start3A_20 = tpu.memref_slice %arg4[%add3A, %dma_start3A_14, %dma_start3A_19] : memref<32x252x40xi32, #tpu.memory_space<hbm>> -> memref<1x1x40xi32, #tpu.memory_space<hbm>>
    %dma_start3A_21 = tpu.memref_squeeze %dma_start3A_20 : memref<1x1x40xi32, #tpu.memory_space<hbm>> -> memref<40xi32, #tpu.memory_space<hbm>>
    %dma_start3A_22 = arith.constant 0 : i32
    %dma_start3A_23 = tpu.memref_slice %arg15[%dma_start3A_15, %dma_start3A_22] : memref<12x40xi32, #tpu.memory_space<vmem>> -> memref<1x40xi32, #tpu.memory_space<vmem>>
    %dma_start3A_24 = tpu.memref_squeeze %dma_start3A_23 : memref<1x40xi32, #tpu.memory_space<vmem>> -> memref<40xi32, #tpu.memory_space<vmem>>
    %dma_start3A_25 = arith.constant 0 : i32
    %dma_start3A_26 = tpu.memref_slice %arg4[%add3A, %dma_start3A_14, %dma_start3A_25] : memref<32x252x40xi32, #tpu.memory_space<hbm>> -> memref<1x1x40xi32, #tpu.memory_space<hbm>>
    %dma_start3A_27 = tpu.memref_squeeze %dma_start3A_26 : memref<1x1x40xi32, #tpu.memory_space<hbm>> -> memref<40xi32, #tpu.memory_space<hbm>>
    tpu.enqueue_dma source(%dma_start3A_27 : memref<40xi32, #tpu.memory_space<hbm>>) target(%dma_start3A_24 : memref<40xi32, #tpu.memory_space<vmem>>) target_semaphore(%arg29 : memref<!tpu.dma_semaphore, #tpu.memory_space<semaphore_mem>>)
    %dma_start3A_28 = arith.constant 0 : i32
    %dma_start3A_29 = arith.constant 0 : i32
    %dma_start3A_30 = arith.constant 0 : i32
    %dma_start3A_31 = tpu.memref_slice %arg16[%dma_start3A_29, %dma_start3A_30] : memref<12x40xf32, #tpu.memory_space<vmem>> -> memref<1x40xf32, #tpu.memory_space<vmem>>
    %dma_start3A_32 = tpu.memref_squeeze %dma_start3A_31 : memref<1x40xf32, #tpu.memory_space<vmem>> -> memref<40xf32, #tpu.memory_space<vmem>>
    %dma_start3A_33 = arith.constant 0 : i32
    %dma_start3A_34 = tpu.memref_slice %arg5[%add3A, %dma_start3A_28, %dma_start3A_33] : memref<32x252x40xf32, #tpu.memory_space<hbm>> -> memref<1x1x40xf32, #tpu.memory_space<hbm>>
    %dma_start3A_35 = tpu.memref_squeeze %dma_start3A_34 : memref<1x1x40xf32, #tpu.memory_space<hbm>> -> memref<40xf32, #tpu.memory_space<hbm>>
    %dma_start3A_36 = arith.constant 0 : i32
    %dma_start3A_37 = tpu.memref_slice %arg16[%dma_start3A_29, %dma_start3A_36] : memref<12x40xf32, #tpu.memory_space<vmem>> -> memref<1x40xf32, #tpu.memory_space<vmem>>
    %dma_start3A_38 = tpu.memref_squeeze %dma_start3A_37 : memref<1x40xf32, #tpu.memory_space<vmem>> -> memref<40xf32, #tpu.memory_space<vmem>>
    %dma_start3A_39 = arith.constant 0 : i32
    %dma_start3A_40 = tpu.memref_slice %arg5[%add3A, %dma_start3A_28, %dma_start3A_39] : memref<32x252x40xf32, #tpu.memory_space<hbm>> -> memref<1x1x40xf32, #tpu.memory_space<hbm>>
    %dma_start3A_41 = tpu.memref_squeeze %dma_start3A_40 : memref<1x1x40xf32, #tpu.memory_space<hbm>> -> memref<40xf32, #tpu.memory_space<hbm>>
    tpu.enqueue_dma source(%dma_start3A_41 : memref<40xf32, #tpu.memory_space<hbm>>) target(%dma_start3A_38 : memref<40xf32, #tpu.memory_space<vmem>>) target_semaphore(%arg29 : memref<!tpu.dma_semaphore, #tpu.memory_space<semaphore_mem>>)
    %dma_start3A_42 = arith.constant 1 : i32
    %dma_start3A_43 = arith.constant 1 : i32
    %dma_start3A_44 = arith.constant 0 : i32
    %dma_start3A_45 = tpu.memref_slice %arg14[%dma_start3A_43, %dma_start3A_44] : memref<12x40xi32, #tpu.memory_space<vmem>> -> memref<1x40xi32, #tpu.memory_space<vmem>>
    %dma_start3A_46 = tpu.memref_squeeze %dma_start3A_45 : memref<1x40xi32, #tpu.memory_space<vmem>> -> memref<40xi32, #tpu.memory_space<vmem>>
    %dma_start3A_47 = arith.constant 0 : i32
    %dma_start3A_48 = tpu.memref_slice %arg3[%add3A, %dma_start3A_42, %dma_start3A_47] : memref<32x252x40xi32, #tpu.memory_space<hbm>> -> memref<1x1x40xi32, #tpu.memory_space<hbm>>
    %dma_start3A_49 = tpu.memref_squeeze %dma_start3A_48 : memref<1x1x40xi32, #tpu.memory_space<hbm>> -> memref<40xi32, #tpu.memory_space<hbm>>
    %dma_start3A_50 = arith.constant 0 : i32
    %dma_start3A_51 = tpu.memref_slice %arg14[%dma_start3A_43, %dma_start3A_50] : memref<12x40xi32, #tpu.memory_space<vmem>> -> memref<1x40xi32, #tpu.memory_space<vmem>>
    %dma_start3A_52 = tpu.memref_squeeze %dma_start3A_51 : memref<1x40xi32, #tpu.memory_space<vmem>> -> memref<40xi32, #tpu.memory_space<vmem>>
    %dma_start3A_53 = arith.constant 0 : i32
    %dma_start3A_54 = tpu.memref_slice %arg3[%add3A, %dma_start3A_42, %dma_start3A_53] : memref<32x252x40xi32, #tpu.memory_space<hbm>> -> memref<1x1x40xi32, #tpu.memory_space<hbm>>
    %dma_start3A_55 = tpu.memref_squeeze %dma_start3A_54 : memref<1x1x40xi32, #tpu.memory_space<hbm>> -> memref<40xi32, #tpu.memory_space<hbm>>
    tpu.enqueue_dma source(%dma_start3A_55 : memref<40xi32, #tpu.memory_space<hbm>>) target(%dma_start3A_52 : memref<40xi32, #tpu.memory_space<vmem>>) target_semaphore(%arg30 : memref<!tpu.dma_semaphore, #tpu.memory_space<semaphore_mem>>)
    %dma_start3A_56 = arith.constant 1 : i32
    %dma_start3A_57 = arith.constant 1 : i32
    %dma_start3A_58 = arith.constant 0 : i32
    %dma_start3A_59 = tpu.memref_slice %arg15[%dma_start3A_57, %dma_start3A_58] : memref<12x40xi32, #tpu.memory_space<vmem>> -> memref<1x40xi32, #tpu.memory_space<vmem>>
    %dma_start3A_60 = tpu.memref_squeeze %dma_start3A_59 : memref<1x40xi32, #tpu.memory_space<vmem>> -> memref<40xi32, #tpu.memory_space<vmem>>
    %dma_start3A_61 = arith.constant 0 : i32
    %dma_start3A_62 = tpu.memref_slice %arg4[%add3A, %dma_start3A_56, %dma_start3A_61] : memref<32x252x40xi32, #tpu.memory_space<hbm>> -> memref<1x1x40xi32, #tpu.memory_space<hbm>>
    %dma_start3A_63 = tpu.memref_squeeze %dma_start3A_62 : memref<1x1x40xi32, #tpu.memory_space<hbm>> -> memref<40xi32, #tpu.memory_space<hbm>>
    %dma_start3A_64 = arith.constant 0 : i32
    %dma_start3A_65 = tpu.memref_slice %arg15[%dma_start3A_57, %dma_start3A_64] : memref<12x40xi32, #tpu.memory_space<vmem>> -> memref<1x40xi32, #tpu.memory_space<vmem>>
    %dma_start3A_66 = tpu.memref_squeeze %dma_start3A_65 : memref<1x40xi32, #tpu.memory_space<vmem>> -> memref<40xi32, #tpu.memory_space<vmem>>
    %dma_start3A_67 = arith.constant 0 : i32
    %dma_start3A_68 = tpu.memref_slice %arg4[%add3A, %dma_start3A_56, %dma_start3A_67] : memref<32x252x40xi32, #tpu.memory_space<hbm>> -> memref<1x1x40xi32, #tpu.memory_space<hbm>>
    %dma_start3A_69 = tpu.memref_squeeze %dma_start3A_68 : memref<1x1x40xi32, #tpu.memory_space<hbm>> -> memref<40xi32, #tpu.memory_space<hbm>>
    tpu.enqueue_dma source(%dma_start3A_69 : memref<40xi32, #tpu.memory_space<hbm>>) target(%dma_start3A_66 : memref<40xi32, #tpu.memory_space<vmem>>) target_semaphore(%arg30 : memref<!tpu.dma_semaphore, #tpu.memory_space<semaphore_mem>>)
    %dma_start3A_70 = arith.constant 1 : i32
    %dma_start3A_71 = arith.constant 1 : i32
    %dma_start3A_72 = arith.constant 0 : i32
    %dma_start3A_73 = tpu.memref_slice %arg16[%dma_start3A_71, %dma_start3A_72] : memref<12x40xf32, #tpu.memory_space<vmem>> -> memref<1x40xf32, #tpu.memory_space<vmem>>
    %dma_start3A_74 = tpu.memref_squeeze %dma_start3A_73 : memref<1x40xf32, #tpu.memory_space<vmem>> -> memref<40xf32, #tpu.memory_space<vmem>>
    %dma_start3A_75 = arith.constant 0 : i32
    %dma_start3A_76 = tpu.memref_slice %arg5[%add3A, %dma_start3A_70, %dma_start3A_75] : memref<32x252x40xf32, #tpu.memory_space<hbm>> -> memref<1x1x40xf32, #tpu.memory_space<hbm>>
    %dma_start3A_77 = tpu.memref_squeeze %dma_start3A_76 : memref<1x1x40xf32, #tpu.memory_space<hbm>> -> memref<40xf32, #tpu.memory_space<hbm>>
    %dma_start3A_78 = arith.constant 0 : i32
    %dma_start3A_79 = tpu.memref_slice %arg16[%dma_start3A_71, %dma_start3A_78] : memref<12x40xf32, #tpu.memory_space<vmem>> -> memref<1x40xf32, #tpu.memory_space<vmem>>
    %dma_start3A_80 = tpu.memref_squeeze %dma_start3A_79 : memref<1x40xf32, #tpu.memory_space<vmem>> -> memref<40xf32, #tpu.memory_space<vmem>>
    %dma_start3A_81 = arith.constant 0 : i32
    %dma_start3A_82 = tpu.memref_slice %arg5[%add3A, %dma_start3A_70, %dma_start3A_81] : memref<32x252x40xf32, #tpu.memory_space<hbm>> -> memref<1x1x40xf32, #tpu.memory_space<hbm>>
    %dma_start3A_83 = tpu.memref_squeeze %dma_start3A_82 : memref<1x1x40xf32, #tpu.memory_space<hbm>> -> memref<40xf32, #tpu.memory_space<hbm>>
    tpu.enqueue_dma source(%dma_start3A_83 : memref<40xf32, #tpu.memory_space<hbm>>) target(%dma_start3A_80 : memref<40xf32, #tpu.memory_space<vmem>>) target_semaphore(%arg30 : memref<!tpu.dma_semaphore, #tpu.memory_space<semaphore_mem>>)
    %dma_start3A_84 = arith.constant 2 : i32
    %dma_start3A_85 = arith.constant 2 : i32
    %dma_start3A_86 = arith.constant 0 : i32
    %dma_start3A_87 = tpu.memref_slice %arg14[%dma_start3A_85, %dma_start3A_86] : memref<12x40xi32, #tpu.memory_space<vmem>> -> memref<1x40xi32, #tpu.memory_space<vmem>>
    %dma_start3A_88 = tpu.memref_squeeze %dma_start3A_87 : memref<1x40xi32, #tpu.memory_space<vmem>> -> memref<40xi32, #tpu.memory_space<vmem>>
    %dma_start3A_89 = arith.constant 0 : i32
    %dma_start3A_90 = tpu.memref_slice %arg3[%add3A, %dma_start3A_84, %dma_start3A_89] : memref<32x252x40xi32, #tpu.memory_space<hbm>> -> memref<1x1x40xi32, #tpu.memory_space<hbm>>
    %dma_start3A_91 = tpu.memref_squeeze %dma_start3A_90 : memref<1x1x40xi32, #tpu.memory_space<hbm>> -> memref<40xi32, #tpu.memory_space<hbm>>
    %dma_start3A_92 = arith.constant 0 : i32
    %dma_start3A_93 = tpu.memref_slice %arg14[%dma_start3A_85, %dma_start3A_92] : memref<12x40xi32, #tpu.memory_space<vmem>> -> memref<1x40xi32, #tpu.memory_space<vmem>>
    %dma_start3A_94 = tpu.memref_squeeze %dma_start3A_93 : memref<1x40xi32, #tpu.memory_space<vmem>> -> memref<40xi32, #tpu.memory_space<vmem>>
    %dma_start3A_95 = arith.constant 0 : i32
    %dma_start3A_96 = tpu.memref_slice %arg3[%add3A, %dma_start3A_84, %dma_start3A_95] : memref<32x252x40xi32, #tpu.memory_space<hbm>> -> memref<1x1x40xi32, #tpu.memory_space<hbm>>
    %dma_start3A_97 = tpu.memref_squeeze %dma_start3A_96 : memref<1x1x40xi32, #tpu.memory_space<hbm>> -> memref<40xi32, #tpu.memory_space<hbm>>
    tpu.enqueue_dma source(%dma_start3A_97 : memref<40xi32, #tpu.memory_space<hbm>>) target(%dma_start3A_94 : memref<40xi32, #tpu.memory_space<vmem>>) target_semaphore(%arg31 : memref<!tpu.dma_semaphore, #tpu.memory_space<semaphore_mem>>)
    %dma_start3A_98 = arith.constant 2 : i32
    %dma_start3A_99 = arith.constant 2 : i32
    %dma_start3A_100 = arith.constant 0 : i32
    %dma_start3A_101 = tpu.memref_slice %arg15[%dma_start3A_99, %dma_start3A_100] : memref<12x40xi32, #tpu.memory_space<vmem>> -> memref<1x40xi32, #tpu.memory_space<vmem>>
    %dma_start3A_102 = tpu.memref_squeeze %dma_start3A_101 : memref<1x40xi32, #tpu.memory_space<vmem>> -> memref<40xi32, #tpu.memory_space<vmem>>
    %dma_start3A_103 = arith.constant 0 : i32
    %dma_start3A_104 = tpu.memref_slice %arg4[%add3A, %dma_start3A_98, %dma_start3A_103] : memref<32x252x40xi32, #tpu.memory_space<hbm>> -> memref<1x1x40xi32, #tpu.memory_space<hbm>>
    %dma_start3A_105 = tpu.memref_squeeze %dma_start3A_104 : memref<1x1x40xi32, #tpu.memory_space<hbm>> -> memref<40xi32, #tpu.memory_space<hbm>>
    %dma_start3A_106 = arith.constant 0 : i32
    %dma_start3A_107 = tpu.memref_slice %arg15[%dma_start3A_99, %dma_start3A_106] : memref<12x40xi32, #tpu.memory_space<vmem>> -> memref<1x40xi32, #tpu.memory_space<vmem>>
    %dma_start3A_108 = tpu.memref_squeeze %dma_start3A_107 : memref<1x40xi32, #tpu.memory_space<vmem>> -> memref<40xi32, #tpu.memory_space<vmem>>
    %dma_start3A_109 = arith.constant 0 : i32
    %dma_start3A_110 = tpu.memref_slice %arg4[%add3A, %dma_start3A_98, %dma_start3A_109] : memref<32x252x40xi32, #tpu.memory_space<hbm>> -> memref<1x1x40xi32, #tpu.memory_space<hbm>>
    %dma_start3A_111 = tpu.memref_squeeze %dma_start3A_110 : memref<1x1x40xi32, #tpu.memory_space<hbm>> -> memref<40xi32, #tpu.memory_space<hbm>>
    tpu.enqueue_dma source(%dma_start3A_111 : memref<40xi32, #tpu.memory_space<hbm>>) target(%dma_start3A_108 : memref<40xi32, #tpu.memory_space<vmem>>) target_semaphore(%arg31 : memref<!tpu.dma_semaphore, #tpu.memory_space<semaphore_mem>>)
    %dma_start3A_112 = arith.constant 2 : i32
    %dma_start3A_113 = arith.constant 2 : i32
    %dma_start3A_114 = arith.constant 0 : i32
    %dma_start3A_115 = tpu.memref_slice %arg16[%dma_start3A_113, %dma_start3A_114] : memref<12x40xf32, #tpu.memory_space<vmem>> -> memref<1x40xf32, #tpu.memory_space<vmem>>
    %dma_start3A_116 = tpu.memref_squeeze %dma_start3A_115 : memref<1x40xf32, #tpu.memory_space<vmem>> -> memref<40xf32, #tpu.memory_space<vmem>>
    %dma_start3A_117 = arith.constant 0 : i32
    %dma_start3A_118 = tpu.memref_slice %arg5[%add3A, %dma_start3A_112, %dma_start3A_117] : memref<32x252x40xf32, #tpu.memory_space<hbm>> -> memref<1x1x40xf32, #tpu.memory_space<hbm>>
    %dma_start3A_119 = tpu.memref_squeeze %dma_start3A_118 : memref<1x1x40xf32, #tpu.memory_space<hbm>> -> memref<40xf32, #tpu.memory_space<hbm>>
    %dma_start3A_120 = arith.constant 0 : i32
    %dma_start3A_121 = tpu.memref_slice %arg16[%dma_start3A_113, %dma_start3A_120] : memref<12x40xf32, #tpu.memory_space<vmem>> -> memref<1x40xf32, #tpu.memory_space<vmem>>
    %dma_start3A_122 = tpu.memref_squeeze %dma_start3A_121 : memref<1x40xf32, #tpu.memory_space<vmem>> -> memref<40xf32, #tpu.memory_space<vmem>>
    %dma_start3A_123 = arith.constant 0 : i32
    %dma_start3A_124 = tpu.memref_slice %arg5[%add3A, %dma_start3A_112, %dma_start3A_123] : memref<32x252x40xf32, #tpu.memory_space<hbm>> -> memref<1x1x40xf32, #tpu.memory_space<hbm>>
    %dma_start3A_125 = tpu.memref_squeeze %dma_start3A_124 : memref<1x1x40xf32, #tpu.memory_space<hbm>> -> memref<40xf32, #tpu.memory_space<hbm>>
    tpu.enqueue_dma source(%dma_start3A_125 : memref<40xf32, #tpu.memory_space<hbm>>) target(%dma_start3A_122 : memref<40xf32, #tpu.memory_space<vmem>>) target_semaphore(%arg31 : memref<!tpu.dma_semaphore, #tpu.memory_space<semaphore_mem>>)
    %dma_start3A_126 = arith.constant 3 : i32
    %dma_start3A_127 = arith.constant 3 : i32
    %dma_start3A_128 = arith.constant 0 : i32
    %dma_start3A_129 = tpu.memref_slice %arg14[%dma_start3A_127, %dma_start3A_128] : memref<12x40xi32, #tpu.memory_space<vmem>> -> memref<1x40xi32, #tpu.memory_space<vmem>>
    %dma_start3A_130 = tpu.memref_squeeze %dma_start3A_129 : memref<1x40xi32, #tpu.memory_space<vmem>> -> memref<40xi32, #tpu.memory_space<vmem>>
    %dma_start3A_131 = arith.constant 0 : i32
    %dma_start3A_132 = tpu.memref_slice %arg3[%add3A, %dma_start3A_126, %dma_start3A_131] : memref<32x252x40xi32, #tpu.memory_space<hbm>> -> memref<1x1x40xi32, #tpu.memory_space<hbm>>
    %dma_start3A_133 = tpu.memref_squeeze %dma_start3A_132 : memref<1x1x40xi32, #tpu.memory_space<hbm>> -> memref<40xi32, #tpu.memory_space<hbm>>
    %dma_start3A_134 = arith.constant 0 : i32
    %dma_start3A_135 = tpu.memref_slice %arg14[%dma_start3A_127, %dma_start3A_134] : memref<12x40xi32, #tpu.memory_space<vmem>> -> memref<1x40xi32, #tpu.memory_space<vmem>>
    %dma_start3A_136 = tpu.memref_squeeze %dma_start3A_135 : memref<1x40xi32, #tpu.memory_space<vmem>> -> memref<40xi32, #tpu.memory_space<vmem>>
    %dma_start3A_137 = arith.constant 0 : i32
    %dma_start3A_138 = tpu.memref_slice %arg3[%add3A, %dma_start3A_126, %dma_start3A_137] : memref<32x252x40xi32, #tpu.memory_space<hbm>> -> memref<1x1x40xi32, #tpu.memory_space<hbm>>
    %dma_start3A_139 = tpu.memref_squeeze %dma_start3A_138 : memref<1x1x40xi32, #tpu.memory_space<hbm>> -> memref<40xi32, #tpu.memory_space<hbm>>
    tpu.enqueue_dma source(%dma_start3A_139 : memref<40xi32, #tpu.memory_space<hbm>>) target(%dma_start3A_136 : memref<40xi32, #tpu.memory_space<vmem>>) target_semaphore(%arg32 : memref<!tpu.dma_semaphore, #tpu.memory_space<semaphore_mem>>)
    %dma_start3A_140 = arith.constant 3 : i32
    %dma_start3A_141 = arith.constant 3 : i32
    %dma_start3A_142 = arith.constant 0 : i32
    %dma_start3A_143 = tpu.memref_slice %arg15[%dma_start3A_141, %dma_start3A_142] : memref<12x40xi32, #tpu.memory_space<vmem>> -> memref<1x40xi32, #tpu.memory_space<vmem>>
    %dma_start3A_144 = tpu.memref_squeeze %dma_start3A_143 : memref<1x40xi32, #tpu.memory_space<vmem>> -> memref<40xi32, #tpu.memory_space<vmem>>
    %dma_start3A_145 = arith.constant 0 : i32
    %dma_start3A_146 = tpu.memref_slice %arg4[%add3A, %dma_start3A_140, %dma_start3A_145] : memref<32x252x40xi32, #tpu.memory_space<hbm>> -> memref<1x1x40xi32, #tpu.memory_space<hbm>>
    %dma_start3A_147 = tpu.memref_squeeze %dma_start3A_146 : memref<1x1x40xi32, #tpu.memory_space<hbm>> -> memref<40xi32, #tpu.memory_space<hbm>>
    %dma_start3A_148 = arith.constant 0 : i32
    %dma_start3A_149 = tpu.memref_slice %arg15[%dma_start3A_141, %dma_start3A_148] : memref<12x40xi32, #tpu.memory_space<vmem>> -> memref<1x40xi32, #tpu.memory_space<vmem>>
    %dma_start3A_150 = tpu.memref_squeeze %dma_start3A_149 : memref<1x40xi32, #tpu.memory_space<vmem>> -> memref<40xi32, #tpu.memory_space<vmem>>
    %dma_start3A_151 = arith.constant 0 : i32
    %dma_start3A_152 = tpu.memref_slice %arg4[%add3A, %dma_start3A_140, %dma_start3A_151] : memref<32x252x40xi32, #tpu.memory_space<hbm>> -> memref<1x1x40xi32, #tpu.memory_space<hbm>>
    %dma_start3A_153 = tpu.memref_squeeze %dma_start3A_152 : memref<1x1x40xi32, #tpu.memory_space<hbm>> -> memref<40xi32, #tpu.memory_space<hbm>>
    tpu.enqueue_dma source(%dma_start3A_153 : memref<40xi32, #tpu.memory_space<hbm>>) target(%dma_start3A_150 : memref<40xi32, #tpu.memory_space<vmem>>) target_semaphore(%arg32 : memref<!tpu.dma_semaphore, #tpu.memory_space<semaphore_mem>>)
    %dma_start3A_154 = arith.constant 3 : i32
    %dma_start3A_155 = arith.constant 3 : i32
    %dma_start3A_156 = arith.constant 0 : i32
    %dma_start3A_157 = tpu.memref_slice %arg16[%dma_start3A_155, %dma_start3A_156] : memref<12x40xf32, #tpu.memory_space<vmem>> -> memref<1x40xf32, #tpu.memory_space<vmem>>
    %dma_start3A_158 = tpu.memref_squeeze %dma_start3A_157 : memref<1x40xf32, #tpu.memory_space<vmem>> -> memref<40xf32, #tpu.memory_space<vmem>>
    %dma_start3A_159 = arith.constant 0 : i32
    %dma_start3A_160 = tpu.memref_slice %arg5[%add3A, %dma_start3A_154, %dma_start3A_159] : memref<32x252x40xf32, #tpu.memory_space<hbm>> -> memref<1x1x40xf32, #tpu.memory_space<hbm>>
    %dma_start3A_161 = tpu.memref_squeeze %dma_start3A_160 : memref<1x1x40xf32, #tpu.memory_space<hbm>> -> memref<40xf32, #tpu.memory_space<hbm>>
    %dma_start3A_162 = arith.constant 0 : i32
    %dma_start3A_163 = tpu.memref_slice %arg16[%dma_start3A_155, %dma_start3A_162] : memref<12x40xf32, #tpu.memory_space<vmem>> -> memref<1x40xf32, #tpu.memory_space<vmem>>
    %dma_start3A_164 = tpu.memref_squeeze %dma_start3A_163 : memref<1x40xf32, #tpu.memory_space<vmem>> -> memref<40xf32, #tpu.memory_space<vmem>>
    %dma_start3A_165 = arith.constant 0 : i32
    %dma_start3A_166 = tpu.memref_slice %arg5[%add3A, %dma_start3A_154, %dma_start3A_165] : memref<32x252x40xf32, #tpu.memory_space<hbm>> -> memref<1x1x40xf32, #tpu.memory_space<hbm>>
    %dma_start3A_167 = tpu.memref_squeeze %dma_start3A_166 : memref<1x1x40xf32, #tpu.memory_space<hbm>> -> memref<40xf32, #tpu.memory_space<hbm>>
    tpu.enqueue_dma source(%dma_start3A_167 : memref<40xf32, #tpu.memory_space<hbm>>) target(%dma_start3A_164 : memref<40xf32, #tpu.memory_space<vmem>>) target_semaphore(%arg32 : memref<!tpu.dma_semaphore, #tpu.memory_space<semaphore_mem>>)
    %dma_start3A_168 = arith.constant 4 : i32
    %dma_start3A_169 = arith.constant 4 : i32
    %dma_start3A_170 = arith.constant 0 : i32
    %dma_start3A_171 = tpu.memref_slice %arg14[%dma_start3A_169, %dma_start3A_170] : memref<12x40xi32, #tpu.memory_space<vmem>> -> memref<1x40xi32, #tpu.memory_space<vmem>>
    %dma_start3A_172 = tpu.memref_squeeze %dma_start3A_171 : memref<1x40xi32, #tpu.memory_space<vmem>> -> memref<40xi32, #tpu.memory_space<vmem>>
    %dma_start3A_173 = arith.constant 0 : i32
    %dma_start3A_174 = tpu.memref_slice %arg3[%add3A, %dma_start3A_168, %dma_start3A_173] : memref<32x252x40xi32, #tpu.memory_space<hbm>> -> memref<1x1x40xi32, #tpu.memory_space<hbm>>
    %dma_start3A_175 = tpu.memref_squeeze %dma_start3A_174 : memref<1x1x40xi32, #tpu.memory_space<hbm>> -> memref<40xi32, #tpu.memory_space<hbm>>
    %dma_start3A_176 = arith.constant 0 : i32
    %dma_start3A_177 = tpu.memref_slice %arg14[%dma_start3A_169, %dma_start3A_176] : memref<12x40xi32, #tpu.memory_space<vmem>> -> memref<1x40xi32, #tpu.memory_space<vmem>>
    %dma_start3A_178 = tpu.memref_squeeze %dma_start3A_177 : memref<1x40xi32, #tpu.memory_space<vmem>> -> memref<40xi32, #tpu.memory_space<vmem>>
    %dma_start3A_179 = arith.constant 0 : i32
    %dma_start3A_180 = tpu.memref_slice %arg3[%add3A, %dma_start3A_168, %dma_start3A_179] : memref<32x252x40xi32, #tpu.memory_space<hbm>> -> memref<1x1x40xi32, #tpu.memory_space<hbm>>
    %dma_start3A_181 = tpu.memref_squeeze %dma_start3A_180 : memref<1x1x40xi32, #tpu.memory_space<hbm>> -> memref<40xi32, #tpu.memory_space<hbm>>
    tpu.enqueue_dma source(%dma_start3A_181 : memref<40xi32, #tpu.memory_space<hbm>>) target(%dma_start3A_178 : memref<40xi32, #tpu.memory_space<vmem>>) target_semaphore(%arg33 : memref<!tpu.dma_semaphore, #tpu.memory_space<semaphore_mem>>)
    %dma_start3A_182 = arith.constant 4 : i32
    %dma_start3A_183 = arith.constant 4 : i32
    %dma_start3A_184 = arith.constant 0 : i32
    %dma_start3A_185 = tpu.memref_slice %arg15[%dma_start3A_183, %dma_start3A_184] : memref<12x40xi32, #tpu.memory_space<vmem>> -> memref<1x40xi32, #tpu.memory_space<vmem>>
    %dma_start3A_186 = tpu.memref_squeeze %dma_start3A_185 : memref<1x40xi32, #tpu.memory_space<vmem>> -> memref<40xi32, #tpu.memory_space<vmem>>
    %dma_start3A_187 = arith.constant 0 : i32
    %dma_start3A_188 = tpu.memref_slice %arg4[%add3A, %dma_start3A_182, %dma_start3A_187] : memref<32x252x40xi32, #tpu.memory_space<hbm>> -> memref<1x1x40xi32, #tpu.memory_space<hbm>>
    %dma_start3A_189 = tpu.memref_squeeze %dma_start3A_188 : memref<1x1x40xi32, #tpu.memory_space<hbm>> -> memref<40xi32, #tpu.memory_space<hbm>>
    %dma_start3A_190 = arith.constant 0 : i32
    %dma_start3A_191 = tpu.memref_slice %arg15[%dma_start3A_183, %dma_start3A_190] : memref<12x40xi32, #tpu.memory_space<vmem>> -> memref<1x40xi32, #tpu.memory_space<vmem>>
    %dma_start3A_192 = tpu.memref_squeeze %dma_start3A_191 : memref<1x40xi32, #tpu.memory_space<vmem>> -> memref<40xi32, #tpu.memory_space<vmem>>
    %dma_start3A_193 = arith.constant 0 : i32
    %dma_start3A_194 = tpu.memref_slice %arg4[%add3A, %dma_start3A_182, %dma_start3A_193] : memref<32x252x40xi32, #tpu.memory_space<hbm>> -> memref<1x1x40xi32, #tpu.memory_space<hbm>>
    %dma_start3A_195 = tpu.memref_squeeze %dma_start3A_194 : memref<1x1x40xi32, #tpu.memory_space<hbm>> -> memref<40xi32, #tpu.memory_space<hbm>>
    tpu.enqueue_dma source(%dma_start3A_195 : memref<40xi32, #tpu.memory_space<hbm>>) target(%dma_start3A_192 : memref<40xi32, #tpu.memory_space<vmem>>) target_semaphore(%arg33 : memref<!tpu.dma_semaphore, #tpu.memory_space<semaphore_mem>>)
    %dma_start3A_196 = arith.constant 4 : i32
    %dma_start3A_197 = arith.constant 4 : i32
    %dma_start3A_198 = arith.constant 0 : i32
    %dma_start3A_199 = tpu.memref_slice %arg16[%dma_start3A_197, %dma_start3A_198] : memref<12x40xf32, #tpu.memory_space<vmem>> -> memref<1x40xf32, #tpu.memory_space<vmem>>
    %dma_start3A_200 = tpu.memref_squeeze %dma_start3A_199 : memref<1x40xf32, #tpu.memory_space<vmem>> -> memref<40xf32, #tpu.memory_space<vmem>>
    %dma_start3A_201 = arith.constant 0 : i32
    %dma_start3A_202 = tpu.memref_slice %arg5[%add3A, %dma_start3A_196, %dma_start3A_201] : memref<32x252x40xf32, #tpu.memory_space<hbm>> -> memref<1x1x40xf32, #tpu.memory_space<hbm>>
    %dma_start3A_203 = tpu.memref_squeeze %dma_start3A_202 : memref<1x1x40xf32, #tpu.memory_space<hbm>> -> memref<40xf32, #tpu.memory_space<hbm>>
    %dma_start3A_204 = arith.constant 0 : i32
    %dma_start3A_205 = tpu.memref_slice %arg16[%dma_start3A_197, %dma_start3A_204] : memref<12x40xf32, #tpu.memory_space<vmem>> -> memref<1x40xf32, #tpu.memory_space<vmem>>
    %dma_start3A_206 = tpu.memref_squeeze %dma_start3A_205 : memref<1x40xf32, #tpu.memory_space<vmem>> -> memref<40xf32, #tpu.memory_space<vmem>>
    %dma_start3A_207 = arith.constant 0 : i32
    %dma_start3A_208 = tpu.memref_slice %arg5[%add3A, %dma_start3A_196, %dma_start3A_207] : memref<32x252x40xf32, #tpu.memory_space<hbm>> -> memref<1x1x40xf32, #tpu.memory_space<hbm>>
    %dma_start3A_209 = tpu.memref_squeeze %dma_start3A_208 : memref<1x1x40xf32, #tpu.memory_space<hbm>> -> memref<40xf32, #tpu.memory_space<hbm>>
    tpu.enqueue_dma source(%dma_start3A_209 : memref<40xf32, #tpu.memory_space<hbm>>) target(%dma_start3A_206 : memref<40xf32, #tpu.memory_space<vmem>>) target_semaphore(%arg33 : memref<!tpu.dma_semaphore, #tpu.memory_space<semaphore_mem>>)
    %dma_start3A_210 = arith.constant 5 : i32
    %dma_start3A_211 = arith.constant 5 : i32
    %dma_start3A_212 = arith.constant 0 : i32
    %dma_start3A_213 = tpu.memref_slice %arg14[%dma_start3A_211, %dma_start3A_212] : memref<12x40xi32, #tpu.memory_space<vmem>> -> memref<1x40xi32, #tpu.memory_space<vmem>>
    %dma_start3A_214 = tpu.memref_squeeze %dma_start3A_213 : memref<1x40xi32, #tpu.memory_space<vmem>> -> memref<40xi32, #tpu.memory_space<vmem>>
    %dma_start3A_215 = arith.constant 0 : i32
    %dma_start3A_216 = tpu.memref_slice %arg3[%add3A, %dma_start3A_210, %dma_start3A_215] : memref<32x252x40xi32, #tpu.memory_space<hbm>> -> memref<1x1x40xi32, #tpu.memory_space<hbm>>
    %dma_start3A_217 = tpu.memref_squeeze %dma_start3A_216 : memref<1x1x40xi32, #tpu.memory_space<hbm>> -> memref<40xi32, #tpu.memory_space<hbm>>
    %dma_start3A_218 = arith.constant 0 : i32
    %dma_start3A_219 = tpu.memref_slice %arg14[%dma_start3A_211, %dma_start3A_218] : memref<12x40xi32, #tpu.memory_space<vmem>> -> memref<1x40xi32, #tpu.memory_space<vmem>>
    %dma_start3A_220 = tpu.memref_squeeze %dma_start3A_219 : memref<1x40xi32, #tpu.memory_space<vmem>> -> memref<40xi32, #tpu.memory_space<vmem>>
    %dma_start3A_221 = arith.constant 0 : i32
    %dma_start3A_222 = tpu.memref_slice %arg3[%add3A, %dma_start3A_210, %dma_start3A_221] : memref<32x252x40xi32, #tpu.memory_space<hbm>> -> memref<1x1x40xi32, #tpu.memory_space<hbm>>
    %dma_start3A_223 = tpu.memref_squeeze %dma_start3A_222 : memref<1x1x40xi32, #tpu.memory_space<hbm>> -> memref<40xi32, #tpu.memory_space<hbm>>
    tpu.enqueue_dma source(%dma_start3A_223 : memref<40xi32, #tpu.memory_space<hbm>>) target(%dma_start3A_220 : memref<40xi32, #tpu.memory_space<vmem>>) target_semaphore(%arg34 : memref<!tpu.dma_semaphore, #tpu.memory_space<semaphore_mem>>)
    %dma_start3A_224 = arith.constant 5 : i32
    %dma_start3A_225 = arith.constant 5 : i32
    %dma_start3A_226 = arith.constant 0 : i32
    %dma_start3A_227 = tpu.memref_slice %arg15[%dma_start3A_225, %dma_start3A_226] : memref<12x40xi32, #tpu.memory_space<vmem>> -> memref<1x40xi32, #tpu.memory_space<vmem>>
    %dma_start3A_228 = tpu.memref_squeeze %dma_start3A_227 : memref<1x40xi32, #tpu.memory_space<vmem>> -> memref<40xi32, #tpu.memory_space<vmem>>
    %dma_start3A_229 = arith.constant 0 : i32
    %dma_start3A_230 = tpu.memref_slice %arg4[%add3A, %dma_start3A_224, %dma_start3A_229] : memref<32x252x40xi32, #tpu.memory_space<hbm>> -> memref<1x1x40xi32, #tpu.memory_space<hbm>>
    %dma_start3A_231 = tpu.memref_squeeze %dma_start3A_230 : memref<1x1x40xi32, #tpu.memory_space<hbm>> -> memref<40xi32, #tpu.memory_space<hbm>>
    %dma_start3A_232 = arith.constant 0 : i32
    %dma_start3A_233 = tpu.memref_slice %arg15[%dma_start3A_225, %dma_start3A_232] : memref<12x40xi32, #tpu.memory_space<vmem>> -> memref<1x40xi32, #tpu.memory_space<vmem>>
    %dma_start3A_234 = tpu.memref_squeeze %dma_start3A_233 : memref<1x40xi32, #tpu.memory_space<vmem>> -> memref<40xi32, #tpu.memory_space<vmem>>
    %dma_start3A_235 = arith.constant 0 : i32
    %dma_start3A_236 = tpu.memref_slice %arg4[%add3A, %dma_start3A_224, %dma_start3A_235] : memref<32x252x40xi32, #tpu.memory_space<hbm>> -> memref<1x1x40xi32, #tpu.memory_space<hbm>>
    %dma_start3A_237 = tpu.memref_squeeze %dma_start3A_236 : memref<1x1x40xi32, #tpu.memory_space<hbm>> -> memref<40xi32, #tpu.memory_space<hbm>>
    tpu.enqueue_dma source(%dma_start3A_237 : memref<40xi32, #tpu.memory_space<hbm>>) target(%dma_start3A_234 : memref<40xi32, #tpu.memory_space<vmem>>) target_semaphore(%arg34 : memref<!tpu.dma_semaphore, #tpu.memory_space<semaphore_mem>>)
    %dma_start3A_238 = arith.constant 5 : i32
    %dma_start3A_239 = arith.constant 5 : i32
    %dma_start3A_240 = arith.constant 0 : i32
    %dma_start3A_241 = tpu.memref_slice %arg16[%dma_start3A_239, %dma_start3A_240] : memref<12x40xf32, #tpu.memory_space<vmem>> -> memref<1x40xf32, #tpu.memory_space<vmem>>
    %dma_start3A_242 = tpu.memref_squeeze %dma_start3A_241 : memref<1x40xf32, #tpu.memory_space<vmem>> -> memref<40xf32, #tpu.memory_space<vmem>>
    %dma_start3A_243 = arith.constant 0 : i32
    %dma_start3A_244 = tpu.memref_slice %arg5[%add3A, %dma_start3A_238, %dma_start3A_243] : memref<32x252x40xf32, #tpu.memory_space<hbm>> -> memref<1x1x40xf32, #tpu.memory_space<hbm>>
    %dma_start3A_245 = tpu.memref_squeeze %dma_start3A_244 : memref<1x1x40xf32, #tpu.memory_space<hbm>> -> memref<40xf32, #tpu.memory_space<hbm>>
    %dma_start3A_246 = arith.constant 0 : i32
    %dma_start3A_247 = tpu.memref_slice %arg16[%dma_start3A_239, %dma_start3A_246] : memref<12x40xf32, #tpu.memory_space<vmem>> -> memref<1x40xf32, #tpu.memory_space<vmem>>
    %dma_start3A_248 = tpu.memref_squeeze %dma_start3A_247 : memref<1x40xf32, #tpu.memory_space<vmem>> -> memref<40xf32, #tpu.memory_space<vmem>>
    %dma_start3A_249 = arith.constant 0 : i32
    %dma_start3A_250 = tpu.memref_slice %arg5[%add3A, %dma_start3A_238, %dma_start3A_249] : memref<32x252x40xf32, #tpu.memory_space<hbm>> -> memref<1x1x40xf32, #tpu.memory_space<hbm>>
    %dma_start3A_251 = tpu.memref_squeeze %dma_start3A_250 : memref<1x1x40xf32, #tpu.memory_space<hbm>> -> memref<40xf32, #tpu.memory_space<hbm>>
    tpu.enqueue_dma source(%dma_start3A_251 : memref<40xf32, #tpu.memory_space<hbm>>) target(%dma_start3A_248 : memref<40xf32, #tpu.memory_space<vmem>>) target_semaphore(%arg34 : memref<!tpu.dma_semaphore, #tpu.memory_space<semaphore_mem>>)
    %dma_start3A_252 = arith.constant 6 : i32
    %dma_start3A_253 = arith.constant 6 : i32
    %dma_start3A_254 = arith.constant 0 : i32
    %dma_start3A_255 = tpu.memref_slice %arg14[%dma_start3A_253, %dma_start3A_254] : memref<12x40xi32, #tpu.memory_space<vmem>> -> memref<1x40xi32, #tpu.memory_space<vmem>>
    %dma_start3A_256 = tpu.memref_squeeze %dma_start3A_255 : memref<1x40xi32, #tpu.memory_space<vmem>> -> memref<40xi32, #tpu.memory_space<vmem>>
    %dma_start3A_257 = arith.constant 0 : i32
    %dma_start3A_258 = tpu.memref_slice %arg3[%add3A, %dma_start3A_252, %dma_start3A_257] : memref<32x252x40xi32, #tpu.memory_space<hbm>> -> memref<1x1x40xi32, #tpu.memory_space<hbm>>
    %dma_start3A_259 = tpu.memref_squeeze %dma_start3A_258 : memref<1x1x40xi32, #tpu.memory_space<hbm>> -> memref<40xi32, #tpu.memory_space<hbm>>
    %dma_start3A_260 = arith.constant 0 : i32
    %dma_start3A_261 = tpu.memref_slice %arg14[%dma_start3A_253, %dma_start3A_260] : memref<12x40xi32, #tpu.memory_space<vmem>> -> memref<1x40xi32, #tpu.memory_space<vmem>>
    %dma_start3A_262 = tpu.memref_squeeze %dma_start3A_261 : memref<1x40xi32, #tpu.memory_space<vmem>> -> memref<40xi32, #tpu.memory_space<vmem>>
    %dma_start3A_263 = arith.constant 0 : i32
    %dma_start3A_264 = tpu.memref_slice %arg3[%add3A, %dma_start3A_252, %dma_start3A_263] : memref<32x252x40xi32, #tpu.memory_space<hbm>> -> memref<1x1x40xi32, #tpu.memory_space<hbm>>
    %dma_start3A_265 = tpu.memref_squeeze %dma_start3A_264 : memref<1x1x40xi32, #tpu.memory_space<hbm>> -> memref<40xi32, #tpu.memory_space<hbm>>
    tpu.enqueue_dma source(%dma_start3A_265 : memref<40xi32, #tpu.memory_space<hbm>>) target(%dma_start3A_262 : memref<40xi32, #tpu.memory_space<vmem>>) target_semaphore(%arg35 : memref<!tpu.dma_semaphore, #tpu.memory_space<semaphore_mem>>)
    %dma_start3A_266 = arith.constant 6 : i32
    %dma_start3A_267 = arith.constant 6 : i32
    %dma_start3A_268 = arith.constant 0 : i32
    %dma_start3A_269 = tpu.memref_slice %arg15[%dma_start3A_267, %dma_start3A_268] : memref<12x40xi32, #tpu.memory_space<vmem>> -> memref<1x40xi32, #tpu.memory_space<vmem>>
    %dma_start3A_270 = tpu.memref_squeeze %dma_start3A_269 : memref<1x40xi32, #tpu.memory_space<vmem>> -> memref<40xi32, #tpu.memory_space<vmem>>
    %dma_start3A_271 = arith.constant 0 : i32
    %dma_start3A_272 = tpu.memref_slice %arg4[%add3A, %dma_start3A_266, %dma_start3A_271] : memref<32x252x40xi32, #tpu.memory_space<hbm>> -> memref<1x1x40xi32, #tpu.memory_space<hbm>>
    %dma_start3A_273 = tpu.memref_squeeze %dma_start3A_272 : memref<1x1x40xi32, #tpu.memory_space<hbm>> -> memref<40xi32, #tpu.memory_space<hbm>>
    %dma_start3A_274 = arith.constant 0 : i32
    %dma_start3A_275 = tpu.memref_slice %arg15[%dma_start3A_267, %dma_start3A_274] : memref<12x40xi32, #tpu.memory_space<vmem>> -> memref<1x40xi32, #tpu.memory_space<vmem>>
    %dma_start3A_276 = tpu.memref_squeeze %dma_start3A_275 : memref<1x40xi32, #tpu.memory_space<vmem>> -> memref<40xi32, #tpu.memory_space<vmem>>
    %dma_start3A_277 = arith.constant 0 : i32
    %dma_start3A_278 = tpu.memref_slice %arg4[%add3A, %dma_start3A_266, %dma_start3A_277] : memref<32x252x40xi32, #tpu.memory_space<hbm>> -> memref<1x1x40xi32, #tpu.memory_space<hbm>>
    %dma_start3A_279 = tpu.memref_squeeze %dma_start3A_278 : memref<1x1x40xi32, #tpu.memory_space<hbm>> -> memref<40xi32, #tpu.memory_space<hbm>>
    tpu.enqueue_dma source(%dma_start3A_279 : memref<40xi32, #tpu.memory_space<hbm>>) target(%dma_start3A_276 : memref<40xi32, #tpu.memory_space<vmem>>) target_semaphore(%arg35 : memref<!tpu.dma_semaphore, #tpu.memory_space<semaphore_mem>>)
    %dma_start3A_280 = arith.constant 6 : i32
    %dma_start3A_281 = arith.constant 6 : i32
    %dma_start3A_282 = arith.constant 0 : i32
    %dma_start3A_283 = tpu.memref_slice %arg16[%dma_start3A_281, %dma_start3A_282] : memref<12x40xf32, #tpu.memory_space<vmem>> -> memref<1x40xf32, #tpu.memory_space<vmem>>
    %dma_start3A_284 = tpu.memref_squeeze %dma_start3A_283 : memref<1x40xf32, #tpu.memory_space<vmem>> -> memref<40xf32, #tpu.memory_space<vmem>>
    %dma_start3A_285 = arith.constant 0 : i32
    %dma_start3A_286 = tpu.memref_slice %arg5[%add3A, %dma_start3A_280, %dma_start3A_285] : memref<32x252x40xf32, #tpu.memory_space<hbm>> -> memref<1x1x40xf32, #tpu.memory_space<hbm>>
    %dma_start3A_287 = tpu.memref_squeeze %dma_start3A_286 : memref<1x1x40xf32, #tpu.memory_space<hbm>> -> memref<40xf32, #tpu.memory_space<hbm>>
    %dma_start3A_288 = arith.constant 0 : i32
    %dma_start3A_289 = tpu.memref_slice %arg16[%dma_start3A_281, %dma_start3A_288] : memref<12x40xf32, #tpu.memory_space<vmem>> -> memref<1x40xf32, #tpu.memory_space<vmem>>
    %dma_start3A_290 = tpu.memref_squeeze %dma_start3A_289 : memref<1x40xf32, #tpu.memory_space<vmem>> -> memref<40xf32, #tpu.memory_space<vmem>>
    %dma_start3A_291 = arith.constant 0 : i32
    %dma_start3A_292 = tpu.memref_slice %arg5[%add3A, %dma_start3A_280, %dma_start3A_291] : memref<32x252x40xf32, #tpu.memory_space<hbm>> -> memref<1x1x40xf32, #tpu.memory_space<hbm>>
    %dma_start3A_293 = tpu.memref_squeeze %dma_start3A_292 : memref<1x1x40xf32, #tpu.memory_space<hbm>> -> memref<40xf32, #tpu.memory_space<hbm>>
    tpu.enqueue_dma source(%dma_start3A_293 : memref<40xf32, #tpu.memory_space<hbm>>) target(%dma_start3A_290 : memref<40xf32, #tpu.memory_space<vmem>>) target_semaphore(%arg35 : memref<!tpu.dma_semaphore, #tpu.memory_space<semaphore_mem>>)
    %dma_start3A_294 = arith.constant 7 : i32
    %dma_start3A_295 = arith.constant 7 : i32
    %dma_start3A_296 = arith.constant 0 : i32
    %dma_start3A_297 = tpu.memref_slice %arg14[%dma_start3A_295, %dma_start3A_296] : memref<12x40xi32, #tpu.memory_space<vmem>> -> memref<1x40xi32, #tpu.memory_space<vmem>>
    %dma_start3A_298 = tpu.memref_squeeze %dma_start3A_297 : memref<1x40xi32, #tpu.memory_space<vmem>> -> memref<40xi32, #tpu.memory_space<vmem>>
    %dma_start3A_299 = arith.constant 0 : i32
    %dma_start3A_300 = tpu.memref_slice %arg3[%add3A, %dma_start3A_294, %dma_start3A_299] : memref<32x252x40xi32, #tpu.memory_space<hbm>> -> memref<1x1x40xi32, #tpu.memory_space<hbm>>
    %dma_start3A_301 = tpu.memref_squeeze %dma_start3A_300 : memref<1x1x40xi32, #tpu.memory_space<hbm>> -> memref<40xi32, #tpu.memory_space<hbm>>
    %dma_start3A_302 = arith.constant 0 : i32
    %dma_start3A_303 = tpu.memref_slice %arg14[%dma_start3A_295, %dma_start3A_302] : memref<12x40xi32, #tpu.memory_space<vmem>> -> memref<1x40xi32, #tpu.memory_space<vmem>>
    %dma_start3A_304 = tpu.memref_squeeze %dma_start3A_303 : memref<1x40xi32, #tpu.memory_space<vmem>> -> memref<40xi32, #tpu.memory_space<vmem>>
    %dma_start3A_305 = arith.constant 0 : i32
    %dma_start3A_306 = tpu.memref_slice %arg3[%add3A, %dma_start3A_294, %dma_start3A_305] : memref<32x252x40xi32, #tpu.memory_space<hbm>> -> memref<1x1x40xi32, #tpu.memory_space<hbm>>
    %dma_start3A_307 = tpu.memref_squeeze %dma_start3A_306 : memref<1x1x40xi32, #tpu.memory_space<hbm>> -> memref<40xi32, #tpu.memory_space<hbm>>
    tpu.enqueue_dma source(%dma_start3A_307 : memref<40xi32, #tpu.memory_space<hbm>>) target(%dma_start3A_304 : memref<40xi32, #tpu.memory_space<vmem>>) target_semaphore(%arg36 : memref<!tpu.dma_semaphore, #tpu.memory_space<semaphore_mem>>)
    %dma_start3A_308 = arith.constant 7 : i32
    %dma_start3A_309 = arith.constant 7 : i32
    %dma_start3A_310 = arith.constant 0 : i32
    %dma_start3A_311 = tpu.memref_slice %arg15[%dma_start3A_309, %dma_start3A_310] : memref<12x40xi32, #tpu.memory_space<vmem>> -> memref<1x40xi32, #tpu.memory_space<vmem>>
    %dma_start3A_312 = tpu.memref_squeeze %dma_start3A_311 : memref<1x40xi32, #tpu.memory_space<vmem>> -> memref<40xi32, #tpu.memory_space<vmem>>
    %dma_start3A_313 = arith.constant 0 : i32
    %dma_start3A_314 = tpu.memref_slice %arg4[%add3A, %dma_start3A_308, %dma_start3A_313] : memref<32x252x40xi32, #tpu.memory_space<hbm>> -> memref<1x1x40xi32, #tpu.memory_space<hbm>>
    %dma_start3A_315 = tpu.memref_squeeze %dma_start3A_314 : memref<1x1x40xi32, #tpu.memory_space<hbm>> -> memref<40xi32, #tpu.memory_space<hbm>>
    %dma_start3A_316 = arith.constant 0 : i32
    %dma_start3A_317 = tpu.memref_slice %arg15[%dma_start3A_309, %dma_start3A_316] : memref<12x40xi32, #tpu.memory_space<vmem>> -> memref<1x40xi32, #tpu.memory_space<vmem>>
    %dma_start3A_318 = tpu.memref_squeeze %dma_start3A_317 : memref<1x40xi32, #tpu.memory_space<vmem>> -> memref<40xi32, #tpu.memory_space<vmem>>
    %dma_start3A_319 = arith.constant 0 : i32
    %dma_start3A_320 = tpu.memref_slice %arg4[%add3A, %dma_start3A_308, %dma_start3A_319] : memref<32x252x40xi32, #tpu.memory_space<hbm>> -> memref<1x1x40xi32, #tpu.memory_space<hbm>>
    %dma_start3A_321 = tpu.memref_squeeze %dma_start3A_320 : memref<1x1x40xi32, #tpu.memory_space<hbm>> -> memref<40xi32, #tpu.memory_space<hbm>>
    tpu.enqueue_dma source(%dma_start3A_321 : memref<40xi32, #tpu.memory_space<hbm>>) target(%dma_start3A_318 : memref<40xi32, #tpu.memory_space<vmem>>) target_semaphore(%arg36 : memref<!tpu.dma_semaphore, #tpu.memory_space<semaphore_mem>>)
    %dma_start3A_322 = arith.constant 7 : i32
    %dma_start3A_323 = arith.constant 7 : i32
    %dma_start3A_324 = arith.constant 0 : i32
    %dma_start3A_325 = tpu.memref_slice %arg16[%dma_start3A_323, %dma_start3A_324] : memref<12x40xf32, #tpu.memory_space<vmem>> -> memref<1x40xf32, #tpu.memory_space<vmem>>
    %dma_start3A_326 = tpu.memref_squeeze %dma_start3A_325 : memref<1x40xf32, #tpu.memory_space<vmem>> -> memref<40xf32, #tpu.memory_space<vmem>>
    %dma_start3A_327 = arith.constant 0 : i32
    %dma_start3A_328 = tpu.memref_slice %arg5[%add3A, %dma_start3A_322, %dma_start3A_327] : memref<32x252x40xf32, #tpu.memory_space<hbm>> -> memref<1x1x40xf32, #tpu.memory_space<hbm>>
    %dma_start3A_329 = tpu.memref_squeeze %dma_start3A_328 : memref<1x1x40xf32, #tpu.memory_space<hbm>> -> memref<40xf32, #tpu.memory_space<hbm>>
    %dma_start3A_330 = arith.constant 0 : i32
    %dma_start3A_331 = tpu.memref_slice %arg16[%dma_start3A_323, %dma_start3A_330] : memref<12x40xf32, #tpu.memory_space<vmem>> -> memref<1x40xf32, #tpu.memory_space<vmem>>
    %dma_start3A_332 = tpu.memref_squeeze %dma_start3A_331 : memref<1x40xf32, #tpu.memory_space<vmem>> -> memref<40xf32, #tpu.memory_space<vmem>>
    %dma_start3A_333 = arith.constant 0 : i32
    %dma_start3A_334 = tpu.memref_slice %arg5[%add3A, %dma_start3A_322, %dma_start3A_333] : memref<32x252x40xf32, #tpu.memory_space<hbm>> -> memref<1x1x40xf32, #tpu.memory_space<hbm>>
    %dma_start3A_335 = tpu.memref_squeeze %dma_start3A_334 : memref<1x1x40xf32, #tpu.memory_space<hbm>> -> memref<40xf32, #tpu.memory_space<hbm>>
    tpu.enqueue_dma source(%dma_start3A_335 : memref<40xf32, #tpu.memory_space<hbm>>) target(%dma_start3A_332 : memref<40xf32, #tpu.memory_space<vmem>>) target_semaphore(%arg36 : memref<!tpu.dma_semaphore, #tpu.memory_space<semaphore_mem>>)
    %mul3A_336 = arith.constant 640 : i32
    %mul3A_337 = arith.muli %arg1, %mul3A_336 : i32
    "tpu.region"() ({
      %run_scoped3A = tpu.sem_alloc : memref<!tpu.dma_semaphore, #tpu.memory_space<semaphore_mem>>
      %dma_start3A_543 = arith.constant 0 : i32
      %dma_start3A_544 = tpu.memref_slice %arg41[%mul3A_337, %dma_start3A_543] : memref<10240x128xf32, #tpu.memory_space<vmem_shared>> -> memref<640x128xf32, #tpu.memory_space<vmem_shared>>
      tpu.enqueue_dma source(%arg6 : memref<640x128xf32, #tpu.memory_space<hbm>>) target(%dma_start3A_544 : memref<640x128xf32, #tpu.memory_space<vmem_shared>>) target_semaphore(%run_scoped3A : memref<!tpu.dma_semaphore, #tpu.memory_space<semaphore_mem>>)
      %dma_wait3A_545 = arith.constant 0 : i32
      %dma_wait3A_546 = tpu.memref_slice %arg41[%mul3A_337, %dma_wait3A_545] : memref<10240x128xf32, #tpu.memory_space<vmem_shared>> -> memref<640x128xf32, #tpu.memory_space<vmem_shared>>
      tpu.wait_dma2 semaphore(%run_scoped3A : memref<!tpu.dma_semaphore, #tpu.memory_space<semaphore_mem>>) src(%arg6 : memref<640x128xf32, #tpu.memory_space<hbm>>) dst(%dma_wait3A_546 : memref<640x128xf32, #tpu.memory_space<vmem_shared>>)
      tpu.yield
    }) : () -> ()
    %dma_wait3A = arith.constant 0 : i32
    %dma_wait3A_338 = arith.constant 0 : i32
    %dma_wait3A_339 = arith.constant 0 : i32
    %dma_wait3A_340 = tpu.memref_slice %arg14[%dma_wait3A_338, %dma_wait3A_339] : memref<12x40xi32, #tpu.memory_space<vmem>> -> memref<1x40xi32, #tpu.memory_space<vmem>>
    %dma_wait3A_341 = tpu.memref_squeeze %dma_wait3A_340 : memref<1x40xi32, #tpu.memory_space<vmem>> -> memref<40xi32, #tpu.memory_space<vmem>>
    %dma_wait3A_342 = arith.constant 0 : i32
    %dma_wait3A_343 = tpu.memref_slice %arg3[%add3A, %dma_wait3A, %dma_wait3A_342] : memref<32x252x40xi32, #tpu.memory_space<hbm>> -> memref<1x1x40xi32, #tpu.memory_space<hbm>>
    %dma_wait3A_344 = tpu.memref_squeeze %dma_wait3A_343 : memref<1x1x40xi32, #tpu.memory_space<hbm>> -> memref<40xi32, #tpu.memory_space<hbm>>
    %dma_wait3A_345 = arith.constant 0 : i32
    %dma_wait3A_346 = tpu.memref_slice %arg14[%dma_wait3A_338, %dma_wait3A_345] : memref<12x40xi32, #tpu.memory_space<vmem>> -> memref<1x40xi32, #tpu.memory_space<vmem>>
    %dma_wait3A_347 = tpu.memref_squeeze %dma_wait3A_346 : memref<1x40xi32, #tpu.memory_space<vmem>> -> memref<40xi32, #tpu.memory_space<vmem>>
    %dma_wait3A_348 = arith.constant 0 : i32
    %dma_wait3A_349 = tpu.memref_slice %arg3[%add3A, %dma_wait3A, %dma_wait3A_348] : memref<32x252x40xi32, #tpu.memory_space<hbm>> -> memref<1x1x40xi32, #tpu.memory_space<hbm>>
    %dma_wait3A_350 = tpu.memref_squeeze %dma_wait3A_349 : memref<1x1x40xi32, #tpu.memory_space<hbm>> -> memref<40xi32, #tpu.memory_space<hbm>>
    tpu.wait_dma2 semaphore(%arg29 : memref<!tpu.dma_semaphore, #tpu.memory_space<semaphore_mem>>) src(%dma_wait3A_350 : memref<40xi32, #tpu.memory_space<hbm>>) dst(%dma_wait3A_347 : memref<40xi32, #tpu.memory_space<vmem>>)
    %dma_wait3A_351 = arith.constant 0 : i32
    %dma_wait3A_352 = arith.constant 0 : i32
    %dma_wait3A_353 = arith.constant 0 : i32
    %dma_wait3A_354 = tpu.memref_slice %arg15[%dma_wait3A_352, %dma_wait3A_353] : memref<12x40xi32, #tpu.memory_space<vmem>> -> memref<1x40xi32, #tpu.memory_space<vmem>>
    %dma_wait3A_355 = tpu.memref_squeeze %dma_wait3A_354 : memref<1x40xi32, #tpu.memory_space<vmem>> -> memref<40xi32, #tpu.memory_space<vmem>>
    %dma_wait3A_356 = arith.constant 0 : i32
    %dma_wait3A_357 = tpu.memref_slice %arg4[%add3A, %dma_wait3A_351, %dma_wait3A_356] : memref<32x252x40xi32, #tpu.memory_space<hbm>> -> memref<1x1x40xi32, #tpu.memory_space<hbm>>
    %dma_wait3A_358 = tpu.memref_squeeze %dma_wait3A_357 : memref<1x1x40xi32, #tpu.memory_space<hbm>> -> memref<40xi32, #tpu.memory_space<hbm>>
    %dma_wait3A_359 = arith.constant 0 : i32
    %dma_wait3A_360 = tpu.memref_slice %arg15[%dma_wait3A_352, %dma_wait3A_359] : memref<12x40xi32, #tpu.memory_space<vmem>> -> memref<1x40xi32, #tpu.memory_space<vmem>>
    %dma_wait3A_361 = tpu.memref_squeeze %dma_wait3A_360 : memref<1x40xi32, #tpu.memory_space<vmem>> -> memref<40xi32, #tpu.memory_space<vmem>>
    %dma_wait3A_362 = arith.constant 0 : i32
    %dma_wait3A_363 = tpu.memref_slice %arg4[%add3A, %dma_wait3A_351, %dma_wait3A_362] : memref<32x252x40xi32, #tpu.memory_space<hbm>> -> memref<1x1x40xi32, #tpu.memory_space<hbm>>
    %dma_wait3A_364 = tpu.memref_squeeze %dma_wait3A_363 : memref<1x1x40xi32, #tpu.memory_space<hbm>> -> memref<40xi32, #tpu.memory_space<hbm>>
    tpu.wait_dma2 semaphore(%arg29 : memref<!tpu.dma_semaphore, #tpu.memory_space<semaphore_mem>>) src(%dma_wait3A_364 : memref<40xi32, #tpu.memory_space<hbm>>) dst(%dma_wait3A_361 : memref<40xi32, #tpu.memory_space<vmem>>)
    %dma_wait3A_365 = arith.constant 0 : i32
    %dma_wait3A_366 = arith.constant 0 : i32
    %dma_wait3A_367 = arith.constant 0 : i32
    %dma_wait3A_368 = tpu.memref_slice %arg16[%dma_wait3A_366, %dma_wait3A_367] : memref<12x40xf32, #tpu.memory_space<vmem>> -> memref<1x40xf32, #tpu.memory_space<vmem>>
    %dma_wait3A_369 = tpu.memref_squeeze %dma_wait3A_368 : memref<1x40xf32, #tpu.memory_space<vmem>> -> memref<40xf32, #tpu.memory_space<vmem>>
    %dma_wait3A_370 = arith.constant 0 : i32
    %dma_wait3A_371 = tpu.memref_slice %arg5[%add3A, %dma_wait3A_365, %dma_wait3A_370] : memref<32x252x40xf32, #tpu.memory_space<hbm>> -> memref<1x1x40xf32, #tpu.memory_space<hbm>>
    %dma_wait3A_372 = tpu.memref_squeeze %dma_wait3A_371 : memref<1x1x40xf32, #tpu.memory_space<hbm>> -> memref<40xf32, #tpu.memory_space<hbm>>
    %dma_wait3A_373 = arith.constant 0 : i32
    %dma_wait3A_374 = tpu.memref_slice %arg16[%dma_wait3A_366, %dma_wait3A_373] : memref<12x40xf32, #tpu.memory_space<vmem>> -> memref<1x40xf32, #tpu.memory_space<vmem>>
    %dma_wait3A_375 = tpu.memref_squeeze %dma_wait3A_374 : memref<1x40xf32, #tpu.memory_space<vmem>> -> memref<40xf32, #tpu.memory_space<vmem>>
    %dma_wait3A_376 = arith.constant 0 : i32
    %dma_wait3A_377 = tpu.memref_slice %arg5[%add3A, %dma_wait3A_365, %dma_wait3A_376] : memref<32x252x40xf32, #tpu.memory_space<hbm>> -> memref<1x1x40xf32, #tpu.memory_space<hbm>>
    %dma_wait3A_378 = tpu.memref_squeeze %dma_wait3A_377 : memref<1x1x40xf32, #tpu.memory_space<hbm>> -> memref<40xf32, #tpu.memory_space<hbm>>
    tpu.wait_dma2 semaphore(%arg29 : memref<!tpu.dma_semaphore, #tpu.memory_space<semaphore_mem>>) src(%dma_wait3A_378 : memref<40xf32, #tpu.memory_space<hbm>>) dst(%dma_wait3A_375 : memref<40xf32, #tpu.memory_space<vmem>>)
    %dma_start3A_379 = arith.constant 0 : i32
    %dma_start3A_380 = arith.constant 0 : i32
    %dma_start3A_381 = tpu.memref_slice %arg14[%dma_start3A_379, %dma_start3A_380] : memref<12x40xi32, #tpu.memory_space<vmem>> -> memref<1x40xi32, #tpu.memory_space<vmem>>
    %dma_start3A_382 = tpu.memref_squeeze %dma_start3A_381 : memref<1x40xi32, #tpu.memory_space<vmem>> -> memref<40xi32, #tpu.memory_space<vmem>>
    %dma_start3A_383 = arith.constant 0 : i32
    %dma_start3A_384 = arith.constant 0 : i32
    %dma_start3A_385 = tpu.memref_slice %arg2[%dma_start3A_383, %dma_start3A_384] : memref<20000x128xf32, #tpu.memory_space<hbm>> -> memref<20000x128xf32, #tpu.memory_space<hbm>>
    tpu.enqueue_indirect_dma source(%dma_start3A_385 : memref<20000x128xf32, #tpu.memory_space<hbm>>) target(%arg8 : memref<40x128xf32, #tpu.memory_space<vmem>>) offsets(%dma_start3A_382 : memref<40xi32, #tpu.memory_space<vmem>>) semaphore(%arg17 : memref<!tpu.dma_semaphore, #tpu.memory_space<semaphore_mem>>)
    %dma_wait3A_386 = arith.constant 1 : i32
    %dma_wait3A_387 = arith.constant 1 : i32
    %dma_wait3A_388 = arith.constant 0 : i32
    %dma_wait3A_389 = tpu.memref_slice %arg14[%dma_wait3A_387, %dma_wait3A_388] : memref<12x40xi32, #tpu.memory_space<vmem>> -> memref<1x40xi32, #tpu.memory_space<vmem>>
    %dma_wait3A_390 = tpu.memref_squeeze %dma_wait3A_389 : memref<1x40xi32, #tpu.memory_space<vmem>> -> memref<40xi32, #tpu.memory_space<vmem>>
    %dma_wait3A_391 = arith.constant 0 : i32
    %dma_wait3A_392 = tpu.memref_slice %arg3[%add3A, %dma_wait3A_386, %dma_wait3A_391] : memref<32x252x40xi32, #tpu.memory_space<hbm>> -> memref<1x1x40xi32, #tpu.memory_space<hbm>>
    %dma_wait3A_393 = tpu.memref_squeeze %dma_wait3A_392 : memref<1x1x40xi32, #tpu.memory_space<hbm>> -> memref<40xi32, #tpu.memory_space<hbm>>
    %dma_wait3A_394 = arith.constant 0 : i32
    %dma_wait3A_395 = tpu.memref_slice %arg14[%dma_wait3A_387, %dma_wait3A_394] : memref<12x40xi32, #tpu.memory_space<vmem>> -> memref<1x40xi32, #tpu.memory_space<vmem>>
    %dma_wait3A_396 = tpu.memref_squeeze %dma_wait3A_395 : memref<1x40xi32, #tpu.memory_space<vmem>> -> memref<40xi32, #tpu.memory_space<vmem>>
    %dma_wait3A_397 = arith.constant 0 : i32
    %dma_wait3A_398 = tpu.memref_slice %arg3[%add3A, %dma_wait3A_386, %dma_wait3A_397] : memref<32x252x40xi32, #tpu.memory_space<hbm>> -> memref<1x1x40xi32, #tpu.memory_space<hbm>>
    %dma_wait3A_399 = tpu.memref_squeeze %dma_wait3A_398 : memref<1x1x40xi32, #tpu.memory_space<hbm>> -> memref<40xi32, #tpu.memory_space<hbm>>
    tpu.wait_dma2 semaphore(%arg30 : memref<!tpu.dma_semaphore, #tpu.memory_space<semaphore_mem>>) src(%dma_wait3A_399 : memref<40xi32, #tpu.memory_space<hbm>>) dst(%dma_wait3A_396 : memref<40xi32, #tpu.memory_space<vmem>>)
    %dma_wait3A_400 = arith.constant 1 : i32
    %dma_wait3A_401 = arith.constant 1 : i32
    %dma_wait3A_402 = arith.constant 0 : i32
    %dma_wait3A_403 = tpu.memref_slice %arg15[%dma_wait3A_401, %dma_wait3A_402] : memref<12x40xi32, #tpu.memory_space<vmem>> -> memref<1x40xi32, #tpu.memory_space<vmem>>
    %dma_wait3A_404 = tpu.memref_squeeze %dma_wait3A_403 : memref<1x40xi32, #tpu.memory_space<vmem>> -> memref<40xi32, #tpu.memory_space<vmem>>
    %dma_wait3A_405 = arith.constant 0 : i32
    %dma_wait3A_406 = tpu.memref_slice %arg4[%add3A, %dma_wait3A_400, %dma_wait3A_405] : memref<32x252x40xi32, #tpu.memory_space<hbm>> -> memref<1x1x40xi32, #tpu.memory_space<hbm>>
    %dma_wait3A_407 = tpu.memref_squeeze %dma_wait3A_406 : memref<1x1x40xi32, #tpu.memory_space<hbm>> -> memref<40xi32, #tpu.memory_space<hbm>>
    %dma_wait3A_408 = arith.constant 0 : i32
    %dma_wait3A_409 = tpu.memref_slice %arg15[%dma_wait3A_401, %dma_wait3A_408] : memref<12x40xi32, #tpu.memory_space<vmem>> -> memref<1x40xi32, #tpu.memory_space<vmem>>
    %dma_wait3A_410 = tpu.memref_squeeze %dma_wait3A_409 : memref<1x40xi32, #tpu.memory_space<vmem>> -> memref<40xi32, #tpu.memory_space<vmem>>
    %dma_wait3A_411 = arith.constant 0 : i32
    %dma_wait3A_412 = tpu.memref_slice %arg4[%add3A, %dma_wait3A_400, %dma_wait3A_411] : memref<32x252x40xi32, #tpu.memory_space<hbm>> -> memref<1x1x40xi32, #tpu.memory_space<hbm>>
    %dma_wait3A_413 = tpu.memref_squeeze %dma_wait3A_412 : memref<1x1x40xi32, #tpu.memory_space<hbm>> -> memref<40xi32, #tpu.memory_space<hbm>>
    tpu.wait_dma2 semaphore(%arg30 : memref<!tpu.dma_semaphore, #tpu.memory_space<semaphore_mem>>) src(%dma_wait3A_413 : memref<40xi32, #tpu.memory_space<hbm>>) dst(%dma_wait3A_410 : memref<40xi32, #tpu.memory_space<vmem>>)
    %dma_wait3A_414 = arith.constant 1 : i32
    %dma_wait3A_415 = arith.constant 1 : i32
    %dma_wait3A_416 = arith.constant 0 : i32
    %dma_wait3A_417 = tpu.memref_slice %arg16[%dma_wait3A_415, %dma_wait3A_416] : memref<12x40xf32, #tpu.memory_space<vmem>> -> memref<1x40xf32, #tpu.memory_space<vmem>>
    %dma_wait3A_418 = tpu.memref_squeeze %dma_wait3A_417 : memref<1x40xf32, #tpu.memory_space<vmem>> -> memref<40xf32, #tpu.memory_space<vmem>>
    %dma_wait3A_419 = arith.constant 0 : i32
    %dma_wait3A_420 = tpu.memref_slice %arg5[%add3A, %dma_wait3A_414, %dma_wait3A_419] : memref<32x252x40xf32, #tpu.memory_space<hbm>> -> memref<1x1x40xf32, #tpu.memory_space<hbm>>
    %dma_wait3A_421 = tpu.memref_squeeze %dma_wait3A_420 : memref<1x1x40xf32, #tpu.memory_space<hbm>> -> memref<40xf32, #tpu.memory_space<hbm>>
    %dma_wait3A_422 = arith.constant 0 : i32
    %dma_wait3A_423 = tpu.memref_slice %arg16[%dma_wait3A_415, %dma_wait3A_422] : memref<12x40xf32, #tpu.memory_space<vmem>> -> memref<1x40xf32, #tpu.memory_space<vmem>>
    %dma_wait3A_424 = tpu.memref_squeeze %dma_wait3A_423 : memref<1x40xf32, #tpu.memory_space<vmem>> -> memref<40xf32, #tpu.memory_space<vmem>>
    %dma_wait3A_425 = arith.constant 0 : i32
    %dma_wait3A_426 = tpu.memref_slice %arg5[%add3A, %dma_wait3A_414, %dma_wait3A_425] : memref<32x252x40xf32, #tpu.memory_space<hbm>> -> memref<1x1x40xf32, #tpu.memory_space<hbm>>
    %dma_wait3A_427 = tpu.memref_squeeze %dma_wait3A_426 : memref<1x1x40xf32, #tpu.memory_space<hbm>> -> memref<40xf32, #tpu.memory_space<hbm>>
    tpu.wait_dma2 semaphore(%arg30 : memref<!tpu.dma_semaphore, #tpu.memory_space<semaphore_mem>>) src(%dma_wait3A_427 : memref<40xf32, #tpu.memory_space<hbm>>) dst(%dma_wait3A_424 : memref<40xf32, #tpu.memory_space<vmem>>)
    %dma_start3A_428 = arith.constant 1 : i32
    %dma_start3A_429 = arith.constant 0 : i32
    %dma_start3A_430 = tpu.memref_slice %arg14[%dma_start3A_428, %dma_start3A_429] : memref<12x40xi32, #tpu.memory_space<vmem>> -> memref<1x40xi32, #tpu.memory_space<vmem>>
    %dma_start3A_431 = tpu.memref_squeeze %dma_start3A_430 : memref<1x40xi32, #tpu.memory_space<vmem>> -> memref<40xi32, #tpu.memory_space<vmem>>
    %dma_start3A_432 = arith.constant 0 : i32
    %dma_start3A_433 = arith.constant 0 : i32
    %dma_start3A_434 = tpu.memref_slice %arg2[%dma_start3A_432, %dma_start3A_433] : memref<20000x128xf32, #tpu.memory_space<hbm>> -> memref<20000x128xf32, #tpu.memory_space<hbm>>
    tpu.enqueue_indirect_dma source(%dma_start3A_434 : memref<20000x128xf32, #tpu.memory_space<hbm>>) target(%arg9 : memref<40x128xf32, #tpu.memory_space<vmem>>) offsets(%dma_start3A_431 : memref<40xi32, #tpu.memory_space<vmem>>) semaphore(%arg18 : memref<!tpu.dma_semaphore, #tpu.memory_space<semaphore_mem>>)
    %dma_wait3A_435 = arith.constant 2 : i32
    %dma_wait3A_436 = arith.constant 2 : i32
    %dma_wait3A_437 = arith.constant 0 : i32
    %dma_wait3A_438 = tpu.memref_slice %arg14[%dma_wait3A_436, %dma_wait3A_437] : memref<12x40xi32, #tpu.memory_space<vmem>> -> memref<1x40xi32, #tpu.memory_space<vmem>>
    %dma_wait3A_439 = tpu.memref_squeeze %dma_wait3A_438 : memref<1x40xi32, #tpu.memory_space<vmem>> -> memref<40xi32, #tpu.memory_space<vmem>>
    %dma_wait3A_440 = arith.constant 0 : i32
    %dma_wait3A_441 = tpu.memref_slice %arg3[%add3A, %dma_wait3A_435, %dma_wait3A_440] : memref<32x252x40xi32, #tpu.memory_space<hbm>> -> memref<1x1x40xi32, #tpu.memory_space<hbm>>
    %dma_wait3A_442 = tpu.memref_squeeze %dma_wait3A_441 : memref<1x1x40xi32, #tpu.memory_space<hbm>> -> memref<40xi32, #tpu.memory_space<hbm>>
    %dma_wait3A_443 = arith.constant 0 : i32
    %dma_wait3A_444 = tpu.memref_slice %arg14[%dma_wait3A_436, %dma_wait3A_443] : memref<12x40xi32, #tpu.memory_space<vmem>> -> memref<1x40xi32, #tpu.memory_space<vmem>>
    %dma_wait3A_445 = tpu.memref_squeeze %dma_wait3A_444 : memref<1x40xi32, #tpu.memory_space<vmem>> -> memref<40xi32, #tpu.memory_space<vmem>>
    %dma_wait3A_446 = arith.constant 0 : i32
    %dma_wait3A_447 = tpu.memref_slice %arg3[%add3A, %dma_wait3A_435, %dma_wait3A_446] : memref<32x252x40xi32, #tpu.memory_space<hbm>> -> memref<1x1x40xi32, #tpu.memory_space<hbm>>
    %dma_wait3A_448 = tpu.memref_squeeze %dma_wait3A_447 : memref<1x1x40xi32, #tpu.memory_space<hbm>> -> memref<40xi32, #tpu.memory_space<hbm>>
    tpu.wait_dma2 semaphore(%arg31 : memref<!tpu.dma_semaphore, #tpu.memory_space<semaphore_mem>>) src(%dma_wait3A_448 : memref<40xi32, #tpu.memory_space<hbm>>) dst(%dma_wait3A_445 : memref<40xi32, #tpu.memory_space<vmem>>)
    %dma_wait3A_449 = arith.constant 2 : i32
    %dma_wait3A_450 = arith.constant 2 : i32
    %dma_wait3A_451 = arith.constant 0 : i32
    %dma_wait3A_452 = tpu.memref_slice %arg15[%dma_wait3A_450, %dma_wait3A_451] : memref<12x40xi32, #tpu.memory_space<vmem>> -> memref<1x40xi32, #tpu.memory_space<vmem>>
    %dma_wait3A_453 = tpu.memref_squeeze %dma_wait3A_452 : memref<1x40xi32, #tpu.memory_space<vmem>> -> memref<40xi32, #tpu.memory_space<vmem>>
    %dma_wait3A_454 = arith.constant 0 : i32
    %dma_wait3A_455 = tpu.memref_slice %arg4[%add3A, %dma_wait3A_449, %dma_wait3A_454] : memref<32x252x40xi32, #tpu.memory_space<hbm>> -> memref<1x1x40xi32, #tpu.memory_space<hbm>>
    %dma_wait3A_456 = tpu.memref_squeeze %dma_wait3A_455 : memref<1x1x40xi32, #tpu.memory_space<hbm>> -> memref<40xi32, #tpu.memory_space<hbm>>
    %dma_wait3A_457 = arith.constant 0 : i32
    %dma_wait3A_458 = tpu.memref_slice %arg15[%dma_wait3A_450, %dma_wait3A_457] : memref<12x40xi32, #tpu.memory_space<vmem>> -> memref<1x40xi32, #tpu.memory_space<vmem>>
    %dma_wait3A_459 = tpu.memref_squeeze %dma_wait3A_458 : memref<1x40xi32, #tpu.memory_space<vmem>> -> memref<40xi32, #tpu.memory_space<vmem>>
    %dma_wait3A_460 = arith.constant 0 : i32
    %dma_wait3A_461 = tpu.memref_slice %arg4[%add3A, %dma_wait3A_449, %dma_wait3A_460] : memref<32x252x40xi32, #tpu.memory_space<hbm>> -> memref<1x1x40xi32, #tpu.memory_space<hbm>>
    %dma_wait3A_462 = tpu.memref_squeeze %dma_wait3A_461 : memref<1x1x40xi32, #tpu.memory_space<hbm>> -> memref<40xi32, #tpu.memory_space<hbm>>
    tpu.wait_dma2 semaphore(%arg31 : memref<!tpu.dma_semaphore, #tpu.memory_space<semaphore_mem>>) src(%dma_wait3A_462 : memref<40xi32, #tpu.memory_space<hbm>>) dst(%dma_wait3A_459 : memref<40xi32, #tpu.memory_space<vmem>>)
    %dma_wait3A_463 = arith.constant 2 : i32
    %dma_wait3A_464 = arith.constant 2 : i32
    %dma_wait3A_465 = arith.constant 0 : i32
    %dma_wait3A_466 = tpu.memref_slice %arg16[%dma_wait3A_464, %dma_wait3A_465] : memref<12x40xf32, #tpu.memory_space<vmem>> -> memref<1x40xf32, #tpu.memory_space<vmem>>
    %dma_wait3A_467 = tpu.memref_squeeze %dma_wait3A_466 : memref<1x40xf32, #tpu.memory_space<vmem>> -> memref<40xf32, #tpu.memory_space<vmem>>
    %dma_wait3A_468 = arith.constant 0 : i32
    %dma_wait3A_469 = tpu.memref_slice %arg5[%add3A, %dma_wait3A_463, %dma_wait3A_468] : memref<32x252x40xf32, #tpu.memory_space<hbm>> -> memref<1x1x40xf32, #tpu.memory_space<hbm>>
    %dma_wait3A_470 = tpu.memref_squeeze %dma_wait3A_469 : memref<1x1x40xf32, #tpu.memory_space<hbm>> -> memref<40xf32, #tpu.memory_space<hbm>>
    %dma_wait3A_471 = arith.constant 0 : i32
    %dma_wait3A_472 = tpu.memref_slice %arg16[%dma_wait3A_464, %dma_wait3A_471] : memref<12x40xf32, #tpu.memory_space<vmem>> -> memref<1x40xf32, #tpu.memory_space<vmem>>
    %dma_wait3A_473 = tpu.memref_squeeze %dma_wait3A_472 : memref<1x40xf32, #tpu.memory_space<vmem>> -> memref<40xf32, #tpu.memory_space<vmem>>
    %dma_wait3A_474 = arith.constant 0 : i32
    %dma_wait3A_475 = tpu.memref_slice %arg5[%add3A, %dma_wait3A_463, %dma_wait3A_474] : memref<32x252x40xf32, #tpu.memory_space<hbm>> -> memref<1x1x40xf32, #tpu.memory_space<hbm>>
    %dma_wait3A_476 = tpu.memref_squeeze %dma_wait3A_475 : memref<1x1x40xf32, #tpu.memory_space<hbm>> -> memref<40xf32, #tpu.memory_space<hbm>>
    tpu.wait_dma2 semaphore(%arg31 : memref<!tpu.dma_semaphore, #tpu.memory_space<semaphore_mem>>) src(%dma_wait3A_476 : memref<40xf32, #tpu.memory_space<hbm>>) dst(%dma_wait3A_473 : memref<40xf32, #tpu.memory_space<vmem>>)
    %dma_start3A_477 = arith.constant 2 : i32
    %dma_start3A_478 = arith.constant 0 : i32
    %dma_start3A_479 = tpu.memref_slice %arg14[%dma_start3A_477, %dma_start3A_478] : memref<12x40xi32, #tpu.memory_space<vmem>> -> memref<1x40xi32, #tpu.memory_space<vmem>>
    %dma_start3A_480 = tpu.memref_squeeze %dma_start3A_479 : memref<1x40xi32, #tpu.memory_space<vmem>> -> memref<40xi32, #tpu.memory_space<vmem>>
    %dma_start3A_481 = arith.constant 0 : i32
    %dma_start3A_482 = arith.constant 0 : i32
    %dma_start3A_483 = tpu.memref_slice %arg2[%dma_start3A_481, %dma_start3A_482] : memref<20000x128xf32, #tpu.memory_space<hbm>> -> memref<20000x128xf32, #tpu.memory_space<hbm>>
    tpu.enqueue_indirect_dma source(%dma_start3A_483 : memref<20000x128xf32, #tpu.memory_space<hbm>>) target(%arg10 : memref<40x128xf32, #tpu.memory_space<vmem>>) offsets(%dma_start3A_480 : memref<40xi32, #tpu.memory_space<vmem>>) semaphore(%arg19 : memref<!tpu.dma_semaphore, #tpu.memory_space<semaphore_mem>>)
    %dma_wait3A_484 = arith.constant 3 : i32
    %dma_wait3A_485 = arith.constant 3 : i32
    %dma_wait3A_486 = arith.constant 0 : i32
    %dma_wait3A_487 = tpu.memref_slice %arg14[%dma_wait3A_485, %dma_wait3A_486] : memref<12x40xi32, #tpu.memory_space<vmem>> -> memref<1x40xi32, #tpu.memory_space<vmem>>
    %dma_wait3A_488 = tpu.memref_squeeze %dma_wait3A_487 : memref<1x40xi32, #tpu.memory_space<vmem>> -> memref<40xi32, #tpu.memory_space<vmem>>
    %dma_wait3A_489 = arith.constant 0 : i32
    %dma_wait3A_490 = tpu.memref_slice %arg3[%add3A, %dma_wait3A_484, %dma_wait3A_489] : memref<32x252x40xi32, #tpu.memory_space<hbm>> -> memref<1x1x40xi32, #tpu.memory_space<hbm>>
    %dma_wait3A_491 = tpu.memref_squeeze %dma_wait3A_490 : memref<1x1x40xi32, #tpu.memory_space<hbm>> -> memref<40xi32, #tpu.memory_space<hbm>>
    %dma_wait3A_492 = arith.constant 0 : i32
    %dma_wait3A_493 = tpu.memref_slice %arg14[%dma_wait3A_485, %dma_wait3A_492] : memref<12x40xi32, #tpu.memory_space<vmem>> -> memref<1x40xi32, #tpu.memory_space<vmem>>
    %dma_wait3A_494 = tpu.memref_squeeze %dma_wait3A_493 : memref<1x40xi32, #tpu.memory_space<vmem>> -> memref<40xi32, #tpu.memory_space<vmem>>
    %dma_wait3A_495 = arith.constant 0 : i32
    %dma_wait3A_496 = tpu.memref_slice %arg3[%add3A, %dma_wait3A_484, %dma_wait3A_495] : memref<32x252x40xi32, #tpu.memory_space<hbm>> -> memref<1x1x40xi32, #tpu.memory_space<hbm>>
    %dma_wait3A_497 = tpu.memref_squeeze %dma_wait3A_496 : memref<1x1x40xi32, #tpu.memory_space<hbm>> -> memref<40xi32, #tpu.memory_space<hbm>>
    tpu.wait_dma2 semaphore(%arg32 : memref<!tpu.dma_semaphore, #tpu.memory_space<semaphore_mem>>) src(%dma_wait3A_497 : memref<40xi32, #tpu.memory_space<hbm>>) dst(%dma_wait3A_494 : memref<40xi32, #tpu.memory_space<vmem>>)
    %dma_wait3A_498 = arith.constant 3 : i32
    %dma_wait3A_499 = arith.constant 3 : i32
    %dma_wait3A_500 = arith.constant 0 : i32
    %dma_wait3A_501 = tpu.memref_slice %arg15[%dma_wait3A_499, %dma_wait3A_500] : memref<12x40xi32, #tpu.memory_space<vmem>> -> memref<1x40xi32, #tpu.memory_space<vmem>>
    %dma_wait3A_502 = tpu.memref_squeeze %dma_wait3A_501 : memref<1x40xi32, #tpu.memory_space<vmem>> -> memref<40xi32, #tpu.memory_space<vmem>>
    %dma_wait3A_503 = arith.constant 0 : i32
    %dma_wait3A_504 = tpu.memref_slice %arg4[%add3A, %dma_wait3A_498, %dma_wait3A_503] : memref<32x252x40xi32, #tpu.memory_space<hbm>> -> memref<1x1x40xi32, #tpu.memory_space<hbm>>
    %dma_wait3A_505 = tpu.memref_squeeze %dma_wait3A_504 : memref<1x1x40xi32, #tpu.memory_space<hbm>> -> memref<40xi32, #tpu.memory_space<hbm>>
    %dma_wait3A_506 = arith.constant 0 : i32
    %dma_wait3A_507 = tpu.memref_slice %arg15[%dma_wait3A_499, %dma_wait3A_506] : memref<12x40xi32, #tpu.memory_space<vmem>> -> memref<1x40xi32, #tpu.memory_space<vmem>>
    %dma_wait3A_508 = tpu.memref_squeeze %dma_wait3A_507 : memref<1x40xi32, #tpu.memory_space<vmem>> -> memref<40xi32, #tpu.memory_space<vmem>>
    %dma_wait3A_509 = arith.constant 0 : i32
    %dma_wait3A_510 = tpu.memref_slice %arg4[%add3A, %dma_wait3A_498, %dma_wait3A_509] : memref<32x252x40xi32, #tpu.memory_space<hbm>> -> memref<1x1x40xi32, #tpu.memory_space<hbm>>
    %dma_wait3A_511 = tpu.memref_squeeze %dma_wait3A_510 : memref<1x1x40xi32, #tpu.memory_space<hbm>> -> memref<40xi32, #tpu.memory_space<hbm>>
    tpu.wait_dma2 semaphore(%arg32 : memref<!tpu.dma_semaphore, #tpu.memory_space<semaphore_mem>>) src(%dma_wait3A_511 : memref<40xi32, #tpu.memory_space<hbm>>) dst(%dma_wait3A_508 : memref<40xi32, #tpu.memory_space<vmem>>)
    %dma_wait3A_512 = arith.constant 3 : i32
    %dma_wait3A_513 = arith.constant 3 : i32
    %dma_wait3A_514 = arith.constant 0 : i32
    %dma_wait3A_515 = tpu.memref_slice %arg16[%dma_wait3A_513, %dma_wait3A_514] : memref<12x40xf32, #tpu.memory_space<vmem>> -> memref<1x40xf32, #tpu.memory_space<vmem>>
    %dma_wait3A_516 = tpu.memref_squeeze %dma_wait3A_515 : memref<1x40xf32, #tpu.memory_space<vmem>> -> memref<40xf32, #tpu.memory_space<vmem>>
    %dma_wait3A_517 = arith.constant 0 : i32
    %dma_wait3A_518 = tpu.memref_slice %arg5[%add3A, %dma_wait3A_512, %dma_wait3A_517] : memref<32x252x40xf32, #tpu.memory_space<hbm>> -> memref<1x1x40xf32, #tpu.memory_space<hbm>>
    %dma_wait3A_519 = tpu.memref_squeeze %dma_wait3A_518 : memref<1x1x40xf32, #tpu.memory_space<hbm>> -> memref<40xf32, #tpu.memory_space<hbm>>
    %dma_wait3A_520 = arith.constant 0 : i32
    %dma_wait3A_521 = tpu.memref_slice %arg16[%dma_wait3A_513, %dma_wait3A_520] : memref<12x40xf32, #tpu.memory_space<vmem>> -> memref<1x40xf32, #tpu.memory_space<vmem>>
    %dma_wait3A_522 = tpu.memref_squeeze %dma_wait3A_521 : memref<1x40xf32, #tpu.memory_space<vmem>> -> memref<40xf32, #tpu.memory_space<vmem>>
    %dma_wait3A_523 = arith.constant 0 : i32
    %dma_wait3A_524 = tpu.memref_slice %arg5[%add3A, %dma_wait3A_512, %dma_wait3A_523] : memref<32x252x40xf32, #tpu.memory_space<hbm>> -> memref<1x1x40xf32, #tpu.memory_space<hbm>>
    %dma_wait3A_525 = tpu.memref_squeeze %dma_wait3A_524 : memref<1x1x40xf32, #tpu.memory_space<hbm>> -> memref<40xf32, #tpu.memory_space<hbm>>
    tpu.wait_dma2 semaphore(%arg32 : memref<!tpu.dma_semaphore, #tpu.memory_space<semaphore_mem>>) src(%dma_wait3A_525 : memref<40xf32, #tpu.memory_space<hbm>>) dst(%dma_wait3A_522 : memref<40xf32, #tpu.memory_space<vmem>>)
    %dma_start3A_526 = arith.constant 3 : i32
    %dma_start3A_527 = arith.constant 0 : i32
    %dma_start3A_528 = tpu.memref_slice %arg14[%dma_start3A_526, %dma_start3A_527] : memref<12x40xi32, #tpu.memory_space<vmem>> -> memref<1x40xi32, #tpu.memory_space<vmem>>
    %dma_start3A_529 = tpu.memref_squeeze %dma_start3A_528 : memref<1x40xi32, #tpu.memory_space<vmem>> -> memref<40xi32, #tpu.memory_space<vmem>>
    %dma_start3A_530 = arith.constant 0 : i32
    %dma_start3A_531 = arith.constant 0 : i32
    %dma_start3A_532 = tpu.memref_slice %arg2[%dma_start3A_530, %dma_start3A_531] : memref<20000x128xf32, #tpu.memory_space<hbm>> -> memref<20000x128xf32, #tpu.memory_space<hbm>>
    tpu.enqueue_indirect_dma source(%dma_start3A_532 : memref<20000x128xf32, #tpu.memory_space<hbm>>) target(%arg11 : memref<40x128xf32, #tpu.memory_space<vmem>>) offsets(%dma_start3A_529 : memref<40xi32, #tpu.memory_space<vmem>>) semaphore(%arg20 : memref<!tpu.dma_semaphore, #tpu.memory_space<semaphore_mem>>)
    %barrier3A = arith.constant 0 : index
    tpu.barrier barrier_id(%barrier3A)
    %scan3A = arith.constant 0 : i32
    %scan3A_533 = arith.constant 0 : i32
    %scan3A_534 = arith.constant 21 : i32
    %scan3A_535 = arith.addi %scan3A_533, %scan3A_534 : i32
    %scan3A_536 = arith.constant 1 : i32
    scf.for %scan3A_543 = %scan3A_533 to %scan3A_535 step %scan3A_536  : i32 {
      %mul3A_544 = arith.constant 12 : i32
      %mul3A_545 = arith.muli %scan3A_543, %mul3A_544 : i32
      %add3A_546 = arith.constant 0 : i32
      %add3A_547 = arith.addi %mul3A_545, %add3A_546 : i32
      %dma_wait3A_548 = arith.constant 0 : i32
      %dma_wait3A_549 = arith.constant 0 : i32
      %dma_wait3A_550 = tpu.memref_slice %arg14[%dma_wait3A_548, %dma_wait3A_549] : memref<12x40xi32, #tpu.memory_space<vmem>> -> memref<1x40xi32, #tpu.memory_space<vmem>>
      %dma_wait3A_551 = tpu.memref_squeeze %dma_wait3A_550 : memref<1x40xi32, #tpu.memory_space<vmem>> -> memref<40xi32, #tpu.memory_space<vmem>>
      %dma_wait3A_552 = arith.constant 0 : i32
      %dma_wait3A_553 = arith.constant 0 : i32
      %dma_wait3A_554 = tpu.memref_slice %arg2[%dma_wait3A_552, %dma_wait3A_553] : memref<20000x128xf32, #tpu.memory_space<hbm>> -> memref<20000x128xf32, #tpu.memory_space<hbm>>
      tpu.wait_indirect_dma semaphore(%arg17 : memref<!tpu.dma_semaphore, #tpu.memory_space<semaphore_mem>>) src(%dma_wait3A_554 : memref<20000x128xf32, #tpu.memory_space<hbm>>) dst(%arg8 : memref<40x128xf32, #tpu.memory_space<vmem>>)
      %broadcast_in_dim3A = arith.constant 0 : i32
      %broadcast_in_dim3A_555 = vector.broadcast %broadcast_in_dim3A : i32 to vector<16xi32>
      %scan3A_556 = arith.constant 0 : i32
      %scan3A_557 = arith.constant 0 : i32
      %scan3A_558 = arith.constant 40 : i32
      %scan3A_559 = arith.addi %scan3A_557, %scan3A_558 : i32
      %scan3A_560 = arith.constant 1 : i32
      scf.for %scan3A_1055 = %scan3A_557 to %scan3A_559 step %scan3A_560  : i32 {
        %broadcast_in_dim3A_1056 = vector.broadcast %scan3A_1055 : i32 to vector<16xi32>
        %gather3A = tpu.vector_load_idx %arg16[%broadcast_in_dim3A_555, %broadcast_in_dim3A_1056] : memref<12x40xf32, #tpu.memory_space<vmem>>[vector<16xi32>, vector<16xi32>], vector<16xf32>,
        %get3A = arith.index_cast %scan3A_1055 : i32 to index
        %get3A_1057 = arith.constant 0 : index
        %get3A_1058 = tpu.vector_load %arg8[%get3A, %get3A_1057] {strides = array<i32>} : memref<40x128xf32, #tpu.memory_space<vmem>>, vector<16xf32>,
        %mul3A_1059 = arith.mulf %get3A_1058, %gather3A : vector<16xf32>
        %swap3A = arith.index_cast %scan3A_1055 : i32 to index
        %swap3A_1060 = arith.constant 0 : index
        %swap3A_1061 = tpu.vector_load %arg8[%swap3A, %swap3A_1060] {strides = array<i32>} : memref<40x128xf32, #tpu.memory_space<vmem>>, vector<16xf32>,
        tpu.vector_store %arg8[%swap3A, %swap3A_1060], %mul3A_1059 {strides = array<i32>} : memref<40x128xf32, #tpu.memory_space<vmem>>, vector<16xf32>,
        %get3A_1062 = arith.index_cast %scan3A_1055 : i32 to index
        %get3A_1063 = arith.constant 16 : index
        %get3A_1064 = tpu.vector_load %arg8[%get3A_1062, %get3A_1063] {strides = array<i32>} : memref<40x128xf32, #tpu.memory_space<vmem>>, vector<16xf32>,
        %mul3A_1065 = arith.mulf %get3A_1064, %gather3A : vector<16xf32>
        %swap3A_1066 = arith.index_cast %scan3A_1055 : i32 to index
        %swap3A_1067 = arith.constant 16 : index
        %swap3A_1068 = tpu.vector_load %arg8[%swap3A_1066, %swap3A_1067] {strides = array<i32>} : memref<40x128xf32, #tpu.memory_space<vmem>>, vector<16xf32>,
        tpu.vector_store %arg8[%swap3A_1066, %swap3A_1067], %mul3A_1065 {strides = array<i32>} : memref<40x128xf32, #tpu.memory_space<vmem>>, vector<16xf32>,
        %get3A_1069 = arith.index_cast %scan3A_1055 : i32 to index
        %get3A_1070 = arith.constant 32 : index
        %get3A_1071 = tpu.vector_load %arg8[%get3A_1069, %get3A_1070] {strides = array<i32>} : memref<40x128xf32, #tpu.memory_space<vmem>>, vector<16xf32>,
        %mul3A_1072 = arith.mulf %get3A_1071, %gather3A : vector<16xf32>
        %swap3A_1073 = arith.index_cast %scan3A_1055 : i32 to index
        %swap3A_1074 = arith.constant 32 : index
        %swap3A_1075 = tpu.vector_load %arg8[%swap3A_1073, %swap3A_1074] {strides = array<i32>} : memref<40x128xf32, #tpu.memory_space<vmem>>, vector<16xf32>,
        tpu.vector_store %arg8[%swap3A_1073, %swap3A_1074], %mul3A_1072 {strides = array<i32>} : memref<40x128xf32, #tpu.memory_space<vmem>>, vector<16xf32>,
        %get3A_1076 = arith.index_cast %scan3A_1055 : i32 to index
        %get3A_1077 = arith.constant 48 : index
        %get3A_1078 = tpu.vector_load %arg8[%get3A_1076, %get3A_1077] {strides = array<i32>} : memref<40x128xf32, #tpu.memory_space<vmem>>, vector<16xf32>,
        %mul3A_1079 = arith.mulf %get3A_1078, %gather3A : vector<16xf32>
        %swap3A_1080 = arith.index_cast %scan3A_1055 : i32 to index
        %swap3A_1081 = arith.constant 48 : index
        %swap3A_1082 = tpu.vector_load %arg8[%swap3A_1080, %swap3A_1081] {strides = array<i32>} : memref<40x128xf32, #tpu.memory_space<vmem>>, vector<16xf32>,
        tpu.vector_store %arg8[%swap3A_1080, %swap3A_1081], %mul3A_1079 {strides = array<i32>} : memref<40x128xf32, #tpu.memory_space<vmem>>, vector<16xf32>,
        %get3A_1083 = arith.index_cast %scan3A_1055 : i32 to index
        %get3A_1084 = arith.constant 64 : index
        %get3A_1085 = tpu.vector_load %arg8[%get3A_1083, %get3A_1084] {strides = array<i32>} : memref<40x128xf32, #tpu.memory_space<vmem>>, vector<16xf32>,
        %mul3A_1086 = arith.mulf %get3A_1085, %gather3A : vector<16xf32>
        %swap3A_1087 = arith.index_cast %scan3A_1055 : i32 to index
        %swap3A_1088 = arith.constant 64 : index
        %swap3A_1089 = tpu.vector_load %arg8[%swap3A_1087, %swap3A_1088] {strides = array<i32>} : memref<40x128xf32, #tpu.memory_space<vmem>>, vector<16xf32>,
        tpu.vector_store %arg8[%swap3A_1087, %swap3A_1088], %mul3A_1086 {strides = array<i32>} : memref<40x128xf32, #tpu.memory_space<vmem>>, vector<16xf32>,
        %get3A_1090 = arith.index_cast %scan3A_1055 : i32 to index
        %get3A_1091 = arith.constant 80 : index
        %get3A_1092 = tpu.vector_load %arg8[%get3A_1090, %get3A_1091] {strides = array<i32>} : memref<40x128xf32, #tpu.memory_space<vmem>>, vector<16xf32>,
        %mul3A_1093 = arith.mulf %get3A_1092, %gather3A : vector<16xf32>
        %swap3A_1094 = arith.index_cast %scan3A_1055 : i32 to index
        %swap3A_1095 = arith.constant 80 : index
        %swap3A_1096 = tpu.vector_load %arg8[%swap3A_1094, %swap3A_1095] {strides = array<i32>} : memref<40x128xf32, #tpu.memory_space<vmem>>, vector<16xf32>,
        tpu.vector_store %arg8[%swap3A_1094, %swap3A_1095], %mul3A_1093 {strides = array<i32>} : memref<40x128xf32, #tpu.memory_space<vmem>>, vector<16xf32>,
        %get3A_1097 = arith.index_cast %scan3A_1055 : i32 to index
        %get3A_1098 = arith.constant 96 : index
        %get3A_1099 = tpu.vector_load %arg8[%get3A_1097, %get3A_1098] {strides = array<i32>} : memref<40x128xf32, #tpu.memory_space<vmem>>, vector<16xf32>,
        %mul3A_1100 = arith.mulf %get3A_1099, %gather3A : vector<16xf32>
        %swap3A_1101 = arith.index_cast %scan3A_1055 : i32 to index
        %swap3A_1102 = arith.constant 96 : index
        %swap3A_1103 = tpu.vector_load %arg8[%swap3A_1101, %swap3A_1102] {strides = array<i32>} : memref<40x128xf32, #tpu.memory_space<vmem>>, vector<16xf32>,
        tpu.vector_store %arg8[%swap3A_1101, %swap3A_1102], %mul3A_1100 {strides = array<i32>} : memref<40x128xf32, #tpu.memory_space<vmem>>, vector<16xf32>,
        %get3A_1104 = arith.index_cast %scan3A_1055 : i32 to index
        %get3A_1105 = arith.constant 112 : index
        %get3A_1106 = tpu.vector_load %arg8[%get3A_1104, %get3A_1105] {strides = array<i32>} : memref<40x128xf32, #tpu.memory_space<vmem>>, vector<16xf32>,
        %mul3A_1107 = arith.mulf %get3A_1106, %gather3A : vector<16xf32>
        %swap3A_1108 = arith.index_cast %scan3A_1055 : i32 to index
        %swap3A_1109 = arith.constant 112 : index
        %swap3A_1110 = tpu.vector_load %arg8[%swap3A_1108, %swap3A_1109] {strides = array<i32>} : memref<40x128xf32, #tpu.memory_space<vmem>>, vector<16xf32>,
        tpu.vector_store %arg8[%swap3A_1108, %swap3A_1109], %mul3A_1107 {strides = array<i32>} : memref<40x128xf32, #tpu.memory_space<vmem>>, vector<16xf32>,
      }
      %scan3A_561 = arith.constant 40 : i32
      %dma_start3A_562 = arith.constant 0 : i32
      %dma_start3A_563 = arith.constant 0 : i32
      %dma_start3A_564 = tpu.memref_slice %arg15[%dma_start3A_562, %dma_start3A_563] : memref<12x40xi32, #tpu.memory_space<vmem>> -> memref<1x40xi32, #tpu.memory_space<vmem>>
      %dma_start3A_565 = tpu.memref_squeeze %dma_start3A_564 : memref<1x40xi32, #tpu.memory_space<vmem>> -> memref<40xi32, #tpu.memory_space<vmem>>
      %dma_start3A_566 = arith.constant 0 : i32
      %dma_start3A_567 = arith.constant 0 : i32
      %dma_start3A_568 = tpu.memref_slice %arg41[%dma_start3A_566, %dma_start3A_567] : memref<10240x128xf32, #tpu.memory_space<vmem_shared>> -> memref<10240x128xf32, #tpu.memory_space<vmem_shared>>
      tpu.enqueue_indirect_dma source(%arg8 : memref<40x128xf32, #tpu.memory_space<vmem>>) target(%dma_start3A_568 : memref<10240x128xf32, #tpu.memory_space<vmem_shared>>) offsets(%dma_start3A_565 : memref<40xi32, #tpu.memory_space<vmem>>) semaphore(%arg23 : memref<!tpu.dma_semaphore, #tpu.memory_space<semaphore_mem>>) {add = true}
      %add3A_569 = arith.constant 4 : i32
      %add3A_570 = arith.addi %add3A_547, %add3A_569 : i32
      %lt3A = arith.constant 252 : i32
      %lt3A_571 = arith.cmpi slt, %add3A_570, %lt3A : i32
      %convert_element_type3A = arith.extui %lt3A_571 : i1 to i32
      %cond3A = arith.constant 0 : i32
      %cond3A_572 = arith.cmpi ne, %convert_element_type3A, %cond3A : i32
      scf.if %cond3A_572 {
        %ge3A = arith.constant 2 : i32
        %ge3A_1055 = arith.cmpi sge, %add3A_547, %ge3A : i32
        %convert_element_type3A_1056 = arith.extui %ge3A_1055 : i1 to i32
        %cond3A_1057 = arith.constant 0 : i32
        %cond3A_1058 = arith.cmpi ne, %convert_element_type3A_1056, %cond3A_1057 : i32
        scf.if %cond3A_1058 {
          %dma_wait3A_1107 = arith.constant 4 : i32
          %dma_wait3A_1108 = arith.constant 0 : i32
          %dma_wait3A_1109 = tpu.memref_slice %arg15[%dma_wait3A_1107, %dma_wait3A_1108] : memref<12x40xi32, #tpu.memory_space<vmem>> -> memref<1x40xi32, #tpu.memory_space<vmem>>
          %dma_wait3A_1110 = tpu.memref_squeeze %dma_wait3A_1109 : memref<1x40xi32, #tpu.memory_space<vmem>> -> memref<40xi32, #tpu.memory_space<vmem>>
          %dma_wait3A_1111 = arith.constant 0 : i32
          %dma_wait3A_1112 = arith.constant 0 : i32
          %dma_wait3A_1113 = tpu.memref_slice %arg41[%dma_wait3A_1111, %dma_wait3A_1112] : memref<10240x128xf32, #tpu.memory_space<vmem_shared>> -> memref<10240x128xf32, #tpu.memory_space<vmem_shared>>
          tpu.wait_indirect_dma semaphore(%arg27 : memref<!tpu.dma_semaphore, #tpu.memory_space<semaphore_mem>>) src(%arg12 : memref<40x128xf32, #tpu.memory_space<vmem>>) dst(%dma_wait3A_1113 : memref<10240x128xf32, #tpu.memory_space<vmem_shared>>)
        } else {
        }
        %add3A_1059 = arith.constant 4 : i32
        %add3A_1060 = arith.addi %add3A_547, %add3A_1059 : i32
        %dma_wait3A_1061 = arith.constant 4 : i32
        %dma_wait3A_1062 = arith.constant 0 : i32
        %dma_wait3A_1063 = tpu.memref_slice %arg14[%dma_wait3A_1061, %dma_wait3A_1062] : memref<12x40xi32, #tpu.memory_space<vmem>> -> memref<1x40xi32, #tpu.memory_space<vmem>>
        %dma_wait3A_1064 = tpu.memref_squeeze %dma_wait3A_1063 : memref<1x40xi32, #tpu.memory_space<vmem>> -> memref<40xi32, #tpu.memory_space<vmem>>
        %dma_wait3A_1065 = arith.constant 0 : i32
        %dma_wait3A_1066 = tpu.memref_slice %arg3[%add3A, %add3A_1060, %dma_wait3A_1065] : memref<32x252x40xi32, #tpu.memory_space<hbm>> -> memref<1x1x40xi32, #tpu.memory_space<hbm>>
        %dma_wait3A_1067 = tpu.memref_squeeze %dma_wait3A_1066 : memref<1x1x40xi32, #tpu.memory_space<hbm>> -> memref<40xi32, #tpu.memory_space<hbm>>
        %dma_wait3A_1068 = arith.constant 0 : i32
        %dma_wait3A_1069 = tpu.memref_slice %arg14[%dma_wait3A_1061, %dma_wait3A_1068] : memref<12x40xi32, #tpu.memory_space<vmem>> -> memref<1x40xi32, #tpu.memory_space<vmem>>
        %dma_wait3A_1070 = tpu.memref_squeeze %dma_wait3A_1069 : memref<1x40xi32, #tpu.memory_space<vmem>> -> memref<40xi32, #tpu.memory_space<vmem>>
        %dma_wait3A_1071 = arith.constant 0 : i32
        %dma_wait3A_1072 = tpu.memref_slice %arg3[%add3A, %add3A_1060, %dma_wait3A_1071] : memref<32x252x40xi32, #tpu.memory_space<hbm>> -> memref<1x1x40xi32, #tpu.memory_space<hbm>>
        %dma_wait3A_1073 = tpu.memref_squeeze %dma_wait3A_1072 : memref<1x1x40xi32, #tpu.memory_space<hbm>> -> memref<40xi32, #tpu.memory_space<hbm>>
        tpu.wait_dma2 semaphore(%arg33 : memref<!tpu.dma_semaphore, #tpu.memory_space<semaphore_mem>>) src(%dma_wait3A_1073 : memref<40xi32, #tpu.memory_space<hbm>>) dst(%dma_wait3A_1070 : memref<40xi32, #tpu.memory_space<vmem>>)
        %dma_wait3A_1074 = arith.constant 4 : i32
        %dma_wait3A_1075 = arith.constant 0 : i32
        %dma_wait3A_1076 = tpu.memref_slice %arg15[%dma_wait3A_1074, %dma_wait3A_1075] : memref<12x40xi32, #tpu.memory_space<vmem>> -> memref<1x40xi32, #tpu.memory_space<vmem>>
        %dma_wait3A_1077 = tpu.memref_squeeze %dma_wait3A_1076 : memref<1x40xi32, #tpu.memory_space<vmem>> -> memref<40xi32, #tpu.memory_space<vmem>>
        %dma_wait3A_1078 = arith.constant 0 : i32
        %dma_wait3A_1079 = tpu.memref_slice %arg4[%add3A, %add3A_1060, %dma_wait3A_1078] : memref<32x252x40xi32, #tpu.memory_space<hbm>> -> memref<1x1x40xi32, #tpu.memory_space<hbm>>
        %dma_wait3A_1080 = tpu.memref_squeeze %dma_wait3A_1079 : memref<1x1x40xi32, #tpu.memory_space<hbm>> -> memref<40xi32, #tpu.memory_space<hbm>>
        %dma_wait3A_1081 = arith.constant 0 : i32
        %dma_wait3A_1082 = tpu.memref_slice %arg15[%dma_wait3A_1074, %dma_wait3A_1081] : memref<12x40xi32, #tpu.memory_space<vmem>> -> memref<1x40xi32, #tpu.memory_space<vmem>>
        %dma_wait3A_1083 = tpu.memref_squeeze %dma_wait3A_1082 : memref<1x40xi32, #tpu.memory_space<vmem>> -> memref<40xi32, #tpu.memory_space<vmem>>
        %dma_wait3A_1084 = arith.constant 0 : i32
        %dma_wait3A_1085 = tpu.memref_slice %arg4[%add3A, %add3A_1060, %dma_wait3A_1084] : memref<32x252x40xi32, #tpu.memory_space<hbm>> -> memref<1x1x40xi32, #tpu.memory_space<hbm>>
        %dma_wait3A_1086 = tpu.memref_squeeze %dma_wait3A_1085 : memref<1x1x40xi32, #tpu.memory_space<hbm>> -> memref<40xi32, #tpu.memory_space<hbm>>
        tpu.wait_dma2 semaphore(%arg33 : memref<!tpu.dma_semaphore, #tpu.memory_space<semaphore_mem>>) src(%dma_wait3A_1086 : memref<40xi32, #tpu.memory_space<hbm>>) dst(%dma_wait3A_1083 : memref<40xi32, #tpu.memory_space<vmem>>)
        %dma_wait3A_1087 = arith.constant 4 : i32
        %dma_wait3A_1088 = arith.constant 0 : i32
        %dma_wait3A_1089 = tpu.memref_slice %arg16[%dma_wait3A_1087, %dma_wait3A_1088] : memref<12x40xf32, #tpu.memory_space<vmem>> -> memref<1x40xf32, #tpu.memory_space<vmem>>
        %dma_wait3A_1090 = tpu.memref_squeeze %dma_wait3A_1089 : memref<1x40xf32, #tpu.memory_space<vmem>> -> memref<40xf32, #tpu.memory_space<vmem>>
        %dma_wait3A_1091 = arith.constant 0 : i32
        %dma_wait3A_1092 = tpu.memref_slice %arg5[%add3A, %add3A_1060, %dma_wait3A_1091] : memref<32x252x40xf32, #tpu.memory_space<hbm>> -> memref<1x1x40xf32, #tpu.memory_space<hbm>>
        %dma_wait3A_1093 = tpu.memref_squeeze %dma_wait3A_1092 : memref<1x1x40xf32, #tpu.memory_space<hbm>> -> memref<40xf32, #tpu.memory_space<hbm>>
        %dma_wait3A_1094 = arith.constant 0 : i32
        %dma_wait3A_1095 = tpu.memref_slice %arg16[%dma_wait3A_1087, %dma_wait3A_1094] : memref<12x40xf32, #tpu.memory_space<vmem>> -> memref<1x40xf32, #tpu.memory_space<vmem>>
        %dma_wait3A_1096 = tpu.memref_squeeze %dma_wait3A_1095 : memref<1x40xf32, #tpu.memory_space<vmem>> -> memref<40xf32, #tpu.memory_space<vmem>>
        %dma_wait3A_1097 = arith.constant 0 : i32
        %dma_wait3A_1098 = tpu.memref_slice %arg5[%add3A, %add3A_1060, %dma_wait3A_1097] : memref<32x252x40xf32, #tpu.memory_space<hbm>> -> memref<1x1x40xf32, #tpu.memory_space<hbm>>
        %dma_wait3A_1099 = tpu.memref_squeeze %dma_wait3A_1098 : memref<1x1x40xf32, #tpu.memory_space<hbm>> -> memref<40xf32, #tpu.memory_space<hbm>>
        tpu.wait_dma2 semaphore(%arg33 : memref<!tpu.dma_semaphore, #tpu.memory_space<semaphore_mem>>) src(%dma_wait3A_1099 : memref<40xf32, #tpu.memory_space<hbm>>) dst(%dma_wait3A_1096 : memref<40xf32, #tpu.memory_space<vmem>>)
        %dma_start3A_1100 = arith.constant 4 : i32
        %dma_start3A_1101 = arith.constant 0 : i32
        %dma_start3A_1102 = tpu.memref_slice %arg14[%dma_start3A_1100, %dma_start3A_1101] : memref<12x40xi32, #tpu.memory_space<vmem>> -> memref<1x40xi32, #tpu.memory_space<vmem>>
        %dma_start3A_1103 = tpu.memref_squeeze %dma_start3A_1102 : memref<1x40xi32, #tpu.memory_space<vmem>> -> memref<40xi32, #tpu.memory_space<vmem>>
        %dma_start3A_1104 = arith.constant 0 : i32
        %dma_start3A_1105 = arith.constant 0 : i32
        %dma_start3A_1106 = tpu.memref_slice %arg2[%dma_start3A_1104, %dma_start3A_1105] : memref<20000x128xf32, #tpu.memory_space<hbm>> -> memref<20000x128xf32, #tpu.memory_space<hbm>>
        tpu.enqueue_indirect_dma source(%dma_start3A_1106 : memref<20000x128xf32, #tpu.memory_space<hbm>>) target(%arg12 : memref<40x128xf32, #tpu.memory_space<vmem>>) offsets(%dma_start3A_1103 : memref<40xi32, #tpu.memory_space<vmem>>) semaphore(%arg21 : memref<!tpu.dma_semaphore, #tpu.memory_space<semaphore_mem>>)
      } else {
      }
      %add3A_573 = arith.constant 8 : i32
      %add3A_574 = arith.addi %add3A_547, %add3A_573 : i32
      %lt3A_575 = arith.constant 252 : i32
      %lt3A_576 = arith.cmpi slt, %add3A_574, %lt3A_575 : i32
      %convert_element_type3A_577 = arith.extui %lt3A_576 : i1 to i32
      %cond3A_578 = arith.constant 0 : i32
      %cond3A_579 = arith.cmpi ne, %convert_element_type3A_577, %cond3A_578 : i32
      scf.if %cond3A_579 {
        %add3A_1055 = arith.constant 8 : i32
        %add3A_1056 = arith.addi %add3A_547, %add3A_1055 : i32
        %dma_start3A_1057 = arith.constant 8 : i32
        %dma_start3A_1058 = arith.constant 0 : i32
        %dma_start3A_1059 = tpu.memref_slice %arg14[%dma_start3A_1057, %dma_start3A_1058] : memref<12x40xi32, #tpu.memory_space<vmem>> -> memref<1x40xi32, #tpu.memory_space<vmem>>
        %dma_start3A_1060 = tpu.memref_squeeze %dma_start3A_1059 : memref<1x40xi32, #tpu.memory_space<vmem>> -> memref<40xi32, #tpu.memory_space<vmem>>
        %dma_start3A_1061 = arith.constant 0 : i32
        %dma_start3A_1062 = tpu.memref_slice %arg3[%add3A, %add3A_1056, %dma_start3A_1061] : memref<32x252x40xi32, #tpu.memory_space<hbm>> -> memref<1x1x40xi32, #tpu.memory_space<hbm>>
        %dma_start3A_1063 = tpu.memref_squeeze %dma_start3A_1062 : memref<1x1x40xi32, #tpu.memory_space<hbm>> -> memref<40xi32, #tpu.memory_space<hbm>>
        %dma_start3A_1064 = arith.constant 0 : i32
        %dma_start3A_1065 = tpu.memref_slice %arg14[%dma_start3A_1057, %dma_start3A_1064] : memref<12x40xi32, #tpu.memory_space<vmem>> -> memref<1x40xi32, #tpu.memory_space<vmem>>
        %dma_start3A_1066 = tpu.memref_squeeze %dma_start3A_1065 : memref<1x40xi32, #tpu.memory_space<vmem>> -> memref<40xi32, #tpu.memory_space<vmem>>
        %dma_start3A_1067 = arith.constant 0 : i32
        %dma_start3A_1068 = tpu.memref_slice %arg3[%add3A, %add3A_1056, %dma_start3A_1067] : memref<32x252x40xi32, #tpu.memory_space<hbm>> -> memref<1x1x40xi32, #tpu.memory_space<hbm>>
        %dma_start3A_1069 = tpu.memref_squeeze %dma_start3A_1068 : memref<1x1x40xi32, #tpu.memory_space<hbm>> -> memref<40xi32, #tpu.memory_space<hbm>>
        tpu.enqueue_dma source(%dma_start3A_1069 : memref<40xi32, #tpu.memory_space<hbm>>) target(%dma_start3A_1066 : memref<40xi32, #tpu.memory_space<vmem>>) target_semaphore(%arg37 : memref<!tpu.dma_semaphore, #tpu.memory_space<semaphore_mem>>)
        %dma_start3A_1070 = arith.constant 8 : i32
        %dma_start3A_1071 = arith.constant 0 : i32
        %dma_start3A_1072 = tpu.memref_slice %arg15[%dma_start3A_1070, %dma_start3A_1071] : memref<12x40xi32, #tpu.memory_space<vmem>> -> memref<1x40xi32, #tpu.memory_space<vmem>>
        %dma_start3A_1073 = tpu.memref_squeeze %dma_start3A_1072 : memref<1x40xi32, #tpu.memory_space<vmem>> -> memref<40xi32, #tpu.memory_space<vmem>>
        %dma_start3A_1074 = arith.constant 0 : i32
        %dma_start3A_1075 = tpu.memref_slice %arg4[%add3A, %add3A_1056, %dma_start3A_1074] : memref<32x252x40xi32, #tpu.memory_space<hbm>> -> memref<1x1x40xi32, #tpu.memory_space<hbm>>
        %dma_start3A_1076 = tpu.memref_squeeze %dma_start3A_1075 : memref<1x1x40xi32, #tpu.memory_space<hbm>> -> memref<40xi32, #tpu.memory_space<hbm>>
        %dma_start3A_1077 = arith.constant 0 : i32
        %dma_start3A_1078 = tpu.memref_slice %arg15[%dma_start3A_1070, %dma_start3A_1077] : memref<12x40xi32, #tpu.memory_space<vmem>> -> memref<1x40xi32, #tpu.memory_space<vmem>>
        %dma_start3A_1079 = tpu.memref_squeeze %dma_start3A_1078 : memref<1x40xi32, #tpu.memory_space<vmem>> -> memref<40xi32, #tpu.memory_space<vmem>>
        %dma_start3A_1080 = arith.constant 0 : i32
        %dma_start3A_1081 = tpu.memref_slice %arg4[%add3A, %add3A_1056, %dma_start3A_1080] : memref<32x252x40xi32, #tpu.memory_space<hbm>> -> memref<1x1x40xi32, #tpu.memory_space<hbm>>
        %dma_start3A_1082 = tpu.memref_squeeze %dma_start3A_1081 : memref<1x1x40xi32, #tpu.memory_space<hbm>> -> memref<40xi32, #tpu.memory_space<hbm>>
        tpu.enqueue_dma source(%dma_start3A_1082 : memref<40xi32, #tpu.memory_space<hbm>>) target(%dma_start3A_1079 : memref<40xi32, #tpu.memory_space<vmem>>) target_semaphore(%arg37 : memref<!tpu.dma_semaphore, #tpu.memory_space<semaphore_mem>>)
        %dma_start3A_1083 = arith.constant 8 : i32
        %dma_start3A_1084 = arith.constant 0 : i32
        %dma_start3A_1085 = tpu.memref_slice %arg16[%dma_start3A_1083, %dma_start3A_1084] : memref<12x40xf32, #tpu.memory_space<vmem>> -> memref<1x40xf32, #tpu.memory_space<vmem>>
        %dma_start3A_1086 = tpu.memref_squeeze %dma_start3A_1085 : memref<1x40xf32, #tpu.memory_space<vmem>> -> memref<40xf32, #tpu.memory_space<vmem>>
        %dma_start3A_1087 = arith.constant 0 : i32
        %dma_start3A_1088 = tpu.memref_slice %arg5[%add3A, %add3A_1056, %dma_start3A_1087] : memref<32x252x40xf32, #tpu.memory_space<hbm>> -> memref<1x1x40xf32, #tpu.memory_space<hbm>>
        %dma_start3A_1089 = tpu.memref_squeeze %dma_start3A_1088 : memref<1x1x40xf32, #tpu.memory_space<hbm>> -> memref<40xf32, #tpu.memory_space<hbm>>
        %dma_start3A_1090 = arith.constant 0 : i32
        %dma_start3A_1091 = tpu.memref_slice %arg16[%dma_start3A_1083, %dma_start3A_1090] : memref<12x40xf32, #tpu.memory_space<vmem>> -> memref<1x40xf32, #tpu.memory_space<vmem>>
        %dma_start3A_1092 = tpu.memref_squeeze %dma_start3A_1091 : memref<1x40xf32, #tpu.memory_space<vmem>> -> memref<40xf32, #tpu.memory_space<vmem>>
        %dma_start3A_1093 = arith.constant 0 : i32
        %dma_start3A_1094 = tpu.memref_slice %arg5[%add3A, %add3A_1056, %dma_start3A_1093] : memref<32x252x40xf32, #tpu.memory_space<hbm>> -> memref<1x1x40xf32, #tpu.memory_space<hbm>>
        %dma_start3A_1095 = tpu.memref_squeeze %dma_start3A_1094 : memref<1x1x40xf32, #tpu.memory_space<hbm>> -> memref<40xf32, #tpu.memory_space<hbm>>
        tpu.enqueue_dma source(%dma_start3A_1095 : memref<40xf32, #tpu.memory_space<hbm>>) target(%dma_start3A_1092 : memref<40xf32, #tpu.memory_space<vmem>>) target_semaphore(%arg37 : memref<!tpu.dma_semaphore, #tpu.memory_space<semaphore_mem>>)
      } else {
      }
      %mul3A_580 = arith.constant 12 : i32
      %mul3A_581 = arith.muli %scan3A_543, %mul3A_580 : i32
      %add3A_582 = arith.constant 1 : i32
      %add3A_583 = arith.addi %mul3A_581, %add3A_582 : i32
      %dma_wait3A_584 = arith.constant 1 : i32
      %dma_wait3A_585 = arith.constant 0 : i32
      %dma_wait3A_586 = tpu.memref_slice %arg14[%dma_wait3A_584, %dma_wait3A_585] : memref<12x40xi32, #tpu.memory_space<vmem>> -> memref<1x40xi32, #tpu.memory_space<vmem>>
      %dma_wait3A_587 = tpu.memref_squeeze %dma_wait3A_586 : memref<1x40xi32, #tpu.memory_space<vmem>> -> memref<40xi32, #tpu.memory_space<vmem>>
      %dma_wait3A_588 = arith.constant 0 : i32
      %dma_wait3A_589 = arith.constant 0 : i32
      %dma_wait3A_590 = tpu.memref_slice %arg2[%dma_wait3A_588, %dma_wait3A_589] : memref<20000x128xf32, #tpu.memory_space<hbm>> -> memref<20000x128xf32, #tpu.memory_space<hbm>>
      tpu.wait_indirect_dma semaphore(%arg18 : memref<!tpu.dma_semaphore, #tpu.memory_space<semaphore_mem>>) src(%dma_wait3A_590 : memref<20000x128xf32, #tpu.memory_space<hbm>>) dst(%arg9 : memref<40x128xf32, #tpu.memory_space<vmem>>)
      %broadcast_in_dim3A_591 = arith.constant 1 : i32
      %broadcast_in_dim3A_592 = vector.broadcast %broadcast_in_dim3A_591 : i32 to vector<16xi32>
      %scan3A_593 = arith.constant 0 : i32
      %scan3A_594 = arith.constant 0 : i32
      %scan3A_595 = arith.constant 40 : i32
      %scan3A_596 = arith.addi %scan3A_594, %scan3A_595 : i32
      %scan3A_597 = arith.constant 1 : i32
      scf.for %scan3A_1055 = %scan3A_594 to %scan3A_596 step %scan3A_597  : i32 {
        %broadcast_in_dim3A_1056 = vector.broadcast %scan3A_1055 : i32 to vector<16xi32>
        %gather3A = tpu.vector_load_idx %arg16[%broadcast_in_dim3A_592, %broadcast_in_dim3A_1056] : memref<12x40xf32, #tpu.memory_space<vmem>>[vector<16xi32>, vector<16xi32>], vector<16xf32>,
        %get3A = arith.index_cast %scan3A_1055 : i32 to index
        %get3A_1057 = arith.constant 0 : index
        %get3A_1058 = tpu.vector_load %arg9[%get3A, %get3A_1057] {strides = array<i32>} : memref<40x128xf32, #tpu.memory_space<vmem>>, vector<16xf32>,
        %mul3A_1059 = arith.mulf %get3A_1058, %gather3A : vector<16xf32>
        %swap3A = arith.index_cast %scan3A_1055 : i32 to index
        %swap3A_1060 = arith.constant 0 : index
        %swap3A_1061 = tpu.vector_load %arg9[%swap3A, %swap3A_1060] {strides = array<i32>} : memref<40x128xf32, #tpu.memory_space<vmem>>, vector<16xf32>,
        tpu.vector_store %arg9[%swap3A, %swap3A_1060], %mul3A_1059 {strides = array<i32>} : memref<40x128xf32, #tpu.memory_space<vmem>>, vector<16xf32>,
        %get3A_1062 = arith.index_cast %scan3A_1055 : i32 to index
        %get3A_1063 = arith.constant 16 : index
        %get3A_1064 = tpu.vector_load %arg9[%get3A_1062, %get3A_1063] {strides = array<i32>} : memref<40x128xf32, #tpu.memory_space<vmem>>, vector<16xf32>,
        %mul3A_1065 = arith.mulf %get3A_1064, %gather3A : vector<16xf32>
        %swap3A_1066 = arith.index_cast %scan3A_1055 : i32 to index
        %swap3A_1067 = arith.constant 16 : index
        %swap3A_1068 = tpu.vector_load %arg9[%swap3A_1066, %swap3A_1067] {strides = array<i32>} : memref<40x128xf32, #tpu.memory_space<vmem>>, vector<16xf32>,
        tpu.vector_store %arg9[%swap3A_1066, %swap3A_1067], %mul3A_1065 {strides = array<i32>} : memref<40x128xf32, #tpu.memory_space<vmem>>, vector<16xf32>,
        %get3A_1069 = arith.index_cast %scan3A_1055 : i32 to index
        %get3A_1070 = arith.constant 32 : index
        %get3A_1071 = tpu.vector_load %arg9[%get3A_1069, %get3A_1070] {strides = array<i32>} : memref<40x128xf32, #tpu.memory_space<vmem>>, vector<16xf32>,
        %mul3A_1072 = arith.mulf %get3A_1071, %gather3A : vector<16xf32>
        %swap3A_1073 = arith.index_cast %scan3A_1055 : i32 to index
        %swap3A_1074 = arith.constant 32 : index
        %swap3A_1075 = tpu.vector_load %arg9[%swap3A_1073, %swap3A_1074] {strides = array<i32>} : memref<40x128xf32, #tpu.memory_space<vmem>>, vector<16xf32>,
        tpu.vector_store %arg9[%swap3A_1073, %swap3A_1074], %mul3A_1072 {strides = array<i32>} : memref<40x128xf32, #tpu.memory_space<vmem>>, vector<16xf32>,
        %get3A_1076 = arith.index_cast %scan3A_1055 : i32 to index
        %get3A_1077 = arith.constant 48 : index
        %get3A_1078 = tpu.vector_load %arg9[%get3A_1076, %get3A_1077] {strides = array<i32>} : memref<40x128xf32, #tpu.memory_space<vmem>>, vector<16xf32>,
        %mul3A_1079 = arith.mulf %get3A_1078, %gather3A : vector<16xf32>
        %swap3A_1080 = arith.index_cast %scan3A_1055 : i32 to index
        %swap3A_1081 = arith.constant 48 : index
        %swap3A_1082 = tpu.vector_load %arg9[%swap3A_1080, %swap3A_1081] {strides = array<i32>} : memref<40x128xf32, #tpu.memory_space<vmem>>, vector<16xf32>,
        tpu.vector_store %arg9[%swap3A_1080, %swap3A_1081], %mul3A_1079 {strides = array<i32>} : memref<40x128xf32, #tpu.memory_space<vmem>>, vector<16xf32>,
        %get3A_1083 = arith.index_cast %scan3A_1055 : i32 to index
        %get3A_1084 = arith.constant 64 : index
        %get3A_1085 = tpu.vector_load %arg9[%get3A_1083, %get3A_1084] {strides = array<i32>} : memref<40x128xf32, #tpu.memory_space<vmem>>, vector<16xf32>,
        %mul3A_1086 = arith.mulf %get3A_1085, %gather3A : vector<16xf32>
        %swap3A_1087 = arith.index_cast %scan3A_1055 : i32 to index
        %swap3A_1088 = arith.constant 64 : index
        %swap3A_1089 = tpu.vector_load %arg9[%swap3A_1087, %swap3A_1088] {strides = array<i32>} : memref<40x128xf32, #tpu.memory_space<vmem>>, vector<16xf32>,
        tpu.vector_store %arg9[%swap3A_1087, %swap3A_1088], %mul3A_1086 {strides = array<i32>} : memref<40x128xf32, #tpu.memory_space<vmem>>, vector<16xf32>,
        %get3A_1090 = arith.index_cast %scan3A_1055 : i32 to index
        %get3A_1091 = arith.constant 80 : index
        %get3A_1092 = tpu.vector_load %arg9[%get3A_1090, %get3A_1091] {strides = array<i32>} : memref<40x128xf32, #tpu.memory_space<vmem>>, vector<16xf32>,
        %mul3A_1093 = arith.mulf %get3A_1092, %gather3A : vector<16xf32>
        %swap3A_1094 = arith.index_cast %scan3A_1055 : i32 to index
        %swap3A_1095 = arith.constant 80 : index
        %swap3A_1096 = tpu.vector_load %arg9[%swap3A_1094, %swap3A_1095] {strides = array<i32>} : memref<40x128xf32, #tpu.memory_space<vmem>>, vector<16xf32>,
        tpu.vector_store %arg9[%swap3A_1094, %swap3A_1095], %mul3A_1093 {strides = array<i32>} : memref<40x128xf32, #tpu.memory_space<vmem>>, vector<16xf32>,
        %get3A_1097 = arith.index_cast %scan3A_1055 : i32 to index
        %get3A_1098 = arith.constant 96 : index
        %get3A_1099 = tpu.vector_load %arg9[%get3A_1097, %get3A_1098] {strides = array<i32>} : memref<40x128xf32, #tpu.memory_space<vmem>>, vector<16xf32>,
        %mul3A_1100 = arith.mulf %get3A_1099, %gather3A : vector<16xf32>
        %swap3A_1101 = arith.index_cast %scan3A_1055 : i32 to index
        %swap3A_1102 = arith.constant 96 : index
        %swap3A_1103 = tpu.vector_load %arg9[%swap3A_1101, %swap3A_1102] {strides = array<i32>} : memref<40x128xf32, #tpu.memory_space<vmem>>, vector<16xf32>,
        tpu.vector_store %arg9[%swap3A_1101, %swap3A_1102], %mul3A_1100 {strides = array<i32>} : memref<40x128xf32, #tpu.memory_space<vmem>>, vector<16xf32>,
        %get3A_1104 = arith.index_cast %scan3A_1055 : i32 to index
        %get3A_1105 = arith.constant 112 : index
        %get3A_1106 = tpu.vector_load %arg9[%get3A_1104, %get3A_1105] {strides = array<i32>} : memref<40x128xf32, #tpu.memory_space<vmem>>, vector<16xf32>,
        %mul3A_1107 = arith.mulf %get3A_1106, %gather3A : vector<16xf32>
        %swap3A_1108 = arith.index_cast %scan3A_1055 : i32 to index
        %swap3A_1109 = arith.constant 112 : index
        %swap3A_1110 = tpu.vector_load %arg9[%swap3A_1108, %swap3A_1109] {strides = array<i32>} : memref<40x128xf32, #tpu.memory_space<vmem>>, vector<16xf32>,
        tpu.vector_store %arg9[%swap3A_1108, %swap3A_1109], %mul3A_1107 {strides = array<i32>} : memref<40x128xf32, #tpu.memory_space<vmem>>, vector<16xf32>,
      }
      %scan3A_598 = arith.constant 40 : i32
      %dma_start3A_599 = arith.constant 1 : i32
      %dma_start3A_600 = arith.constant 0 : i32
      %dma_start3A_601 = tpu.memref_slice %arg15[%dma_start3A_599, %dma_start3A_600] : memref<12x40xi32, #tpu.memory_space<vmem>> -> memref<1x40xi32, #tpu.memory_space<vmem>>
      %dma_start3A_602 = tpu.memref_squeeze %dma_start3A_601 : memref<1x40xi32, #tpu.memory_space<vmem>> -> memref<40xi32, #tpu.memory_space<vmem>>
      %dma_start3A_603 = arith.constant 0 : i32
      %dma_start3A_604 = arith.constant 0 : i32
      %dma_start3A_605 = tpu.memref_slice %arg41[%dma_start3A_603, %dma_start3A_604] : memref<10240x128xf32, #tpu.memory_space<vmem_shared>> -> memref<10240x128xf32, #tpu.memory_space<vmem_shared>>
      tpu.enqueue_indirect_dma source(%arg9 : memref<40x128xf32, #tpu.memory_space<vmem>>) target(%dma_start3A_605 : memref<10240x128xf32, #tpu.memory_space<vmem_shared>>) offsets(%dma_start3A_602 : memref<40xi32, #tpu.memory_space<vmem>>) semaphore(%arg24 : memref<!tpu.dma_semaphore, #tpu.memory_space<semaphore_mem>>) {add = true}
      %add3A_606 = arith.constant 4 : i32
      %add3A_607 = arith.addi %add3A_583, %add3A_606 : i32
      %lt3A_608 = arith.constant 252 : i32
      %lt3A_609 = arith.cmpi slt, %add3A_607, %lt3A_608 : i32
      %convert_element_type3A_610 = arith.extui %lt3A_609 : i1 to i32
      %cond3A_611 = arith.constant 0 : i32
      %cond3A_612 = arith.cmpi ne, %convert_element_type3A_610, %cond3A_611 : i32
      scf.if %cond3A_612 {
        %ge3A = arith.constant 2 : i32
        %ge3A_1055 = arith.cmpi sge, %add3A_583, %ge3A : i32
        %convert_element_type3A_1056 = arith.extui %ge3A_1055 : i1 to i32
        %cond3A_1057 = arith.constant 0 : i32
        %cond3A_1058 = arith.cmpi ne, %convert_element_type3A_1056, %cond3A_1057 : i32
        scf.if %cond3A_1058 {
          %dma_wait3A_1107 = arith.constant 5 : i32
          %dma_wait3A_1108 = arith.constant 0 : i32
          %dma_wait3A_1109 = tpu.memref_slice %arg15[%dma_wait3A_1107, %dma_wait3A_1108] : memref<12x40xi32, #tpu.memory_space<vmem>> -> memref<1x40xi32, #tpu.memory_space<vmem>>
          %dma_wait3A_1110 = tpu.memref_squeeze %dma_wait3A_1109 : memref<1x40xi32, #tpu.memory_space<vmem>> -> memref<40xi32, #tpu.memory_space<vmem>>
          %dma_wait3A_1111 = arith.constant 0 : i32
          %dma_wait3A_1112 = arith.constant 0 : i32
          %dma_wait3A_1113 = tpu.memref_slice %arg41[%dma_wait3A_1111, %dma_wait3A_1112] : memref<10240x128xf32, #tpu.memory_space<vmem_shared>> -> memref<10240x128xf32, #tpu.memory_space<vmem_shared>>
          tpu.wait_indirect_dma semaphore(%arg28 : memref<!tpu.dma_semaphore, #tpu.memory_space<semaphore_mem>>) src(%arg13 : memref<40x128xf32, #tpu.memory_space<vmem>>) dst(%dma_wait3A_1113 : memref<10240x128xf32, #tpu.memory_space<vmem_shared>>)
        } else {
        }
        %add3A_1059 = arith.constant 4 : i32
        %add3A_1060 = arith.addi %add3A_583, %add3A_1059 : i32
        %dma_wait3A_1061 = arith.constant 5 : i32
        %dma_wait3A_1062 = arith.constant 0 : i32
        %dma_wait3A_1063 = tpu.memref_slice %arg14[%dma_wait3A_1061, %dma_wait3A_1062] : memref<12x40xi32, #tpu.memory_space<vmem>> -> memref<1x40xi32, #tpu.memory_space<vmem>>
        %dma_wait3A_1064 = tpu.memref_squeeze %dma_wait3A_1063 : memref<1x40xi32, #tpu.memory_space<vmem>> -> memref<40xi32, #tpu.memory_space<vmem>>
        %dma_wait3A_1065 = arith.constant 0 : i32
        %dma_wait3A_1066 = tpu.memref_slice %arg3[%add3A, %add3A_1060, %dma_wait3A_1065] : memref<32x252x40xi32, #tpu.memory_space<hbm>> -> memref<1x1x40xi32, #tpu.memory_space<hbm>>
        %dma_wait3A_1067 = tpu.memref_squeeze %dma_wait3A_1066 : memref<1x1x40xi32, #tpu.memory_space<hbm>> -> memref<40xi32, #tpu.memory_space<hbm>>
        %dma_wait3A_1068 = arith.constant 0 : i32
        %dma_wait3A_1069 = tpu.memref_slice %arg14[%dma_wait3A_1061, %dma_wait3A_1068] : memref<12x40xi32, #tpu.memory_space<vmem>> -> memref<1x40xi32, #tpu.memory_space<vmem>>
        %dma_wait3A_1070 = tpu.memref_squeeze %dma_wait3A_1069 : memref<1x40xi32, #tpu.memory_space<vmem>> -> memref<40xi32, #tpu.memory_space<vmem>>
        %dma_wait3A_1071 = arith.constant 0 : i32
        %dma_wait3A_1072 = tpu.memref_slice %arg3[%add3A, %add3A_1060, %dma_wait3A_1071] : memref<32x252x40xi32, #tpu.memory_space<hbm>> -> memref<1x1x40xi32, #tpu.memory_space<hbm>>
        %dma_wait3A_1073 = tpu.memref_squeeze %dma_wait3A_1072 : memref<1x1x40xi32, #tpu.memory_space<hbm>> -> memref<40xi32, #tpu.memory_space<hbm>>
        tpu.wait_dma2 semaphore(%arg34 : memref<!tpu.dma_semaphore, #tpu.memory_space<semaphore_mem>>) src(%dma_wait3A_1073 : memref<40xi32, #tpu.memory_space<hbm>>) dst(%dma_wait3A_1070 : memref<40xi32, #tpu.memory_space<vmem>>)
        %dma_wait3A_1074 = arith.constant 5 : i32
        %dma_wait3A_1075 = arith.constant 0 : i32
        %dma_wait3A_1076 = tpu.memref_slice %arg15[%dma_wait3A_1074, %dma_wait3A_1075] : memref<12x40xi32, #tpu.memory_space<vmem>> -> memref<1x40xi32, #tpu.memory_space<vmem>>
        %dma_wait3A_1077 = tpu.memref_squeeze %dma_wait3A_1076 : memref<1x40xi32, #tpu.memory_space<vmem>> -> memref<40xi32, #tpu.memory_space<vmem>>
        %dma_wait3A_1078 = arith.constant 0 : i32
        %dma_wait3A_1079 = tpu.memref_slice %arg4[%add3A, %add3A_1060, %dma_wait3A_1078] : memref<32x252x40xi32, #tpu.memory_space<hbm>> -> memref<1x1x40xi32, #tpu.memory_space<hbm>>
        %dma_wait3A_1080 = tpu.memref_squeeze %dma_wait3A_1079 : memref<1x1x40xi32, #tpu.memory_space<hbm>> -> memref<40xi32, #tpu.memory_space<hbm>>
        %dma_wait3A_1081 = arith.constant 0 : i32
        %dma_wait3A_1082 = tpu.memref_slice %arg15[%dma_wait3A_1074, %dma_wait3A_1081] : memref<12x40xi32, #tpu.memory_space<vmem>> -> memref<1x40xi32, #tpu.memory_space<vmem>>
        %dma_wait3A_1083 = tpu.memref_squeeze %dma_wait3A_1082 : memref<1x40xi32, #tpu.memory_space<vmem>> -> memref<40xi32, #tpu.memory_space<vmem>>
        %dma_wait3A_1084 = arith.constant 0 : i32
        %dma_wait3A_1085 = tpu.memref_slice %arg4[%add3A, %add3A_1060, %dma_wait3A_1084] : memref<32x252x40xi32, #tpu.memory_space<hbm>> -> memref<1x1x40xi32, #tpu.memory_space<hbm>>
        %dma_wait3A_1086 = tpu.memref_squeeze %dma_wait3A_1085 : memref<1x1x40xi32, #tpu.memory_space<hbm>> -> memref<40xi32, #tpu.memory_space<hbm>>
        tpu.wait_dma2 semaphore(%arg34 : memref<!tpu.dma_semaphore, #tpu.memory_space<semaphore_mem>>) src(%dma_wait3A_1086 : memref<40xi32, #tpu.memory_space<hbm>>) dst(%dma_wait3A_1083 : memref<40xi32, #tpu.memory_space<vmem>>)
        %dma_wait3A_1087 = arith.constant 5 : i32
        %dma_wait3A_1088 = arith.constant 0 : i32
        %dma_wait3A_1089 = tpu.memref_slice %arg16[%dma_wait3A_1087, %dma_wait3A_1088] : memref<12x40xf32, #tpu.memory_space<vmem>> -> memref<1x40xf32, #tpu.memory_space<vmem>>
        %dma_wait3A_1090 = tpu.memref_squeeze %dma_wait3A_1089 : memref<1x40xf32, #tpu.memory_space<vmem>> -> memref<40xf32, #tpu.memory_space<vmem>>
        %dma_wait3A_1091 = arith.constant 0 : i32
        %dma_wait3A_1092 = tpu.memref_slice %arg5[%add3A, %add3A_1060, %dma_wait3A_1091] : memref<32x252x40xf32, #tpu.memory_space<hbm>> -> memref<1x1x40xf32, #tpu.memory_space<hbm>>
        %dma_wait3A_1093 = tpu.memref_squeeze %dma_wait3A_1092 : memref<1x1x40xf32, #tpu.memory_space<hbm>> -> memref<40xf32, #tpu.memory_space<hbm>>
        %dma_wait3A_1094 = arith.constant 0 : i32
        %dma_wait3A_1095 = tpu.memref_slice %arg16[%dma_wait3A_1087, %dma_wait3A_1094] : memref<12x40xf32, #tpu.memory_space<vmem>> -> memref<1x40xf32, #tpu.memory_space<vmem>>
        %dma_wait3A_1096 = tpu.memref_squeeze %dma_wait3A_1095 : memref<1x40xf32, #tpu.memory_space<vmem>> -> memref<40xf32, #tpu.memory_space<vmem>>
        %dma_wait3A_1097 = arith.constant 0 : i32
        %dma_wait3A_1098 = tpu.memref_slice %arg5[%add3A, %add3A_1060, %dma_wait3A_1097] : memref<32x252x40xf32, #tpu.memory_space<hbm>> -> memref<1x1x40xf32, #tpu.memory_space<hbm>>
        %dma_wait3A_1099 = tpu.memref_squeeze %dma_wait3A_1098 : memref<1x1x40xf32, #tpu.memory_space<hbm>> -> memref<40xf32, #tpu.memory_space<hbm>>
        tpu.wait_dma2 semaphore(%arg34 : memref<!tpu.dma_semaphore, #tpu.memory_space<semaphore_mem>>) src(%dma_wait3A_1099 : memref<40xf32, #tpu.memory_space<hbm>>) dst(%dma_wait3A_1096 : memref<40xf32, #tpu.memory_space<vmem>>)
        %dma_start3A_1100 = arith.constant 5 : i32
        %dma_start3A_1101 = arith.constant 0 : i32
        %dma_start3A_1102 = tpu.memref_slice %arg14[%dma_start3A_1100, %dma_start3A_1101] : memref<12x40xi32, #tpu.memory_space<vmem>> -> memref<1x40xi32, #tpu.memory_space<vmem>>
        %dma_start3A_1103 = tpu.memref_squeeze %dma_start3A_1102 : memref<1x40xi32, #tpu.memory_space<vmem>> -> memref<40xi32, #tpu.memory_space<vmem>>
        %dma_start3A_1104 = arith.constant 0 : i32
        %dma_start3A_1105 = arith.constant 0 : i32
        %dma_start3A_1106 = tpu.memref_slice %arg2[%dma_start3A_1104, %dma_start3A_1105] : memref<20000x128xf32, #tpu.memory_space<hbm>> -> memref<20000x128xf32, #tpu.memory_space<hbm>>
        tpu.enqueue_indirect_dma source(%dma_start3A_1106 : memref<20000x128xf32, #tpu.memory_space<hbm>>) target(%arg13 : memref<40x128xf32, #tpu.memory_space<vmem>>) offsets(%dma_start3A_1103 : memref<40xi32, #tpu.memory_space<vmem>>) semaphore(%arg22 : memref<!tpu.dma_semaphore, #tpu.memory_space<semaphore_mem>>)
      } else {
      }
      %add3A_613 = arith.constant 8 : i32
      %add3A_614 = arith.addi %add3A_583, %add3A_613 : i32
      %lt3A_615 = arith.constant 252 : i32
      %lt3A_616 = arith.cmpi slt, %add3A_614, %lt3A_615 : i32
      %convert_element_type3A_617 = arith.extui %lt3A_616 : i1 to i32
      %cond3A_618 = arith.constant 0 : i32
      %cond3A_619 = arith.cmpi ne, %convert_element_type3A_617, %cond3A_618 : i32
      scf.if %cond3A_619 {
        %add3A_1055 = arith.constant 8 : i32
        %add3A_1056 = arith.addi %add3A_583, %add3A_1055 : i32
        %dma_start3A_1057 = arith.constant 9 : i32
        %dma_start3A_1058 = arith.constant 0 : i32
        %dma_start3A_1059 = tpu.memref_slice %arg14[%dma_start3A_1057, %dma_start3A_1058] : memref<12x40xi32, #tpu.memory_space<vmem>> -> memref<1x40xi32, #tpu.memory_space<vmem>>
        %dma_start3A_1060 = tpu.memref_squeeze %dma_start3A_1059 : memref<1x40xi32, #tpu.memory_space<vmem>> -> memref<40xi32, #tpu.memory_space<vmem>>
        %dma_start3A_1061 = arith.constant 0 : i32
        %dma_start3A_1062 = tpu.memref_slice %arg3[%add3A, %add3A_1056, %dma_start3A_1061] : memref<32x252x40xi32, #tpu.memory_space<hbm>> -> memref<1x1x40xi32, #tpu.memory_space<hbm>>
        %dma_start3A_1063 = tpu.memref_squeeze %dma_start3A_1062 : memref<1x1x40xi32, #tpu.memory_space<hbm>> -> memref<40xi32, #tpu.memory_space<hbm>>
        %dma_start3A_1064 = arith.constant 0 : i32
        %dma_start3A_1065 = tpu.memref_slice %arg14[%dma_start3A_1057, %dma_start3A_1064] : memref<12x40xi32, #tpu.memory_space<vmem>> -> memref<1x40xi32, #tpu.memory_space<vmem>>
        %dma_start3A_1066 = tpu.memref_squeeze %dma_start3A_1065 : memref<1x40xi32, #tpu.memory_space<vmem>> -> memref<40xi32, #tpu.memory_space<vmem>>
        %dma_start3A_1067 = arith.constant 0 : i32
        %dma_start3A_1068 = tpu.memref_slice %arg3[%add3A, %add3A_1056, %dma_start3A_1067] : memref<32x252x40xi32, #tpu.memory_space<hbm>> -> memref<1x1x40xi32, #tpu.memory_space<hbm>>
        %dma_start3A_1069 = tpu.memref_squeeze %dma_start3A_1068 : memref<1x1x40xi32, #tpu.memory_space<hbm>> -> memref<40xi32, #tpu.memory_space<hbm>>
        tpu.enqueue_dma source(%dma_start3A_1069 : memref<40xi32, #tpu.memory_space<hbm>>) target(%dma_start3A_1066 : memref<40xi32, #tpu.memory_space<vmem>>) target_semaphore(%arg38 : memref<!tpu.dma_semaphore, #tpu.memory_space<semaphore_mem>>)
        %dma_start3A_1070 = arith.constant 9 : i32
        %dma_start3A_1071 = arith.constant 0 : i32
        %dma_start3A_1072 = tpu.memref_slice %arg15[%dma_start3A_1070, %dma_start3A_1071] : memref<12x40xi32, #tpu.memory_space<vmem>> -> memref<1x40xi32, #tpu.memory_space<vmem>>
        %dma_start3A_1073 = tpu.memref_squeeze %dma_start3A_1072 : memref<1x40xi32, #tpu.memory_space<vmem>> -> memref<40xi32, #tpu.memory_space<vmem>>
        %dma_start3A_1074 = arith.constant 0 : i32
        %dma_start3A_1075 = tpu.memref_slice %arg4[%add3A, %add3A_1056, %dma_start3A_1074] : memref<32x252x40xi32, #tpu.memory_space<hbm>> -> memref<1x1x40xi32, #tpu.memory_space<hbm>>
        %dma_start3A_1076 = tpu.memref_squeeze %dma_start3A_1075 : memref<1x1x40xi32, #tpu.memory_space<hbm>> -> memref<40xi32, #tpu.memory_space<hbm>>
        %dma_start3A_1077 = arith.constant 0 : i32
        %dma_start3A_1078 = tpu.memref_slice %arg15[%dma_start3A_1070, %dma_start3A_1077] : memref<12x40xi32, #tpu.memory_space<vmem>> -> memref<1x40xi32, #tpu.memory_space<vmem>>
        %dma_start3A_1079 = tpu.memref_squeeze %dma_start3A_1078 : memref<1x40xi32, #tpu.memory_space<vmem>> -> memref<40xi32, #tpu.memory_space<vmem>>
        %dma_start3A_1080 = arith.constant 0 : i32
        %dma_start3A_1081 = tpu.memref_slice %arg4[%add3A, %add3A_1056, %dma_start3A_1080] : memref<32x252x40xi32, #tpu.memory_space<hbm>> -> memref<1x1x40xi32, #tpu.memory_space<hbm>>
        %dma_start3A_1082 = tpu.memref_squeeze %dma_start3A_1081 : memref<1x1x40xi32, #tpu.memory_space<hbm>> -> memref<40xi32, #tpu.memory_space<hbm>>
        tpu.enqueue_dma source(%dma_start3A_1082 : memref<40xi32, #tpu.memory_space<hbm>>) target(%dma_start3A_1079 : memref<40xi32, #tpu.memory_space<vmem>>) target_semaphore(%arg38 : memref<!tpu.dma_semaphore, #tpu.memory_space<semaphore_mem>>)
        %dma_start3A_1083 = arith.constant 9 : i32
        %dma_start3A_1084 = arith.constant 0 : i32
        %dma_start3A_1085 = tpu.memref_slice %arg16[%dma_start3A_1083, %dma_start3A_1084] : memref<12x40xf32, #tpu.memory_space<vmem>> -> memref<1x40xf32, #tpu.memory_space<vmem>>
        %dma_start3A_1086 = tpu.memref_squeeze %dma_start3A_1085 : memref<1x40xf32, #tpu.memory_space<vmem>> -> memref<40xf32, #tpu.memory_space<vmem>>
        %dma_start3A_1087 = arith.constant 0 : i32
        %dma_start3A_1088 = tpu.memref_slice %arg5[%add3A, %add3A_1056, %dma_start3A_1087] : memref<32x252x40xf32, #tpu.memory_space<hbm>> -> memref<1x1x40xf32, #tpu.memory_space<hbm>>
        %dma_start3A_1089 = tpu.memref_squeeze %dma_start3A_1088 : memref<1x1x40xf32, #tpu.memory_space<hbm>> -> memref<40xf32, #tpu.memory_space<hbm>>
        %dma_start3A_1090 = arith.constant 0 : i32
        %dma_start3A_1091 = tpu.memref_slice %arg16[%dma_start3A_1083, %dma_start3A_1090] : memref<12x40xf32, #tpu.memory_space<vmem>> -> memref<1x40xf32, #tpu.memory_space<vmem>>
        %dma_start3A_1092 = tpu.memref_squeeze %dma_start3A_1091 : memref<1x40xf32, #tpu.memory_space<vmem>> -> memref<40xf32, #tpu.memory_space<vmem>>
        %dma_start3A_1093 = arith.constant 0 : i32
        %dma_start3A_1094 = tpu.memref_slice %arg5[%add3A, %add3A_1056, %dma_start3A_1093] : memref<32x252x40xf32, #tpu.memory_space<hbm>> -> memref<1x1x40xf32, #tpu.memory_space<hbm>>
        %dma_start3A_1095 = tpu.memref_squeeze %dma_start3A_1094 : memref<1x1x40xf32, #tpu.memory_space<hbm>> -> memref<40xf32, #tpu.memory_space<hbm>>
        tpu.enqueue_dma source(%dma_start3A_1095 : memref<40xf32, #tpu.memory_space<hbm>>) target(%dma_start3A_1092 : memref<40xf32, #tpu.memory_space<vmem>>) target_semaphore(%arg38 : memref<!tpu.dma_semaphore, #tpu.memory_space<semaphore_mem>>)
      } else {
      }
      %mul3A_620 = arith.constant 12 : i32
      %mul3A_621 = arith.muli %scan3A_543, %mul3A_620 : i32
      %add3A_622 = arith.constant 2 : i32
      %add3A_623 = arith.addi %mul3A_621, %add3A_622 : i32
      %dma_wait3A_624 = arith.constant 2 : i32
      %dma_wait3A_625 = arith.constant 0 : i32
      %dma_wait3A_626 = tpu.memref_slice %arg14[%dma_wait3A_624, %dma_wait3A_625] : memref<12x40xi32, #tpu.memory_space<vmem>> -> memref<1x40xi32, #tpu.memory_space<vmem>>
      %dma_wait3A_627 = tpu.memref_squeeze %dma_wait3A_626 : memref<1x40xi32, #tpu.memory_space<vmem>> -> memref<40xi32, #tpu.memory_space<vmem>>
      %dma_wait3A_628 = arith.constant 0 : i32
      %dma_wait3A_629 = arith.constant 0 : i32
      %dma_wait3A_630 = tpu.memref_slice %arg2[%dma_wait3A_628, %dma_wait3A_629] : memref<20000x128xf32, #tpu.memory_space<hbm>> -> memref<20000x128xf32, #tpu.memory_space<hbm>>
      tpu.wait_indirect_dma semaphore(%arg19 : memref<!tpu.dma_semaphore, #tpu.memory_space<semaphore_mem>>) src(%dma_wait3A_630 : memref<20000x128xf32, #tpu.memory_space<hbm>>) dst(%arg10 : memref<40x128xf32, #tpu.memory_space<vmem>>)
      %broadcast_in_dim3A_631 = arith.constant 2 : i32
      %broadcast_in_dim3A_632 = vector.broadcast %broadcast_in_dim3A_631 : i32 to vector<16xi32>
      %scan3A_633 = arith.constant 0 : i32
      %scan3A_634 = arith.constant 0 : i32
      %scan3A_635 = arith.constant 40 : i32
      %scan3A_636 = arith.addi %scan3A_634, %scan3A_635 : i32
      %scan3A_637 = arith.constant 1 : i32
      scf.for %scan3A_1055 = %scan3A_634 to %scan3A_636 step %scan3A_637  : i32 {
        %broadcast_in_dim3A_1056 = vector.broadcast %scan3A_1055 : i32 to vector<16xi32>
        %gather3A = tpu.vector_load_idx %arg16[%broadcast_in_dim3A_632, %broadcast_in_dim3A_1056] : memref<12x40xf32, #tpu.memory_space<vmem>>[vector<16xi32>, vector<16xi32>], vector<16xf32>,
        %get3A = arith.index_cast %scan3A_1055 : i32 to index
        %get3A_1057 = arith.constant 0 : index
        %get3A_1058 = tpu.vector_load %arg10[%get3A, %get3A_1057] {strides = array<i32>} : memref<40x128xf32, #tpu.memory_space<vmem>>, vector<16xf32>,
        %mul3A_1059 = arith.mulf %get3A_1058, %gather3A : vector<16xf32>
        %swap3A = arith.index_cast %scan3A_1055 : i32 to index
        %swap3A_1060 = arith.constant 0 : index
        %swap3A_1061 = tpu.vector_load %arg10[%swap3A, %swap3A_1060] {strides = array<i32>} : memref<40x128xf32, #tpu.memory_space<vmem>>, vector<16xf32>,
        tpu.vector_store %arg10[%swap3A, %swap3A_1060], %mul3A_1059 {strides = array<i32>} : memref<40x128xf32, #tpu.memory_space<vmem>>, vector<16xf32>,
        %get3A_1062 = arith.index_cast %scan3A_1055 : i32 to index
        %get3A_1063 = arith.constant 16 : index
        %get3A_1064 = tpu.vector_load %arg10[%get3A_1062, %get3A_1063] {strides = array<i32>} : memref<40x128xf32, #tpu.memory_space<vmem>>, vector<16xf32>,
        %mul3A_1065 = arith.mulf %get3A_1064, %gather3A : vector<16xf32>
        %swap3A_1066 = arith.index_cast %scan3A_1055 : i32 to index
        %swap3A_1067 = arith.constant 16 : index
        %swap3A_1068 = tpu.vector_load %arg10[%swap3A_1066, %swap3A_1067] {strides = array<i32>} : memref<40x128xf32, #tpu.memory_space<vmem>>, vector<16xf32>,
        tpu.vector_store %arg10[%swap3A_1066, %swap3A_1067], %mul3A_1065 {strides = array<i32>} : memref<40x128xf32, #tpu.memory_space<vmem>>, vector<16xf32>,
        %get3A_1069 = arith.index_cast %scan3A_1055 : i32 to index
        %get3A_1070 = arith.constant 32 : index
        %get3A_1071 = tpu.vector_load %arg10[%get3A_1069, %get3A_1070] {strides = array<i32>} : memref<40x128xf32, #tpu.memory_space<vmem>>, vector<16xf32>,
        %mul3A_1072 = arith.mulf %get3A_1071, %gather3A : vector<16xf32>
        %swap3A_1073 = arith.index_cast %scan3A_1055 : i32 to index
        %swap3A_1074 = arith.constant 32 : index
        %swap3A_1075 = tpu.vector_load %arg10[%swap3A_1073, %swap3A_1074] {strides = array<i32>} : memref<40x128xf32, #tpu.memory_space<vmem>>, vector<16xf32>,
        tpu.vector_store %arg10[%swap3A_1073, %swap3A_1074], %mul3A_1072 {strides = array<i32>} : memref<40x128xf32, #tpu.memory_space<vmem>>, vector<16xf32>,
        %get3A_1076 = arith.index_cast %scan3A_1055 : i32 to index
        %get3A_1077 = arith.constant 48 : index
        %get3A_1078 = tpu.vector_load %arg10[%get3A_1076, %get3A_1077] {strides = array<i32>} : memref<40x128xf32, #tpu.memory_space<vmem>>, vector<16xf32>,
        %mul3A_1079 = arith.mulf %get3A_1078, %gather3A : vector<16xf32>
        %swap3A_1080 = arith.index_cast %scan3A_1055 : i32 to index
        %swap3A_1081 = arith.constant 48 : index
        %swap3A_1082 = tpu.vector_load %arg10[%swap3A_1080, %swap3A_1081] {strides = array<i32>} : memref<40x128xf32, #tpu.memory_space<vmem>>, vector<16xf32>,
        tpu.vector_store %arg10[%swap3A_1080, %swap3A_1081], %mul3A_1079 {strides = array<i32>} : memref<40x128xf32, #tpu.memory_space<vmem>>, vector<16xf32>,
        %get3A_1083 = arith.index_cast %scan3A_1055 : i32 to index
        %get3A_1084 = arith.constant 64 : index
        %get3A_1085 = tpu.vector_load %arg10[%get3A_1083, %get3A_1084] {strides = array<i32>} : memref<40x128xf32, #tpu.memory_space<vmem>>, vector<16xf32>,
        %mul3A_1086 = arith.mulf %get3A_1085, %gather3A : vector<16xf32>
        %swap3A_1087 = arith.index_cast %scan3A_1055 : i32 to index
        %swap3A_1088 = arith.constant 64 : index
        %swap3A_1089 = tpu.vector_load %arg10[%swap3A_1087, %swap3A_1088] {strides = array<i32>} : memref<40x128xf32, #tpu.memory_space<vmem>>, vector<16xf32>,
        tpu.vector_store %arg10[%swap3A_1087, %swap3A_1088], %mul3A_1086 {strides = array<i32>} : memref<40x128xf32, #tpu.memory_space<vmem>>, vector<16xf32>,
        %get3A_1090 = arith.index_cast %scan3A_1055 : i32 to index
        %get3A_1091 = arith.constant 80 : index
        %get3A_1092 = tpu.vector_load %arg10[%get3A_1090, %get3A_1091] {strides = array<i32>} : memref<40x128xf32, #tpu.memory_space<vmem>>, vector<16xf32>,
        %mul3A_1093 = arith.mulf %get3A_1092, %gather3A : vector<16xf32>
        %swap3A_1094 = arith.index_cast %scan3A_1055 : i32 to index
        %swap3A_1095 = arith.constant 80 : index
        %swap3A_1096 = tpu.vector_load %arg10[%swap3A_1094, %swap3A_1095] {strides = array<i32>} : memref<40x128xf32, #tpu.memory_space<vmem>>, vector<16xf32>,
        tpu.vector_store %arg10[%swap3A_1094, %swap3A_1095], %mul3A_1093 {strides = array<i32>} : memref<40x128xf32, #tpu.memory_space<vmem>>, vector<16xf32>,
        %get3A_1097 = arith.index_cast %scan3A_1055 : i32 to index
        %get3A_1098 = arith.constant 96 : index
        %get3A_1099 = tpu.vector_load %arg10[%get3A_1097, %get3A_1098] {strides = array<i32>} : memref<40x128xf32, #tpu.memory_space<vmem>>, vector<16xf32>,
        %mul3A_1100 = arith.mulf %get3A_1099, %gather3A : vector<16xf32>
        %swap3A_1101 = arith.index_cast %scan3A_1055 : i32 to index
        %swap3A_1102 = arith.constant 96 : index
        %swap3A_1103 = tpu.vector_load %arg10[%swap3A_1101, %swap3A_1102] {strides = array<i32>} : memref<40x128xf32, #tpu.memory_space<vmem>>, vector<16xf32>,
        tpu.vector_store %arg10[%swap3A_1101, %swap3A_1102], %mul3A_1100 {strides = array<i32>} : memref<40x128xf32, #tpu.memory_space<vmem>>, vector<16xf32>,
        %get3A_1104 = arith.index_cast %scan3A_1055 : i32 to index
        %get3A_1105 = arith.constant 112 : index
        %get3A_1106 = tpu.vector_load %arg10[%get3A_1104, %get3A_1105] {strides = array<i32>} : memref<40x128xf32, #tpu.memory_space<vmem>>, vector<16xf32>,
        %mul3A_1107 = arith.mulf %get3A_1106, %gather3A : vector<16xf32>
        %swap3A_1108 = arith.index_cast %scan3A_1055 : i32 to index
        %swap3A_1109 = arith.constant 112 : index
        %swap3A_1110 = tpu.vector_load %arg10[%swap3A_1108, %swap3A_1109] {strides = array<i32>} : memref<40x128xf32, #tpu.memory_space<vmem>>, vector<16xf32>,
        tpu.vector_store %arg10[%swap3A_1108, %swap3A_1109], %mul3A_1107 {strides = array<i32>} : memref<40x128xf32, #tpu.memory_space<vmem>>, vector<16xf32>,
      }
      %scan3A_638 = arith.constant 40 : i32
      %dma_start3A_639 = arith.constant 2 : i32
      %dma_start3A_640 = arith.constant 0 : i32
      %dma_start3A_641 = tpu.memref_slice %arg15[%dma_start3A_639, %dma_start3A_640] : memref<12x40xi32, #tpu.memory_space<vmem>> -> memref<1x40xi32, #tpu.memory_space<vmem>>
      %dma_start3A_642 = tpu.memref_squeeze %dma_start3A_641 : memref<1x40xi32, #tpu.memory_space<vmem>> -> memref<40xi32, #tpu.memory_space<vmem>>
      %dma_start3A_643 = arith.constant 0 : i32
      %dma_start3A_644 = arith.constant 0 : i32
      %dma_start3A_645 = tpu.memref_slice %arg41[%dma_start3A_643, %dma_start3A_644] : memref<10240x128xf32, #tpu.memory_space<vmem_shared>> -> memref<10240x128xf32, #tpu.memory_space<vmem_shared>>
      tpu.enqueue_indirect_dma source(%arg10 : memref<40x128xf32, #tpu.memory_space<vmem>>) target(%dma_start3A_645 : memref<10240x128xf32, #tpu.memory_space<vmem_shared>>) offsets(%dma_start3A_642 : memref<40xi32, #tpu.memory_space<vmem>>) semaphore(%arg25 : memref<!tpu.dma_semaphore, #tpu.memory_space<semaphore_mem>>) {add = true}
      %add3A_646 = arith.constant 4 : i32
      %add3A_647 = arith.addi %add3A_623, %add3A_646 : i32
      %lt3A_648 = arith.constant 252 : i32
      %lt3A_649 = arith.cmpi slt, %add3A_647, %lt3A_648 : i32
      %convert_element_type3A_650 = arith.extui %lt3A_649 : i1 to i32
      %cond3A_651 = arith.constant 0 : i32
      %cond3A_652 = arith.cmpi ne, %convert_element_type3A_650, %cond3A_651 : i32
      scf.if %cond3A_652 {
        %ge3A = arith.constant 2 : i32
        %ge3A_1055 = arith.cmpi sge, %add3A_623, %ge3A : i32
        %convert_element_type3A_1056 = arith.extui %ge3A_1055 : i1 to i32
        %cond3A_1057 = arith.constant 0 : i32
        %cond3A_1058 = arith.cmpi ne, %convert_element_type3A_1056, %cond3A_1057 : i32
        scf.if %cond3A_1058 {
          %dma_wait3A_1107 = arith.constant 6 : i32
          %dma_wait3A_1108 = arith.constant 0 : i32
          %dma_wait3A_1109 = tpu.memref_slice %arg15[%dma_wait3A_1107, %dma_wait3A_1108] : memref<12x40xi32, #tpu.memory_space<vmem>> -> memref<1x40xi32, #tpu.memory_space<vmem>>
          %dma_wait3A_1110 = tpu.memref_squeeze %dma_wait3A_1109 : memref<1x40xi32, #tpu.memory_space<vmem>> -> memref<40xi32, #tpu.memory_space<vmem>>
          %dma_wait3A_1111 = arith.constant 0 : i32
          %dma_wait3A_1112 = arith.constant 0 : i32
          %dma_wait3A_1113 = tpu.memref_slice %arg41[%dma_wait3A_1111, %dma_wait3A_1112] : memref<10240x128xf32, #tpu.memory_space<vmem_shared>> -> memref<10240x128xf32, #tpu.memory_space<vmem_shared>>
          tpu.wait_indirect_dma semaphore(%arg23 : memref<!tpu.dma_semaphore, #tpu.memory_space<semaphore_mem>>) src(%arg8 : memref<40x128xf32, #tpu.memory_space<vmem>>) dst(%dma_wait3A_1113 : memref<10240x128xf32, #tpu.memory_space<vmem_shared>>)
        } else {
        }
        %add3A_1059 = arith.constant 4 : i32
        %add3A_1060 = arith.addi %add3A_623, %add3A_1059 : i32
        %dma_wait3A_1061 = arith.constant 6 : i32
        %dma_wait3A_1062 = arith.constant 0 : i32
        %dma_wait3A_1063 = tpu.memref_slice %arg14[%dma_wait3A_1061, %dma_wait3A_1062] : memref<12x40xi32, #tpu.memory_space<vmem>> -> memref<1x40xi32, #tpu.memory_space<vmem>>
        %dma_wait3A_1064 = tpu.memref_squeeze %dma_wait3A_1063 : memref<1x40xi32, #tpu.memory_space<vmem>> -> memref<40xi32, #tpu.memory_space<vmem>>
        %dma_wait3A_1065 = arith.constant 0 : i32
        %dma_wait3A_1066 = tpu.memref_slice %arg3[%add3A, %add3A_1060, %dma_wait3A_1065] : memref<32x252x40xi32, #tpu.memory_space<hbm>> -> memref<1x1x40xi32, #tpu.memory_space<hbm>>
        %dma_wait3A_1067 = tpu.memref_squeeze %dma_wait3A_1066 : memref<1x1x40xi32, #tpu.memory_space<hbm>> -> memref<40xi32, #tpu.memory_space<hbm>>
        %dma_wait3A_1068 = arith.constant 0 : i32
        %dma_wait3A_1069 = tpu.memref_slice %arg14[%dma_wait3A_1061, %dma_wait3A_1068] : memref<12x40xi32, #tpu.memory_space<vmem>> -> memref<1x40xi32, #tpu.memory_space<vmem>>
        %dma_wait3A_1070 = tpu.memref_squeeze %dma_wait3A_1069 : memref<1x40xi32, #tpu.memory_space<vmem>> -> memref<40xi32, #tpu.memory_space<vmem>>
        %dma_wait3A_1071 = arith.constant 0 : i32
        %dma_wait3A_1072 = tpu.memref_slice %arg3[%add3A, %add3A_1060, %dma_wait3A_1071] : memref<32x252x40xi32, #tpu.memory_space<hbm>> -> memref<1x1x40xi32, #tpu.memory_space<hbm>>
        %dma_wait3A_1073 = tpu.memref_squeeze %dma_wait3A_1072 : memref<1x1x40xi32, #tpu.memory_space<hbm>> -> memref<40xi32, #tpu.memory_space<hbm>>
        tpu.wait_dma2 semaphore(%arg35 : memref<!tpu.dma_semaphore, #tpu.memory_space<semaphore_mem>>) src(%dma_wait3A_1073 : memref<40xi32, #tpu.memory_space<hbm>>) dst(%dma_wait3A_1070 : memref<40xi32, #tpu.memory_space<vmem>>)
        %dma_wait3A_1074 = arith.constant 6 : i32
        %dma_wait3A_1075 = arith.constant 0 : i32
        %dma_wait3A_1076 = tpu.memref_slice %arg15[%dma_wait3A_1074, %dma_wait3A_1075] : memref<12x40xi32, #tpu.memory_space<vmem>> -> memref<1x40xi32, #tpu.memory_space<vmem>>
        %dma_wait3A_1077 = tpu.memref_squeeze %dma_wait3A_1076 : memref<1x40xi32, #tpu.memory_space<vmem>> -> memref<40xi32, #tpu.memory_space<vmem>>
        %dma_wait3A_1078 = arith.constant 0 : i32
        %dma_wait3A_1079 = tpu.memref_slice %arg4[%add3A, %add3A_1060, %dma_wait3A_1078] : memref<32x252x40xi32, #tpu.memory_space<hbm>> -> memref<1x1x40xi32, #tpu.memory_space<hbm>>
        %dma_wait3A_1080 = tpu.memref_squeeze %dma_wait3A_1079 : memref<1x1x40xi32, #tpu.memory_space<hbm>> -> memref<40xi32, #tpu.memory_space<hbm>>
        %dma_wait3A_1081 = arith.constant 0 : i32
        %dma_wait3A_1082 = tpu.memref_slice %arg15[%dma_wait3A_1074, %dma_wait3A_1081] : memref<12x40xi32, #tpu.memory_space<vmem>> -> memref<1x40xi32, #tpu.memory_space<vmem>>
        %dma_wait3A_1083 = tpu.memref_squeeze %dma_wait3A_1082 : memref<1x40xi32, #tpu.memory_space<vmem>> -> memref<40xi32, #tpu.memory_space<vmem>>
        %dma_wait3A_1084 = arith.constant 0 : i32
        %dma_wait3A_1085 = tpu.memref_slice %arg4[%add3A, %add3A_1060, %dma_wait3A_1084] : memref<32x252x40xi32, #tpu.memory_space<hbm>> -> memref<1x1x40xi32, #tpu.memory_space<hbm>>
        %dma_wait3A_1086 = tpu.memref_squeeze %dma_wait3A_1085 : memref<1x1x40xi32, #tpu.memory_space<hbm>> -> memref<40xi32, #tpu.memory_space<hbm>>
        tpu.wait_dma2 semaphore(%arg35 : memref<!tpu.dma_semaphore, #tpu.memory_space<semaphore_mem>>) src(%dma_wait3A_1086 : memref<40xi32, #tpu.memory_space<hbm>>) dst(%dma_wait3A_1083 : memref<40xi32, #tpu.memory_space<vmem>>)
        %dma_wait3A_1087 = arith.constant 6 : i32
        %dma_wait3A_1088 = arith.constant 0 : i32
        %dma_wait3A_1089 = tpu.memref_slice %arg16[%dma_wait3A_1087, %dma_wait3A_1088] : memref<12x40xf32, #tpu.memory_space<vmem>> -> memref<1x40xf32, #tpu.memory_space<vmem>>
        %dma_wait3A_1090 = tpu.memref_squeeze %dma_wait3A_1089 : memref<1x40xf32, #tpu.memory_space<vmem>> -> memref<40xf32, #tpu.memory_space<vmem>>
        %dma_wait3A_1091 = arith.constant 0 : i32
        %dma_wait3A_1092 = tpu.memref_slice %arg5[%add3A, %add3A_1060, %dma_wait3A_1091] : memref<32x252x40xf32, #tpu.memory_space<hbm>> -> memref<1x1x40xf32, #tpu.memory_space<hbm>>
        %dma_wait3A_1093 = tpu.memref_squeeze %dma_wait3A_1092 : memref<1x1x40xf32, #tpu.memory_space<hbm>> -> memref<40xf32, #tpu.memory_space<hbm>>
        %dma_wait3A_1094 = arith.constant 0 : i32
        %dma_wait3A_1095 = tpu.memref_slice %arg16[%dma_wait3A_1087, %dma_wait3A_1094] : memref<12x40xf32, #tpu.memory_space<vmem>> -> memref<1x40xf32, #tpu.memory_space<vmem>>
        %dma_wait3A_1096 = tpu.memref_squeeze %dma_wait3A_1095 : memref<1x40xf32, #tpu.memory_space<vmem>> -> memref<40xf32, #tpu.memory_space<vmem>>
        %dma_wait3A_1097 = arith.constant 0 : i32
        %dma_wait3A_1098 = tpu.memref_slice %arg5[%add3A, %add3A_1060, %dma_wait3A_1097] : memref<32x252x40xf32, #tpu.memory_space<hbm>> -> memref<1x1x40xf32, #tpu.memory_space<hbm>>
        %dma_wait3A_1099 = tpu.memref_squeeze %dma_wait3A_1098 : memref<1x1x40xf32, #tpu.memory_space<hbm>> -> memref<40xf32, #tpu.memory_space<hbm>>
        tpu.wait_dma2 semaphore(%arg35 : memref<!tpu.dma_semaphore, #tpu.memory_space<semaphore_mem>>) src(%dma_wait3A_1099 : memref<40xf32, #tpu.memory_space<hbm>>) dst(%dma_wait3A_1096 : memref<40xf32, #tpu.memory_space<vmem>>)
        %dma_start3A_1100 = arith.constant 6 : i32
        %dma_start3A_1101 = arith.constant 0 : i32
        %dma_start3A_1102 = tpu.memref_slice %arg14[%dma_start3A_1100, %dma_start3A_1101] : memref<12x40xi32, #tpu.memory_space<vmem>> -> memref<1x40xi32, #tpu.memory_space<vmem>>
        %dma_start3A_1103 = tpu.memref_squeeze %dma_start3A_1102 : memref<1x40xi32, #tpu.memory_space<vmem>> -> memref<40xi32, #tpu.memory_space<vmem>>
        %dma_start3A_1104 = arith.constant 0 : i32
        %dma_start3A_1105 = arith.constant 0 : i32
        %dma_start3A_1106 = tpu.memref_slice %arg2[%dma_start3A_1104, %dma_start3A_1105] : memref<20000x128xf32, #tpu.memory_space<hbm>> -> memref<20000x128xf32, #tpu.memory_space<hbm>>
        tpu.enqueue_indirect_dma source(%dma_start3A_1106 : memref<20000x128xf32, #tpu.memory_space<hbm>>) target(%arg8 : memref<40x128xf32, #tpu.memory_space<vmem>>) offsets(%dma_start3A_1103 : memref<40xi32, #tpu.memory_space<vmem>>) semaphore(%arg17 : memref<!tpu.dma_semaphore, #tpu.memory_space<semaphore_mem>>)
      } else {
      }
      %add3A_653 = arith.constant 8 : i32
      %add3A_654 = arith.addi %add3A_623, %add3A_653 : i32
      %lt3A_655 = arith.constant 252 : i32
      %lt3A_656 = arith.cmpi slt, %add3A_654, %lt3A_655 : i32
      %convert_element_type3A_657 = arith.extui %lt3A_656 : i1 to i32
      %cond3A_658 = arith.constant 0 : i32
      %cond3A_659 = arith.cmpi ne, %convert_element_type3A_657, %cond3A_658 : i32
      scf.if %cond3A_659 {
        %add3A_1055 = arith.constant 8 : i32
        %add3A_1056 = arith.addi %add3A_623, %add3A_1055 : i32
        %dma_start3A_1057 = arith.constant 10 : i32
        %dma_start3A_1058 = arith.constant 0 : i32
        %dma_start3A_1059 = tpu.memref_slice %arg14[%dma_start3A_1057, %dma_start3A_1058] : memref<12x40xi32, #tpu.memory_space<vmem>> -> memref<1x40xi32, #tpu.memory_space<vmem>>
        %dma_start3A_1060 = tpu.memref_squeeze %dma_start3A_1059 : memref<1x40xi32, #tpu.memory_space<vmem>> -> memref<40xi32, #tpu.memory_space<vmem>>
        %dma_start3A_1061 = arith.constant 0 : i32
        %dma_start3A_1062 = tpu.memref_slice %arg3[%add3A, %add3A_1056, %dma_start3A_1061] : memref<32x252x40xi32, #tpu.memory_space<hbm>> -> memref<1x1x40xi32, #tpu.memory_space<hbm>>
        %dma_start3A_1063 = tpu.memref_squeeze %dma_start3A_1062 : memref<1x1x40xi32, #tpu.memory_space<hbm>> -> memref<40xi32, #tpu.memory_space<hbm>>
        %dma_start3A_1064 = arith.constant 0 : i32
        %dma_start3A_1065 = tpu.memref_slice %arg14[%dma_start3A_1057, %dma_start3A_1064] : memref<12x40xi32, #tpu.memory_space<vmem>> -> memref<1x40xi32, #tpu.memory_space<vmem>>
        %dma_start3A_1066 = tpu.memref_squeeze %dma_start3A_1065 : memref<1x40xi32, #tpu.memory_space<vmem>> -> memref<40xi32, #tpu.memory_space<vmem>>
        %dma_start3A_1067 = arith.constant 0 : i32
        %dma_start3A_1068 = tpu.memref_slice %arg3[%add3A, %add3A_1056, %dma_start3A_1067] : memref<32x252x40xi32, #tpu.memory_space<hbm>> -> memref<1x1x40xi32, #tpu.memory_space<hbm>>
        %dma_start3A_1069 = tpu.memref_squeeze %dma_start3A_1068 : memref<1x1x40xi32, #tpu.memory_space<hbm>> -> memref<40xi32, #tpu.memory_space<hbm>>
        tpu.enqueue_dma source(%dma_start3A_1069 : memref<40xi32, #tpu.memory_space<hbm>>) target(%dma_start3A_1066 : memref<40xi32, #tpu.memory_space<vmem>>) target_semaphore(%arg39 : memref<!tpu.dma_semaphore, #tpu.memory_space<semaphore_mem>>)
        %dma_start3A_1070 = arith.constant 10 : i32
        %dma_start3A_1071 = arith.constant 0 : i32
        %dma_start3A_1072 = tpu.memref_slice %arg15[%dma_start3A_1070, %dma_start3A_1071] : memref<12x40xi32, #tpu.memory_space<vmem>> -> memref<1x40xi32, #tpu.memory_space<vmem>>
        %dma_start3A_1073 = tpu.memref_squeeze %dma_start3A_1072 : memref<1x40xi32, #tpu.memory_space<vmem>> -> memref<40xi32, #tpu.memory_space<vmem>>
        %dma_start3A_1074 = arith.constant 0 : i32
        %dma_start3A_1075 = tpu.memref_slice %arg4[%add3A, %add3A_1056, %dma_start3A_1074] : memref<32x252x40xi32, #tpu.memory_space<hbm>> -> memref<1x1x40xi32, #tpu.memory_space<hbm>>
        %dma_start3A_1076 = tpu.memref_squeeze %dma_start3A_1075 : memref<1x1x40xi32, #tpu.memory_space<hbm>> -> memref<40xi32, #tpu.memory_space<hbm>>
        %dma_start3A_1077 = arith.constant 0 : i32
        %dma_start3A_1078 = tpu.memref_slice %arg15[%dma_start3A_1070, %dma_start3A_1077] : memref<12x40xi32, #tpu.memory_space<vmem>> -> memref<1x40xi32, #tpu.memory_space<vmem>>
        %dma_start3A_1079 = tpu.memref_squeeze %dma_start3A_1078 : memref<1x40xi32, #tpu.memory_space<vmem>> -> memref<40xi32, #tpu.memory_space<vmem>>
        %dma_start3A_1080 = arith.constant 0 : i32
        %dma_start3A_1081 = tpu.memref_slice %arg4[%add3A, %add3A_1056, %dma_start3A_1080] : memref<32x252x40xi32, #tpu.memory_space<hbm>> -> memref<1x1x40xi32, #tpu.memory_space<hbm>>
        %dma_start3A_1082 = tpu.memref_squeeze %dma_start3A_1081 : memref<1x1x40xi32, #tpu.memory_space<hbm>> -> memref<40xi32, #tpu.memory_space<hbm>>
        tpu.enqueue_dma source(%dma_start3A_1082 : memref<40xi32, #tpu.memory_space<hbm>>) target(%dma_start3A_1079 : memref<40xi32, #tpu.memory_space<vmem>>) target_semaphore(%arg39 : memref<!tpu.dma_semaphore, #tpu.memory_space<semaphore_mem>>)
        %dma_start3A_1083 = arith.constant 10 : i32
        %dma_start3A_1084 = arith.constant 0 : i32
        %dma_start3A_1085 = tpu.memref_slice %arg16[%dma_start3A_1083, %dma_start3A_1084] : memref<12x40xf32, #tpu.memory_space<vmem>> -> memref<1x40xf32, #tpu.memory_space<vmem>>
        %dma_start3A_1086 = tpu.memref_squeeze %dma_start3A_1085 : memref<1x40xf32, #tpu.memory_space<vmem>> -> memref<40xf32, #tpu.memory_space<vmem>>
        %dma_start3A_1087 = arith.constant 0 : i32
        %dma_start3A_1088 = tpu.memref_slice %arg5[%add3A, %add3A_1056, %dma_start3A_1087] : memref<32x252x40xf32, #tpu.memory_space<hbm>> -> memref<1x1x40xf32, #tpu.memory_space<hbm>>
        %dma_start3A_1089 = tpu.memref_squeeze %dma_start3A_1088 : memref<1x1x40xf32, #tpu.memory_space<hbm>> -> memref<40xf32, #tpu.memory_space<hbm>>
        %dma_start3A_1090 = arith.constant 0 : i32
        %dma_start3A_1091 = tpu.memref_slice %arg16[%dma_start3A_1083, %dma_start3A_1090] : memref<12x40xf32, #tpu.memory_space<vmem>> -> memref<1x40xf32, #tpu.memory_space<vmem>>
        %dma_start3A_1092 = tpu.memref_squeeze %dma_start3A_1091 : memref<1x40xf32, #tpu.memory_space<vmem>> -> memref<40xf32, #tpu.memory_space<vmem>>
        %dma_start3A_1093 = arith.constant 0 : i32
        %dma_start3A_1094 = tpu.memref_slice %arg5[%add3A, %add3A_1056, %dma_start3A_1093] : memref<32x252x40xf32, #tpu.memory_space<hbm>> -> memref<1x1x40xf32, #tpu.memory_space<hbm>>
        %dma_start3A_1095 = tpu.memref_squeeze %dma_start3A_1094 : memref<1x1x40xf32, #tpu.memory_space<hbm>> -> memref<40xf32, #tpu.memory_space<hbm>>
        tpu.enqueue_dma source(%dma_start3A_1095 : memref<40xf32, #tpu.memory_space<hbm>>) target(%dma_start3A_1092 : memref<40xf32, #tpu.memory_space<vmem>>) target_semaphore(%arg39 : memref<!tpu.dma_semaphore, #tpu.memory_space<semaphore_mem>>)
      } else {
      }
      %mul3A_660 = arith.constant 12 : i32
      %mul3A_661 = arith.muli %scan3A_543, %mul3A_660 : i32
      %add3A_662 = arith.constant 3 : i32
      %add3A_663 = arith.addi %mul3A_661, %add3A_662 : i32
      %dma_wait3A_664 = arith.constant 3 : i32
      %dma_wait3A_665 = arith.constant 0 : i32
      %dma_wait3A_666 = tpu.memref_slice %arg14[%dma_wait3A_664, %dma_wait3A_665] : memref<12x40xi32, #tpu.memory_space<vmem>> -> memref<1x40xi32, #tpu.memory_space<vmem>>
      %dma_wait3A_667 = tpu.memref_squeeze %dma_wait3A_666 : memref<1x40xi32, #tpu.memory_space<vmem>> -> memref<40xi32, #tpu.memory_space<vmem>>
      %dma_wait3A_668 = arith.constant 0 : i32
      %dma_wait3A_669 = arith.constant 0 : i32
      %dma_wait3A_670 = tpu.memref_slice %arg2[%dma_wait3A_668, %dma_wait3A_669] : memref<20000x128xf32, #tpu.memory_space<hbm>> -> memref<20000x128xf32, #tpu.memory_space<hbm>>
      tpu.wait_indirect_dma semaphore(%arg20 : memref<!tpu.dma_semaphore, #tpu.memory_space<semaphore_mem>>) src(%dma_wait3A_670 : memref<20000x128xf32, #tpu.memory_space<hbm>>) dst(%arg11 : memref<40x128xf32, #tpu.memory_space<vmem>>)
      %broadcast_in_dim3A_671 = arith.constant 3 : i32
      %broadcast_in_dim3A_672 = vector.broadcast %broadcast_in_dim3A_671 : i32 to vector<16xi32>
      %scan3A_673 = arith.constant 0 : i32
      %scan3A_674 = arith.constant 0 : i32
      %scan3A_675 = arith.constant 40 : i32
      %scan3A_676 = arith.addi %scan3A_674, %scan3A_675 : i32
      %scan3A_677 = arith.constant 1 : i32
      scf.for %scan3A_1055 = %scan3A_674 to %scan3A_676 step %scan3A_677  : i32 {
        %broadcast_in_dim3A_1056 = vector.broadcast %scan3A_1055 : i32 to vector<16xi32>
        %gather3A = tpu.vector_load_idx %arg16[%broadcast_in_dim3A_672, %broadcast_in_dim3A_1056] : memref<12x40xf32, #tpu.memory_space<vmem>>[vector<16xi32>, vector<16xi32>], vector<16xf32>,
        %get3A = arith.index_cast %scan3A_1055 : i32 to index
        %get3A_1057 = arith.constant 0 : index
        %get3A_1058 = tpu.vector_load %arg11[%get3A, %get3A_1057] {strides = array<i32>} : memref<40x128xf32, #tpu.memory_space<vmem>>, vector<16xf32>,
        %mul3A_1059 = arith.mulf %get3A_1058, %gather3A : vector<16xf32>
        %swap3A = arith.index_cast %scan3A_1055 : i32 to index
        %swap3A_1060 = arith.constant 0 : index
        %swap3A_1061 = tpu.vector_load %arg11[%swap3A, %swap3A_1060] {strides = array<i32>} : memref<40x128xf32, #tpu.memory_space<vmem>>, vector<16xf32>,
        tpu.vector_store %arg11[%swap3A, %swap3A_1060], %mul3A_1059 {strides = array<i32>} : memref<40x128xf32, #tpu.memory_space<vmem>>, vector<16xf32>,
        %get3A_1062 = arith.index_cast %scan3A_1055 : i32 to index
        %get3A_1063 = arith.constant 16 : index
        %get3A_1064 = tpu.vector_load %arg11[%get3A_1062, %get3A_1063] {strides = array<i32>} : memref<40x128xf32, #tpu.memory_space<vmem>>, vector<16xf32>,
        %mul3A_1065 = arith.mulf %get3A_1064, %gather3A : vector<16xf32>
        %swap3A_1066 = arith.index_cast %scan3A_1055 : i32 to index
        %swap3A_1067 = arith.constant 16 : index
        %swap3A_1068 = tpu.vector_load %arg11[%swap3A_1066, %swap3A_1067] {strides = array<i32>} : memref<40x128xf32, #tpu.memory_space<vmem>>, vector<16xf32>,
        tpu.vector_store %arg11[%swap3A_1066, %swap3A_1067], %mul3A_1065 {strides = array<i32>} : memref<40x128xf32, #tpu.memory_space<vmem>>, vector<16xf32>,
        %get3A_1069 = arith.index_cast %scan3A_1055 : i32 to index
        %get3A_1070 = arith.constant 32 : index
        %get3A_1071 = tpu.vector_load %arg11[%get3A_1069, %get3A_1070] {strides = array<i32>} : memref<40x128xf32, #tpu.memory_space<vmem>>, vector<16xf32>,
        %mul3A_1072 = arith.mulf %get3A_1071, %gather3A : vector<16xf32>
        %swap3A_1073 = arith.index_cast %scan3A_1055 : i32 to index
        %swap3A_1074 = arith.constant 32 : index
        %swap3A_1075 = tpu.vector_load %arg11[%swap3A_1073, %swap3A_1074] {strides = array<i32>} : memref<40x128xf32, #tpu.memory_space<vmem>>, vector<16xf32>,
        tpu.vector_store %arg11[%swap3A_1073, %swap3A_1074], %mul3A_1072 {strides = array<i32>} : memref<40x128xf32, #tpu.memory_space<vmem>>, vector<16xf32>,
        %get3A_1076 = arith.index_cast %scan3A_1055 : i32 to index
        %get3A_1077 = arith.constant 48 : index
        %get3A_1078 = tpu.vector_load %arg11[%get3A_1076, %get3A_1077] {strides = array<i32>} : memref<40x128xf32, #tpu.memory_space<vmem>>, vector<16xf32>,
        %mul3A_1079 = arith.mulf %get3A_1078, %gather3A : vector<16xf32>
        %swap3A_1080 = arith.index_cast %scan3A_1055 : i32 to index
        %swap3A_1081 = arith.constant 48 : index
        %swap3A_1082 = tpu.vector_load %arg11[%swap3A_1080, %swap3A_1081] {strides = array<i32>} : memref<40x128xf32, #tpu.memory_space<vmem>>, vector<16xf32>,
        tpu.vector_store %arg11[%swap3A_1080, %swap3A_1081], %mul3A_1079 {strides = array<i32>} : memref<40x128xf32, #tpu.memory_space<vmem>>, vector<16xf32>,
        %get3A_1083 = arith.index_cast %scan3A_1055 : i32 to index
        %get3A_1084 = arith.constant 64 : index
        %get3A_1085 = tpu.vector_load %arg11[%get3A_1083, %get3A_1084] {strides = array<i32>} : memref<40x128xf32, #tpu.memory_space<vmem>>, vector<16xf32>,
        %mul3A_1086 = arith.mulf %get3A_1085, %gather3A : vector<16xf32>
        %swap3A_1087 = arith.index_cast %scan3A_1055 : i32 to index
        %swap3A_1088 = arith.constant 64 : index
        %swap3A_1089 = tpu.vector_load %arg11[%swap3A_1087, %swap3A_1088] {strides = array<i32>} : memref<40x128xf32, #tpu.memory_space<vmem>>, vector<16xf32>,
        tpu.vector_store %arg11[%swap3A_1087, %swap3A_1088], %mul3A_1086 {strides = array<i32>} : memref<40x128xf32, #tpu.memory_space<vmem>>, vector<16xf32>,
        %get3A_1090 = arith.index_cast %scan3A_1055 : i32 to index
        %get3A_1091 = arith.constant 80 : index
        %get3A_1092 = tpu.vector_load %arg11[%get3A_1090, %get3A_1091] {strides = array<i32>} : memref<40x128xf32, #tpu.memory_space<vmem>>, vector<16xf32>,
        %mul3A_1093 = arith.mulf %get3A_1092, %gather3A : vector<16xf32>
        %swap3A_1094 = arith.index_cast %scan3A_1055 : i32 to index
        %swap3A_1095 = arith.constant 80 : index
        %swap3A_1096 = tpu.vector_load %arg11[%swap3A_1094, %swap3A_1095] {strides = array<i32>} : memref<40x128xf32, #tpu.memory_space<vmem>>, vector<16xf32>,
        tpu.vector_store %arg11[%swap3A_1094, %swap3A_1095], %mul3A_1093 {strides = array<i32>} : memref<40x128xf32, #tpu.memory_space<vmem>>, vector<16xf32>,
        %get3A_1097 = arith.index_cast %scan3A_1055 : i32 to index
        %get3A_1098 = arith.constant 96 : index
        %get3A_1099 = tpu.vector_load %arg11[%get3A_1097, %get3A_1098] {strides = array<i32>} : memref<40x128xf32, #tpu.memory_space<vmem>>, vector<16xf32>,
        %mul3A_1100 = arith.mulf %get3A_1099, %gather3A : vector<16xf32>
        %swap3A_1101 = arith.index_cast %scan3A_1055 : i32 to index
        %swap3A_1102 = arith.constant 96 : index
        %swap3A_1103 = tpu.vector_load %arg11[%swap3A_1101, %swap3A_1102] {strides = array<i32>} : memref<40x128xf32, #tpu.memory_space<vmem>>, vector<16xf32>,
        tpu.vector_store %arg11[%swap3A_1101, %swap3A_1102], %mul3A_1100 {strides = array<i32>} : memref<40x128xf32, #tpu.memory_space<vmem>>, vector<16xf32>,
        %get3A_1104 = arith.index_cast %scan3A_1055 : i32 to index
        %get3A_1105 = arith.constant 112 : index
        %get3A_1106 = tpu.vector_load %arg11[%get3A_1104, %get3A_1105] {strides = array<i32>} : memref<40x128xf32, #tpu.memory_space<vmem>>, vector<16xf32>,
        %mul3A_1107 = arith.mulf %get3A_1106, %gather3A : vector<16xf32>
        %swap3A_1108 = arith.index_cast %scan3A_1055 : i32 to index
        %swap3A_1109 = arith.constant 112 : index
        %swap3A_1110 = tpu.vector_load %arg11[%swap3A_1108, %swap3A_1109] {strides = array<i32>} : memref<40x128xf32, #tpu.memory_space<vmem>>, vector<16xf32>,
        tpu.vector_store %arg11[%swap3A_1108, %swap3A_1109], %mul3A_1107 {strides = array<i32>} : memref<40x128xf32, #tpu.memory_space<vmem>>, vector<16xf32>,
      }
      %scan3A_678 = arith.constant 40 : i32
      %dma_start3A_679 = arith.constant 3 : i32
      %dma_start3A_680 = arith.constant 0 : i32
      %dma_start3A_681 = tpu.memref_slice %arg15[%dma_start3A_679, %dma_start3A_680] : memref<12x40xi32, #tpu.memory_space<vmem>> -> memref<1x40xi32, #tpu.memory_space<vmem>>
      %dma_start3A_682 = tpu.memref_squeeze %dma_start3A_681 : memref<1x40xi32, #tpu.memory_space<vmem>> -> memref<40xi32, #tpu.memory_space<vmem>>
      %dma_start3A_683 = arith.constant 0 : i32
      %dma_start3A_684 = arith.constant 0 : i32
      %dma_start3A_685 = tpu.memref_slice %arg41[%dma_start3A_683, %dma_start3A_684] : memref<10240x128xf32, #tpu.memory_space<vmem_shared>> -> memref<10240x128xf32, #tpu.memory_space<vmem_shared>>
      tpu.enqueue_indirect_dma source(%arg11 : memref<40x128xf32, #tpu.memory_space<vmem>>) target(%dma_start3A_685 : memref<10240x128xf32, #tpu.memory_space<vmem_shared>>) offsets(%dma_start3A_682 : memref<40xi32, #tpu.memory_space<vmem>>) semaphore(%arg26 : memref<!tpu.dma_semaphore, #tpu.memory_space<semaphore_mem>>) {add = true}
      %add3A_686 = arith.constant 4 : i32
      %add3A_687 = arith.addi %add3A_663, %add3A_686 : i32
      %lt3A_688 = arith.constant 252 : i32
      %lt3A_689 = arith.cmpi slt, %add3A_687, %lt3A_688 : i32
      %convert_element_type3A_690 = arith.extui %lt3A_689 : i1 to i32
      %cond3A_691 = arith.constant 0 : i32
      %cond3A_692 = arith.cmpi ne, %convert_element_type3A_690, %cond3A_691 : i32
      scf.if %cond3A_692 {
        %ge3A = arith.constant 2 : i32
        %ge3A_1055 = arith.cmpi sge, %add3A_663, %ge3A : i32
        %convert_element_type3A_1056 = arith.extui %ge3A_1055 : i1 to i32
        %cond3A_1057 = arith.constant 0 : i32
        %cond3A_1058 = arith.cmpi ne, %convert_element_type3A_1056, %cond3A_1057 : i32
        scf.if %cond3A_1058 {
          %dma_wait3A_1107 = arith.constant 7 : i32
          %dma_wait3A_1108 = arith.constant 0 : i32
          %dma_wait3A_1109 = tpu.memref_slice %arg15[%dma_wait3A_1107, %dma_wait3A_1108] : memref<12x40xi32, #tpu.memory_space<vmem>> -> memref<1x40xi32, #tpu.memory_space<vmem>>
          %dma_wait3A_1110 = tpu.memref_squeeze %dma_wait3A_1109 : memref<1x40xi32, #tpu.memory_space<vmem>> -> memref<40xi32, #tpu.memory_space<vmem>>
          %dma_wait3A_1111 = arith.constant 0 : i32
          %dma_wait3A_1112 = arith.constant 0 : i32
          %dma_wait3A_1113 = tpu.memref_slice %arg41[%dma_wait3A_1111, %dma_wait3A_1112] : memref<10240x128xf32, #tpu.memory_space<vmem_shared>> -> memref<10240x128xf32, #tpu.memory_space<vmem_shared>>
          tpu.wait_indirect_dma semaphore(%arg24 : memref<!tpu.dma_semaphore, #tpu.memory_space<semaphore_mem>>) src(%arg9 : memref<40x128xf32, #tpu.memory_space<vmem>>) dst(%dma_wait3A_1113 : memref<10240x128xf32, #tpu.memory_space<vmem_shared>>)
        } else {
        }
        %add3A_1059 = arith.constant 4 : i32
        %add3A_1060 = arith.addi %add3A_663, %add3A_1059 : i32
        %dma_wait3A_1061 = arith.constant 7 : i32
        %dma_wait3A_1062 = arith.constant 0 : i32
        %dma_wait3A_1063 = tpu.memref_slice %arg14[%dma_wait3A_1061, %dma_wait3A_1062] : memref<12x40xi32, #tpu.memory_space<vmem>> -> memref<1x40xi32, #tpu.memory_space<vmem>>
        %dma_wait3A_1064 = tpu.memref_squeeze %dma_wait3A_1063 : memref<1x40xi32, #tpu.memory_space<vmem>> -> memref<40xi32, #tpu.memory_space<vmem>>
        %dma_wait3A_1065 = arith.constant 0 : i32
        %dma_wait3A_1066 = tpu.memref_slice %arg3[%add3A, %add3A_1060, %dma_wait3A_1065] : memref<32x252x40xi32, #tpu.memory_space<hbm>> -> memref<1x1x40xi32, #tpu.memory_space<hbm>>
        %dma_wait3A_1067 = tpu.memref_squeeze %dma_wait3A_1066 : memref<1x1x40xi32, #tpu.memory_space<hbm>> -> memref<40xi32, #tpu.memory_space<hbm>>
        %dma_wait3A_1068 = arith.constant 0 : i32
        %dma_wait3A_1069 = tpu.memref_slice %arg14[%dma_wait3A_1061, %dma_wait3A_1068] : memref<12x40xi32, #tpu.memory_space<vmem>> -> memref<1x40xi32, #tpu.memory_space<vmem>>
        %dma_wait3A_1070 = tpu.memref_squeeze %dma_wait3A_1069 : memref<1x40xi32, #tpu.memory_space<vmem>> -> memref<40xi32, #tpu.memory_space<vmem>>
        %dma_wait3A_1071 = arith.constant 0 : i32
        %dma_wait3A_1072 = tpu.memref_slice %arg3[%add3A, %add3A_1060, %dma_wait3A_1071] : memref<32x252x40xi32, #tpu.memory_space<hbm>> -> memref<1x1x40xi32, #tpu.memory_space<hbm>>
        %dma_wait3A_1073 = tpu.memref_squeeze %dma_wait3A_1072 : memref<1x1x40xi32, #tpu.memory_space<hbm>> -> memref<40xi32, #tpu.memory_space<hbm>>
        tpu.wait_dma2 semaphore(%arg36 : memref<!tpu.dma_semaphore, #tpu.memory_space<semaphore_mem>>) src(%dma_wait3A_1073 : memref<40xi32, #tpu.memory_space<hbm>>) dst(%dma_wait3A_1070 : memref<40xi32, #tpu.memory_space<vmem>>)
        %dma_wait3A_1074 = arith.constant 7 : i32
        %dma_wait3A_1075 = arith.constant 0 : i32
        %dma_wait3A_1076 = tpu.memref_slice %arg15[%dma_wait3A_1074, %dma_wait3A_1075] : memref<12x40xi32, #tpu.memory_space<vmem>> -> memref<1x40xi32, #tpu.memory_space<vmem>>
        %dma_wait3A_1077 = tpu.memref_squeeze %dma_wait3A_1076 : memref<1x40xi32, #tpu.memory_space<vmem>> -> memref<40xi32, #tpu.memory_space<vmem>>
        %dma_wait3A_1078 = arith.constant 0 : i32
        %dma_wait3A_1079 = tpu.memref_slice %arg4[%add3A, %add3A_1060, %dma_wait3A_1078] : memref<32x252x40xi32, #tpu.memory_space<hbm>> -> memref<1x1x40xi32, #tpu.memory_space<hbm>>
        %dma_wait3A_1080 = tpu.memref_squeeze %dma_wait3A_1079 : memref<1x1x40xi32, #tpu.memory_space<hbm>> -> memref<40xi32, #tpu.memory_space<hbm>>
        %dma_wait3A_1081 = arith.constant 0 : i32
        %dma_wait3A_1082 = tpu.memref_slice %arg15[%dma_wait3A_1074, %dma_wait3A_1081] : memref<12x40xi32, #tpu.memory_space<vmem>> -> memref<1x40xi32, #tpu.memory_space<vmem>>
        %dma_wait3A_1083 = tpu.memref_squeeze %dma_wait3A_1082 : memref<1x40xi32, #tpu.memory_space<vmem>> -> memref<40xi32, #tpu.memory_space<vmem>>
        %dma_wait3A_1084 = arith.constant 0 : i32
        %dma_wait3A_1085 = tpu.memref_slice %arg4[%add3A, %add3A_1060, %dma_wait3A_1084] : memref<32x252x40xi32, #tpu.memory_space<hbm>> -> memref<1x1x40xi32, #tpu.memory_space<hbm>>
        %dma_wait3A_1086 = tpu.memref_squeeze %dma_wait3A_1085 : memref<1x1x40xi32, #tpu.memory_space<hbm>> -> memref<40xi32, #tpu.memory_space<hbm>>
        tpu.wait_dma2 semaphore(%arg36 : memref<!tpu.dma_semaphore, #tpu.memory_space<semaphore_mem>>) src(%dma_wait3A_1086 : memref<40xi32, #tpu.memory_space<hbm>>) dst(%dma_wait3A_1083 : memref<40xi32, #tpu.memory_space<vmem>>)
        %dma_wait3A_1087 = arith.constant 7 : i32
        %dma_wait3A_1088 = arith.constant 0 : i32
        %dma_wait3A_1089 = tpu.memref_slice %arg16[%dma_wait3A_1087, %dma_wait3A_1088] : memref<12x40xf32, #tpu.memory_space<vmem>> -> memref<1x40xf32, #tpu.memory_space<vmem>>
        %dma_wait3A_1090 = tpu.memref_squeeze %dma_wait3A_1089 : memref<1x40xf32, #tpu.memory_space<vmem>> -> memref<40xf32, #tpu.memory_space<vmem>>
        %dma_wait3A_1091 = arith.constant 0 : i32
        %dma_wait3A_1092 = tpu.memref_slice %arg5[%add3A, %add3A_1060, %dma_wait3A_1091] : memref<32x252x40xf32, #tpu.memory_space<hbm>> -> memref<1x1x40xf32, #tpu.memory_space<hbm>>
        %dma_wait3A_1093 = tpu.memref_squeeze %dma_wait3A_1092 : memref<1x1x40xf32, #tpu.memory_space<hbm>> -> memref<40xf32, #tpu.memory_space<hbm>>
        %dma_wait3A_1094 = arith.constant 0 : i32
        %dma_wait3A_1095 = tpu.memref_slice %arg16[%dma_wait3A_1087, %dma_wait3A_1094] : memref<12x40xf32, #tpu.memory_space<vmem>> -> memref<1x40xf32, #tpu.memory_space<vmem>>
        %dma_wait3A_1096 = tpu.memref_squeeze %dma_wait3A_1095 : memref<1x40xf32, #tpu.memory_space<vmem>> -> memref<40xf32, #tpu.memory_space<vmem>>
        %dma_wait3A_1097 = arith.constant 0 : i32
        %dma_wait3A_1098 = tpu.memref_slice %arg5[%add3A, %add3A_1060, %dma_wait3A_1097] : memref<32x252x40xf32, #tpu.memory_space<hbm>> -> memref<1x1x40xf32, #tpu.memory_space<hbm>>
        %dma_wait3A_1099 = tpu.memref_squeeze %dma_wait3A_1098 : memref<1x1x40xf32, #tpu.memory_space<hbm>> -> memref<40xf32, #tpu.memory_space<hbm>>
        tpu.wait_dma2 semaphore(%arg36 : memref<!tpu.dma_semaphore, #tpu.memory_space<semaphore_mem>>) src(%dma_wait3A_1099 : memref<40xf32, #tpu.memory_space<hbm>>) dst(%dma_wait3A_1096 : memref<40xf32, #tpu.memory_space<vmem>>)
        %dma_start3A_1100 = arith.constant 7 : i32
        %dma_start3A_1101 = arith.constant 0 : i32
        %dma_start3A_1102 = tpu.memref_slice %arg14[%dma_start3A_1100, %dma_start3A_1101] : memref<12x40xi32, #tpu.memory_space<vmem>> -> memref<1x40xi32, #tpu.memory_space<vmem>>
        %dma_start3A_1103 = tpu.memref_squeeze %dma_start3A_1102 : memref<1x40xi32, #tpu.memory_space<vmem>> -> memref<40xi32, #tpu.memory_space<vmem>>
        %dma_start3A_1104 = arith.constant 0 : i32
        %dma_start3A_1105 = arith.constant 0 : i32
        %dma_start3A_1106 = tpu.memref_slice %arg2[%dma_start3A_1104, %dma_start3A_1105] : memref<20000x128xf32, #tpu.memory_space<hbm>> -> memref<20000x128xf32, #tpu.memory_space<hbm>>
        tpu.enqueue_indirect_dma source(%dma_start3A_1106 : memref<20000x128xf32, #tpu.memory_space<hbm>>) target(%arg9 : memref<40x128xf32, #tpu.memory_space<vmem>>) offsets(%dma_start3A_1103 : memref<40xi32, #tpu.memory_space<vmem>>) semaphore(%arg18 : memref<!tpu.dma_semaphore, #tpu.memory_space<semaphore_mem>>)
      } else {
      }
      %add3A_693 = arith.constant 8 : i32
      %add3A_694 = arith.addi %add3A_663, %add3A_693 : i32
      %lt3A_695 = arith.constant 252 : i32
      %lt3A_696 = arith.cmpi slt, %add3A_694, %lt3A_695 : i32
      %convert_element_type3A_697 = arith.extui %lt3A_696 : i1 to i32
      %cond3A_698 = arith.constant 0 : i32
      %cond3A_699 = arith.cmpi ne, %convert_element_type3A_697, %cond3A_698 : i32
      scf.if %cond3A_699 {
        %add3A_1055 = arith.constant 8 : i32
        %add3A_1056 = arith.addi %add3A_663, %add3A_1055 : i32
        %dma_start3A_1057 = arith.constant 11 : i32
        %dma_start3A_1058 = arith.constant 0 : i32
        %dma_start3A_1059 = tpu.memref_slice %arg14[%dma_start3A_1057, %dma_start3A_1058] : memref<12x40xi32, #tpu.memory_space<vmem>> -> memref<1x40xi32, #tpu.memory_space<vmem>>
        %dma_start3A_1060 = tpu.memref_squeeze %dma_start3A_1059 : memref<1x40xi32, #tpu.memory_space<vmem>> -> memref<40xi32, #tpu.memory_space<vmem>>
        %dma_start3A_1061 = arith.constant 0 : i32
        %dma_start3A_1062 = tpu.memref_slice %arg3[%add3A, %add3A_1056, %dma_start3A_1061] : memref<32x252x40xi32, #tpu.memory_space<hbm>> -> memref<1x1x40xi32, #tpu.memory_space<hbm>>
        %dma_start3A_1063 = tpu.memref_squeeze %dma_start3A_1062 : memref<1x1x40xi32, #tpu.memory_space<hbm>> -> memref<40xi32, #tpu.memory_space<hbm>>
        %dma_start3A_1064 = arith.constant 0 : i32
        %dma_start3A_1065 = tpu.memref_slice %arg14[%dma_start3A_1057, %dma_start3A_1064] : memref<12x40xi32, #tpu.memory_space<vmem>> -> memref<1x40xi32, #tpu.memory_space<vmem>>
        %dma_start3A_1066 = tpu.memref_squeeze %dma_start3A_1065 : memref<1x40xi32, #tpu.memory_space<vmem>> -> memref<40xi32, #tpu.memory_space<vmem>>
        %dma_start3A_1067 = arith.constant 0 : i32
        %dma_start3A_1068 = tpu.memref_slice %arg3[%add3A, %add3A_1056, %dma_start3A_1067] : memref<32x252x40xi32, #tpu.memory_space<hbm>> -> memref<1x1x40xi32, #tpu.memory_space<hbm>>
        %dma_start3A_1069 = tpu.memref_squeeze %dma_start3A_1068 : memref<1x1x40xi32, #tpu.memory_space<hbm>> -> memref<40xi32, #tpu.memory_space<hbm>>
        tpu.enqueue_dma source(%dma_start3A_1069 : memref<40xi32, #tpu.memory_space<hbm>>) target(%dma_start3A_1066 : memref<40xi32, #tpu.memory_space<vmem>>) target_semaphore(%arg40 : memref<!tpu.dma_semaphore, #tpu.memory_space<semaphore_mem>>)
        %dma_start3A_1070 = arith.constant 11 : i32
        %dma_start3A_1071 = arith.constant 0 : i32
        %dma_start3A_1072 = tpu.memref_slice %arg15[%dma_start3A_1070, %dma_start3A_1071] : memref<12x40xi32, #tpu.memory_space<vmem>> -> memref<1x40xi32, #tpu.memory_space<vmem>>
        %dma_start3A_1073 = tpu.memref_squeeze %dma_start3A_1072 : memref<1x40xi32, #tpu.memory_space<vmem>> -> memref<40xi32, #tpu.memory_space<vmem>>
        %dma_start3A_1074 = arith.constant 0 : i32
        %dma_start3A_1075 = tpu.memref_slice %arg4[%add3A, %add3A_1056, %dma_start3A_1074] : memref<32x252x40xi32, #tpu.memory_space<hbm>> -> memref<1x1x40xi32, #tpu.memory_space<hbm>>
        %dma_start3A_1076 = tpu.memref_squeeze %dma_start3A_1075 : memref<1x1x40xi32, #tpu.memory_space<hbm>> -> memref<40xi32, #tpu.memory_space<hbm>>
        %dma_start3A_1077 = arith.constant 0 : i32
        %dma_start3A_1078 = tpu.memref_slice %arg15[%dma_start3A_1070, %dma_start3A_1077] : memref<12x40xi32, #tpu.memory_space<vmem>> -> memref<1x40xi32, #tpu.memory_space<vmem>>
        %dma_start3A_1079 = tpu.memref_squeeze %dma_start3A_1078 : memref<1x40xi32, #tpu.memory_space<vmem>> -> memref<40xi32, #tpu.memory_space<vmem>>
        %dma_start3A_1080 = arith.constant 0 : i32
        %dma_start3A_1081 = tpu.memref_slice %arg4[%add3A, %add3A_1056, %dma_start3A_1080] : memref<32x252x40xi32, #tpu.memory_space<hbm>> -> memref<1x1x40xi32, #tpu.memory_space<hbm>>
        %dma_start3A_1082 = tpu.memref_squeeze %dma_start3A_1081 : memref<1x1x40xi32, #tpu.memory_space<hbm>> -> memref<40xi32, #tpu.memory_space<hbm>>
        tpu.enqueue_dma source(%dma_start3A_1082 : memref<40xi32, #tpu.memory_space<hbm>>) target(%dma_start3A_1079 : memref<40xi32, #tpu.memory_space<vmem>>) target_semaphore(%arg40 : memref<!tpu.dma_semaphore, #tpu.memory_space<semaphore_mem>>)
        %dma_start3A_1083 = arith.constant 11 : i32
        %dma_start3A_1084 = arith.constant 0 : i32
        %dma_start3A_1085 = tpu.memref_slice %arg16[%dma_start3A_1083, %dma_start3A_1084] : memref<12x40xf32, #tpu.memory_space<vmem>> -> memref<1x40xf32, #tpu.memory_space<vmem>>
        %dma_start3A_1086 = tpu.memref_squeeze %dma_start3A_1085 : memref<1x40xf32, #tpu.memory_space<vmem>> -> memref<40xf32, #tpu.memory_space<vmem>>
        %dma_start3A_1087 = arith.constant 0 : i32
        %dma_start3A_1088 = tpu.memref_slice %arg5[%add3A, %add3A_1056, %dma_start3A_1087] : memref<32x252x40xf32, #tpu.memory_space<hbm>> -> memref<1x1x40xf32, #tpu.memory_space<hbm>>
        %dma_start3A_1089 = tpu.memref_squeeze %dma_start3A_1088 : memref<1x1x40xf32, #tpu.memory_space<hbm>> -> memref<40xf32, #tpu.memory_space<hbm>>
        %dma_start3A_1090 = arith.constant 0 : i32
        %dma_start3A_1091 = tpu.memref_slice %arg16[%dma_start3A_1083, %dma_start3A_1090] : memref<12x40xf32, #tpu.memory_space<vmem>> -> memref<1x40xf32, #tpu.memory_space<vmem>>
        %dma_start3A_1092 = tpu.memref_squeeze %dma_start3A_1091 : memref<1x40xf32, #tpu.memory_space<vmem>> -> memref<40xf32, #tpu.memory_space<vmem>>
        %dma_start3A_1093 = arith.constant 0 : i32
        %dma_start3A_1094 = tpu.memref_slice %arg5[%add3A, %add3A_1056, %dma_start3A_1093] : memref<32x252x40xf32, #tpu.memory_space<hbm>> -> memref<1x1x40xf32, #tpu.memory_space<hbm>>
        %dma_start3A_1095 = tpu.memref_squeeze %dma_start3A_1094 : memref<1x1x40xf32, #tpu.memory_space<hbm>> -> memref<40xf32, #tpu.memory_space<hbm>>
        tpu.enqueue_dma source(%dma_start3A_1095 : memref<40xf32, #tpu.memory_space<hbm>>) target(%dma_start3A_1092 : memref<40xf32, #tpu.memory_space<vmem>>) target_semaphore(%arg40 : memref<!tpu.dma_semaphore, #tpu.memory_space<semaphore_mem>>)
      } else {
      }
      %mul3A_700 = arith.constant 12 : i32
      %mul3A_701 = arith.muli %scan3A_543, %mul3A_700 : i32
      %add3A_702 = arith.constant 4 : i32
      %add3A_703 = arith.addi %mul3A_701, %add3A_702 : i32
      %dma_wait3A_704 = arith.constant 4 : i32
      %dma_wait3A_705 = arith.constant 0 : i32
      %dma_wait3A_706 = tpu.memref_slice %arg14[%dma_wait3A_704, %dma_wait3A_705] : memref<12x40xi32, #tpu.memory_space<vmem>> -> memref<1x40xi32, #tpu.memory_space<vmem>>
      %dma_wait3A_707 = tpu.memref_squeeze %dma_wait3A_706 : memref<1x40xi32, #tpu.memory_space<vmem>> -> memref<40xi32, #tpu.memory_space<vmem>>
      %dma_wait3A_708 = arith.constant 0 : i32
      %dma_wait3A_709 = arith.constant 0 : i32
      %dma_wait3A_710 = tpu.memref_slice %arg2[%dma_wait3A_708, %dma_wait3A_709] : memref<20000x128xf32, #tpu.memory_space<hbm>> -> memref<20000x128xf32, #tpu.memory_space<hbm>>
      tpu.wait_indirect_dma semaphore(%arg21 : memref<!tpu.dma_semaphore, #tpu.memory_space<semaphore_mem>>) src(%dma_wait3A_710 : memref<20000x128xf32, #tpu.memory_space<hbm>>) dst(%arg12 : memref<40x128xf32, #tpu.memory_space<vmem>>)
      %broadcast_in_dim3A_711 = arith.constant 4 : i32
      %broadcast_in_dim3A_712 = vector.broadcast %broadcast_in_dim3A_711 : i32 to vector<16xi32>
      %scan3A_713 = arith.constant 0 : i32
      %scan3A_714 = arith.constant 0 : i32
      %scan3A_715 = arith.constant 40 : i32
      %scan3A_716 = arith.addi %scan3A_714, %scan3A_715 : i32
      %scan3A_717 = arith.constant 1 : i32
      scf.for %scan3A_1055 = %scan3A_714 to %scan3A_716 step %scan3A_717  : i32 {
        %broadcast_in_dim3A_1056 = vector.broadcast %scan3A_1055 : i32 to vector<16xi32>
        %gather3A = tpu.vector_load_idx %arg16[%broadcast_in_dim3A_712, %broadcast_in_dim3A_1056] : memref<12x40xf32, #tpu.memory_space<vmem>>[vector<16xi32>, vector<16xi32>], vector<16xf32>,
        %get3A = arith.index_cast %scan3A_1055 : i32 to index
        %get3A_1057 = arith.constant 0 : index
        %get3A_1058 = tpu.vector_load %arg12[%get3A, %get3A_1057] {strides = array<i32>} : memref<40x128xf32, #tpu.memory_space<vmem>>, vector<16xf32>,
        %mul3A_1059 = arith.mulf %get3A_1058, %gather3A : vector<16xf32>
        %swap3A = arith.index_cast %scan3A_1055 : i32 to index
        %swap3A_1060 = arith.constant 0 : index
        %swap3A_1061 = tpu.vector_load %arg12[%swap3A, %swap3A_1060] {strides = array<i32>} : memref<40x128xf32, #tpu.memory_space<vmem>>, vector<16xf32>,
        tpu.vector_store %arg12[%swap3A, %swap3A_1060], %mul3A_1059 {strides = array<i32>} : memref<40x128xf32, #tpu.memory_space<vmem>>, vector<16xf32>,
        %get3A_1062 = arith.index_cast %scan3A_1055 : i32 to index
        %get3A_1063 = arith.constant 16 : index
        %get3A_1064 = tpu.vector_load %arg12[%get3A_1062, %get3A_1063] {strides = array<i32>} : memref<40x128xf32, #tpu.memory_space<vmem>>, vector<16xf32>,
        %mul3A_1065 = arith.mulf %get3A_1064, %gather3A : vector<16xf32>
        %swap3A_1066 = arith.index_cast %scan3A_1055 : i32 to index
        %swap3A_1067 = arith.constant 16 : index
        %swap3A_1068 = tpu.vector_load %arg12[%swap3A_1066, %swap3A_1067] {strides = array<i32>} : memref<40x128xf32, #tpu.memory_space<vmem>>, vector<16xf32>,
        tpu.vector_store %arg12[%swap3A_1066, %swap3A_1067], %mul3A_1065 {strides = array<i32>} : memref<40x128xf32, #tpu.memory_space<vmem>>, vector<16xf32>,
        %get3A_1069 = arith.index_cast %scan3A_1055 : i32 to index
        %get3A_1070 = arith.constant 32 : index
        %get3A_1071 = tpu.vector_load %arg12[%get3A_1069, %get3A_1070] {strides = array<i32>} : memref<40x128xf32, #tpu.memory_space<vmem>>, vector<16xf32>,
        %mul3A_1072 = arith.mulf %get3A_1071, %gather3A : vector<16xf32>
        %swap3A_1073 = arith.index_cast %scan3A_1055 : i32 to index
        %swap3A_1074 = arith.constant 32 : index
        %swap3A_1075 = tpu.vector_load %arg12[%swap3A_1073, %swap3A_1074] {strides = array<i32>} : memref<40x128xf32, #tpu.memory_space<vmem>>, vector<16xf32>,
        tpu.vector_store %arg12[%swap3A_1073, %swap3A_1074], %mul3A_1072 {strides = array<i32>} : memref<40x128xf32, #tpu.memory_space<vmem>>, vector<16xf32>,
        %get3A_1076 = arith.index_cast %scan3A_1055 : i32 to index
        %get3A_1077 = arith.constant 48 : index
        %get3A_1078 = tpu.vector_load %arg12[%get3A_1076, %get3A_1077] {strides = array<i32>} : memref<40x128xf32, #tpu.memory_space<vmem>>, vector<16xf32>,
        %mul3A_1079 = arith.mulf %get3A_1078, %gather3A : vector<16xf32>
        %swap3A_1080 = arith.index_cast %scan3A_1055 : i32 to index
        %swap3A_1081 = arith.constant 48 : index
        %swap3A_1082 = tpu.vector_load %arg12[%swap3A_1080, %swap3A_1081] {strides = array<i32>} : memref<40x128xf32, #tpu.memory_space<vmem>>, vector<16xf32>,
        tpu.vector_store %arg12[%swap3A_1080, %swap3A_1081], %mul3A_1079 {strides = array<i32>} : memref<40x128xf32, #tpu.memory_space<vmem>>, vector<16xf32>,
        %get3A_1083 = arith.index_cast %scan3A_1055 : i32 to index
        %get3A_1084 = arith.constant 64 : index
        %get3A_1085 = tpu.vector_load %arg12[%get3A_1083, %get3A_1084] {strides = array<i32>} : memref<40x128xf32, #tpu.memory_space<vmem>>, vector<16xf32>,
        %mul3A_1086 = arith.mulf %get3A_1085, %gather3A : vector<16xf32>
        %swap3A_1087 = arith.index_cast %scan3A_1055 : i32 to index
        %swap3A_1088 = arith.constant 64 : index
        %swap3A_1089 = tpu.vector_load %arg12[%swap3A_1087, %swap3A_1088] {strides = array<i32>} : memref<40x128xf32, #tpu.memory_space<vmem>>, vector<16xf32>,
        tpu.vector_store %arg12[%swap3A_1087, %swap3A_1088], %mul3A_1086 {strides = array<i32>} : memref<40x128xf32, #tpu.memory_space<vmem>>, vector<16xf32>,
        %get3A_1090 = arith.index_cast %scan3A_1055 : i32 to index
        %get3A_1091 = arith.constant 80 : index
        %get3A_1092 = tpu.vector_load %arg12[%get3A_1090, %get3A_1091] {strides = array<i32>} : memref<40x128xf32, #tpu.memory_space<vmem>>, vector<16xf32>,
        %mul3A_1093 = arith.mulf %get3A_1092, %gather3A : vector<16xf32>
        %swap3A_1094 = arith.index_cast %scan3A_1055 : i32 to index
        %swap3A_1095 = arith.constant 80 : index
        %swap3A_1096 = tpu.vector_load %arg12[%swap3A_1094, %swap3A_1095] {strides = array<i32>} : memref<40x128xf32, #tpu.memory_space<vmem>>, vector<16xf32>,
        tpu.vector_store %arg12[%swap3A_1094, %swap3A_1095], %mul3A_1093 {strides = array<i32>} : memref<40x128xf32, #tpu.memory_space<vmem>>, vector<16xf32>,
        %get3A_1097 = arith.index_cast %scan3A_1055 : i32 to index
        %get3A_1098 = arith.constant 96 : index
        %get3A_1099 = tpu.vector_load %arg12[%get3A_1097, %get3A_1098] {strides = array<i32>} : memref<40x128xf32, #tpu.memory_space<vmem>>, vector<16xf32>,
        %mul3A_1100 = arith.mulf %get3A_1099, %gather3A : vector<16xf32>
        %swap3A_1101 = arith.index_cast %scan3A_1055 : i32 to index
        %swap3A_1102 = arith.constant 96 : index
        %swap3A_1103 = tpu.vector_load %arg12[%swap3A_1101, %swap3A_1102] {strides = array<i32>} : memref<40x128xf32, #tpu.memory_space<vmem>>, vector<16xf32>,
        tpu.vector_store %arg12[%swap3A_1101, %swap3A_1102], %mul3A_1100 {strides = array<i32>} : memref<40x128xf32, #tpu.memory_space<vmem>>, vector<16xf32>,
        %get3A_1104 = arith.index_cast %scan3A_1055 : i32 to index
        %get3A_1105 = arith.constant 112 : index
        %get3A_1106 = tpu.vector_load %arg12[%get3A_1104, %get3A_1105] {strides = array<i32>} : memref<40x128xf32, #tpu.memory_space<vmem>>, vector<16xf32>,
        %mul3A_1107 = arith.mulf %get3A_1106, %gather3A : vector<16xf32>
        %swap3A_1108 = arith.index_cast %scan3A_1055 : i32 to index
        %swap3A_1109 = arith.constant 112 : index
        %swap3A_1110 = tpu.vector_load %arg12[%swap3A_1108, %swap3A_1109] {strides = array<i32>} : memref<40x128xf32, #tpu.memory_space<vmem>>, vector<16xf32>,
        tpu.vector_store %arg12[%swap3A_1108, %swap3A_1109], %mul3A_1107 {strides = array<i32>} : memref<40x128xf32, #tpu.memory_space<vmem>>, vector<16xf32>,
      }
      %scan3A_718 = arith.constant 40 : i32
      %dma_start3A_719 = arith.constant 4 : i32
      %dma_start3A_720 = arith.constant 0 : i32
      %dma_start3A_721 = tpu.memref_slice %arg15[%dma_start3A_719, %dma_start3A_720] : memref<12x40xi32, #tpu.memory_space<vmem>> -> memref<1x40xi32, #tpu.memory_space<vmem>>
      %dma_start3A_722 = tpu.memref_squeeze %dma_start3A_721 : memref<1x40xi32, #tpu.memory_space<vmem>> -> memref<40xi32, #tpu.memory_space<vmem>>
      %dma_start3A_723 = arith.constant 0 : i32
      %dma_start3A_724 = arith.constant 0 : i32
      %dma_start3A_725 = tpu.memref_slice %arg41[%dma_start3A_723, %dma_start3A_724] : memref<10240x128xf32, #tpu.memory_space<vmem_shared>> -> memref<10240x128xf32, #tpu.memory_space<vmem_shared>>
      tpu.enqueue_indirect_dma source(%arg12 : memref<40x128xf32, #tpu.memory_space<vmem>>) target(%dma_start3A_725 : memref<10240x128xf32, #tpu.memory_space<vmem_shared>>) offsets(%dma_start3A_722 : memref<40xi32, #tpu.memory_space<vmem>>) semaphore(%arg27 : memref<!tpu.dma_semaphore, #tpu.memory_space<semaphore_mem>>) {add = true}
      %add3A_726 = arith.constant 4 : i32
      %add3A_727 = arith.addi %add3A_703, %add3A_726 : i32
      %lt3A_728 = arith.constant 252 : i32
      %lt3A_729 = arith.cmpi slt, %add3A_727, %lt3A_728 : i32
      %convert_element_type3A_730 = arith.extui %lt3A_729 : i1 to i32
      %cond3A_731 = arith.constant 0 : i32
      %cond3A_732 = arith.cmpi ne, %convert_element_type3A_730, %cond3A_731 : i32
      scf.if %cond3A_732 {
        %ge3A = arith.constant 2 : i32
        %ge3A_1055 = arith.cmpi sge, %add3A_703, %ge3A : i32
        %convert_element_type3A_1056 = arith.extui %ge3A_1055 : i1 to i32
        %cond3A_1057 = arith.constant 0 : i32
        %cond3A_1058 = arith.cmpi ne, %convert_element_type3A_1056, %cond3A_1057 : i32
        scf.if %cond3A_1058 {
          %dma_wait3A_1107 = arith.constant 8 : i32
          %dma_wait3A_1108 = arith.constant 0 : i32
          %dma_wait3A_1109 = tpu.memref_slice %arg15[%dma_wait3A_1107, %dma_wait3A_1108] : memref<12x40xi32, #tpu.memory_space<vmem>> -> memref<1x40xi32, #tpu.memory_space<vmem>>
          %dma_wait3A_1110 = tpu.memref_squeeze %dma_wait3A_1109 : memref<1x40xi32, #tpu.memory_space<vmem>> -> memref<40xi32, #tpu.memory_space<vmem>>
          %dma_wait3A_1111 = arith.constant 0 : i32
          %dma_wait3A_1112 = arith.constant 0 : i32
          %dma_wait3A_1113 = tpu.memref_slice %arg41[%dma_wait3A_1111, %dma_wait3A_1112] : memref<10240x128xf32, #tpu.memory_space<vmem_shared>> -> memref<10240x128xf32, #tpu.memory_space<vmem_shared>>
          tpu.wait_indirect_dma semaphore(%arg25 : memref<!tpu.dma_semaphore, #tpu.memory_space<semaphore_mem>>) src(%arg10 : memref<40x128xf32, #tpu.memory_space<vmem>>) dst(%dma_wait3A_1113 : memref<10240x128xf32, #tpu.memory_space<vmem_shared>>)
        } else {
        }
        %add3A_1059 = arith.constant 4 : i32
        %add3A_1060 = arith.addi %add3A_703, %add3A_1059 : i32
        %dma_wait3A_1061 = arith.constant 8 : i32
        %dma_wait3A_1062 = arith.constant 0 : i32
        %dma_wait3A_1063 = tpu.memref_slice %arg14[%dma_wait3A_1061, %dma_wait3A_1062] : memref<12x40xi32, #tpu.memory_space<vmem>> -> memref<1x40xi32, #tpu.memory_space<vmem>>
        %dma_wait3A_1064 = tpu.memref_squeeze %dma_wait3A_1063 : memref<1x40xi32, #tpu.memory_space<vmem>> -> memref<40xi32, #tpu.memory_space<vmem>>
        %dma_wait3A_1065 = arith.constant 0 : i32
        %dma_wait3A_1066 = tpu.memref_slice %arg3[%add3A, %add3A_1060, %dma_wait3A_1065] : memref<32x252x40xi32, #tpu.memory_space<hbm>> -> memref<1x1x40xi32, #tpu.memory_space<hbm>>
        %dma_wait3A_1067 = tpu.memref_squeeze %dma_wait3A_1066 : memref<1x1x40xi32, #tpu.memory_space<hbm>> -> memref<40xi32, #tpu.memory_space<hbm>>
        %dma_wait3A_1068 = arith.constant 0 : i32
        %dma_wait3A_1069 = tpu.memref_slice %arg14[%dma_wait3A_1061, %dma_wait3A_1068] : memref<12x40xi32, #tpu.memory_space<vmem>> -> memref<1x40xi32, #tpu.memory_space<vmem>>
        %dma_wait3A_1070 = tpu.memref_squeeze %dma_wait3A_1069 : memref<1x40xi32, #tpu.memory_space<vmem>> -> memref<40xi32, #tpu.memory_space<vmem>>
        %dma_wait3A_1071 = arith.constant 0 : i32
        %dma_wait3A_1072 = tpu.memref_slice %arg3[%add3A, %add3A_1060, %dma_wait3A_1071] : memref<32x252x40xi32, #tpu.memory_space<hbm>> -> memref<1x1x40xi32, #tpu.memory_space<hbm>>
        %dma_wait3A_1073 = tpu.memref_squeeze %dma_wait3A_1072 : memref<1x1x40xi32, #tpu.memory_space<hbm>> -> memref<40xi32, #tpu.memory_space<hbm>>
        tpu.wait_dma2 semaphore(%arg37 : memref<!tpu.dma_semaphore, #tpu.memory_space<semaphore_mem>>) src(%dma_wait3A_1073 : memref<40xi32, #tpu.memory_space<hbm>>) dst(%dma_wait3A_1070 : memref<40xi32, #tpu.memory_space<vmem>>)
        %dma_wait3A_1074 = arith.constant 8 : i32
        %dma_wait3A_1075 = arith.constant 0 : i32
        %dma_wait3A_1076 = tpu.memref_slice %arg15[%dma_wait3A_1074, %dma_wait3A_1075] : memref<12x40xi32, #tpu.memory_space<vmem>> -> memref<1x40xi32, #tpu.memory_space<vmem>>
        %dma_wait3A_1077 = tpu.memref_squeeze %dma_wait3A_1076 : memref<1x40xi32, #tpu.memory_space<vmem>> -> memref<40xi32, #tpu.memory_space<vmem>>
        %dma_wait3A_1078 = arith.constant 0 : i32
        %dma_wait3A_1079 = tpu.memref_slice %arg4[%add3A, %add3A_1060, %dma_wait3A_1078] : memref<32x252x40xi32, #tpu.memory_space<hbm>> -> memref<1x1x40xi32, #tpu.memory_space<hbm>>
        %dma_wait3A_1080 = tpu.memref_squeeze %dma_wait3A_1079 : memref<1x1x40xi32, #tpu.memory_space<hbm>> -> memref<40xi32, #tpu.memory_space<hbm>>
        %dma_wait3A_1081 = arith.constant 0 : i32
        %dma_wait3A_1082 = tpu.memref_slice %arg15[%dma_wait3A_1074, %dma_wait3A_1081] : memref<12x40xi32, #tpu.memory_space<vmem>> -> memref<1x40xi32, #tpu.memory_space<vmem>>
        %dma_wait3A_1083 = tpu.memref_squeeze %dma_wait3A_1082 : memref<1x40xi32, #tpu.memory_space<vmem>> -> memref<40xi32, #tpu.memory_space<vmem>>
        %dma_wait3A_1084 = arith.constant 0 : i32
        %dma_wait3A_1085 = tpu.memref_slice %arg4[%add3A, %add3A_1060, %dma_wait3A_1084] : memref<32x252x40xi32, #tpu.memory_space<hbm>> -> memref<1x1x40xi32, #tpu.memory_space<hbm>>
        %dma_wait3A_1086 = tpu.memref_squeeze %dma_wait3A_1085 : memref<1x1x40xi32, #tpu.memory_space<hbm>> -> memref<40xi32, #tpu.memory_space<hbm>>
        tpu.wait_dma2 semaphore(%arg37 : memref<!tpu.dma_semaphore, #tpu.memory_space<semaphore_mem>>) src(%dma_wait3A_1086 : memref<40xi32, #tpu.memory_space<hbm>>) dst(%dma_wait3A_1083 : memref<40xi32, #tpu.memory_space<vmem>>)
        %dma_wait3A_1087 = arith.constant 8 : i32
        %dma_wait3A_1088 = arith.constant 0 : i32
        %dma_wait3A_1089 = tpu.memref_slice %arg16[%dma_wait3A_1087, %dma_wait3A_1088] : memref<12x40xf32, #tpu.memory_space<vmem>> -> memref<1x40xf32, #tpu.memory_space<vmem>>
        %dma_wait3A_1090 = tpu.memref_squeeze %dma_wait3A_1089 : memref<1x40xf32, #tpu.memory_space<vmem>> -> memref<40xf32, #tpu.memory_space<vmem>>
        %dma_wait3A_1091 = arith.constant 0 : i32
        %dma_wait3A_1092 = tpu.memref_slice %arg5[%add3A, %add3A_1060, %dma_wait3A_1091] : memref<32x252x40xf32, #tpu.memory_space<hbm>> -> memref<1x1x40xf32, #tpu.memory_space<hbm>>
        %dma_wait3A_1093 = tpu.memref_squeeze %dma_wait3A_1092 : memref<1x1x40xf32, #tpu.memory_space<hbm>> -> memref<40xf32, #tpu.memory_space<hbm>>
        %dma_wait3A_1094 = arith.constant 0 : i32
        %dma_wait3A_1095 = tpu.memref_slice %arg16[%dma_wait3A_1087, %dma_wait3A_1094] : memref<12x40xf32, #tpu.memory_space<vmem>> -> memref<1x40xf32, #tpu.memory_space<vmem>>
        %dma_wait3A_1096 = tpu.memref_squeeze %dma_wait3A_1095 : memref<1x40xf32, #tpu.memory_space<vmem>> -> memref<40xf32, #tpu.memory_space<vmem>>
        %dma_wait3A_1097 = arith.constant 0 : i32
        %dma_wait3A_1098 = tpu.memref_slice %arg5[%add3A, %add3A_1060, %dma_wait3A_1097] : memref<32x252x40xf32, #tpu.memory_space<hbm>> -> memref<1x1x40xf32, #tpu.memory_space<hbm>>
        %dma_wait3A_1099 = tpu.memref_squeeze %dma_wait3A_1098 : memref<1x1x40xf32, #tpu.memory_space<hbm>> -> memref<40xf32, #tpu.memory_space<hbm>>
        tpu.wait_dma2 semaphore(%arg37 : memref<!tpu.dma_semaphore, #tpu.memory_space<semaphore_mem>>) src(%dma_wait3A_1099 : memref<40xf32, #tpu.memory_space<hbm>>) dst(%dma_wait3A_1096 : memref<40xf32, #tpu.memory_space<vmem>>)
        %dma_start3A_1100 = arith.constant 8 : i32
        %dma_start3A_1101 = arith.constant 0 : i32
        %dma_start3A_1102 = tpu.memref_slice %arg14[%dma_start3A_1100, %dma_start3A_1101] : memref<12x40xi32, #tpu.memory_space<vmem>> -> memref<1x40xi32, #tpu.memory_space<vmem>>
        %dma_start3A_1103 = tpu.memref_squeeze %dma_start3A_1102 : memref<1x40xi32, #tpu.memory_space<vmem>> -> memref<40xi32, #tpu.memory_space<vmem>>
        %dma_start3A_1104 = arith.constant 0 : i32
        %dma_start3A_1105 = arith.constant 0 : i32
        %dma_start3A_1106 = tpu.memref_slice %arg2[%dma_start3A_1104, %dma_start3A_1105] : memref<20000x128xf32, #tpu.memory_space<hbm>> -> memref<20000x128xf32, #tpu.memory_space<hbm>>
        tpu.enqueue_indirect_dma source(%dma_start3A_1106 : memref<20000x128xf32, #tpu.memory_space<hbm>>) target(%arg10 : memref<40x128xf32, #tpu.memory_space<vmem>>) offsets(%dma_start3A_1103 : memref<40xi32, #tpu.memory_space<vmem>>) semaphore(%arg19 : memref<!tpu.dma_semaphore, #tpu.memory_space<semaphore_mem>>)
      } else {
      }
      %add3A_733 = arith.constant 8 : i32
      %add3A_734 = arith.addi %add3A_703, %add3A_733 : i32
      %lt3A_735 = arith.constant 252 : i32
      %lt3A_736 = arith.cmpi slt, %add3A_734, %lt3A_735 : i32
      %convert_element_type3A_737 = arith.extui %lt3A_736 : i1 to i32
      %cond3A_738 = arith.constant 0 : i32
      %cond3A_739 = arith.cmpi ne, %convert_element_type3A_737, %cond3A_738 : i32
      scf.if %cond3A_739 {
        %add3A_1055 = arith.constant 8 : i32
        %add3A_1056 = arith.addi %add3A_703, %add3A_1055 : i32
        %dma_start3A_1057 = arith.constant 0 : i32
        %dma_start3A_1058 = arith.constant 0 : i32
        %dma_start3A_1059 = tpu.memref_slice %arg14[%dma_start3A_1057, %dma_start3A_1058] : memref<12x40xi32, #tpu.memory_space<vmem>> -> memref<1x40xi32, #tpu.memory_space<vmem>>
        %dma_start3A_1060 = tpu.memref_squeeze %dma_start3A_1059 : memref<1x40xi32, #tpu.memory_space<vmem>> -> memref<40xi32, #tpu.memory_space<vmem>>
        %dma_start3A_1061 = arith.constant 0 : i32
        %dma_start3A_1062 = tpu.memref_slice %arg3[%add3A, %add3A_1056, %dma_start3A_1061] : memref<32x252x40xi32, #tpu.memory_space<hbm>> -> memref<1x1x40xi32, #tpu.memory_space<hbm>>
        %dma_start3A_1063 = tpu.memref_squeeze %dma_start3A_1062 : memref<1x1x40xi32, #tpu.memory_space<hbm>> -> memref<40xi32, #tpu.memory_space<hbm>>
        %dma_start3A_1064 = arith.constant 0 : i32
        %dma_start3A_1065 = tpu.memref_slice %arg14[%dma_start3A_1057, %dma_start3A_1064] : memref<12x40xi32, #tpu.memory_space<vmem>> -> memref<1x40xi32, #tpu.memory_space<vmem>>
        %dma_start3A_1066 = tpu.memref_squeeze %dma_start3A_1065 : memref<1x40xi32, #tpu.memory_space<vmem>> -> memref<40xi32, #tpu.memory_space<vmem>>
        %dma_start3A_1067 = arith.constant 0 : i32
        %dma_start3A_1068 = tpu.memref_slice %arg3[%add3A, %add3A_1056, %dma_start3A_1067] : memref<32x252x40xi32, #tpu.memory_space<hbm>> -> memref<1x1x40xi32, #tpu.memory_space<hbm>>
        %dma_start3A_1069 = tpu.memref_squeeze %dma_start3A_1068 : memref<1x1x40xi32, #tpu.memory_space<hbm>> -> memref<40xi32, #tpu.memory_space<hbm>>
        tpu.enqueue_dma source(%dma_start3A_1069 : memref<40xi32, #tpu.memory_space<hbm>>) target(%dma_start3A_1066 : memref<40xi32, #tpu.memory_space<vmem>>) target_semaphore(%arg29 : memref<!tpu.dma_semaphore, #tpu.memory_space<semaphore_mem>>)
        %dma_start3A_1070 = arith.constant 0 : i32
        %dma_start3A_1071 = arith.constant 0 : i32
        %dma_start3A_1072 = tpu.memref_slice %arg15[%dma_start3A_1070, %dma_start3A_1071] : memref<12x40xi32, #tpu.memory_space<vmem>> -> memref<1x40xi32, #tpu.memory_space<vmem>>
        %dma_start3A_1073 = tpu.memref_squeeze %dma_start3A_1072 : memref<1x40xi32, #tpu.memory_space<vmem>> -> memref<40xi32, #tpu.memory_space<vmem>>
        %dma_start3A_1074 = arith.constant 0 : i32
        %dma_start3A_1075 = tpu.memref_slice %arg4[%add3A, %add3A_1056, %dma_start3A_1074] : memref<32x252x40xi32, #tpu.memory_space<hbm>> -> memref<1x1x40xi32, #tpu.memory_space<hbm>>
        %dma_start3A_1076 = tpu.memref_squeeze %dma_start3A_1075 : memref<1x1x40xi32, #tpu.memory_space<hbm>> -> memref<40xi32, #tpu.memory_space<hbm>>
        %dma_start3A_1077 = arith.constant 0 : i32
        %dma_start3A_1078 = tpu.memref_slice %arg15[%dma_start3A_1070, %dma_start3A_1077] : memref<12x40xi32, #tpu.memory_space<vmem>> -> memref<1x40xi32, #tpu.memory_space<vmem>>
        %dma_start3A_1079 = tpu.memref_squeeze %dma_start3A_1078 : memref<1x40xi32, #tpu.memory_space<vmem>> -> memref<40xi32, #tpu.memory_space<vmem>>
        %dma_start3A_1080 = arith.constant 0 : i32
        %dma_start3A_1081 = tpu.memref_slice %arg4[%add3A, %add3A_1056, %dma_start3A_1080] : memref<32x252x40xi32, #tpu.memory_space<hbm>> -> memref<1x1x40xi32, #tpu.memory_space<hbm>>
        %dma_start3A_1082 = tpu.memref_squeeze %dma_start3A_1081 : memref<1x1x40xi32, #tpu.memory_space<hbm>> -> memref<40xi32, #tpu.memory_space<hbm>>
        tpu.enqueue_dma source(%dma_start3A_1082 : memref<40xi32, #tpu.memory_space<hbm>>) target(%dma_start3A_1079 : memref<40xi32, #tpu.memory_space<vmem>>) target_semaphore(%arg29 : memref<!tpu.dma_semaphore, #tpu.memory_space<semaphore_mem>>)
        %dma_start3A_1083 = arith.constant 0 : i32
        %dma_start3A_1084 = arith.constant 0 : i32
        %dma_start3A_1085 = tpu.memref_slice %arg16[%dma_start3A_1083, %dma_start3A_1084] : memref<12x40xf32, #tpu.memory_space<vmem>> -> memref<1x40xf32, #tpu.memory_space<vmem>>
        %dma_start3A_1086 = tpu.memref_squeeze %dma_start3A_1085 : memref<1x40xf32, #tpu.memory_space<vmem>> -> memref<40xf32, #tpu.memory_space<vmem>>
        %dma_start3A_1087 = arith.constant 0 : i32
        %dma_start3A_1088 = tpu.memref_slice %arg5[%add3A, %add3A_1056, %dma_start3A_1087] : memref<32x252x40xf32, #tpu.memory_space<hbm>> -> memref<1x1x40xf32, #tpu.memory_space<hbm>>
        %dma_start3A_1089 = tpu.memref_squeeze %dma_start3A_1088 : memref<1x1x40xf32, #tpu.memory_space<hbm>> -> memref<40xf32, #tpu.memory_space<hbm>>
        %dma_start3A_1090 = arith.constant 0 : i32
        %dma_start3A_1091 = tpu.memref_slice %arg16[%dma_start3A_1083, %dma_start3A_1090] : memref<12x40xf32, #tpu.memory_space<vmem>> -> memref<1x40xf32, #tpu.memory_space<vmem>>
        %dma_start3A_1092 = tpu.memref_squeeze %dma_start3A_1091 : memref<1x40xf32, #tpu.memory_space<vmem>> -> memref<40xf32, #tpu.memory_space<vmem>>
        %dma_start3A_1093 = arith.constant 0 : i32
        %dma_start3A_1094 = tpu.memref_slice %arg5[%add3A, %add3A_1056, %dma_start3A_1093] : memref<32x252x40xf32, #tpu.memory_space<hbm>> -> memref<1x1x40xf32, #tpu.memory_space<hbm>>
        %dma_start3A_1095 = tpu.memref_squeeze %dma_start3A_1094 : memref<1x1x40xf32, #tpu.memory_space<hbm>> -> memref<40xf32, #tpu.memory_space<hbm>>
        tpu.enqueue_dma source(%dma_start3A_1095 : memref<40xf32, #tpu.memory_space<hbm>>) target(%dma_start3A_1092 : memref<40xf32, #tpu.memory_space<vmem>>) target_semaphore(%arg29 : memref<!tpu.dma_semaphore, #tpu.memory_space<semaphore_mem>>)
      } else {
      }
      %mul3A_740 = arith.constant 12 : i32
      %mul3A_741 = arith.muli %scan3A_543, %mul3A_740 : i32
      %add3A_742 = arith.constant 5 : i32
      %add3A_743 = arith.addi %mul3A_741, %add3A_742 : i32
      %dma_wait3A_744 = arith.constant 5 : i32
      %dma_wait3A_745 = arith.constant 0 : i32
      %dma_wait3A_746 = tpu.memref_slice %arg14[%dma_wait3A_744, %dma_wait3A_745] : memref<12x40xi32, #tpu.memory_space<vmem>> -> memref<1x40xi32, #tpu.memory_space<vmem>>
      %dma_wait3A_747 = tpu.memref_squeeze %dma_wait3A_746 : memref<1x40xi32, #tpu.memory_space<vmem>> -> memref<40xi32, #tpu.memory_space<vmem>>
      %dma_wait3A_748 = arith.constant 0 : i32
      %dma_wait3A_749 = arith.constant 0 : i32
      %dma_wait3A_750 = tpu.memref_slice %arg2[%dma_wait3A_748, %dma_wait3A_749] : memref<20000x128xf32, #tpu.memory_space<hbm>> -> memref<20000x128xf32, #tpu.memory_space<hbm>>
      tpu.wait_indirect_dma semaphore(%arg22 : memref<!tpu.dma_semaphore, #tpu.memory_space<semaphore_mem>>) src(%dma_wait3A_750 : memref<20000x128xf32, #tpu.memory_space<hbm>>) dst(%arg13 : memref<40x128xf32, #tpu.memory_space<vmem>>)
      %broadcast_in_dim3A_751 = arith.constant 5 : i32
      %broadcast_in_dim3A_752 = vector.broadcast %broadcast_in_dim3A_751 : i32 to vector<16xi32>
      %scan3A_753 = arith.constant 0 : i32
      %scan3A_754 = arith.constant 0 : i32
      %scan3A_755 = arith.constant 40 : i32
      %scan3A_756 = arith.addi %scan3A_754, %scan3A_755 : i32
      %scan3A_757 = arith.constant 1 : i32
      scf.for %scan3A_1055 = %scan3A_754 to %scan3A_756 step %scan3A_757  : i32 {
        %broadcast_in_dim3A_1056 = vector.broadcast %scan3A_1055 : i32 to vector<16xi32>
        %gather3A = tpu.vector_load_idx %arg16[%broadcast_in_dim3A_752, %broadcast_in_dim3A_1056] : memref<12x40xf32, #tpu.memory_space<vmem>>[vector<16xi32>, vector<16xi32>], vector<16xf32>,
        %get3A = arith.index_cast %scan3A_1055 : i32 to index
        %get3A_1057 = arith.constant 0 : index
        %get3A_1058 = tpu.vector_load %arg13[%get3A, %get3A_1057] {strides = array<i32>} : memref<40x128xf32, #tpu.memory_space<vmem>>, vector<16xf32>,
        %mul3A_1059 = arith.mulf %get3A_1058, %gather3A : vector<16xf32>
        %swap3A = arith.index_cast %scan3A_1055 : i32 to index
        %swap3A_1060 = arith.constant 0 : index
        %swap3A_1061 = tpu.vector_load %arg13[%swap3A, %swap3A_1060] {strides = array<i32>} : memref<40x128xf32, #tpu.memory_space<vmem>>, vector<16xf32>,
        tpu.vector_store %arg13[%swap3A, %swap3A_1060], %mul3A_1059 {strides = array<i32>} : memref<40x128xf32, #tpu.memory_space<vmem>>, vector<16xf32>,
        %get3A_1062 = arith.index_cast %scan3A_1055 : i32 to index
        %get3A_1063 = arith.constant 16 : index
        %get3A_1064 = tpu.vector_load %arg13[%get3A_1062, %get3A_1063] {strides = array<i32>} : memref<40x128xf32, #tpu.memory_space<vmem>>, vector<16xf32>,
        %mul3A_1065 = arith.mulf %get3A_1064, %gather3A : vector<16xf32>
        %swap3A_1066 = arith.index_cast %scan3A_1055 : i32 to index
        %swap3A_1067 = arith.constant 16 : index
        %swap3A_1068 = tpu.vector_load %arg13[%swap3A_1066, %swap3A_1067] {strides = array<i32>} : memref<40x128xf32, #tpu.memory_space<vmem>>, vector<16xf32>,
        tpu.vector_store %arg13[%swap3A_1066, %swap3A_1067], %mul3A_1065 {strides = array<i32>} : memref<40x128xf32, #tpu.memory_space<vmem>>, vector<16xf32>,
        %get3A_1069 = arith.index_cast %scan3A_1055 : i32 to index
        %get3A_1070 = arith.constant 32 : index
        %get3A_1071 = tpu.vector_load %arg13[%get3A_1069, %get3A_1070] {strides = array<i32>} : memref<40x128xf32, #tpu.memory_space<vmem>>, vector<16xf32>,
        %mul3A_1072 = arith.mulf %get3A_1071, %gather3A : vector<16xf32>
        %swap3A_1073 = arith.index_cast %scan3A_1055 : i32 to index
        %swap3A_1074 = arith.constant 32 : index
        %swap3A_1075 = tpu.vector_load %arg13[%swap3A_1073, %swap3A_1074] {strides = array<i32>} : memref<40x128xf32, #tpu.memory_space<vmem>>, vector<16xf32>,
        tpu.vector_store %arg13[%swap3A_1073, %swap3A_1074], %mul3A_1072 {strides = array<i32>} : memref<40x128xf32, #tpu.memory_space<vmem>>, vector<16xf32>,
        %get3A_1076 = arith.index_cast %scan3A_1055 : i32 to index
        %get3A_1077 = arith.constant 48 : index
        %get3A_1078 = tpu.vector_load %arg13[%get3A_1076, %get3A_1077] {strides = array<i32>} : memref<40x128xf32, #tpu.memory_space<vmem>>, vector<16xf32>,
        %mul3A_1079 = arith.mulf %get3A_1078, %gather3A : vector<16xf32>
        %swap3A_1080 = arith.index_cast %scan3A_1055 : i32 to index
        %swap3A_1081 = arith.constant 48 : index
        %swap3A_1082 = tpu.vector_load %arg13[%swap3A_1080, %swap3A_1081] {strides = array<i32>} : memref<40x128xf32, #tpu.memory_space<vmem>>, vector<16xf32>,
        tpu.vector_store %arg13[%swap3A_1080, %swap3A_1081], %mul3A_1079 {strides = array<i32>} : memref<40x128xf32, #tpu.memory_space<vmem>>, vector<16xf32>,
        %get3A_1083 = arith.index_cast %scan3A_1055 : i32 to index
        %get3A_1084 = arith.constant 64 : index
        %get3A_1085 = tpu.vector_load %arg13[%get3A_1083, %get3A_1084] {strides = array<i32>} : memref<40x128xf32, #tpu.memory_space<vmem>>, vector<16xf32>,
        %mul3A_1086 = arith.mulf %get3A_1085, %gather3A : vector<16xf32>
        %swap3A_1087 = arith.index_cast %scan3A_1055 : i32 to index
        %swap3A_1088 = arith.constant 64 : index
        %swap3A_1089 = tpu.vector_load %arg13[%swap3A_1087, %swap3A_1088] {strides = array<i32>} : memref<40x128xf32, #tpu.memory_space<vmem>>, vector<16xf32>,
        tpu.vector_store %arg13[%swap3A_1087, %swap3A_1088], %mul3A_1086 {strides = array<i32>} : memref<40x128xf32, #tpu.memory_space<vmem>>, vector<16xf32>,
        %get3A_1090 = arith.index_cast %scan3A_1055 : i32 to index
        %get3A_1091 = arith.constant 80 : index
        %get3A_1092 = tpu.vector_load %arg13[%get3A_1090, %get3A_1091] {strides = array<i32>} : memref<40x128xf32, #tpu.memory_space<vmem>>, vector<16xf32>,
        %mul3A_1093 = arith.mulf %get3A_1092, %gather3A : vector<16xf32>
        %swap3A_1094 = arith.index_cast %scan3A_1055 : i32 to index
        %swap3A_1095 = arith.constant 80 : index
        %swap3A_1096 = tpu.vector_load %arg13[%swap3A_1094, %swap3A_1095] {strides = array<i32>} : memref<40x128xf32, #tpu.memory_space<vmem>>, vector<16xf32>,
        tpu.vector_store %arg13[%swap3A_1094, %swap3A_1095], %mul3A_1093 {strides = array<i32>} : memref<40x128xf32, #tpu.memory_space<vmem>>, vector<16xf32>,
        %get3A_1097 = arith.index_cast %scan3A_1055 : i32 to index
        %get3A_1098 = arith.constant 96 : index
        %get3A_1099 = tpu.vector_load %arg13[%get3A_1097, %get3A_1098] {strides = array<i32>} : memref<40x128xf32, #tpu.memory_space<vmem>>, vector<16xf32>,
        %mul3A_1100 = arith.mulf %get3A_1099, %gather3A : vector<16xf32>
        %swap3A_1101 = arith.index_cast %scan3A_1055 : i32 to index
        %swap3A_1102 = arith.constant 96 : index
        %swap3A_1103 = tpu.vector_load %arg13[%swap3A_1101, %swap3A_1102] {strides = array<i32>} : memref<40x128xf32, #tpu.memory_space<vmem>>, vector<16xf32>,
        tpu.vector_store %arg13[%swap3A_1101, %swap3A_1102], %mul3A_1100 {strides = array<i32>} : memref<40x128xf32, #tpu.memory_space<vmem>>, vector<16xf32>,
        %get3A_1104 = arith.index_cast %scan3A_1055 : i32 to index
        %get3A_1105 = arith.constant 112 : index
        %get3A_1106 = tpu.vector_load %arg13[%get3A_1104, %get3A_1105] {strides = array<i32>} : memref<40x128xf32, #tpu.memory_space<vmem>>, vector<16xf32>,
        %mul3A_1107 = arith.mulf %get3A_1106, %gather3A : vector<16xf32>
        %swap3A_1108 = arith.index_cast %scan3A_1055 : i32 to index
        %swap3A_1109 = arith.constant 112 : index
        %swap3A_1110 = tpu.vector_load %arg13[%swap3A_1108, %swap3A_1109] {strides = array<i32>} : memref<40x128xf32, #tpu.memory_space<vmem>>, vector<16xf32>,
        tpu.vector_store %arg13[%swap3A_1108, %swap3A_1109], %mul3A_1107 {strides = array<i32>} : memref<40x128xf32, #tpu.memory_space<vmem>>, vector<16xf32>,
      }
      %scan3A_758 = arith.constant 40 : i32
      %dma_start3A_759 = arith.constant 5 : i32
      %dma_start3A_760 = arith.constant 0 : i32
      %dma_start3A_761 = tpu.memref_slice %arg15[%dma_start3A_759, %dma_start3A_760] : memref<12x40xi32, #tpu.memory_space<vmem>> -> memref<1x40xi32, #tpu.memory_space<vmem>>
      %dma_start3A_762 = tpu.memref_squeeze %dma_start3A_761 : memref<1x40xi32, #tpu.memory_space<vmem>> -> memref<40xi32, #tpu.memory_space<vmem>>
      %dma_start3A_763 = arith.constant 0 : i32
      %dma_start3A_764 = arith.constant 0 : i32
      %dma_start3A_765 = tpu.memref_slice %arg41[%dma_start3A_763, %dma_start3A_764] : memref<10240x128xf32, #tpu.memory_space<vmem_shared>> -> memref<10240x128xf32, #tpu.memory_space<vmem_shared>>
      tpu.enqueue_indirect_dma source(%arg13 : memref<40x128xf32, #tpu.memory_space<vmem>>) target(%dma_start3A_765 : memref<10240x128xf32, #tpu.memory_space<vmem_shared>>) offsets(%dma_start3A_762 : memref<40xi32, #tpu.memory_space<vmem>>) semaphore(%arg28 : memref<!tpu.dma_semaphore, #tpu.memory_space<semaphore_mem>>) {add = true}
      %add3A_766 = arith.constant 4 : i32
      %add3A_767 = arith.addi %add3A_743, %add3A_766 : i32
      %lt3A_768 = arith.constant 252 : i32
      %lt3A_769 = arith.cmpi slt, %add3A_767, %lt3A_768 : i32
      %convert_element_type3A_770 = arith.extui %lt3A_769 : i1 to i32
      %cond3A_771 = arith.constant 0 : i32
      %cond3A_772 = arith.cmpi ne, %convert_element_type3A_770, %cond3A_771 : i32
      scf.if %cond3A_772 {
        %ge3A = arith.constant 2 : i32
        %ge3A_1055 = arith.cmpi sge, %add3A_743, %ge3A : i32
        %convert_element_type3A_1056 = arith.extui %ge3A_1055 : i1 to i32
        %cond3A_1057 = arith.constant 0 : i32
        %cond3A_1058 = arith.cmpi ne, %convert_element_type3A_1056, %cond3A_1057 : i32
        scf.if %cond3A_1058 {
          %dma_wait3A_1107 = arith.constant 9 : i32
          %dma_wait3A_1108 = arith.constant 0 : i32
          %dma_wait3A_1109 = tpu.memref_slice %arg15[%dma_wait3A_1107, %dma_wait3A_1108] : memref<12x40xi32, #tpu.memory_space<vmem>> -> memref<1x40xi32, #tpu.memory_space<vmem>>
          %dma_wait3A_1110 = tpu.memref_squeeze %dma_wait3A_1109 : memref<1x40xi32, #tpu.memory_space<vmem>> -> memref<40xi32, #tpu.memory_space<vmem>>
          %dma_wait3A_1111 = arith.constant 0 : i32
          %dma_wait3A_1112 = arith.constant 0 : i32
          %dma_wait3A_1113 = tpu.memref_slice %arg41[%dma_wait3A_1111, %dma_wait3A_1112] : memref<10240x128xf32, #tpu.memory_space<vmem_shared>> -> memref<10240x128xf32, #tpu.memory_space<vmem_shared>>
          tpu.wait_indirect_dma semaphore(%arg26 : memref<!tpu.dma_semaphore, #tpu.memory_space<semaphore_mem>>) src(%arg11 : memref<40x128xf32, #tpu.memory_space<vmem>>) dst(%dma_wait3A_1113 : memref<10240x128xf32, #tpu.memory_space<vmem_shared>>)
        } else {
        }
        %add3A_1059 = arith.constant 4 : i32
        %add3A_1060 = arith.addi %add3A_743, %add3A_1059 : i32
        %dma_wait3A_1061 = arith.constant 9 : i32
        %dma_wait3A_1062 = arith.constant 0 : i32
        %dma_wait3A_1063 = tpu.memref_slice %arg14[%dma_wait3A_1061, %dma_wait3A_1062] : memref<12x40xi32, #tpu.memory_space<vmem>> -> memref<1x40xi32, #tpu.memory_space<vmem>>
        %dma_wait3A_1064 = tpu.memref_squeeze %dma_wait3A_1063 : memref<1x40xi32, #tpu.memory_space<vmem>> -> memref<40xi32, #tpu.memory_space<vmem>>
        %dma_wait3A_1065 = arith.constant 0 : i32
        %dma_wait3A_1066 = tpu.memref_slice %arg3[%add3A, %add3A_1060, %dma_wait3A_1065] : memref<32x252x40xi32, #tpu.memory_space<hbm>> -> memref<1x1x40xi32, #tpu.memory_space<hbm>>
        %dma_wait3A_1067 = tpu.memref_squeeze %dma_wait3A_1066 : memref<1x1x40xi32, #tpu.memory_space<hbm>> -> memref<40xi32, #tpu.memory_space<hbm>>
        %dma_wait3A_1068 = arith.constant 0 : i32
        %dma_wait3A_1069 = tpu.memref_slice %arg14[%dma_wait3A_1061, %dma_wait3A_1068] : memref<12x40xi32, #tpu.memory_space<vmem>> -> memref<1x40xi32, #tpu.memory_space<vmem>>
        %dma_wait3A_1070 = tpu.memref_squeeze %dma_wait3A_1069 : memref<1x40xi32, #tpu.memory_space<vmem>> -> memref<40xi32, #tpu.memory_space<vmem>>
        %dma_wait3A_1071 = arith.constant 0 : i32
        %dma_wait3A_1072 = tpu.memref_slice %arg3[%add3A, %add3A_1060, %dma_wait3A_1071] : memref<32x252x40xi32, #tpu.memory_space<hbm>> -> memref<1x1x40xi32, #tpu.memory_space<hbm>>
        %dma_wait3A_1073 = tpu.memref_squeeze %dma_wait3A_1072 : memref<1x1x40xi32, #tpu.memory_space<hbm>> -> memref<40xi32, #tpu.memory_space<hbm>>
        tpu.wait_dma2 semaphore(%arg38 : memref<!tpu.dma_semaphore, #tpu.memory_space<semaphore_mem>>) src(%dma_wait3A_1073 : memref<40xi32, #tpu.memory_space<hbm>>) dst(%dma_wait3A_1070 : memref<40xi32, #tpu.memory_space<vmem>>)
        %dma_wait3A_1074 = arith.constant 9 : i32
        %dma_wait3A_1075 = arith.constant 0 : i32
        %dma_wait3A_1076 = tpu.memref_slice %arg15[%dma_wait3A_1074, %dma_wait3A_1075] : memref<12x40xi32, #tpu.memory_space<vmem>> -> memref<1x40xi32, #tpu.memory_space<vmem>>
        %dma_wait3A_1077 = tpu.memref_squeeze %dma_wait3A_1076 : memref<1x40xi32, #tpu.memory_space<vmem>> -> memref<40xi32, #tpu.memory_space<vmem>>
        %dma_wait3A_1078 = arith.constant 0 : i32
        %dma_wait3A_1079 = tpu.memref_slice %arg4[%add3A, %add3A_1060, %dma_wait3A_1078] : memref<32x252x40xi32, #tpu.memory_space<hbm>> -> memref<1x1x40xi32, #tpu.memory_space<hbm>>
        %dma_wait3A_1080 = tpu.memref_squeeze %dma_wait3A_1079 : memref<1x1x40xi32, #tpu.memory_space<hbm>> -> memref<40xi32, #tpu.memory_space<hbm>>
        %dma_wait3A_1081 = arith.constant 0 : i32
        %dma_wait3A_1082 = tpu.memref_slice %arg15[%dma_wait3A_1074, %dma_wait3A_1081] : memref<12x40xi32, #tpu.memory_space<vmem>> -> memref<1x40xi32, #tpu.memory_space<vmem>>
        %dma_wait3A_1083 = tpu.memref_squeeze %dma_wait3A_1082 : memref<1x40xi32, #tpu.memory_space<vmem>> -> memref<40xi32, #tpu.memory_space<vmem>>
        %dma_wait3A_1084 = arith.constant 0 : i32
        %dma_wait3A_1085 = tpu.memref_slice %arg4[%add3A, %add3A_1060, %dma_wait3A_1084] : memref<32x252x40xi32, #tpu.memory_space<hbm>> -> memref<1x1x40xi32, #tpu.memory_space<hbm>>
        %dma_wait3A_1086 = tpu.memref_squeeze %dma_wait3A_1085 : memref<1x1x40xi32, #tpu.memory_space<hbm>> -> memref<40xi32, #tpu.memory_space<hbm>>
        tpu.wait_dma2 semaphore(%arg38 : memref<!tpu.dma_semaphore, #tpu.memory_space<semaphore_mem>>) src(%dma_wait3A_1086 : memref<40xi32, #tpu.memory_space<hbm>>) dst(%dma_wait3A_1083 : memref<40xi32, #tpu.memory_space<vmem>>)
        %dma_wait3A_1087 = arith.constant 9 : i32
        %dma_wait3A_1088 = arith.constant 0 : i32
        %dma_wait3A_1089 = tpu.memref_slice %arg16[%dma_wait3A_1087, %dma_wait3A_1088] : memref<12x40xf32, #tpu.memory_space<vmem>> -> memref<1x40xf32, #tpu.memory_space<vmem>>
        %dma_wait3A_1090 = tpu.memref_squeeze %dma_wait3A_1089 : memref<1x40xf32, #tpu.memory_space<vmem>> -> memref<40xf32, #tpu.memory_space<vmem>>
        %dma_wait3A_1091 = arith.constant 0 : i32
        %dma_wait3A_1092 = tpu.memref_slice %arg5[%add3A, %add3A_1060, %dma_wait3A_1091] : memref<32x252x40xf32, #tpu.memory_space<hbm>> -> memref<1x1x40xf32, #tpu.memory_space<hbm>>
        %dma_wait3A_1093 = tpu.memref_squeeze %dma_wait3A_1092 : memref<1x1x40xf32, #tpu.memory_space<hbm>> -> memref<40xf32, #tpu.memory_space<hbm>>
        %dma_wait3A_1094 = arith.constant 0 : i32
        %dma_wait3A_1095 = tpu.memref_slice %arg16[%dma_wait3A_1087, %dma_wait3A_1094] : memref<12x40xf32, #tpu.memory_space<vmem>> -> memref<1x40xf32, #tpu.memory_space<vmem>>
        %dma_wait3A_1096 = tpu.memref_squeeze %dma_wait3A_1095 : memref<1x40xf32, #tpu.memory_space<vmem>> -> memref<40xf32, #tpu.memory_space<vmem>>
        %dma_wait3A_1097 = arith.constant 0 : i32
        %dma_wait3A_1098 = tpu.memref_slice %arg5[%add3A, %add3A_1060, %dma_wait3A_1097] : memref<32x252x40xf32, #tpu.memory_space<hbm>> -> memref<1x1x40xf32, #tpu.memory_space<hbm>>
        %dma_wait3A_1099 = tpu.memref_squeeze %dma_wait3A_1098 : memref<1x1x40xf32, #tpu.memory_space<hbm>> -> memref<40xf32, #tpu.memory_space<hbm>>
        tpu.wait_dma2 semaphore(%arg38 : memref<!tpu.dma_semaphore, #tpu.memory_space<semaphore_mem>>) src(%dma_wait3A_1099 : memref<40xf32, #tpu.memory_space<hbm>>) dst(%dma_wait3A_1096 : memref<40xf32, #tpu.memory_space<vmem>>)
        %dma_start3A_1100 = arith.constant 9 : i32
        %dma_start3A_1101 = arith.constant 0 : i32
        %dma_start3A_1102 = tpu.memref_slice %arg14[%dma_start3A_1100, %dma_start3A_1101] : memref<12x40xi32, #tpu.memory_space<vmem>> -> memref<1x40xi32, #tpu.memory_space<vmem>>
        %dma_start3A_1103 = tpu.memref_squeeze %dma_start3A_1102 : memref<1x40xi32, #tpu.memory_space<vmem>> -> memref<40xi32, #tpu.memory_space<vmem>>
        %dma_start3A_1104 = arith.constant 0 : i32
        %dma_start3A_1105 = arith.constant 0 : i32
        %dma_start3A_1106 = tpu.memref_slice %arg2[%dma_start3A_1104, %dma_start3A_1105] : memref<20000x128xf32, #tpu.memory_space<hbm>> -> memref<20000x128xf32, #tpu.memory_space<hbm>>
        tpu.enqueue_indirect_dma source(%dma_start3A_1106 : memref<20000x128xf32, #tpu.memory_space<hbm>>) target(%arg11 : memref<40x128xf32, #tpu.memory_space<vmem>>) offsets(%dma_start3A_1103 : memref<40xi32, #tpu.memory_space<vmem>>) semaphore(%arg20 : memref<!tpu.dma_semaphore, #tpu.memory_space<semaphore_mem>>)
      } else {
      }
      %add3A_773 = arith.constant 8 : i32
      %add3A_774 = arith.addi %add3A_743, %add3A_773 : i32
      %lt3A_775 = arith.constant 252 : i32
      %lt3A_776 = arith.cmpi slt, %add3A_774, %lt3A_775 : i32
      %convert_element_type3A_777 = arith.extui %lt3A_776 : i1 to i32
      %cond3A_778 = arith.constant 0 : i32
      %cond3A_779 = arith.cmpi ne, %convert_element_type3A_777, %cond3A_778 : i32
      scf.if %cond3A_779 {
        %add3A_1055 = arith.constant 8 : i32
        %add3A_1056 = arith.addi %add3A_743, %add3A_1055 : i32
        %dma_start3A_1057 = arith.constant 1 : i32
        %dma_start3A_1058 = arith.constant 0 : i32
        %dma_start3A_1059 = tpu.memref_slice %arg14[%dma_start3A_1057, %dma_start3A_1058] : memref<12x40xi32, #tpu.memory_space<vmem>> -> memref<1x40xi32, #tpu.memory_space<vmem>>
        %dma_start3A_1060 = tpu.memref_squeeze %dma_start3A_1059 : memref<1x40xi32, #tpu.memory_space<vmem>> -> memref<40xi32, #tpu.memory_space<vmem>>
        %dma_start3A_1061 = arith.constant 0 : i32
        %dma_start3A_1062 = tpu.memref_slice %arg3[%add3A, %add3A_1056, %dma_start3A_1061] : memref<32x252x40xi32, #tpu.memory_space<hbm>> -> memref<1x1x40xi32, #tpu.memory_space<hbm>>
        %dma_start3A_1063 = tpu.memref_squeeze %dma_start3A_1062 : memref<1x1x40xi32, #tpu.memory_space<hbm>> -> memref<40xi32, #tpu.memory_space<hbm>>
        %dma_start3A_1064 = arith.constant 0 : i32
        %dma_start3A_1065 = tpu.memref_slice %arg14[%dma_start3A_1057, %dma_start3A_1064] : memref<12x40xi32, #tpu.memory_space<vmem>> -> memref<1x40xi32, #tpu.memory_space<vmem>>
        %dma_start3A_1066 = tpu.memref_squeeze %dma_start3A_1065 : memref<1x40xi32, #tpu.memory_space<vmem>> -> memref<40xi32, #tpu.memory_space<vmem>>
        %dma_start3A_1067 = arith.constant 0 : i32
        %dma_start3A_1068 = tpu.memref_slice %arg3[%add3A, %add3A_1056, %dma_start3A_1067] : memref<32x252x40xi32, #tpu.memory_space<hbm>> -> memref<1x1x40xi32, #tpu.memory_space<hbm>>
        %dma_start3A_1069 = tpu.memref_squeeze %dma_start3A_1068 : memref<1x1x40xi32, #tpu.memory_space<hbm>> -> memref<40xi32, #tpu.memory_space<hbm>>
        tpu.enqueue_dma source(%dma_start3A_1069 : memref<40xi32, #tpu.memory_space<hbm>>) target(%dma_start3A_1066 : memref<40xi32, #tpu.memory_space<vmem>>) target_semaphore(%arg30 : memref<!tpu.dma_semaphore, #tpu.memory_space<semaphore_mem>>)
        %dma_start3A_1070 = arith.constant 1 : i32
        %dma_start3A_1071 = arith.constant 0 : i32
        %dma_start3A_1072 = tpu.memref_slice %arg15[%dma_start3A_1070, %dma_start3A_1071] : memref<12x40xi32, #tpu.memory_space<vmem>> -> memref<1x40xi32, #tpu.memory_space<vmem>>
        %dma_start3A_1073 = tpu.memref_squeeze %dma_start3A_1072 : memref<1x40xi32, #tpu.memory_space<vmem>> -> memref<40xi32, #tpu.memory_space<vmem>>
        %dma_start3A_1074 = arith.constant 0 : i32
        %dma_start3A_1075 = tpu.memref_slice %arg4[%add3A, %add3A_1056, %dma_start3A_1074] : memref<32x252x40xi32, #tpu.memory_space<hbm>> -> memref<1x1x40xi32, #tpu.memory_space<hbm>>
        %dma_start3A_1076 = tpu.memref_squeeze %dma_start3A_1075 : memref<1x1x40xi32, #tpu.memory_space<hbm>> -> memref<40xi32, #tpu.memory_space<hbm>>
        %dma_start3A_1077 = arith.constant 0 : i32
        %dma_start3A_1078 = tpu.memref_slice %arg15[%dma_start3A_1070, %dma_start3A_1077] : memref<12x40xi32, #tpu.memory_space<vmem>> -> memref<1x40xi32, #tpu.memory_space<vmem>>
        %dma_start3A_1079 = tpu.memref_squeeze %dma_start3A_1078 : memref<1x40xi32, #tpu.memory_space<vmem>> -> memref<40xi32, #tpu.memory_space<vmem>>
        %dma_start3A_1080 = arith.constant 0 : i32
        %dma_start3A_1081 = tpu.memref_slice %arg4[%add3A, %add3A_1056, %dma_start3A_1080] : memref<32x252x40xi32, #tpu.memory_space<hbm>> -> memref<1x1x40xi32, #tpu.memory_space<hbm>>
        %dma_start3A_1082 = tpu.memref_squeeze %dma_start3A_1081 : memref<1x1x40xi32, #tpu.memory_space<hbm>> -> memref<40xi32, #tpu.memory_space<hbm>>
        tpu.enqueue_dma source(%dma_start3A_1082 : memref<40xi32, #tpu.memory_space<hbm>>) target(%dma_start3A_1079 : memref<40xi32, #tpu.memory_space<vmem>>) target_semaphore(%arg30 : memref<!tpu.dma_semaphore, #tpu.memory_space<semaphore_mem>>)
        %dma_start3A_1083 = arith.constant 1 : i32
        %dma_start3A_1084 = arith.constant 0 : i32
        %dma_start3A_1085 = tpu.memref_slice %arg16[%dma_start3A_1083, %dma_start3A_1084] : memref<12x40xf32, #tpu.memory_space<vmem>> -> memref<1x40xf32, #tpu.memory_space<vmem>>
        %dma_start3A_1086 = tpu.memref_squeeze %dma_start3A_1085 : memref<1x40xf32, #tpu.memory_space<vmem>> -> memref<40xf32, #tpu.memory_space<vmem>>
        %dma_start3A_1087 = arith.constant 0 : i32
        %dma_start3A_1088 = tpu.memref_slice %arg5[%add3A, %add3A_1056, %dma_start3A_1087] : memref<32x252x40xf32, #tpu.memory_space<hbm>> -> memref<1x1x40xf32, #tpu.memory_space<hbm>>
        %dma_start3A_1089 = tpu.memref_squeeze %dma_start3A_1088 : memref<1x1x40xf32, #tpu.memory_space<hbm>> -> memref<40xf32, #tpu.memory_space<hbm>>
        %dma_start3A_1090 = arith.constant 0 : i32
        %dma_start3A_1091 = tpu.memref_slice %arg16[%dma_start3A_1083, %dma_start3A_1090] : memref<12x40xf32, #tpu.memory_space<vmem>> -> memref<1x40xf32, #tpu.memory_space<vmem>>
        %dma_start3A_1092 = tpu.memref_squeeze %dma_start3A_1091 : memref<1x40xf32, #tpu.memory_space<vmem>> -> memref<40xf32, #tpu.memory_space<vmem>>
        %dma_start3A_1093 = arith.constant 0 : i32
        %dma_start3A_1094 = tpu.memref_slice %arg5[%add3A, %add3A_1056, %dma_start3A_1093] : memref<32x252x40xf32, #tpu.memory_space<hbm>> -> memref<1x1x40xf32, #tpu.memory_space<hbm>>
        %dma_start3A_1095 = tpu.memref_squeeze %dma_start3A_1094 : memref<1x1x40xf32, #tpu.memory_space<hbm>> -> memref<40xf32, #tpu.memory_space<hbm>>
        tpu.enqueue_dma source(%dma_start3A_1095 : memref<40xf32, #tpu.memory_space<hbm>>) target(%dma_start3A_1092 : memref<40xf32, #tpu.memory_space<vmem>>) target_semaphore(%arg30 : memref<!tpu.dma_semaphore, #tpu.memory_space<semaphore_mem>>)
      } else {
      }
      %mul3A_780 = arith.constant 12 : i32
      %mul3A_781 = arith.muli %scan3A_543, %mul3A_780 : i32
      %add3A_782 = arith.constant 6 : i32
      %add3A_783 = arith.addi %mul3A_781, %add3A_782 : i32
      %dma_wait3A_784 = arith.constant 6 : i32
      %dma_wait3A_785 = arith.constant 0 : i32
      %dma_wait3A_786 = tpu.memref_slice %arg14[%dma_wait3A_784, %dma_wait3A_785] : memref<12x40xi32, #tpu.memory_space<vmem>> -> memref<1x40xi32, #tpu.memory_space<vmem>>
      %dma_wait3A_787 = tpu.memref_squeeze %dma_wait3A_786 : memref<1x40xi32, #tpu.memory_space<vmem>> -> memref<40xi32, #tpu.memory_space<vmem>>
      %dma_wait3A_788 = arith.constant 0 : i32
      %dma_wait3A_789 = arith.constant 0 : i32
      %dma_wait3A_790 = tpu.memref_slice %arg2[%dma_wait3A_788, %dma_wait3A_789] : memref<20000x128xf32, #tpu.memory_space<hbm>> -> memref<20000x128xf32, #tpu.memory_space<hbm>>
      tpu.wait_indirect_dma semaphore(%arg17 : memref<!tpu.dma_semaphore, #tpu.memory_space<semaphore_mem>>) src(%dma_wait3A_790 : memref<20000x128xf32, #tpu.memory_space<hbm>>) dst(%arg8 : memref<40x128xf32, #tpu.memory_space<vmem>>)
      %broadcast_in_dim3A_791 = arith.constant 6 : i32
      %broadcast_in_dim3A_792 = vector.broadcast %broadcast_in_dim3A_791 : i32 to vector<16xi32>
      %scan3A_793 = arith.constant 0 : i32
      %scan3A_794 = arith.constant 0 : i32
      %scan3A_795 = arith.constant 40 : i32
      %scan3A_796 = arith.addi %scan3A_794, %scan3A_795 : i32
      %scan3A_797 = arith.constant 1 : i32
      scf.for %scan3A_1055 = %scan3A_794 to %scan3A_796 step %scan3A_797  : i32 {
        %broadcast_in_dim3A_1056 = vector.broadcast %scan3A_1055 : i32 to vector<16xi32>
        %gather3A = tpu.vector_load_idx %arg16[%broadcast_in_dim3A_792, %broadcast_in_dim3A_1056] : memref<12x40xf32, #tpu.memory_space<vmem>>[vector<16xi32>, vector<16xi32>], vector<16xf32>,
        %get3A = arith.index_cast %scan3A_1055 : i32 to index
        %get3A_1057 = arith.constant 0 : index
        %get3A_1058 = tpu.vector_load %arg8[%get3A, %get3A_1057] {strides = array<i32>} : memref<40x128xf32, #tpu.memory_space<vmem>>, vector<16xf32>,
        %mul3A_1059 = arith.mulf %get3A_1058, %gather3A : vector<16xf32>
        %swap3A = arith.index_cast %scan3A_1055 : i32 to index
        %swap3A_1060 = arith.constant 0 : index
        %swap3A_1061 = tpu.vector_load %arg8[%swap3A, %swap3A_1060] {strides = array<i32>} : memref<40x128xf32, #tpu.memory_space<vmem>>, vector<16xf32>,
        tpu.vector_store %arg8[%swap3A, %swap3A_1060], %mul3A_1059 {strides = array<i32>} : memref<40x128xf32, #tpu.memory_space<vmem>>, vector<16xf32>,
        %get3A_1062 = arith.index_cast %scan3A_1055 : i32 to index
        %get3A_1063 = arith.constant 16 : index
        %get3A_1064 = tpu.vector_load %arg8[%get3A_1062, %get3A_1063] {strides = array<i32>} : memref<40x128xf32, #tpu.memory_space<vmem>>, vector<16xf32>,
        %mul3A_1065 = arith.mulf %get3A_1064, %gather3A : vector<16xf32>
        %swap3A_1066 = arith.index_cast %scan3A_1055 : i32 to index
        %swap3A_1067 = arith.constant 16 : index
        %swap3A_1068 = tpu.vector_load %arg8[%swap3A_1066, %swap3A_1067] {strides = array<i32>} : memref<40x128xf32, #tpu.memory_space<vmem>>, vector<16xf32>,
        tpu.vector_store %arg8[%swap3A_1066, %swap3A_1067], %mul3A_1065 {strides = array<i32>} : memref<40x128xf32, #tpu.memory_space<vmem>>, vector<16xf32>,
        %get3A_1069 = arith.index_cast %scan3A_1055 : i32 to index
        %get3A_1070 = arith.constant 32 : index
        %get3A_1071 = tpu.vector_load %arg8[%get3A_1069, %get3A_1070] {strides = array<i32>} : memref<40x128xf32, #tpu.memory_space<vmem>>, vector<16xf32>,
        %mul3A_1072 = arith.mulf %get3A_1071, %gather3A : vector<16xf32>
        %swap3A_1073 = arith.index_cast %scan3A_1055 : i32 to index
        %swap3A_1074 = arith.constant 32 : index
        %swap3A_1075 = tpu.vector_load %arg8[%swap3A_1073, %swap3A_1074] {strides = array<i32>} : memref<40x128xf32, #tpu.memory_space<vmem>>, vector<16xf32>,
        tpu.vector_store %arg8[%swap3A_1073, %swap3A_1074], %mul3A_1072 {strides = array<i32>} : memref<40x128xf32, #tpu.memory_space<vmem>>, vector<16xf32>,
        %get3A_1076 = arith.index_cast %scan3A_1055 : i32 to index
        %get3A_1077 = arith.constant 48 : index
        %get3A_1078 = tpu.vector_load %arg8[%get3A_1076, %get3A_1077] {strides = array<i32>} : memref<40x128xf32, #tpu.memory_space<vmem>>, vector<16xf32>,
        %mul3A_1079 = arith.mulf %get3A_1078, %gather3A : vector<16xf32>
        %swap3A_1080 = arith.index_cast %scan3A_1055 : i32 to index
        %swap3A_1081 = arith.constant 48 : index
        %swap3A_1082 = tpu.vector_load %arg8[%swap3A_1080, %swap3A_1081] {strides = array<i32>} : memref<40x128xf32, #tpu.memory_space<vmem>>, vector<16xf32>,
        tpu.vector_store %arg8[%swap3A_1080, %swap3A_1081], %mul3A_1079 {strides = array<i32>} : memref<40x128xf32, #tpu.memory_space<vmem>>, vector<16xf32>,
        %get3A_1083 = arith.index_cast %scan3A_1055 : i32 to index
        %get3A_1084 = arith.constant 64 : index
        %get3A_1085 = tpu.vector_load %arg8[%get3A_1083, %get3A_1084] {strides = array<i32>} : memref<40x128xf32, #tpu.memory_space<vmem>>, vector<16xf32>,
        %mul3A_1086 = arith.mulf %get3A_1085, %gather3A : vector<16xf32>
        %swap3A_1087 = arith.index_cast %scan3A_1055 : i32 to index
        %swap3A_1088 = arith.constant 64 : index
        %swap3A_1089 = tpu.vector_load %arg8[%swap3A_1087, %swap3A_1088] {strides = array<i32>} : memref<40x128xf32, #tpu.memory_space<vmem>>, vector<16xf32>,
        tpu.vector_store %arg8[%swap3A_1087, %swap3A_1088], %mul3A_1086 {strides = array<i32>} : memref<40x128xf32, #tpu.memory_space<vmem>>, vector<16xf32>,
        %get3A_1090 = arith.index_cast %scan3A_1055 : i32 to index
        %get3A_1091 = arith.constant 80 : index
        %get3A_1092 = tpu.vector_load %arg8[%get3A_1090, %get3A_1091] {strides = array<i32>} : memref<40x128xf32, #tpu.memory_space<vmem>>, vector<16xf32>,
        %mul3A_1093 = arith.mulf %get3A_1092, %gather3A : vector<16xf32>
        %swap3A_1094 = arith.index_cast %scan3A_1055 : i32 to index
        %swap3A_1095 = arith.constant 80 : index
        %swap3A_1096 = tpu.vector_load %arg8[%swap3A_1094, %swap3A_1095] {strides = array<i32>} : memref<40x128xf32, #tpu.memory_space<vmem>>, vector<16xf32>,
        tpu.vector_store %arg8[%swap3A_1094, %swap3A_1095], %mul3A_1093 {strides = array<i32>} : memref<40x128xf32, #tpu.memory_space<vmem>>, vector<16xf32>,
        %get3A_1097 = arith.index_cast %scan3A_1055 : i32 to index
        %get3A_1098 = arith.constant 96 : index
        %get3A_1099 = tpu.vector_load %arg8[%get3A_1097, %get3A_1098] {strides = array<i32>} : memref<40x128xf32, #tpu.memory_space<vmem>>, vector<16xf32>,
        %mul3A_1100 = arith.mulf %get3A_1099, %gather3A : vector<16xf32>
        %swap3A_1101 = arith.index_cast %scan3A_1055 : i32 to index
        %swap3A_1102 = arith.constant 96 : index
        %swap3A_1103 = tpu.vector_load %arg8[%swap3A_1101, %swap3A_1102] {strides = array<i32>} : memref<40x128xf32, #tpu.memory_space<vmem>>, vector<16xf32>,
        tpu.vector_store %arg8[%swap3A_1101, %swap3A_1102], %mul3A_1100 {strides = array<i32>} : memref<40x128xf32, #tpu.memory_space<vmem>>, vector<16xf32>,
        %get3A_1104 = arith.index_cast %scan3A_1055 : i32 to index
        %get3A_1105 = arith.constant 112 : index
        %get3A_1106 = tpu.vector_load %arg8[%get3A_1104, %get3A_1105] {strides = array<i32>} : memref<40x128xf32, #tpu.memory_space<vmem>>, vector<16xf32>,
        %mul3A_1107 = arith.mulf %get3A_1106, %gather3A : vector<16xf32>
        %swap3A_1108 = arith.index_cast %scan3A_1055 : i32 to index
        %swap3A_1109 = arith.constant 112 : index
        %swap3A_1110 = tpu.vector_load %arg8[%swap3A_1108, %swap3A_1109] {strides = array<i32>} : memref<40x128xf32, #tpu.memory_space<vmem>>, vector<16xf32>,
        tpu.vector_store %arg8[%swap3A_1108, %swap3A_1109], %mul3A_1107 {strides = array<i32>} : memref<40x128xf32, #tpu.memory_space<vmem>>, vector<16xf32>,
      }
      %scan3A_798 = arith.constant 40 : i32
      %dma_start3A_799 = arith.constant 6 : i32
      %dma_start3A_800 = arith.constant 0 : i32
      %dma_start3A_801 = tpu.memref_slice %arg15[%dma_start3A_799, %dma_start3A_800] : memref<12x40xi32, #tpu.memory_space<vmem>> -> memref<1x40xi32, #tpu.memory_space<vmem>>
      %dma_start3A_802 = tpu.memref_squeeze %dma_start3A_801 : memref<1x40xi32, #tpu.memory_space<vmem>> -> memref<40xi32, #tpu.memory_space<vmem>>
      %dma_start3A_803 = arith.constant 0 : i32
      %dma_start3A_804 = arith.constant 0 : i32
      %dma_start3A_805 = tpu.memref_slice %arg41[%dma_start3A_803, %dma_start3A_804] : memref<10240x128xf32, #tpu.memory_space<vmem_shared>> -> memref<10240x128xf32, #tpu.memory_space<vmem_shared>>
      tpu.enqueue_indirect_dma source(%arg8 : memref<40x128xf32, #tpu.memory_space<vmem>>) target(%dma_start3A_805 : memref<10240x128xf32, #tpu.memory_space<vmem_shared>>) offsets(%dma_start3A_802 : memref<40xi32, #tpu.memory_space<vmem>>) semaphore(%arg23 : memref<!tpu.dma_semaphore, #tpu.memory_space<semaphore_mem>>) {add = true}
      %add3A_806 = arith.constant 4 : i32
      %add3A_807 = arith.addi %add3A_783, %add3A_806 : i32
      %lt3A_808 = arith.constant 252 : i32
      %lt3A_809 = arith.cmpi slt, %add3A_807, %lt3A_808 : i32
      %convert_element_type3A_810 = arith.extui %lt3A_809 : i1 to i32
      %cond3A_811 = arith.constant 0 : i32
      %cond3A_812 = arith.cmpi ne, %convert_element_type3A_810, %cond3A_811 : i32
      scf.if %cond3A_812 {
        %ge3A = arith.constant 2 : i32
        %ge3A_1055 = arith.cmpi sge, %add3A_783, %ge3A : i32
        %convert_element_type3A_1056 = arith.extui %ge3A_1055 : i1 to i32
        %cond3A_1057 = arith.constant 0 : i32
        %cond3A_1058 = arith.cmpi ne, %convert_element_type3A_1056, %cond3A_1057 : i32
        scf.if %cond3A_1058 {
          %dma_wait3A_1107 = arith.constant 10 : i32
          %dma_wait3A_1108 = arith.constant 0 : i32
          %dma_wait3A_1109 = tpu.memref_slice %arg15[%dma_wait3A_1107, %dma_wait3A_1108] : memref<12x40xi32, #tpu.memory_space<vmem>> -> memref<1x40xi32, #tpu.memory_space<vmem>>
          %dma_wait3A_1110 = tpu.memref_squeeze %dma_wait3A_1109 : memref<1x40xi32, #tpu.memory_space<vmem>> -> memref<40xi32, #tpu.memory_space<vmem>>
          %dma_wait3A_1111 = arith.constant 0 : i32
          %dma_wait3A_1112 = arith.constant 0 : i32
          %dma_wait3A_1113 = tpu.memref_slice %arg41[%dma_wait3A_1111, %dma_wait3A_1112] : memref<10240x128xf32, #tpu.memory_space<vmem_shared>> -> memref<10240x128xf32, #tpu.memory_space<vmem_shared>>
          tpu.wait_indirect_dma semaphore(%arg27 : memref<!tpu.dma_semaphore, #tpu.memory_space<semaphore_mem>>) src(%arg12 : memref<40x128xf32, #tpu.memory_space<vmem>>) dst(%dma_wait3A_1113 : memref<10240x128xf32, #tpu.memory_space<vmem_shared>>)
        } else {
        }
        %add3A_1059 = arith.constant 4 : i32
        %add3A_1060 = arith.addi %add3A_783, %add3A_1059 : i32
        %dma_wait3A_1061 = arith.constant 10 : i32
        %dma_wait3A_1062 = arith.constant 0 : i32
        %dma_wait3A_1063 = tpu.memref_slice %arg14[%dma_wait3A_1061, %dma_wait3A_1062] : memref<12x40xi32, #tpu.memory_space<vmem>> -> memref<1x40xi32, #tpu.memory_space<vmem>>
        %dma_wait3A_1064 = tpu.memref_squeeze %dma_wait3A_1063 : memref<1x40xi32, #tpu.memory_space<vmem>> -> memref<40xi32, #tpu.memory_space<vmem>>
        %dma_wait3A_1065 = arith.constant 0 : i32
        %dma_wait3A_1066 = tpu.memref_slice %arg3[%add3A, %add3A_1060, %dma_wait3A_1065] : memref<32x252x40xi32, #tpu.memory_space<hbm>> -> memref<1x1x40xi32, #tpu.memory_space<hbm>>
        %dma_wait3A_1067 = tpu.memref_squeeze %dma_wait3A_1066 : memref<1x1x40xi32, #tpu.memory_space<hbm>> -> memref<40xi32, #tpu.memory_space<hbm>>
        %dma_wait3A_1068 = arith.constant 0 : i32
        %dma_wait3A_1069 = tpu.memref_slice %arg14[%dma_wait3A_1061, %dma_wait3A_1068] : memref<12x40xi32, #tpu.memory_space<vmem>> -> memref<1x40xi32, #tpu.memory_space<vmem>>
        %dma_wait3A_1070 = tpu.memref_squeeze %dma_wait3A_1069 : memref<1x40xi32, #tpu.memory_space<vmem>> -> memref<40xi32, #tpu.memory_space<vmem>>
        %dma_wait3A_1071 = arith.constant 0 : i32
        %dma_wait3A_1072 = tpu.memref_slice %arg3[%add3A, %add3A_1060, %dma_wait3A_1071] : memref<32x252x40xi32, #tpu.memory_space<hbm>> -> memref<1x1x40xi32, #tpu.memory_space<hbm>>
        %dma_wait3A_1073 = tpu.memref_squeeze %dma_wait3A_1072 : memref<1x1x40xi32, #tpu.memory_space<hbm>> -> memref<40xi32, #tpu.memory_space<hbm>>
        tpu.wait_dma2 semaphore(%arg39 : memref<!tpu.dma_semaphore, #tpu.memory_space<semaphore_mem>>) src(%dma_wait3A_1073 : memref<40xi32, #tpu.memory_space<hbm>>) dst(%dma_wait3A_1070 : memref<40xi32, #tpu.memory_space<vmem>>)
        %dma_wait3A_1074 = arith.constant 10 : i32
        %dma_wait3A_1075 = arith.constant 0 : i32
        %dma_wait3A_1076 = tpu.memref_slice %arg15[%dma_wait3A_1074, %dma_wait3A_1075] : memref<12x40xi32, #tpu.memory_space<vmem>> -> memref<1x40xi32, #tpu.memory_space<vmem>>
        %dma_wait3A_1077 = tpu.memref_squeeze %dma_wait3A_1076 : memref<1x40xi32, #tpu.memory_space<vmem>> -> memref<40xi32, #tpu.memory_space<vmem>>
        %dma_wait3A_1078 = arith.constant 0 : i32
        %dma_wait3A_1079 = tpu.memref_slice %arg4[%add3A, %add3A_1060, %dma_wait3A_1078] : memref<32x252x40xi32, #tpu.memory_space<hbm>> -> memref<1x1x40xi32, #tpu.memory_space<hbm>>
        %dma_wait3A_1080 = tpu.memref_squeeze %dma_wait3A_1079 : memref<1x1x40xi32, #tpu.memory_space<hbm>> -> memref<40xi32, #tpu.memory_space<hbm>>
        %dma_wait3A_1081 = arith.constant 0 : i32
        %dma_wait3A_1082 = tpu.memref_slice %arg15[%dma_wait3A_1074, %dma_wait3A_1081] : memref<12x40xi32, #tpu.memory_space<vmem>> -> memref<1x40xi32, #tpu.memory_space<vmem>>
        %dma_wait3A_1083 = tpu.memref_squeeze %dma_wait3A_1082 : memref<1x40xi32, #tpu.memory_space<vmem>> -> memref<40xi32, #tpu.memory_space<vmem>>
        %dma_wait3A_1084 = arith.constant 0 : i32
        %dma_wait3A_1085 = tpu.memref_slice %arg4[%add3A, %add3A_1060, %dma_wait3A_1084] : memref<32x252x40xi32, #tpu.memory_space<hbm>> -> memref<1x1x40xi32, #tpu.memory_space<hbm>>
        %dma_wait3A_1086 = tpu.memref_squeeze %dma_wait3A_1085 : memref<1x1x40xi32, #tpu.memory_space<hbm>> -> memref<40xi32, #tpu.memory_space<hbm>>
        tpu.wait_dma2 semaphore(%arg39 : memref<!tpu.dma_semaphore, #tpu.memory_space<semaphore_mem>>) src(%dma_wait3A_1086 : memref<40xi32, #tpu.memory_space<hbm>>) dst(%dma_wait3A_1083 : memref<40xi32, #tpu.memory_space<vmem>>)
        %dma_wait3A_1087 = arith.constant 10 : i32
        %dma_wait3A_1088 = arith.constant 0 : i32
        %dma_wait3A_1089 = tpu.memref_slice %arg16[%dma_wait3A_1087, %dma_wait3A_1088] : memref<12x40xf32, #tpu.memory_space<vmem>> -> memref<1x40xf32, #tpu.memory_space<vmem>>
        %dma_wait3A_1090 = tpu.memref_squeeze %dma_wait3A_1089 : memref<1x40xf32, #tpu.memory_space<vmem>> -> memref<40xf32, #tpu.memory_space<vmem>>
        %dma_wait3A_1091 = arith.constant 0 : i32
        %dma_wait3A_1092 = tpu.memref_slice %arg5[%add3A, %add3A_1060, %dma_wait3A_1091] : memref<32x252x40xf32, #tpu.memory_space<hbm>> -> memref<1x1x40xf32, #tpu.memory_space<hbm>>
        %dma_wait3A_1093 = tpu.memref_squeeze %dma_wait3A_1092 : memref<1x1x40xf32, #tpu.memory_space<hbm>> -> memref<40xf32, #tpu.memory_space<hbm>>
        %dma_wait3A_1094 = arith.constant 0 : i32
        %dma_wait3A_1095 = tpu.memref_slice %arg16[%dma_wait3A_1087, %dma_wait3A_1094] : memref<12x40xf32, #tpu.memory_space<vmem>> -> memref<1x40xf32, #tpu.memory_space<vmem>>
        %dma_wait3A_1096 = tpu.memref_squeeze %dma_wait3A_1095 : memref<1x40xf32, #tpu.memory_space<vmem>> -> memref<40xf32, #tpu.memory_space<vmem>>
        %dma_wait3A_1097 = arith.constant 0 : i32
        %dma_wait3A_1098 = tpu.memref_slice %arg5[%add3A, %add3A_1060, %dma_wait3A_1097] : memref<32x252x40xf32, #tpu.memory_space<hbm>> -> memref<1x1x40xf32, #tpu.memory_space<hbm>>
        %dma_wait3A_1099 = tpu.memref_squeeze %dma_wait3A_1098 : memref<1x1x40xf32, #tpu.memory_space<hbm>> -> memref<40xf32, #tpu.memory_space<hbm>>
        tpu.wait_dma2 semaphore(%arg39 : memref<!tpu.dma_semaphore, #tpu.memory_space<semaphore_mem>>) src(%dma_wait3A_1099 : memref<40xf32, #tpu.memory_space<hbm>>) dst(%dma_wait3A_1096 : memref<40xf32, #tpu.memory_space<vmem>>)
        %dma_start3A_1100 = arith.constant 10 : i32
        %dma_start3A_1101 = arith.constant 0 : i32
        %dma_start3A_1102 = tpu.memref_slice %arg14[%dma_start3A_1100, %dma_start3A_1101] : memref<12x40xi32, #tpu.memory_space<vmem>> -> memref<1x40xi32, #tpu.memory_space<vmem>>
        %dma_start3A_1103 = tpu.memref_squeeze %dma_start3A_1102 : memref<1x40xi32, #tpu.memory_space<vmem>> -> memref<40xi32, #tpu.memory_space<vmem>>
        %dma_start3A_1104 = arith.constant 0 : i32
        %dma_start3A_1105 = arith.constant 0 : i32
        %dma_start3A_1106 = tpu.memref_slice %arg2[%dma_start3A_1104, %dma_start3A_1105] : memref<20000x128xf32, #tpu.memory_space<hbm>> -> memref<20000x128xf32, #tpu.memory_space<hbm>>
        tpu.enqueue_indirect_dma source(%dma_start3A_1106 : memref<20000x128xf32, #tpu.memory_space<hbm>>) target(%arg12 : memref<40x128xf32, #tpu.memory_space<vmem>>) offsets(%dma_start3A_1103 : memref<40xi32, #tpu.memory_space<vmem>>) semaphore(%arg21 : memref<!tpu.dma_semaphore, #tpu.memory_space<semaphore_mem>>)
      } else {
      }
      %add3A_813 = arith.constant 8 : i32
      %add3A_814 = arith.addi %add3A_783, %add3A_813 : i32
      %lt3A_815 = arith.constant 252 : i32
      %lt3A_816 = arith.cmpi slt, %add3A_814, %lt3A_815 : i32
      %convert_element_type3A_817 = arith.extui %lt3A_816 : i1 to i32
      %cond3A_818 = arith.constant 0 : i32
      %cond3A_819 = arith.cmpi ne, %convert_element_type3A_817, %cond3A_818 : i32
      scf.if %cond3A_819 {
        %add3A_1055 = arith.constant 8 : i32
        %add3A_1056 = arith.addi %add3A_783, %add3A_1055 : i32
        %dma_start3A_1057 = arith.constant 2 : i32
        %dma_start3A_1058 = arith.constant 0 : i32
        %dma_start3A_1059 = tpu.memref_slice %arg14[%dma_start3A_1057, %dma_start3A_1058] : memref<12x40xi32, #tpu.memory_space<vmem>> -> memref<1x40xi32, #tpu.memory_space<vmem>>
        %dma_start3A_1060 = tpu.memref_squeeze %dma_start3A_1059 : memref<1x40xi32, #tpu.memory_space<vmem>> -> memref<40xi32, #tpu.memory_space<vmem>>
        %dma_start3A_1061 = arith.constant 0 : i32
        %dma_start3A_1062 = tpu.memref_slice %arg3[%add3A, %add3A_1056, %dma_start3A_1061] : memref<32x252x40xi32, #tpu.memory_space<hbm>> -> memref<1x1x40xi32, #tpu.memory_space<hbm>>
        %dma_start3A_1063 = tpu.memref_squeeze %dma_start3A_1062 : memref<1x1x40xi32, #tpu.memory_space<hbm>> -> memref<40xi32, #tpu.memory_space<hbm>>
        %dma_start3A_1064 = arith.constant 0 : i32
        %dma_start3A_1065 = tpu.memref_slice %arg14[%dma_start3A_1057, %dma_start3A_1064] : memref<12x40xi32, #tpu.memory_space<vmem>> -> memref<1x40xi32, #tpu.memory_space<vmem>>
        %dma_start3A_1066 = tpu.memref_squeeze %dma_start3A_1065 : memref<1x40xi32, #tpu.memory_space<vmem>> -> memref<40xi32, #tpu.memory_space<vmem>>
        %dma_start3A_1067 = arith.constant 0 : i32
        %dma_start3A_1068 = tpu.memref_slice %arg3[%add3A, %add3A_1056, %dma_start3A_1067] : memref<32x252x40xi32, #tpu.memory_space<hbm>> -> memref<1x1x40xi32, #tpu.memory_space<hbm>>
        %dma_start3A_1069 = tpu.memref_squeeze %dma_start3A_1068 : memref<1x1x40xi32, #tpu.memory_space<hbm>> -> memref<40xi32, #tpu.memory_space<hbm>>
        tpu.enqueue_dma source(%dma_start3A_1069 : memref<40xi32, #tpu.memory_space<hbm>>) target(%dma_start3A_1066 : memref<40xi32, #tpu.memory_space<vmem>>) target_semaphore(%arg31 : memref<!tpu.dma_semaphore, #tpu.memory_space<semaphore_mem>>)
        %dma_start3A_1070 = arith.constant 2 : i32
        %dma_start3A_1071 = arith.constant 0 : i32
        %dma_start3A_1072 = tpu.memref_slice %arg15[%dma_start3A_1070, %dma_start3A_1071] : memref<12x40xi32, #tpu.memory_space<vmem>> -> memref<1x40xi32, #tpu.memory_space<vmem>>
        %dma_start3A_1073 = tpu.memref_squeeze %dma_start3A_1072 : memref<1x40xi32, #tpu.memory_space<vmem>> -> memref<40xi32, #tpu.memory_space<vmem>>
        %dma_start3A_1074 = arith.constant 0 : i32
        %dma_start3A_1075 = tpu.memref_slice %arg4[%add3A, %add3A_1056, %dma_start3A_1074] : memref<32x252x40xi32, #tpu.memory_space<hbm>> -> memref<1x1x40xi32, #tpu.memory_space<hbm>>
        %dma_start3A_1076 = tpu.memref_squeeze %dma_start3A_1075 : memref<1x1x40xi32, #tpu.memory_space<hbm>> -> memref<40xi32, #tpu.memory_space<hbm>>
        %dma_start3A_1077 = arith.constant 0 : i32
        %dma_start3A_1078 = tpu.memref_slice %arg15[%dma_start3A_1070, %dma_start3A_1077] : memref<12x40xi32, #tpu.memory_space<vmem>> -> memref<1x40xi32, #tpu.memory_space<vmem>>
        %dma_start3A_1079 = tpu.memref_squeeze %dma_start3A_1078 : memref<1x40xi32, #tpu.memory_space<vmem>> -> memref<40xi32, #tpu.memory_space<vmem>>
        %dma_start3A_1080 = arith.constant 0 : i32
        %dma_start3A_1081 = tpu.memref_slice %arg4[%add3A, %add3A_1056, %dma_start3A_1080] : memref<32x252x40xi32, #tpu.memory_space<hbm>> -> memref<1x1x40xi32, #tpu.memory_space<hbm>>
        %dma_start3A_1082 = tpu.memref_squeeze %dma_start3A_1081 : memref<1x1x40xi32, #tpu.memory_space<hbm>> -> memref<40xi32, #tpu.memory_space<hbm>>
        tpu.enqueue_dma source(%dma_start3A_1082 : memref<40xi32, #tpu.memory_space<hbm>>) target(%dma_start3A_1079 : memref<40xi32, #tpu.memory_space<vmem>>) target_semaphore(%arg31 : memref<!tpu.dma_semaphore, #tpu.memory_space<semaphore_mem>>)
        %dma_start3A_1083 = arith.constant 2 : i32
        %dma_start3A_1084 = arith.constant 0 : i32
        %dma_start3A_1085 = tpu.memref_slice %arg16[%dma_start3A_1083, %dma_start3A_1084] : memref<12x40xf32, #tpu.memory_space<vmem>> -> memref<1x40xf32, #tpu.memory_space<vmem>>
        %dma_start3A_1086 = tpu.memref_squeeze %dma_start3A_1085 : memref<1x40xf32, #tpu.memory_space<vmem>> -> memref<40xf32, #tpu.memory_space<vmem>>
        %dma_start3A_1087 = arith.constant 0 : i32
        %dma_start3A_1088 = tpu.memref_slice %arg5[%add3A, %add3A_1056, %dma_start3A_1087] : memref<32x252x40xf32, #tpu.memory_space<hbm>> -> memref<1x1x40xf32, #tpu.memory_space<hbm>>
        %dma_start3A_1089 = tpu.memref_squeeze %dma_start3A_1088 : memref<1x1x40xf32, #tpu.memory_space<hbm>> -> memref<40xf32, #tpu.memory_space<hbm>>
        %dma_start3A_1090 = arith.constant 0 : i32
        %dma_start3A_1091 = tpu.memref_slice %arg16[%dma_start3A_1083, %dma_start3A_1090] : memref<12x40xf32, #tpu.memory_space<vmem>> -> memref<1x40xf32, #tpu.memory_space<vmem>>
        %dma_start3A_1092 = tpu.memref_squeeze %dma_start3A_1091 : memref<1x40xf32, #tpu.memory_space<vmem>> -> memref<40xf32, #tpu.memory_space<vmem>>
        %dma_start3A_1093 = arith.constant 0 : i32
        %dma_start3A_1094 = tpu.memref_slice %arg5[%add3A, %add3A_1056, %dma_start3A_1093] : memref<32x252x40xf32, #tpu.memory_space<hbm>> -> memref<1x1x40xf32, #tpu.memory_space<hbm>>
        %dma_start3A_1095 = tpu.memref_squeeze %dma_start3A_1094 : memref<1x1x40xf32, #tpu.memory_space<hbm>> -> memref<40xf32, #tpu.memory_space<hbm>>
        tpu.enqueue_dma source(%dma_start3A_1095 : memref<40xf32, #tpu.memory_space<hbm>>) target(%dma_start3A_1092 : memref<40xf32, #tpu.memory_space<vmem>>) target_semaphore(%arg31 : memref<!tpu.dma_semaphore, #tpu.memory_space<semaphore_mem>>)
      } else {
      }
      %eq3A = arith.constant 20 : i32
      %eq3A_820 = arith.cmpi eq, %scan3A_543, %eq3A : i32
      %convert_element_type3A_821 = arith.extui %eq3A_820 : i1 to i32
      %cond3A_822 = arith.constant 6 : i32
      %cond3A_823 = arith.constant 0 : i32
      %cond3A_824 = arith.cmpi ne, %convert_element_type3A_821, %cond3A_823 : i32
      scf.if %cond3A_824 {
        %dma_wait3A_1055 = arith.constant 0 : i32
        %dma_wait3A_1056 = tpu.memref_slice %arg15[%cond3A_822, %dma_wait3A_1055] : memref<12x40xi32, #tpu.memory_space<vmem>> -> memref<1x40xi32, #tpu.memory_space<vmem>>
        %dma_wait3A_1057 = tpu.memref_squeeze %dma_wait3A_1056 : memref<1x40xi32, #tpu.memory_space<vmem>> -> memref<40xi32, #tpu.memory_space<vmem>>
        %dma_wait3A_1058 = arith.constant 0 : i32
        %dma_wait3A_1059 = arith.constant 0 : i32
        %dma_wait3A_1060 = tpu.memref_slice %arg41[%dma_wait3A_1058, %dma_wait3A_1059] : memref<10240x128xf32, #tpu.memory_space<vmem_shared>> -> memref<10240x128xf32, #tpu.memory_space<vmem_shared>>
        tpu.wait_indirect_dma semaphore(%arg23 : memref<!tpu.dma_semaphore, #tpu.memory_space<semaphore_mem>>) src(%arg8 : memref<40x128xf32, #tpu.memory_space<vmem>>) dst(%dma_wait3A_1060 : memref<10240x128xf32, #tpu.memory_space<vmem_shared>>)
      } else {
      }
      %mul3A_825 = arith.constant 12 : i32
      %mul3A_826 = arith.muli %scan3A_543, %mul3A_825 : i32
      %add3A_827 = arith.constant 7 : i32
      %add3A_828 = arith.addi %mul3A_826, %add3A_827 : i32
      %dma_wait3A_829 = arith.constant 7 : i32
      %dma_wait3A_830 = arith.constant 0 : i32
      %dma_wait3A_831 = tpu.memref_slice %arg14[%dma_wait3A_829, %dma_wait3A_830] : memref<12x40xi32, #tpu.memory_space<vmem>> -> memref<1x40xi32, #tpu.memory_space<vmem>>
      %dma_wait3A_832 = tpu.memref_squeeze %dma_wait3A_831 : memref<1x40xi32, #tpu.memory_space<vmem>> -> memref<40xi32, #tpu.memory_space<vmem>>
      %dma_wait3A_833 = arith.constant 0 : i32
      %dma_wait3A_834 = arith.constant 0 : i32
      %dma_wait3A_835 = tpu.memref_slice %arg2[%dma_wait3A_833, %dma_wait3A_834] : memref<20000x128xf32, #tpu.memory_space<hbm>> -> memref<20000x128xf32, #tpu.memory_space<hbm>>
      tpu.wait_indirect_dma semaphore(%arg18 : memref<!tpu.dma_semaphore, #tpu.memory_space<semaphore_mem>>) src(%dma_wait3A_835 : memref<20000x128xf32, #tpu.memory_space<hbm>>) dst(%arg9 : memref<40x128xf32, #tpu.memory_space<vmem>>)
      %broadcast_in_dim3A_836 = arith.constant 7 : i32
      %broadcast_in_dim3A_837 = vector.broadcast %broadcast_in_dim3A_836 : i32 to vector<16xi32>
      %scan3A_838 = arith.constant 0 : i32
      %scan3A_839 = arith.constant 0 : i32
      %scan3A_840 = arith.constant 40 : i32
      %scan3A_841 = arith.addi %scan3A_839, %scan3A_840 : i32
      %scan3A_842 = arith.constant 1 : i32
      scf.for %scan3A_1055 = %scan3A_839 to %scan3A_841 step %scan3A_842  : i32 {
        %broadcast_in_dim3A_1056 = vector.broadcast %scan3A_1055 : i32 to vector<16xi32>
        %gather3A = tpu.vector_load_idx %arg16[%broadcast_in_dim3A_837, %broadcast_in_dim3A_1056] : memref<12x40xf32, #tpu.memory_space<vmem>>[vector<16xi32>, vector<16xi32>], vector<16xf32>,
        %get3A = arith.index_cast %scan3A_1055 : i32 to index
        %get3A_1057 = arith.constant 0 : index
        %get3A_1058 = tpu.vector_load %arg9[%get3A, %get3A_1057] {strides = array<i32>} : memref<40x128xf32, #tpu.memory_space<vmem>>, vector<16xf32>,
        %mul3A_1059 = arith.mulf %get3A_1058, %gather3A : vector<16xf32>
        %swap3A = arith.index_cast %scan3A_1055 : i32 to index
        %swap3A_1060 = arith.constant 0 : index
        %swap3A_1061 = tpu.vector_load %arg9[%swap3A, %swap3A_1060] {strides = array<i32>} : memref<40x128xf32, #tpu.memory_space<vmem>>, vector<16xf32>,
        tpu.vector_store %arg9[%swap3A, %swap3A_1060], %mul3A_1059 {strides = array<i32>} : memref<40x128xf32, #tpu.memory_space<vmem>>, vector<16xf32>,
        %get3A_1062 = arith.index_cast %scan3A_1055 : i32 to index
        %get3A_1063 = arith.constant 16 : index
        %get3A_1064 = tpu.vector_load %arg9[%get3A_1062, %get3A_1063] {strides = array<i32>} : memref<40x128xf32, #tpu.memory_space<vmem>>, vector<16xf32>,
        %mul3A_1065 = arith.mulf %get3A_1064, %gather3A : vector<16xf32>
        %swap3A_1066 = arith.index_cast %scan3A_1055 : i32 to index
        %swap3A_1067 = arith.constant 16 : index
        %swap3A_1068 = tpu.vector_load %arg9[%swap3A_1066, %swap3A_1067] {strides = array<i32>} : memref<40x128xf32, #tpu.memory_space<vmem>>, vector<16xf32>,
        tpu.vector_store %arg9[%swap3A_1066, %swap3A_1067], %mul3A_1065 {strides = array<i32>} : memref<40x128xf32, #tpu.memory_space<vmem>>, vector<16xf32>,
        %get3A_1069 = arith.index_cast %scan3A_1055 : i32 to index
        %get3A_1070 = arith.constant 32 : index
        %get3A_1071 = tpu.vector_load %arg9[%get3A_1069, %get3A_1070] {strides = array<i32>} : memref<40x128xf32, #tpu.memory_space<vmem>>, vector<16xf32>,
        %mul3A_1072 = arith.mulf %get3A_1071, %gather3A : vector<16xf32>
        %swap3A_1073 = arith.index_cast %scan3A_1055 : i32 to index
        %swap3A_1074 = arith.constant 32 : index
        %swap3A_1075 = tpu.vector_load %arg9[%swap3A_1073, %swap3A_1074] {strides = array<i32>} : memref<40x128xf32, #tpu.memory_space<vmem>>, vector<16xf32>,
        tpu.vector_store %arg9[%swap3A_1073, %swap3A_1074], %mul3A_1072 {strides = array<i32>} : memref<40x128xf32, #tpu.memory_space<vmem>>, vector<16xf32>,
        %get3A_1076 = arith.index_cast %scan3A_1055 : i32 to index
        %get3A_1077 = arith.constant 48 : index
        %get3A_1078 = tpu.vector_load %arg9[%get3A_1076, %get3A_1077] {strides = array<i32>} : memref<40x128xf32, #tpu.memory_space<vmem>>, vector<16xf32>,
        %mul3A_1079 = arith.mulf %get3A_1078, %gather3A : vector<16xf32>
        %swap3A_1080 = arith.index_cast %scan3A_1055 : i32 to index
        %swap3A_1081 = arith.constant 48 : index
        %swap3A_1082 = tpu.vector_load %arg9[%swap3A_1080, %swap3A_1081] {strides = array<i32>} : memref<40x128xf32, #tpu.memory_space<vmem>>, vector<16xf32>,
        tpu.vector_store %arg9[%swap3A_1080, %swap3A_1081], %mul3A_1079 {strides = array<i32>} : memref<40x128xf32, #tpu.memory_space<vmem>>, vector<16xf32>,
        %get3A_1083 = arith.index_cast %scan3A_1055 : i32 to index
        %get3A_1084 = arith.constant 64 : index
        %get3A_1085 = tpu.vector_load %arg9[%get3A_1083, %get3A_1084] {strides = array<i32>} : memref<40x128xf32, #tpu.memory_space<vmem>>, vector<16xf32>,
        %mul3A_1086 = arith.mulf %get3A_1085, %gather3A : vector<16xf32>
        %swap3A_1087 = arith.index_cast %scan3A_1055 : i32 to index
        %swap3A_1088 = arith.constant 64 : index
        %swap3A_1089 = tpu.vector_load %arg9[%swap3A_1087, %swap3A_1088] {strides = array<i32>} : memref<40x128xf32, #tpu.memory_space<vmem>>, vector<16xf32>,
        tpu.vector_store %arg9[%swap3A_1087, %swap3A_1088], %mul3A_1086 {strides = array<i32>} : memref<40x128xf32, #tpu.memory_space<vmem>>, vector<16xf32>,
        %get3A_1090 = arith.index_cast %scan3A_1055 : i32 to index
        %get3A_1091 = arith.constant 80 : index
        %get3A_1092 = tpu.vector_load %arg9[%get3A_1090, %get3A_1091] {strides = array<i32>} : memref<40x128xf32, #tpu.memory_space<vmem>>, vector<16xf32>,
        %mul3A_1093 = arith.mulf %get3A_1092, %gather3A : vector<16xf32>
        %swap3A_1094 = arith.index_cast %scan3A_1055 : i32 to index
        %swap3A_1095 = arith.constant 80 : index
        %swap3A_1096 = tpu.vector_load %arg9[%swap3A_1094, %swap3A_1095] {strides = array<i32>} : memref<40x128xf32, #tpu.memory_space<vmem>>, vector<16xf32>,
        tpu.vector_store %arg9[%swap3A_1094, %swap3A_1095], %mul3A_1093 {strides = array<i32>} : memref<40x128xf32, #tpu.memory_space<vmem>>, vector<16xf32>,
        %get3A_1097 = arith.index_cast %scan3A_1055 : i32 to index
        %get3A_1098 = arith.constant 96 : index
        %get3A_1099 = tpu.vector_load %arg9[%get3A_1097, %get3A_1098] {strides = array<i32>} : memref<40x128xf32, #tpu.memory_space<vmem>>, vector<16xf32>,
        %mul3A_1100 = arith.mulf %get3A_1099, %gather3A : vector<16xf32>
        %swap3A_1101 = arith.index_cast %scan3A_1055 : i32 to index
        %swap3A_1102 = arith.constant 96 : index
        %swap3A_1103 = tpu.vector_load %arg9[%swap3A_1101, %swap3A_1102] {strides = array<i32>} : memref<40x128xf32, #tpu.memory_space<vmem>>, vector<16xf32>,
        tpu.vector_store %arg9[%swap3A_1101, %swap3A_1102], %mul3A_1100 {strides = array<i32>} : memref<40x128xf32, #tpu.memory_space<vmem>>, vector<16xf32>,
        %get3A_1104 = arith.index_cast %scan3A_1055 : i32 to index
        %get3A_1105 = arith.constant 112 : index
        %get3A_1106 = tpu.vector_load %arg9[%get3A_1104, %get3A_1105] {strides = array<i32>} : memref<40x128xf32, #tpu.memory_space<vmem>>, vector<16xf32>,
        %mul3A_1107 = arith.mulf %get3A_1106, %gather3A : vector<16xf32>
        %swap3A_1108 = arith.index_cast %scan3A_1055 : i32 to index
        %swap3A_1109 = arith.constant 112 : index
        %swap3A_1110 = tpu.vector_load %arg9[%swap3A_1108, %swap3A_1109] {strides = array<i32>} : memref<40x128xf32, #tpu.memory_space<vmem>>, vector<16xf32>,
        tpu.vector_store %arg9[%swap3A_1108, %swap3A_1109], %mul3A_1107 {strides = array<i32>} : memref<40x128xf32, #tpu.memory_space<vmem>>, vector<16xf32>,
      }
      %scan3A_843 = arith.constant 40 : i32
      %dma_start3A_844 = arith.constant 7 : i32
      %dma_start3A_845 = arith.constant 0 : i32
      %dma_start3A_846 = tpu.memref_slice %arg15[%dma_start3A_844, %dma_start3A_845] : memref<12x40xi32, #tpu.memory_space<vmem>> -> memref<1x40xi32, #tpu.memory_space<vmem>>
      %dma_start3A_847 = tpu.memref_squeeze %dma_start3A_846 : memref<1x40xi32, #tpu.memory_space<vmem>> -> memref<40xi32, #tpu.memory_space<vmem>>
      %dma_start3A_848 = arith.constant 0 : i32
      %dma_start3A_849 = arith.constant 0 : i32
      %dma_start3A_850 = tpu.memref_slice %arg41[%dma_start3A_848, %dma_start3A_849] : memref<10240x128xf32, #tpu.memory_space<vmem_shared>> -> memref<10240x128xf32, #tpu.memory_space<vmem_shared>>
      tpu.enqueue_indirect_dma source(%arg9 : memref<40x128xf32, #tpu.memory_space<vmem>>) target(%dma_start3A_850 : memref<10240x128xf32, #tpu.memory_space<vmem_shared>>) offsets(%dma_start3A_847 : memref<40xi32, #tpu.memory_space<vmem>>) semaphore(%arg24 : memref<!tpu.dma_semaphore, #tpu.memory_space<semaphore_mem>>) {add = true}
      %add3A_851 = arith.constant 4 : i32
      %add3A_852 = arith.addi %add3A_828, %add3A_851 : i32
      %lt3A_853 = arith.constant 252 : i32
      %lt3A_854 = arith.cmpi slt, %add3A_852, %lt3A_853 : i32
      %convert_element_type3A_855 = arith.extui %lt3A_854 : i1 to i32
      %cond3A_856 = arith.constant 0 : i32
      %cond3A_857 = arith.cmpi ne, %convert_element_type3A_855, %cond3A_856 : i32
      scf.if %cond3A_857 {
        %ge3A = arith.constant 2 : i32
        %ge3A_1055 = arith.cmpi sge, %add3A_828, %ge3A : i32
        %convert_element_type3A_1056 = arith.extui %ge3A_1055 : i1 to i32
        %cond3A_1057 = arith.constant 0 : i32
        %cond3A_1058 = arith.cmpi ne, %convert_element_type3A_1056, %cond3A_1057 : i32
        scf.if %cond3A_1058 {
          %dma_wait3A_1107 = arith.constant 11 : i32
          %dma_wait3A_1108 = arith.constant 0 : i32
          %dma_wait3A_1109 = tpu.memref_slice %arg15[%dma_wait3A_1107, %dma_wait3A_1108] : memref<12x40xi32, #tpu.memory_space<vmem>> -> memref<1x40xi32, #tpu.memory_space<vmem>>
          %dma_wait3A_1110 = tpu.memref_squeeze %dma_wait3A_1109 : memref<1x40xi32, #tpu.memory_space<vmem>> -> memref<40xi32, #tpu.memory_space<vmem>>
          %dma_wait3A_1111 = arith.constant 0 : i32
          %dma_wait3A_1112 = arith.constant 0 : i32
          %dma_wait3A_1113 = tpu.memref_slice %arg41[%dma_wait3A_1111, %dma_wait3A_1112] : memref<10240x128xf32, #tpu.memory_space<vmem_shared>> -> memref<10240x128xf32, #tpu.memory_space<vmem_shared>>
          tpu.wait_indirect_dma semaphore(%arg28 : memref<!tpu.dma_semaphore, #tpu.memory_space<semaphore_mem>>) src(%arg13 : memref<40x128xf32, #tpu.memory_space<vmem>>) dst(%dma_wait3A_1113 : memref<10240x128xf32, #tpu.memory_space<vmem_shared>>)
        } else {
        }
        %add3A_1059 = arith.constant 4 : i32
        %add3A_1060 = arith.addi %add3A_828, %add3A_1059 : i32
        %dma_wait3A_1061 = arith.constant 11 : i32
        %dma_wait3A_1062 = arith.constant 0 : i32
        %dma_wait3A_1063 = tpu.memref_slice %arg14[%dma_wait3A_1061, %dma_wait3A_1062] : memref<12x40xi32, #tpu.memory_space<vmem>> -> memref<1x40xi32, #tpu.memory_space<vmem>>
        %dma_wait3A_1064 = tpu.memref_squeeze %dma_wait3A_1063 : memref<1x40xi32, #tpu.memory_space<vmem>> -> memref<40xi32, #tpu.memory_space<vmem>>
        %dma_wait3A_1065 = arith.constant 0 : i32
        %dma_wait3A_1066 = tpu.memref_slice %arg3[%add3A, %add3A_1060, %dma_wait3A_1065] : memref<32x252x40xi32, #tpu.memory_space<hbm>> -> memref<1x1x40xi32, #tpu.memory_space<hbm>>
        %dma_wait3A_1067 = tpu.memref_squeeze %dma_wait3A_1066 : memref<1x1x40xi32, #tpu.memory_space<hbm>> -> memref<40xi32, #tpu.memory_space<hbm>>
        %dma_wait3A_1068 = arith.constant 0 : i32
        %dma_wait3A_1069 = tpu.memref_slice %arg14[%dma_wait3A_1061, %dma_wait3A_1068] : memref<12x40xi32, #tpu.memory_space<vmem>> -> memref<1x40xi32, #tpu.memory_space<vmem>>
        %dma_wait3A_1070 = tpu.memref_squeeze %dma_wait3A_1069 : memref<1x40xi32, #tpu.memory_space<vmem>> -> memref<40xi32, #tpu.memory_space<vmem>>
        %dma_wait3A_1071 = arith.constant 0 : i32
        %dma_wait3A_1072 = tpu.memref_slice %arg3[%add3A, %add3A_1060, %dma_wait3A_1071] : memref<32x252x40xi32, #tpu.memory_space<hbm>> -> memref<1x1x40xi32, #tpu.memory_space<hbm>>
        %dma_wait3A_1073 = tpu.memref_squeeze %dma_wait3A_1072 : memref<1x1x40xi32, #tpu.memory_space<hbm>> -> memref<40xi32, #tpu.memory_space<hbm>>
        tpu.wait_dma2 semaphore(%arg40 : memref<!tpu.dma_semaphore, #tpu.memory_space<semaphore_mem>>) src(%dma_wait3A_1073 : memref<40xi32, #tpu.memory_space<hbm>>) dst(%dma_wait3A_1070 : memref<40xi32, #tpu.memory_space<vmem>>)
        %dma_wait3A_1074 = arith.constant 11 : i32
        %dma_wait3A_1075 = arith.constant 0 : i32
        %dma_wait3A_1076 = tpu.memref_slice %arg15[%dma_wait3A_1074, %dma_wait3A_1075] : memref<12x40xi32, #tpu.memory_space<vmem>> -> memref<1x40xi32, #tpu.memory_space<vmem>>
        %dma_wait3A_1077 = tpu.memref_squeeze %dma_wait3A_1076 : memref<1x40xi32, #tpu.memory_space<vmem>> -> memref<40xi32, #tpu.memory_space<vmem>>
        %dma_wait3A_1078 = arith.constant 0 : i32
        %dma_wait3A_1079 = tpu.memref_slice %arg4[%add3A, %add3A_1060, %dma_wait3A_1078] : memref<32x252x40xi32, #tpu.memory_space<hbm>> -> memref<1x1x40xi32, #tpu.memory_space<hbm>>
        %dma_wait3A_1080 = tpu.memref_squeeze %dma_wait3A_1079 : memref<1x1x40xi32, #tpu.memory_space<hbm>> -> memref<40xi32, #tpu.memory_space<hbm>>
        %dma_wait3A_1081 = arith.constant 0 : i32
        %dma_wait3A_1082 = tpu.memref_slice %arg15[%dma_wait3A_1074, %dma_wait3A_1081] : memref<12x40xi32, #tpu.memory_space<vmem>> -> memref<1x40xi32, #tpu.memory_space<vmem>>
        %dma_wait3A_1083 = tpu.memref_squeeze %dma_wait3A_1082 : memref<1x40xi32, #tpu.memory_space<vmem>> -> memref<40xi32, #tpu.memory_space<vmem>>
        %dma_wait3A_1084 = arith.constant 0 : i32
        %dma_wait3A_1085 = tpu.memref_slice %arg4[%add3A, %add3A_1060, %dma_wait3A_1084] : memref<32x252x40xi32, #tpu.memory_space<hbm>> -> memref<1x1x40xi32, #tpu.memory_space<hbm>>
        %dma_wait3A_1086 = tpu.memref_squeeze %dma_wait3A_1085 : memref<1x1x40xi32, #tpu.memory_space<hbm>> -> memref<40xi32, #tpu.memory_space<hbm>>
        tpu.wait_dma2 semaphore(%arg40 : memref<!tpu.dma_semaphore, #tpu.memory_space<semaphore_mem>>) src(%dma_wait3A_1086 : memref<40xi32, #tpu.memory_space<hbm>>) dst(%dma_wait3A_1083 : memref<40xi32, #tpu.memory_space<vmem>>)
        %dma_wait3A_1087 = arith.constant 11 : i32
        %dma_wait3A_1088 = arith.constant 0 : i32
        %dma_wait3A_1089 = tpu.memref_slice %arg16[%dma_wait3A_1087, %dma_wait3A_1088] : memref<12x40xf32, #tpu.memory_space<vmem>> -> memref<1x40xf32, #tpu.memory_space<vmem>>
        %dma_wait3A_1090 = tpu.memref_squeeze %dma_wait3A_1089 : memref<1x40xf32, #tpu.memory_space<vmem>> -> memref<40xf32, #tpu.memory_space<vmem>>
        %dma_wait3A_1091 = arith.constant 0 : i32
        %dma_wait3A_1092 = tpu.memref_slice %arg5[%add3A, %add3A_1060, %dma_wait3A_1091] : memref<32x252x40xf32, #tpu.memory_space<hbm>> -> memref<1x1x40xf32, #tpu.memory_space<hbm>>
        %dma_wait3A_1093 = tpu.memref_squeeze %dma_wait3A_1092 : memref<1x1x40xf32, #tpu.memory_space<hbm>> -> memref<40xf32, #tpu.memory_space<hbm>>
        %dma_wait3A_1094 = arith.constant 0 : i32
        %dma_wait3A_1095 = tpu.memref_slice %arg16[%dma_wait3A_1087, %dma_wait3A_1094] : memref<12x40xf32, #tpu.memory_space<vmem>> -> memref<1x40xf32, #tpu.memory_space<vmem>>
        %dma_wait3A_1096 = tpu.memref_squeeze %dma_wait3A_1095 : memref<1x40xf32, #tpu.memory_space<vmem>> -> memref<40xf32, #tpu.memory_space<vmem>>
        %dma_wait3A_1097 = arith.constant 0 : i32
        %dma_wait3A_1098 = tpu.memref_slice %arg5[%add3A, %add3A_1060, %dma_wait3A_1097] : memref<32x252x40xf32, #tpu.memory_space<hbm>> -> memref<1x1x40xf32, #tpu.memory_space<hbm>>
        %dma_wait3A_1099 = tpu.memref_squeeze %dma_wait3A_1098 : memref<1x1x40xf32, #tpu.memory_space<hbm>> -> memref<40xf32, #tpu.memory_space<hbm>>
        tpu.wait_dma2 semaphore(%arg40 : memref<!tpu.dma_semaphore, #tpu.memory_space<semaphore_mem>>) src(%dma_wait3A_1099 : memref<40xf32, #tpu.memory_space<hbm>>) dst(%dma_wait3A_1096 : memref<40xf32, #tpu.memory_space<vmem>>)
        %dma_start3A_1100 = arith.constant 11 : i32
        %dma_start3A_1101 = arith.constant 0 : i32
        %dma_start3A_1102 = tpu.memref_slice %arg14[%dma_start3A_1100, %dma_start3A_1101] : memref<12x40xi32, #tpu.memory_space<vmem>> -> memref<1x40xi32, #tpu.memory_space<vmem>>
        %dma_start3A_1103 = tpu.memref_squeeze %dma_start3A_1102 : memref<1x40xi32, #tpu.memory_space<vmem>> -> memref<40xi32, #tpu.memory_space<vmem>>
        %dma_start3A_1104 = arith.constant 0 : i32
        %dma_start3A_1105 = arith.constant 0 : i32
        %dma_start3A_1106 = tpu.memref_slice %arg2[%dma_start3A_1104, %dma_start3A_1105] : memref<20000x128xf32, #tpu.memory_space<hbm>> -> memref<20000x128xf32, #tpu.memory_space<hbm>>
        tpu.enqueue_indirect_dma source(%dma_start3A_1106 : memref<20000x128xf32, #tpu.memory_space<hbm>>) target(%arg13 : memref<40x128xf32, #tpu.memory_space<vmem>>) offsets(%dma_start3A_1103 : memref<40xi32, #tpu.memory_space<vmem>>) semaphore(%arg22 : memref<!tpu.dma_semaphore, #tpu.memory_space<semaphore_mem>>)
      } else {
      }
      %add3A_858 = arith.constant 8 : i32
      %add3A_859 = arith.addi %add3A_828, %add3A_858 : i32
      %lt3A_860 = arith.constant 252 : i32
      %lt3A_861 = arith.cmpi slt, %add3A_859, %lt3A_860 : i32
      %convert_element_type3A_862 = arith.extui %lt3A_861 : i1 to i32
      %cond3A_863 = arith.constant 0 : i32
      %cond3A_864 = arith.cmpi ne, %convert_element_type3A_862, %cond3A_863 : i32
      scf.if %cond3A_864 {
        %add3A_1055 = arith.constant 8 : i32
        %add3A_1056 = arith.addi %add3A_828, %add3A_1055 : i32
        %dma_start3A_1057 = arith.constant 3 : i32
        %dma_start3A_1058 = arith.constant 0 : i32
        %dma_start3A_1059 = tpu.memref_slice %arg14[%dma_start3A_1057, %dma_start3A_1058] : memref<12x40xi32, #tpu.memory_space<vmem>> -> memref<1x40xi32, #tpu.memory_space<vmem>>
        %dma_start3A_1060 = tpu.memref_squeeze %dma_start3A_1059 : memref<1x40xi32, #tpu.memory_space<vmem>> -> memref<40xi32, #tpu.memory_space<vmem>>
        %dma_start3A_1061 = arith.constant 0 : i32
        %dma_start3A_1062 = tpu.memref_slice %arg3[%add3A, %add3A_1056, %dma_start3A_1061] : memref<32x252x40xi32, #tpu.memory_space<hbm>> -> memref<1x1x40xi32, #tpu.memory_space<hbm>>
        %dma_start3A_1063 = tpu.memref_squeeze %dma_start3A_1062 : memref<1x1x40xi32, #tpu.memory_space<hbm>> -> memref<40xi32, #tpu.memory_space<hbm>>
        %dma_start3A_1064 = arith.constant 0 : i32
        %dma_start3A_1065 = tpu.memref_slice %arg14[%dma_start3A_1057, %dma_start3A_1064] : memref<12x40xi32, #tpu.memory_space<vmem>> -> memref<1x40xi32, #tpu.memory_space<vmem>>
        %dma_start3A_1066 = tpu.memref_squeeze %dma_start3A_1065 : memref<1x40xi32, #tpu.memory_space<vmem>> -> memref<40xi32, #tpu.memory_space<vmem>>
        %dma_start3A_1067 = arith.constant 0 : i32
        %dma_start3A_1068 = tpu.memref_slice %arg3[%add3A, %add3A_1056, %dma_start3A_1067] : memref<32x252x40xi32, #tpu.memory_space<hbm>> -> memref<1x1x40xi32, #tpu.memory_space<hbm>>
        %dma_start3A_1069 = tpu.memref_squeeze %dma_start3A_1068 : memref<1x1x40xi32, #tpu.memory_space<hbm>> -> memref<40xi32, #tpu.memory_space<hbm>>
        tpu.enqueue_dma source(%dma_start3A_1069 : memref<40xi32, #tpu.memory_space<hbm>>) target(%dma_start3A_1066 : memref<40xi32, #tpu.memory_space<vmem>>) target_semaphore(%arg32 : memref<!tpu.dma_semaphore, #tpu.memory_space<semaphore_mem>>)
        %dma_start3A_1070 = arith.constant 3 : i32
        %dma_start3A_1071 = arith.constant 0 : i32
        %dma_start3A_1072 = tpu.memref_slice %arg15[%dma_start3A_1070, %dma_start3A_1071] : memref<12x40xi32, #tpu.memory_space<vmem>> -> memref<1x40xi32, #tpu.memory_space<vmem>>
        %dma_start3A_1073 = tpu.memref_squeeze %dma_start3A_1072 : memref<1x40xi32, #tpu.memory_space<vmem>> -> memref<40xi32, #tpu.memory_space<vmem>>
        %dma_start3A_1074 = arith.constant 0 : i32
        %dma_start3A_1075 = tpu.memref_slice %arg4[%add3A, %add3A_1056, %dma_start3A_1074] : memref<32x252x40xi32, #tpu.memory_space<hbm>> -> memref<1x1x40xi32, #tpu.memory_space<hbm>>
        %dma_start3A_1076 = tpu.memref_squeeze %dma_start3A_1075 : memref<1x1x40xi32, #tpu.memory_space<hbm>> -> memref<40xi32, #tpu.memory_space<hbm>>
        %dma_start3A_1077 = arith.constant 0 : i32
        %dma_start3A_1078 = tpu.memref_slice %arg15[%dma_start3A_1070, %dma_start3A_1077] : memref<12x40xi32, #tpu.memory_space<vmem>> -> memref<1x40xi32, #tpu.memory_space<vmem>>
        %dma_start3A_1079 = tpu.memref_squeeze %dma_start3A_1078 : memref<1x40xi32, #tpu.memory_space<vmem>> -> memref<40xi32, #tpu.memory_space<vmem>>
        %dma_start3A_1080 = arith.constant 0 : i32
        %dma_start3A_1081 = tpu.memref_slice %arg4[%add3A, %add3A_1056, %dma_start3A_1080] : memref<32x252x40xi32, #tpu.memory_space<hbm>> -> memref<1x1x40xi32, #tpu.memory_space<hbm>>
        %dma_start3A_1082 = tpu.memref_squeeze %dma_start3A_1081 : memref<1x1x40xi32, #tpu.memory_space<hbm>> -> memref<40xi32, #tpu.memory_space<hbm>>
        tpu.enqueue_dma source(%dma_start3A_1082 : memref<40xi32, #tpu.memory_space<hbm>>) target(%dma_start3A_1079 : memref<40xi32, #tpu.memory_space<vmem>>) target_semaphore(%arg32 : memref<!tpu.dma_semaphore, #tpu.memory_space<semaphore_mem>>)
        %dma_start3A_1083 = arith.constant 3 : i32
        %dma_start3A_1084 = arith.constant 0 : i32
        %dma_start3A_1085 = tpu.memref_slice %arg16[%dma_start3A_1083, %dma_start3A_1084] : memref<12x40xf32, #tpu.memory_space<vmem>> -> memref<1x40xf32, #tpu.memory_space<vmem>>
        %dma_start3A_1086 = tpu.memref_squeeze %dma_start3A_1085 : memref<1x40xf32, #tpu.memory_space<vmem>> -> memref<40xf32, #tpu.memory_space<vmem>>
        %dma_start3A_1087 = arith.constant 0 : i32
        %dma_start3A_1088 = tpu.memref_slice %arg5[%add3A, %add3A_1056, %dma_start3A_1087] : memref<32x252x40xf32, #tpu.memory_space<hbm>> -> memref<1x1x40xf32, #tpu.memory_space<hbm>>
        %dma_start3A_1089 = tpu.memref_squeeze %dma_start3A_1088 : memref<1x1x40xf32, #tpu.memory_space<hbm>> -> memref<40xf32, #tpu.memory_space<hbm>>
        %dma_start3A_1090 = arith.constant 0 : i32
        %dma_start3A_1091 = tpu.memref_slice %arg16[%dma_start3A_1083, %dma_start3A_1090] : memref<12x40xf32, #tpu.memory_space<vmem>> -> memref<1x40xf32, #tpu.memory_space<vmem>>
        %dma_start3A_1092 = tpu.memref_squeeze %dma_start3A_1091 : memref<1x40xf32, #tpu.memory_space<vmem>> -> memref<40xf32, #tpu.memory_space<vmem>>
        %dma_start3A_1093 = arith.constant 0 : i32
        %dma_start3A_1094 = tpu.memref_slice %arg5[%add3A, %add3A_1056, %dma_start3A_1093] : memref<32x252x40xf32, #tpu.memory_space<hbm>> -> memref<1x1x40xf32, #tpu.memory_space<hbm>>
        %dma_start3A_1095 = tpu.memref_squeeze %dma_start3A_1094 : memref<1x1x40xf32, #tpu.memory_space<hbm>> -> memref<40xf32, #tpu.memory_space<hbm>>
        tpu.enqueue_dma source(%dma_start3A_1095 : memref<40xf32, #tpu.memory_space<hbm>>) target(%dma_start3A_1092 : memref<40xf32, #tpu.memory_space<vmem>>) target_semaphore(%arg32 : memref<!tpu.dma_semaphore, #tpu.memory_space<semaphore_mem>>)
      } else {
      }
      %eq3A_865 = arith.constant 20 : i32
      %eq3A_866 = arith.cmpi eq, %scan3A_543, %eq3A_865 : i32
      %convert_element_type3A_867 = arith.extui %eq3A_866 : i1 to i32
      %cond3A_868 = arith.constant 7 : i32
      %cond3A_869 = arith.constant 0 : i32
      %cond3A_870 = arith.cmpi ne, %convert_element_type3A_867, %cond3A_869 : i32
      scf.if %cond3A_870 {
        %dma_wait3A_1055 = arith.constant 0 : i32
        %dma_wait3A_1056 = tpu.memref_slice %arg15[%cond3A_868, %dma_wait3A_1055] : memref<12x40xi32, #tpu.memory_space<vmem>> -> memref<1x40xi32, #tpu.memory_space<vmem>>
        %dma_wait3A_1057 = tpu.memref_squeeze %dma_wait3A_1056 : memref<1x40xi32, #tpu.memory_space<vmem>> -> memref<40xi32, #tpu.memory_space<vmem>>
        %dma_wait3A_1058 = arith.constant 0 : i32
        %dma_wait3A_1059 = arith.constant 0 : i32
        %dma_wait3A_1060 = tpu.memref_slice %arg41[%dma_wait3A_1058, %dma_wait3A_1059] : memref<10240x128xf32, #tpu.memory_space<vmem_shared>> -> memref<10240x128xf32, #tpu.memory_space<vmem_shared>>
        tpu.wait_indirect_dma semaphore(%arg24 : memref<!tpu.dma_semaphore, #tpu.memory_space<semaphore_mem>>) src(%arg9 : memref<40x128xf32, #tpu.memory_space<vmem>>) dst(%dma_wait3A_1060 : memref<10240x128xf32, #tpu.memory_space<vmem_shared>>)
      } else {
      }
      %mul3A_871 = arith.constant 12 : i32
      %mul3A_872 = arith.muli %scan3A_543, %mul3A_871 : i32
      %add3A_873 = arith.constant 8 : i32
      %add3A_874 = arith.addi %mul3A_872, %add3A_873 : i32
      %dma_wait3A_875 = arith.constant 8 : i32
      %dma_wait3A_876 = arith.constant 0 : i32
      %dma_wait3A_877 = tpu.memref_slice %arg14[%dma_wait3A_875, %dma_wait3A_876] : memref<12x40xi32, #tpu.memory_space<vmem>> -> memref<1x40xi32, #tpu.memory_space<vmem>>
      %dma_wait3A_878 = tpu.memref_squeeze %dma_wait3A_877 : memref<1x40xi32, #tpu.memory_space<vmem>> -> memref<40xi32, #tpu.memory_space<vmem>>
      %dma_wait3A_879 = arith.constant 0 : i32
      %dma_wait3A_880 = arith.constant 0 : i32
      %dma_wait3A_881 = tpu.memref_slice %arg2[%dma_wait3A_879, %dma_wait3A_880] : memref<20000x128xf32, #tpu.memory_space<hbm>> -> memref<20000x128xf32, #tpu.memory_space<hbm>>
      tpu.wait_indirect_dma semaphore(%arg19 : memref<!tpu.dma_semaphore, #tpu.memory_space<semaphore_mem>>) src(%dma_wait3A_881 : memref<20000x128xf32, #tpu.memory_space<hbm>>) dst(%arg10 : memref<40x128xf32, #tpu.memory_space<vmem>>)
      %broadcast_in_dim3A_882 = arith.constant 8 : i32
      %broadcast_in_dim3A_883 = vector.broadcast %broadcast_in_dim3A_882 : i32 to vector<16xi32>
      %scan3A_884 = arith.constant 0 : i32
      %scan3A_885 = arith.constant 0 : i32
      %scan3A_886 = arith.constant 40 : i32
      %scan3A_887 = arith.addi %scan3A_885, %scan3A_886 : i32
      %scan3A_888 = arith.constant 1 : i32
      scf.for %scan3A_1055 = %scan3A_885 to %scan3A_887 step %scan3A_888  : i32 {
        %broadcast_in_dim3A_1056 = vector.broadcast %scan3A_1055 : i32 to vector<16xi32>
        %gather3A = tpu.vector_load_idx %arg16[%broadcast_in_dim3A_883, %broadcast_in_dim3A_1056] : memref<12x40xf32, #tpu.memory_space<vmem>>[vector<16xi32>, vector<16xi32>], vector<16xf32>,
        %get3A = arith.index_cast %scan3A_1055 : i32 to index
        %get3A_1057 = arith.constant 0 : index
        %get3A_1058 = tpu.vector_load %arg10[%get3A, %get3A_1057] {strides = array<i32>} : memref<40x128xf32, #tpu.memory_space<vmem>>, vector<16xf32>,
        %mul3A_1059 = arith.mulf %get3A_1058, %gather3A : vector<16xf32>
        %swap3A = arith.index_cast %scan3A_1055 : i32 to index
        %swap3A_1060 = arith.constant 0 : index
        %swap3A_1061 = tpu.vector_load %arg10[%swap3A, %swap3A_1060] {strides = array<i32>} : memref<40x128xf32, #tpu.memory_space<vmem>>, vector<16xf32>,
        tpu.vector_store %arg10[%swap3A, %swap3A_1060], %mul3A_1059 {strides = array<i32>} : memref<40x128xf32, #tpu.memory_space<vmem>>, vector<16xf32>,
        %get3A_1062 = arith.index_cast %scan3A_1055 : i32 to index
        %get3A_1063 = arith.constant 16 : index
        %get3A_1064 = tpu.vector_load %arg10[%get3A_1062, %get3A_1063] {strides = array<i32>} : memref<40x128xf32, #tpu.memory_space<vmem>>, vector<16xf32>,
        %mul3A_1065 = arith.mulf %get3A_1064, %gather3A : vector<16xf32>
        %swap3A_1066 = arith.index_cast %scan3A_1055 : i32 to index
        %swap3A_1067 = arith.constant 16 : index
        %swap3A_1068 = tpu.vector_load %arg10[%swap3A_1066, %swap3A_1067] {strides = array<i32>} : memref<40x128xf32, #tpu.memory_space<vmem>>, vector<16xf32>,
        tpu.vector_store %arg10[%swap3A_1066, %swap3A_1067], %mul3A_1065 {strides = array<i32>} : memref<40x128xf32, #tpu.memory_space<vmem>>, vector<16xf32>,
        %get3A_1069 = arith.index_cast %scan3A_1055 : i32 to index
        %get3A_1070 = arith.constant 32 : index
        %get3A_1071 = tpu.vector_load %arg10[%get3A_1069, %get3A_1070] {strides = array<i32>} : memref<40x128xf32, #tpu.memory_space<vmem>>, vector<16xf32>,
        %mul3A_1072 = arith.mulf %get3A_1071, %gather3A : vector<16xf32>
        %swap3A_1073 = arith.index_cast %scan3A_1055 : i32 to index
        %swap3A_1074 = arith.constant 32 : index
        %swap3A_1075 = tpu.vector_load %arg10[%swap3A_1073, %swap3A_1074] {strides = array<i32>} : memref<40x128xf32, #tpu.memory_space<vmem>>, vector<16xf32>,
        tpu.vector_store %arg10[%swap3A_1073, %swap3A_1074], %mul3A_1072 {strides = array<i32>} : memref<40x128xf32, #tpu.memory_space<vmem>>, vector<16xf32>,
        %get3A_1076 = arith.index_cast %scan3A_1055 : i32 to index
        %get3A_1077 = arith.constant 48 : index
        %get3A_1078 = tpu.vector_load %arg10[%get3A_1076, %get3A_1077] {strides = array<i32>} : memref<40x128xf32, #tpu.memory_space<vmem>>, vector<16xf32>,
        %mul3A_1079 = arith.mulf %get3A_1078, %gather3A : vector<16xf32>
        %swap3A_1080 = arith.index_cast %scan3A_1055 : i32 to index
        %swap3A_1081 = arith.constant 48 : index
        %swap3A_1082 = tpu.vector_load %arg10[%swap3A_1080, %swap3A_1081] {strides = array<i32>} : memref<40x128xf32, #tpu.memory_space<vmem>>, vector<16xf32>,
        tpu.vector_store %arg10[%swap3A_1080, %swap3A_1081], %mul3A_1079 {strides = array<i32>} : memref<40x128xf32, #tpu.memory_space<vmem>>, vector<16xf32>,
        %get3A_1083 = arith.index_cast %scan3A_1055 : i32 to index
        %get3A_1084 = arith.constant 64 : index
        %get3A_1085 = tpu.vector_load %arg10[%get3A_1083, %get3A_1084] {strides = array<i32>} : memref<40x128xf32, #tpu.memory_space<vmem>>, vector<16xf32>,
        %mul3A_1086 = arith.mulf %get3A_1085, %gather3A : vector<16xf32>
        %swap3A_1087 = arith.index_cast %scan3A_1055 : i32 to index
        %swap3A_1088 = arith.constant 64 : index
        %swap3A_1089 = tpu.vector_load %arg10[%swap3A_1087, %swap3A_1088] {strides = array<i32>} : memref<40x128xf32, #tpu.memory_space<vmem>>, vector<16xf32>,
        tpu.vector_store %arg10[%swap3A_1087, %swap3A_1088], %mul3A_1086 {strides = array<i32>} : memref<40x128xf32, #tpu.memory_space<vmem>>, vector<16xf32>,
        %get3A_1090 = arith.index_cast %scan3A_1055 : i32 to index
        %get3A_1091 = arith.constant 80 : index
        %get3A_1092 = tpu.vector_load %arg10[%get3A_1090, %get3A_1091] {strides = array<i32>} : memref<40x128xf32, #tpu.memory_space<vmem>>, vector<16xf32>,
        %mul3A_1093 = arith.mulf %get3A_1092, %gather3A : vector<16xf32>
        %swap3A_1094 = arith.index_cast %scan3A_1055 : i32 to index
        %swap3A_1095 = arith.constant 80 : index
        %swap3A_1096 = tpu.vector_load %arg10[%swap3A_1094, %swap3A_1095] {strides = array<i32>} : memref<40x128xf32, #tpu.memory_space<vmem>>, vector<16xf32>,
        tpu.vector_store %arg10[%swap3A_1094, %swap3A_1095], %mul3A_1093 {strides = array<i32>} : memref<40x128xf32, #tpu.memory_space<vmem>>, vector<16xf32>,
        %get3A_1097 = arith.index_cast %scan3A_1055 : i32 to index
        %get3A_1098 = arith.constant 96 : index
        %get3A_1099 = tpu.vector_load %arg10[%get3A_1097, %get3A_1098] {strides = array<i32>} : memref<40x128xf32, #tpu.memory_space<vmem>>, vector<16xf32>,
        %mul3A_1100 = arith.mulf %get3A_1099, %gather3A : vector<16xf32>
        %swap3A_1101 = arith.index_cast %scan3A_1055 : i32 to index
        %swap3A_1102 = arith.constant 96 : index
        %swap3A_1103 = tpu.vector_load %arg10[%swap3A_1101, %swap3A_1102] {strides = array<i32>} : memref<40x128xf32, #tpu.memory_space<vmem>>, vector<16xf32>,
        tpu.vector_store %arg10[%swap3A_1101, %swap3A_1102], %mul3A_1100 {strides = array<i32>} : memref<40x128xf32, #tpu.memory_space<vmem>>, vector<16xf32>,
        %get3A_1104 = arith.index_cast %scan3A_1055 : i32 to index
        %get3A_1105 = arith.constant 112 : index
        %get3A_1106 = tpu.vector_load %arg10[%get3A_1104, %get3A_1105] {strides = array<i32>} : memref<40x128xf32, #tpu.memory_space<vmem>>, vector<16xf32>,
        %mul3A_1107 = arith.mulf %get3A_1106, %gather3A : vector<16xf32>
        %swap3A_1108 = arith.index_cast %scan3A_1055 : i32 to index
        %swap3A_1109 = arith.constant 112 : index
        %swap3A_1110 = tpu.vector_load %arg10[%swap3A_1108, %swap3A_1109] {strides = array<i32>} : memref<40x128xf32, #tpu.memory_space<vmem>>, vector<16xf32>,
        tpu.vector_store %arg10[%swap3A_1108, %swap3A_1109], %mul3A_1107 {strides = array<i32>} : memref<40x128xf32, #tpu.memory_space<vmem>>, vector<16xf32>,
      }
      %scan3A_889 = arith.constant 40 : i32
      %dma_start3A_890 = arith.constant 8 : i32
      %dma_start3A_891 = arith.constant 0 : i32
      %dma_start3A_892 = tpu.memref_slice %arg15[%dma_start3A_890, %dma_start3A_891] : memref<12x40xi32, #tpu.memory_space<vmem>> -> memref<1x40xi32, #tpu.memory_space<vmem>>
      %dma_start3A_893 = tpu.memref_squeeze %dma_start3A_892 : memref<1x40xi32, #tpu.memory_space<vmem>> -> memref<40xi32, #tpu.memory_space<vmem>>
      %dma_start3A_894 = arith.constant 0 : i32
      %dma_start3A_895 = arith.constant 0 : i32
      %dma_start3A_896 = tpu.memref_slice %arg41[%dma_start3A_894, %dma_start3A_895] : memref<10240x128xf32, #tpu.memory_space<vmem_shared>> -> memref<10240x128xf32, #tpu.memory_space<vmem_shared>>
      tpu.enqueue_indirect_dma source(%arg10 : memref<40x128xf32, #tpu.memory_space<vmem>>) target(%dma_start3A_896 : memref<10240x128xf32, #tpu.memory_space<vmem_shared>>) offsets(%dma_start3A_893 : memref<40xi32, #tpu.memory_space<vmem>>) semaphore(%arg25 : memref<!tpu.dma_semaphore, #tpu.memory_space<semaphore_mem>>) {add = true}
      %add3A_897 = arith.constant 4 : i32
      %add3A_898 = arith.addi %add3A_874, %add3A_897 : i32
      %lt3A_899 = arith.constant 252 : i32
      %lt3A_900 = arith.cmpi slt, %add3A_898, %lt3A_899 : i32
      %convert_element_type3A_901 = arith.extui %lt3A_900 : i1 to i32
      %cond3A_902 = arith.constant 0 : i32
      %cond3A_903 = arith.cmpi ne, %convert_element_type3A_901, %cond3A_902 : i32
      scf.if %cond3A_903 {
        %ge3A = arith.constant 2 : i32
        %ge3A_1055 = arith.cmpi sge, %add3A_874, %ge3A : i32
        %convert_element_type3A_1056 = arith.extui %ge3A_1055 : i1 to i32
        %cond3A_1057 = arith.constant 0 : i32
        %cond3A_1058 = arith.cmpi ne, %convert_element_type3A_1056, %cond3A_1057 : i32
        scf.if %cond3A_1058 {
          %dma_wait3A_1107 = arith.constant 0 : i32
          %dma_wait3A_1108 = arith.constant 0 : i32
          %dma_wait3A_1109 = tpu.memref_slice %arg15[%dma_wait3A_1107, %dma_wait3A_1108] : memref<12x40xi32, #tpu.memory_space<vmem>> -> memref<1x40xi32, #tpu.memory_space<vmem>>
          %dma_wait3A_1110 = tpu.memref_squeeze %dma_wait3A_1109 : memref<1x40xi32, #tpu.memory_space<vmem>> -> memref<40xi32, #tpu.memory_space<vmem>>
          %dma_wait3A_1111 = arith.constant 0 : i32
          %dma_wait3A_1112 = arith.constant 0 : i32
          %dma_wait3A_1113 = tpu.memref_slice %arg41[%dma_wait3A_1111, %dma_wait3A_1112] : memref<10240x128xf32, #tpu.memory_space<vmem_shared>> -> memref<10240x128xf32, #tpu.memory_space<vmem_shared>>
          tpu.wait_indirect_dma semaphore(%arg23 : memref<!tpu.dma_semaphore, #tpu.memory_space<semaphore_mem>>) src(%arg8 : memref<40x128xf32, #tpu.memory_space<vmem>>) dst(%dma_wait3A_1113 : memref<10240x128xf32, #tpu.memory_space<vmem_shared>>)
        } else {
        }
        %add3A_1059 = arith.constant 4 : i32
        %add3A_1060 = arith.addi %add3A_874, %add3A_1059 : i32
        %dma_wait3A_1061 = arith.constant 0 : i32
        %dma_wait3A_1062 = arith.constant 0 : i32
        %dma_wait3A_1063 = tpu.memref_slice %arg14[%dma_wait3A_1061, %dma_wait3A_1062] : memref<12x40xi32, #tpu.memory_space<vmem>> -> memref<1x40xi32, #tpu.memory_space<vmem>>
        %dma_wait3A_1064 = tpu.memref_squeeze %dma_wait3A_1063 : memref<1x40xi32, #tpu.memory_space<vmem>> -> memref<40xi32, #tpu.memory_space<vmem>>
        %dma_wait3A_1065 = arith.constant 0 : i32
        %dma_wait3A_1066 = tpu.memref_slice %arg3[%add3A, %add3A_1060, %dma_wait3A_1065] : memref<32x252x40xi32, #tpu.memory_space<hbm>> -> memref<1x1x40xi32, #tpu.memory_space<hbm>>
        %dma_wait3A_1067 = tpu.memref_squeeze %dma_wait3A_1066 : memref<1x1x40xi32, #tpu.memory_space<hbm>> -> memref<40xi32, #tpu.memory_space<hbm>>
        %dma_wait3A_1068 = arith.constant 0 : i32
        %dma_wait3A_1069 = tpu.memref_slice %arg14[%dma_wait3A_1061, %dma_wait3A_1068] : memref<12x40xi32, #tpu.memory_space<vmem>> -> memref<1x40xi32, #tpu.memory_space<vmem>>
        %dma_wait3A_1070 = tpu.memref_squeeze %dma_wait3A_1069 : memref<1x40xi32, #tpu.memory_space<vmem>> -> memref<40xi32, #tpu.memory_space<vmem>>
        %dma_wait3A_1071 = arith.constant 0 : i32
        %dma_wait3A_1072 = tpu.memref_slice %arg3[%add3A, %add3A_1060, %dma_wait3A_1071] : memref<32x252x40xi32, #tpu.memory_space<hbm>> -> memref<1x1x40xi32, #tpu.memory_space<hbm>>
        %dma_wait3A_1073 = tpu.memref_squeeze %dma_wait3A_1072 : memref<1x1x40xi32, #tpu.memory_space<hbm>> -> memref<40xi32, #tpu.memory_space<hbm>>
        tpu.wait_dma2 semaphore(%arg29 : memref<!tpu.dma_semaphore, #tpu.memory_space<semaphore_mem>>) src(%dma_wait3A_1073 : memref<40xi32, #tpu.memory_space<hbm>>) dst(%dma_wait3A_1070 : memref<40xi32, #tpu.memory_space<vmem>>)
        %dma_wait3A_1074 = arith.constant 0 : i32
        %dma_wait3A_1075 = arith.constant 0 : i32
        %dma_wait3A_1076 = tpu.memref_slice %arg15[%dma_wait3A_1074, %dma_wait3A_1075] : memref<12x40xi32, #tpu.memory_space<vmem>> -> memref<1x40xi32, #tpu.memory_space<vmem>>
        %dma_wait3A_1077 = tpu.memref_squeeze %dma_wait3A_1076 : memref<1x40xi32, #tpu.memory_space<vmem>> -> memref<40xi32, #tpu.memory_space<vmem>>
        %dma_wait3A_1078 = arith.constant 0 : i32
        %dma_wait3A_1079 = tpu.memref_slice %arg4[%add3A, %add3A_1060, %dma_wait3A_1078] : memref<32x252x40xi32, #tpu.memory_space<hbm>> -> memref<1x1x40xi32, #tpu.memory_space<hbm>>
        %dma_wait3A_1080 = tpu.memref_squeeze %dma_wait3A_1079 : memref<1x1x40xi32, #tpu.memory_space<hbm>> -> memref<40xi32, #tpu.memory_space<hbm>>
        %dma_wait3A_1081 = arith.constant 0 : i32
        %dma_wait3A_1082 = tpu.memref_slice %arg15[%dma_wait3A_1074, %dma_wait3A_1081] : memref<12x40xi32, #tpu.memory_space<vmem>> -> memref<1x40xi32, #tpu.memory_space<vmem>>
        %dma_wait3A_1083 = tpu.memref_squeeze %dma_wait3A_1082 : memref<1x40xi32, #tpu.memory_space<vmem>> -> memref<40xi32, #tpu.memory_space<vmem>>
        %dma_wait3A_1084 = arith.constant 0 : i32
        %dma_wait3A_1085 = tpu.memref_slice %arg4[%add3A, %add3A_1060, %dma_wait3A_1084] : memref<32x252x40xi32, #tpu.memory_space<hbm>> -> memref<1x1x40xi32, #tpu.memory_space<hbm>>
        %dma_wait3A_1086 = tpu.memref_squeeze %dma_wait3A_1085 : memref<1x1x40xi32, #tpu.memory_space<hbm>> -> memref<40xi32, #tpu.memory_space<hbm>>
        tpu.wait_dma2 semaphore(%arg29 : memref<!tpu.dma_semaphore, #tpu.memory_space<semaphore_mem>>) src(%dma_wait3A_1086 : memref<40xi32, #tpu.memory_space<hbm>>) dst(%dma_wait3A_1083 : memref<40xi32, #tpu.memory_space<vmem>>)
        %dma_wait3A_1087 = arith.constant 0 : i32
        %dma_wait3A_1088 = arith.constant 0 : i32
        %dma_wait3A_1089 = tpu.memref_slice %arg16[%dma_wait3A_1087, %dma_wait3A_1088] : memref<12x40xf32, #tpu.memory_space<vmem>> -> memref<1x40xf32, #tpu.memory_space<vmem>>
        %dma_wait3A_1090 = tpu.memref_squeeze %dma_wait3A_1089 : memref<1x40xf32, #tpu.memory_space<vmem>> -> memref<40xf32, #tpu.memory_space<vmem>>
        %dma_wait3A_1091 = arith.constant 0 : i32
        %dma_wait3A_1092 = tpu.memref_slice %arg5[%add3A, %add3A_1060, %dma_wait3A_1091] : memref<32x252x40xf32, #tpu.memory_space<hbm>> -> memref<1x1x40xf32, #tpu.memory_space<hbm>>
        %dma_wait3A_1093 = tpu.memref_squeeze %dma_wait3A_1092 : memref<1x1x40xf32, #tpu.memory_space<hbm>> -> memref<40xf32, #tpu.memory_space<hbm>>
        %dma_wait3A_1094 = arith.constant 0 : i32
        %dma_wait3A_1095 = tpu.memref_slice %arg16[%dma_wait3A_1087, %dma_wait3A_1094] : memref<12x40xf32, #tpu.memory_space<vmem>> -> memref<1x40xf32, #tpu.memory_space<vmem>>
        %dma_wait3A_1096 = tpu.memref_squeeze %dma_wait3A_1095 : memref<1x40xf32, #tpu.memory_space<vmem>> -> memref<40xf32, #tpu.memory_space<vmem>>
        %dma_wait3A_1097 = arith.constant 0 : i32
        %dma_wait3A_1098 = tpu.memref_slice %arg5[%add3A, %add3A_1060, %dma_wait3A_1097] : memref<32x252x40xf32, #tpu.memory_space<hbm>> -> memref<1x1x40xf32, #tpu.memory_space<hbm>>
        %dma_wait3A_1099 = tpu.memref_squeeze %dma_wait3A_1098 : memref<1x1x40xf32, #tpu.memory_space<hbm>> -> memref<40xf32, #tpu.memory_space<hbm>>
        tpu.wait_dma2 semaphore(%arg29 : memref<!tpu.dma_semaphore, #tpu.memory_space<semaphore_mem>>) src(%dma_wait3A_1099 : memref<40xf32, #tpu.memory_space<hbm>>) dst(%dma_wait3A_1096 : memref<40xf32, #tpu.memory_space<vmem>>)
        %dma_start3A_1100 = arith.constant 0 : i32
        %dma_start3A_1101 = arith.constant 0 : i32
        %dma_start3A_1102 = tpu.memref_slice %arg14[%dma_start3A_1100, %dma_start3A_1101] : memref<12x40xi32, #tpu.memory_space<vmem>> -> memref<1x40xi32, #tpu.memory_space<vmem>>
        %dma_start3A_1103 = tpu.memref_squeeze %dma_start3A_1102 : memref<1x40xi32, #tpu.memory_space<vmem>> -> memref<40xi32, #tpu.memory_space<vmem>>
        %dma_start3A_1104 = arith.constant 0 : i32
        %dma_start3A_1105 = arith.constant 0 : i32
        %dma_start3A_1106 = tpu.memref_slice %arg2[%dma_start3A_1104, %dma_start3A_1105] : memref<20000x128xf32, #tpu.memory_space<hbm>> -> memref<20000x128xf32, #tpu.memory_space<hbm>>
        tpu.enqueue_indirect_dma source(%dma_start3A_1106 : memref<20000x128xf32, #tpu.memory_space<hbm>>) target(%arg8 : memref<40x128xf32, #tpu.memory_space<vmem>>) offsets(%dma_start3A_1103 : memref<40xi32, #tpu.memory_space<vmem>>) semaphore(%arg17 : memref<!tpu.dma_semaphore, #tpu.memory_space<semaphore_mem>>)
      } else {
      }
      %add3A_904 = arith.constant 8 : i32
      %add3A_905 = arith.addi %add3A_874, %add3A_904 : i32
      %lt3A_906 = arith.constant 252 : i32
      %lt3A_907 = arith.cmpi slt, %add3A_905, %lt3A_906 : i32
      %convert_element_type3A_908 = arith.extui %lt3A_907 : i1 to i32
      %cond3A_909 = arith.constant 0 : i32
      %cond3A_910 = arith.cmpi ne, %convert_element_type3A_908, %cond3A_909 : i32
      scf.if %cond3A_910 {
        %add3A_1055 = arith.constant 8 : i32
        %add3A_1056 = arith.addi %add3A_874, %add3A_1055 : i32
        %dma_start3A_1057 = arith.constant 4 : i32
        %dma_start3A_1058 = arith.constant 0 : i32
        %dma_start3A_1059 = tpu.memref_slice %arg14[%dma_start3A_1057, %dma_start3A_1058] : memref<12x40xi32, #tpu.memory_space<vmem>> -> memref<1x40xi32, #tpu.memory_space<vmem>>
        %dma_start3A_1060 = tpu.memref_squeeze %dma_start3A_1059 : memref<1x40xi32, #tpu.memory_space<vmem>> -> memref<40xi32, #tpu.memory_space<vmem>>
        %dma_start3A_1061 = arith.constant 0 : i32
        %dma_start3A_1062 = tpu.memref_slice %arg3[%add3A, %add3A_1056, %dma_start3A_1061] : memref<32x252x40xi32, #tpu.memory_space<hbm>> -> memref<1x1x40xi32, #tpu.memory_space<hbm>>
        %dma_start3A_1063 = tpu.memref_squeeze %dma_start3A_1062 : memref<1x1x40xi32, #tpu.memory_space<hbm>> -> memref<40xi32, #tpu.memory_space<hbm>>
        %dma_start3A_1064 = arith.constant 0 : i32
        %dma_start3A_1065 = tpu.memref_slice %arg14[%dma_start3A_1057, %dma_start3A_1064] : memref<12x40xi32, #tpu.memory_space<vmem>> -> memref<1x40xi32, #tpu.memory_space<vmem>>
        %dma_start3A_1066 = tpu.memref_squeeze %dma_start3A_1065 : memref<1x40xi32, #tpu.memory_space<vmem>> -> memref<40xi32, #tpu.memory_space<vmem>>
        %dma_start3A_1067 = arith.constant 0 : i32
        %dma_start3A_1068 = tpu.memref_slice %arg3[%add3A, %add3A_1056, %dma_start3A_1067] : memref<32x252x40xi32, #tpu.memory_space<hbm>> -> memref<1x1x40xi32, #tpu.memory_space<hbm>>
        %dma_start3A_1069 = tpu.memref_squeeze %dma_start3A_1068 : memref<1x1x40xi32, #tpu.memory_space<hbm>> -> memref<40xi32, #tpu.memory_space<hbm>>
        tpu.enqueue_dma source(%dma_start3A_1069 : memref<40xi32, #tpu.memory_space<hbm>>) target(%dma_start3A_1066 : memref<40xi32, #tpu.memory_space<vmem>>) target_semaphore(%arg33 : memref<!tpu.dma_semaphore, #tpu.memory_space<semaphore_mem>>)
        %dma_start3A_1070 = arith.constant 4 : i32
        %dma_start3A_1071 = arith.constant 0 : i32
        %dma_start3A_1072 = tpu.memref_slice %arg15[%dma_start3A_1070, %dma_start3A_1071] : memref<12x40xi32, #tpu.memory_space<vmem>> -> memref<1x40xi32, #tpu.memory_space<vmem>>
        %dma_start3A_1073 = tpu.memref_squeeze %dma_start3A_1072 : memref<1x40xi32, #tpu.memory_space<vmem>> -> memref<40xi32, #tpu.memory_space<vmem>>
        %dma_start3A_1074 = arith.constant 0 : i32
        %dma_start3A_1075 = tpu.memref_slice %arg4[%add3A, %add3A_1056, %dma_start3A_1074] : memref<32x252x40xi32, #tpu.memory_space<hbm>> -> memref<1x1x40xi32, #tpu.memory_space<hbm>>
        %dma_start3A_1076 = tpu.memref_squeeze %dma_start3A_1075 : memref<1x1x40xi32, #tpu.memory_space<hbm>> -> memref<40xi32, #tpu.memory_space<hbm>>
        %dma_start3A_1077 = arith.constant 0 : i32
        %dma_start3A_1078 = tpu.memref_slice %arg15[%dma_start3A_1070, %dma_start3A_1077] : memref<12x40xi32, #tpu.memory_space<vmem>> -> memref<1x40xi32, #tpu.memory_space<vmem>>
        %dma_start3A_1079 = tpu.memref_squeeze %dma_start3A_1078 : memref<1x40xi32, #tpu.memory_space<vmem>> -> memref<40xi32, #tpu.memory_space<vmem>>
        %dma_start3A_1080 = arith.constant 0 : i32
        %dma_start3A_1081 = tpu.memref_slice %arg4[%add3A, %add3A_1056, %dma_start3A_1080] : memref<32x252x40xi32, #tpu.memory_space<hbm>> -> memref<1x1x40xi32, #tpu.memory_space<hbm>>
        %dma_start3A_1082 = tpu.memref_squeeze %dma_start3A_1081 : memref<1x1x40xi32, #tpu.memory_space<hbm>> -> memref<40xi32, #tpu.memory_space<hbm>>
        tpu.enqueue_dma source(%dma_start3A_1082 : memref<40xi32, #tpu.memory_space<hbm>>) target(%dma_start3A_1079 : memref<40xi32, #tpu.memory_space<vmem>>) target_semaphore(%arg33 : memref<!tpu.dma_semaphore, #tpu.memory_space<semaphore_mem>>)
        %dma_start3A_1083 = arith.constant 4 : i32
        %dma_start3A_1084 = arith.constant 0 : i32
        %dma_start3A_1085 = tpu.memref_slice %arg16[%dma_start3A_1083, %dma_start3A_1084] : memref<12x40xf32, #tpu.memory_space<vmem>> -> memref<1x40xf32, #tpu.memory_space<vmem>>
        %dma_start3A_1086 = tpu.memref_squeeze %dma_start3A_1085 : memref<1x40xf32, #tpu.memory_space<vmem>> -> memref<40xf32, #tpu.memory_space<vmem>>
        %dma_start3A_1087 = arith.constant 0 : i32
        %dma_start3A_1088 = tpu.memref_slice %arg5[%add3A, %add3A_1056, %dma_start3A_1087] : memref<32x252x40xf32, #tpu.memory_space<hbm>> -> memref<1x1x40xf32, #tpu.memory_space<hbm>>
        %dma_start3A_1089 = tpu.memref_squeeze %dma_start3A_1088 : memref<1x1x40xf32, #tpu.memory_space<hbm>> -> memref<40xf32, #tpu.memory_space<hbm>>
        %dma_start3A_1090 = arith.constant 0 : i32
        %dma_start3A_1091 = tpu.memref_slice %arg16[%dma_start3A_1083, %dma_start3A_1090] : memref<12x40xf32, #tpu.memory_space<vmem>> -> memref<1x40xf32, #tpu.memory_space<vmem>>
        %dma_start3A_1092 = tpu.memref_squeeze %dma_start3A_1091 : memref<1x40xf32, #tpu.memory_space<vmem>> -> memref<40xf32, #tpu.memory_space<vmem>>
        %dma_start3A_1093 = arith.constant 0 : i32
        %dma_start3A_1094 = tpu.memref_slice %arg5[%add3A, %add3A_1056, %dma_start3A_1093] : memref<32x252x40xf32, #tpu.memory_space<hbm>> -> memref<1x1x40xf32, #tpu.memory_space<hbm>>
        %dma_start3A_1095 = tpu.memref_squeeze %dma_start3A_1094 : memref<1x1x40xf32, #tpu.memory_space<hbm>> -> memref<40xf32, #tpu.memory_space<hbm>>
        tpu.enqueue_dma source(%dma_start3A_1095 : memref<40xf32, #tpu.memory_space<hbm>>) target(%dma_start3A_1092 : memref<40xf32, #tpu.memory_space<vmem>>) target_semaphore(%arg33 : memref<!tpu.dma_semaphore, #tpu.memory_space<semaphore_mem>>)
      } else {
      }
      %eq3A_911 = arith.constant 20 : i32
      %eq3A_912 = arith.cmpi eq, %scan3A_543, %eq3A_911 : i32
      %convert_element_type3A_913 = arith.extui %eq3A_912 : i1 to i32
      %cond3A_914 = arith.constant 8 : i32
      %cond3A_915 = arith.constant 0 : i32
      %cond3A_916 = arith.cmpi ne, %convert_element_type3A_913, %cond3A_915 : i32
      scf.if %cond3A_916 {
        %dma_wait3A_1055 = arith.constant 0 : i32
        %dma_wait3A_1056 = tpu.memref_slice %arg15[%cond3A_914, %dma_wait3A_1055] : memref<12x40xi32, #tpu.memory_space<vmem>> -> memref<1x40xi32, #tpu.memory_space<vmem>>
        %dma_wait3A_1057 = tpu.memref_squeeze %dma_wait3A_1056 : memref<1x40xi32, #tpu.memory_space<vmem>> -> memref<40xi32, #tpu.memory_space<vmem>>
        %dma_wait3A_1058 = arith.constant 0 : i32
        %dma_wait3A_1059 = arith.constant 0 : i32
        %dma_wait3A_1060 = tpu.memref_slice %arg41[%dma_wait3A_1058, %dma_wait3A_1059] : memref<10240x128xf32, #tpu.memory_space<vmem_shared>> -> memref<10240x128xf32, #tpu.memory_space<vmem_shared>>
        tpu.wait_indirect_dma semaphore(%arg25 : memref<!tpu.dma_semaphore, #tpu.memory_space<semaphore_mem>>) src(%arg10 : memref<40x128xf32, #tpu.memory_space<vmem>>) dst(%dma_wait3A_1060 : memref<10240x128xf32, #tpu.memory_space<vmem_shared>>)
      } else {
      }
      %mul3A_917 = arith.constant 12 : i32
      %mul3A_918 = arith.muli %scan3A_543, %mul3A_917 : i32
      %add3A_919 = arith.constant 9 : i32
      %add3A_920 = arith.addi %mul3A_918, %add3A_919 : i32
      %dma_wait3A_921 = arith.constant 9 : i32
      %dma_wait3A_922 = arith.constant 0 : i32
      %dma_wait3A_923 = tpu.memref_slice %arg14[%dma_wait3A_921, %dma_wait3A_922] : memref<12x40xi32, #tpu.memory_space<vmem>> -> memref<1x40xi32, #tpu.memory_space<vmem>>
      %dma_wait3A_924 = tpu.memref_squeeze %dma_wait3A_923 : memref<1x40xi32, #tpu.memory_space<vmem>> -> memref<40xi32, #tpu.memory_space<vmem>>
      %dma_wait3A_925 = arith.constant 0 : i32
      %dma_wait3A_926 = arith.constant 0 : i32
      %dma_wait3A_927 = tpu.memref_slice %arg2[%dma_wait3A_925, %dma_wait3A_926] : memref<20000x128xf32, #tpu.memory_space<hbm>> -> memref<20000x128xf32, #tpu.memory_space<hbm>>
      tpu.wait_indirect_dma semaphore(%arg20 : memref<!tpu.dma_semaphore, #tpu.memory_space<semaphore_mem>>) src(%dma_wait3A_927 : memref<20000x128xf32, #tpu.memory_space<hbm>>) dst(%arg11 : memref<40x128xf32, #tpu.memory_space<vmem>>)
      %broadcast_in_dim3A_928 = arith.constant 9 : i32
      %broadcast_in_dim3A_929 = vector.broadcast %broadcast_in_dim3A_928 : i32 to vector<16xi32>
      %scan3A_930 = arith.constant 0 : i32
      %scan3A_931 = arith.constant 0 : i32
      %scan3A_932 = arith.constant 40 : i32
      %scan3A_933 = arith.addi %scan3A_931, %scan3A_932 : i32
      %scan3A_934 = arith.constant 1 : i32
      scf.for %scan3A_1055 = %scan3A_931 to %scan3A_933 step %scan3A_934  : i32 {
        %broadcast_in_dim3A_1056 = vector.broadcast %scan3A_1055 : i32 to vector<16xi32>
        %gather3A = tpu.vector_load_idx %arg16[%broadcast_in_dim3A_929, %broadcast_in_dim3A_1056] : memref<12x40xf32, #tpu.memory_space<vmem>>[vector<16xi32>, vector<16xi32>], vector<16xf32>,
        %get3A = arith.index_cast %scan3A_1055 : i32 to index
        %get3A_1057 = arith.constant 0 : index
        %get3A_1058 = tpu.vector_load %arg11[%get3A, %get3A_1057] {strides = array<i32>} : memref<40x128xf32, #tpu.memory_space<vmem>>, vector<16xf32>,
        %mul3A_1059 = arith.mulf %get3A_1058, %gather3A : vector<16xf32>
        %swap3A = arith.index_cast %scan3A_1055 : i32 to index
        %swap3A_1060 = arith.constant 0 : index
        %swap3A_1061 = tpu.vector_load %arg11[%swap3A, %swap3A_1060] {strides = array<i32>} : memref<40x128xf32, #tpu.memory_space<vmem>>, vector<16xf32>,
        tpu.vector_store %arg11[%swap3A, %swap3A_1060], %mul3A_1059 {strides = array<i32>} : memref<40x128xf32, #tpu.memory_space<vmem>>, vector<16xf32>,
        %get3A_1062 = arith.index_cast %scan3A_1055 : i32 to index
        %get3A_1063 = arith.constant 16 : index
        %get3A_1064 = tpu.vector_load %arg11[%get3A_1062, %get3A_1063] {strides = array<i32>} : memref<40x128xf32, #tpu.memory_space<vmem>>, vector<16xf32>,
        %mul3A_1065 = arith.mulf %get3A_1064, %gather3A : vector<16xf32>
        %swap3A_1066 = arith.index_cast %scan3A_1055 : i32 to index
        %swap3A_1067 = arith.constant 16 : index
        %swap3A_1068 = tpu.vector_load %arg11[%swap3A_1066, %swap3A_1067] {strides = array<i32>} : memref<40x128xf32, #tpu.memory_space<vmem>>, vector<16xf32>,
        tpu.vector_store %arg11[%swap3A_1066, %swap3A_1067], %mul3A_1065 {strides = array<i32>} : memref<40x128xf32, #tpu.memory_space<vmem>>, vector<16xf32>,
        %get3A_1069 = arith.index_cast %scan3A_1055 : i32 to index
        %get3A_1070 = arith.constant 32 : index
        %get3A_1071 = tpu.vector_load %arg11[%get3A_1069, %get3A_1070] {strides = array<i32>} : memref<40x128xf32, #tpu.memory_space<vmem>>, vector<16xf32>,
        %mul3A_1072 = arith.mulf %get3A_1071, %gather3A : vector<16xf32>
        %swap3A_1073 = arith.index_cast %scan3A_1055 : i32 to index
        %swap3A_1074 = arith.constant 32 : index
        %swap3A_1075 = tpu.vector_load %arg11[%swap3A_1073, %swap3A_1074] {strides = array<i32>} : memref<40x128xf32, #tpu.memory_space<vmem>>, vector<16xf32>,
        tpu.vector_store %arg11[%swap3A_1073, %swap3A_1074], %mul3A_1072 {strides = array<i32>} : memref<40x128xf32, #tpu.memory_space<vmem>>, vector<16xf32>,
        %get3A_1076 = arith.index_cast %scan3A_1055 : i32 to index
        %get3A_1077 = arith.constant 48 : index
        %get3A_1078 = tpu.vector_load %arg11[%get3A_1076, %get3A_1077] {strides = array<i32>} : memref<40x128xf32, #tpu.memory_space<vmem>>, vector<16xf32>,
        %mul3A_1079 = arith.mulf %get3A_1078, %gather3A : vector<16xf32>
        %swap3A_1080 = arith.index_cast %scan3A_1055 : i32 to index
        %swap3A_1081 = arith.constant 48 : index
        %swap3A_1082 = tpu.vector_load %arg11[%swap3A_1080, %swap3A_1081] {strides = array<i32>} : memref<40x128xf32, #tpu.memory_space<vmem>>, vector<16xf32>,
        tpu.vector_store %arg11[%swap3A_1080, %swap3A_1081], %mul3A_1079 {strides = array<i32>} : memref<40x128xf32, #tpu.memory_space<vmem>>, vector<16xf32>,
        %get3A_1083 = arith.index_cast %scan3A_1055 : i32 to index
        %get3A_1084 = arith.constant 64 : index
        %get3A_1085 = tpu.vector_load %arg11[%get3A_1083, %get3A_1084] {strides = array<i32>} : memref<40x128xf32, #tpu.memory_space<vmem>>, vector<16xf32>,
        %mul3A_1086 = arith.mulf %get3A_1085, %gather3A : vector<16xf32>
        %swap3A_1087 = arith.index_cast %scan3A_1055 : i32 to index
        %swap3A_1088 = arith.constant 64 : index
        %swap3A_1089 = tpu.vector_load %arg11[%swap3A_1087, %swap3A_1088] {strides = array<i32>} : memref<40x128xf32, #tpu.memory_space<vmem>>, vector<16xf32>,
        tpu.vector_store %arg11[%swap3A_1087, %swap3A_1088], %mul3A_1086 {strides = array<i32>} : memref<40x128xf32, #tpu.memory_space<vmem>>, vector<16xf32>,
        %get3A_1090 = arith.index_cast %scan3A_1055 : i32 to index
        %get3A_1091 = arith.constant 80 : index
        %get3A_1092 = tpu.vector_load %arg11[%get3A_1090, %get3A_1091] {strides = array<i32>} : memref<40x128xf32, #tpu.memory_space<vmem>>, vector<16xf32>,
        %mul3A_1093 = arith.mulf %get3A_1092, %gather3A : vector<16xf32>
        %swap3A_1094 = arith.index_cast %scan3A_1055 : i32 to index
        %swap3A_1095 = arith.constant 80 : index
        %swap3A_1096 = tpu.vector_load %arg11[%swap3A_1094, %swap3A_1095] {strides = array<i32>} : memref<40x128xf32, #tpu.memory_space<vmem>>, vector<16xf32>,
        tpu.vector_store %arg11[%swap3A_1094, %swap3A_1095], %mul3A_1093 {strides = array<i32>} : memref<40x128xf32, #tpu.memory_space<vmem>>, vector<16xf32>,
        %get3A_1097 = arith.index_cast %scan3A_1055 : i32 to index
        %get3A_1098 = arith.constant 96 : index
        %get3A_1099 = tpu.vector_load %arg11[%get3A_1097, %get3A_1098] {strides = array<i32>} : memref<40x128xf32, #tpu.memory_space<vmem>>, vector<16xf32>,
        %mul3A_1100 = arith.mulf %get3A_1099, %gather3A : vector<16xf32>
        %swap3A_1101 = arith.index_cast %scan3A_1055 : i32 to index
        %swap3A_1102 = arith.constant 96 : index
        %swap3A_1103 = tpu.vector_load %arg11[%swap3A_1101, %swap3A_1102] {strides = array<i32>} : memref<40x128xf32, #tpu.memory_space<vmem>>, vector<16xf32>,
        tpu.vector_store %arg11[%swap3A_1101, %swap3A_1102], %mul3A_1100 {strides = array<i32>} : memref<40x128xf32, #tpu.memory_space<vmem>>, vector<16xf32>,
        %get3A_1104 = arith.index_cast %scan3A_1055 : i32 to index
        %get3A_1105 = arith.constant 112 : index
        %get3A_1106 = tpu.vector_load %arg11[%get3A_1104, %get3A_1105] {strides = array<i32>} : memref<40x128xf32, #tpu.memory_space<vmem>>, vector<16xf32>,
        %mul3A_1107 = arith.mulf %get3A_1106, %gather3A : vector<16xf32>
        %swap3A_1108 = arith.index_cast %scan3A_1055 : i32 to index
        %swap3A_1109 = arith.constant 112 : index
        %swap3A_1110 = tpu.vector_load %arg11[%swap3A_1108, %swap3A_1109] {strides = array<i32>} : memref<40x128xf32, #tpu.memory_space<vmem>>, vector<16xf32>,
        tpu.vector_store %arg11[%swap3A_1108, %swap3A_1109], %mul3A_1107 {strides = array<i32>} : memref<40x128xf32, #tpu.memory_space<vmem>>, vector<16xf32>,
      }
      %scan3A_935 = arith.constant 40 : i32
      %dma_start3A_936 = arith.constant 9 : i32
      %dma_start3A_937 = arith.constant 0 : i32
      %dma_start3A_938 = tpu.memref_slice %arg15[%dma_start3A_936, %dma_start3A_937] : memref<12x40xi32, #tpu.memory_space<vmem>> -> memref<1x40xi32, #tpu.memory_space<vmem>>
      %dma_start3A_939 = tpu.memref_squeeze %dma_start3A_938 : memref<1x40xi32, #tpu.memory_space<vmem>> -> memref<40xi32, #tpu.memory_space<vmem>>
      %dma_start3A_940 = arith.constant 0 : i32
      %dma_start3A_941 = arith.constant 0 : i32
      %dma_start3A_942 = tpu.memref_slice %arg41[%dma_start3A_940, %dma_start3A_941] : memref<10240x128xf32, #tpu.memory_space<vmem_shared>> -> memref<10240x128xf32, #tpu.memory_space<vmem_shared>>
      tpu.enqueue_indirect_dma source(%arg11 : memref<40x128xf32, #tpu.memory_space<vmem>>) target(%dma_start3A_942 : memref<10240x128xf32, #tpu.memory_space<vmem_shared>>) offsets(%dma_start3A_939 : memref<40xi32, #tpu.memory_space<vmem>>) semaphore(%arg26 : memref<!tpu.dma_semaphore, #tpu.memory_space<semaphore_mem>>) {add = true}
      %add3A_943 = arith.constant 4 : i32
      %add3A_944 = arith.addi %add3A_920, %add3A_943 : i32
      %lt3A_945 = arith.constant 252 : i32
      %lt3A_946 = arith.cmpi slt, %add3A_944, %lt3A_945 : i32
      %convert_element_type3A_947 = arith.extui %lt3A_946 : i1 to i32
      %cond3A_948 = arith.constant 0 : i32
      %cond3A_949 = arith.cmpi ne, %convert_element_type3A_947, %cond3A_948 : i32
      scf.if %cond3A_949 {
        %ge3A = arith.constant 2 : i32
        %ge3A_1055 = arith.cmpi sge, %add3A_920, %ge3A : i32
        %convert_element_type3A_1056 = arith.extui %ge3A_1055 : i1 to i32
        %cond3A_1057 = arith.constant 0 : i32
        %cond3A_1058 = arith.cmpi ne, %convert_element_type3A_1056, %cond3A_1057 : i32
        scf.if %cond3A_1058 {
          %dma_wait3A_1107 = arith.constant 1 : i32
          %dma_wait3A_1108 = arith.constant 0 : i32
          %dma_wait3A_1109 = tpu.memref_slice %arg15[%dma_wait3A_1107, %dma_wait3A_1108] : memref<12x40xi32, #tpu.memory_space<vmem>> -> memref<1x40xi32, #tpu.memory_space<vmem>>
          %dma_wait3A_1110 = tpu.memref_squeeze %dma_wait3A_1109 : memref<1x40xi32, #tpu.memory_space<vmem>> -> memref<40xi32, #tpu.memory_space<vmem>>
          %dma_wait3A_1111 = arith.constant 0 : i32
          %dma_wait3A_1112 = arith.constant 0 : i32
          %dma_wait3A_1113 = tpu.memref_slice %arg41[%dma_wait3A_1111, %dma_wait3A_1112] : memref<10240x128xf32, #tpu.memory_space<vmem_shared>> -> memref<10240x128xf32, #tpu.memory_space<vmem_shared>>
          tpu.wait_indirect_dma semaphore(%arg24 : memref<!tpu.dma_semaphore, #tpu.memory_space<semaphore_mem>>) src(%arg9 : memref<40x128xf32, #tpu.memory_space<vmem>>) dst(%dma_wait3A_1113 : memref<10240x128xf32, #tpu.memory_space<vmem_shared>>)
        } else {
        }
        %add3A_1059 = arith.constant 4 : i32
        %add3A_1060 = arith.addi %add3A_920, %add3A_1059 : i32
        %dma_wait3A_1061 = arith.constant 1 : i32
        %dma_wait3A_1062 = arith.constant 0 : i32
        %dma_wait3A_1063 = tpu.memref_slice %arg14[%dma_wait3A_1061, %dma_wait3A_1062] : memref<12x40xi32, #tpu.memory_space<vmem>> -> memref<1x40xi32, #tpu.memory_space<vmem>>
        %dma_wait3A_1064 = tpu.memref_squeeze %dma_wait3A_1063 : memref<1x40xi32, #tpu.memory_space<vmem>> -> memref<40xi32, #tpu.memory_space<vmem>>
        %dma_wait3A_1065 = arith.constant 0 : i32
        %dma_wait3A_1066 = tpu.memref_slice %arg3[%add3A, %add3A_1060, %dma_wait3A_1065] : memref<32x252x40xi32, #tpu.memory_space<hbm>> -> memref<1x1x40xi32, #tpu.memory_space<hbm>>
        %dma_wait3A_1067 = tpu.memref_squeeze %dma_wait3A_1066 : memref<1x1x40xi32, #tpu.memory_space<hbm>> -> memref<40xi32, #tpu.memory_space<hbm>>
        %dma_wait3A_1068 = arith.constant 0 : i32
        %dma_wait3A_1069 = tpu.memref_slice %arg14[%dma_wait3A_1061, %dma_wait3A_1068] : memref<12x40xi32, #tpu.memory_space<vmem>> -> memref<1x40xi32, #tpu.memory_space<vmem>>
        %dma_wait3A_1070 = tpu.memref_squeeze %dma_wait3A_1069 : memref<1x40xi32, #tpu.memory_space<vmem>> -> memref<40xi32, #tpu.memory_space<vmem>>
        %dma_wait3A_1071 = arith.constant 0 : i32
        %dma_wait3A_1072 = tpu.memref_slice %arg3[%add3A, %add3A_1060, %dma_wait3A_1071] : memref<32x252x40xi32, #tpu.memory_space<hbm>> -> memref<1x1x40xi32, #tpu.memory_space<hbm>>
        %dma_wait3A_1073 = tpu.memref_squeeze %dma_wait3A_1072 : memref<1x1x40xi32, #tpu.memory_space<hbm>> -> memref<40xi32, #tpu.memory_space<hbm>>
        tpu.wait_dma2 semaphore(%arg30 : memref<!tpu.dma_semaphore, #tpu.memory_space<semaphore_mem>>) src(%dma_wait3A_1073 : memref<40xi32, #tpu.memory_space<hbm>>) dst(%dma_wait3A_1070 : memref<40xi32, #tpu.memory_space<vmem>>)
        %dma_wait3A_1074 = arith.constant 1 : i32
        %dma_wait3A_1075 = arith.constant 0 : i32
        %dma_wait3A_1076 = tpu.memref_slice %arg15[%dma_wait3A_1074, %dma_wait3A_1075] : memref<12x40xi32, #tpu.memory_space<vmem>> -> memref<1x40xi32, #tpu.memory_space<vmem>>
        %dma_wait3A_1077 = tpu.memref_squeeze %dma_wait3A_1076 : memref<1x40xi32, #tpu.memory_space<vmem>> -> memref<40xi32, #tpu.memory_space<vmem>>
        %dma_wait3A_1078 = arith.constant 0 : i32
        %dma_wait3A_1079 = tpu.memref_slice %arg4[%add3A, %add3A_1060, %dma_wait3A_1078] : memref<32x252x40xi32, #tpu.memory_space<hbm>> -> memref<1x1x40xi32, #tpu.memory_space<hbm>>
        %dma_wait3A_1080 = tpu.memref_squeeze %dma_wait3A_1079 : memref<1x1x40xi32, #tpu.memory_space<hbm>> -> memref<40xi32, #tpu.memory_space<hbm>>
        %dma_wait3A_1081 = arith.constant 0 : i32
        %dma_wait3A_1082 = tpu.memref_slice %arg15[%dma_wait3A_1074, %dma_wait3A_1081] : memref<12x40xi32, #tpu.memory_space<vmem>> -> memref<1x40xi32, #tpu.memory_space<vmem>>
        %dma_wait3A_1083 = tpu.memref_squeeze %dma_wait3A_1082 : memref<1x40xi32, #tpu.memory_space<vmem>> -> memref<40xi32, #tpu.memory_space<vmem>>
        %dma_wait3A_1084 = arith.constant 0 : i32
        %dma_wait3A_1085 = tpu.memref_slice %arg4[%add3A, %add3A_1060, %dma_wait3A_1084] : memref<32x252x40xi32, #tpu.memory_space<hbm>> -> memref<1x1x40xi32, #tpu.memory_space<hbm>>
        %dma_wait3A_1086 = tpu.memref_squeeze %dma_wait3A_1085 : memref<1x1x40xi32, #tpu.memory_space<hbm>> -> memref<40xi32, #tpu.memory_space<hbm>>
        tpu.wait_dma2 semaphore(%arg30 : memref<!tpu.dma_semaphore, #tpu.memory_space<semaphore_mem>>) src(%dma_wait3A_1086 : memref<40xi32, #tpu.memory_space<hbm>>) dst(%dma_wait3A_1083 : memref<40xi32, #tpu.memory_space<vmem>>)
        %dma_wait3A_1087 = arith.constant 1 : i32
        %dma_wait3A_1088 = arith.constant 0 : i32
        %dma_wait3A_1089 = tpu.memref_slice %arg16[%dma_wait3A_1087, %dma_wait3A_1088] : memref<12x40xf32, #tpu.memory_space<vmem>> -> memref<1x40xf32, #tpu.memory_space<vmem>>
        %dma_wait3A_1090 = tpu.memref_squeeze %dma_wait3A_1089 : memref<1x40xf32, #tpu.memory_space<vmem>> -> memref<40xf32, #tpu.memory_space<vmem>>
        %dma_wait3A_1091 = arith.constant 0 : i32
        %dma_wait3A_1092 = tpu.memref_slice %arg5[%add3A, %add3A_1060, %dma_wait3A_1091] : memref<32x252x40xf32, #tpu.memory_space<hbm>> -> memref<1x1x40xf32, #tpu.memory_space<hbm>>
        %dma_wait3A_1093 = tpu.memref_squeeze %dma_wait3A_1092 : memref<1x1x40xf32, #tpu.memory_space<hbm>> -> memref<40xf32, #tpu.memory_space<hbm>>
        %dma_wait3A_1094 = arith.constant 0 : i32
        %dma_wait3A_1095 = tpu.memref_slice %arg16[%dma_wait3A_1087, %dma_wait3A_1094] : memref<12x40xf32, #tpu.memory_space<vmem>> -> memref<1x40xf32, #tpu.memory_space<vmem>>
        %dma_wait3A_1096 = tpu.memref_squeeze %dma_wait3A_1095 : memref<1x40xf32, #tpu.memory_space<vmem>> -> memref<40xf32, #tpu.memory_space<vmem>>
        %dma_wait3A_1097 = arith.constant 0 : i32
        %dma_wait3A_1098 = tpu.memref_slice %arg5[%add3A, %add3A_1060, %dma_wait3A_1097] : memref<32x252x40xf32, #tpu.memory_space<hbm>> -> memref<1x1x40xf32, #tpu.memory_space<hbm>>
        %dma_wait3A_1099 = tpu.memref_squeeze %dma_wait3A_1098 : memref<1x1x40xf32, #tpu.memory_space<hbm>> -> memref<40xf32, #tpu.memory_space<hbm>>
        tpu.wait_dma2 semaphore(%arg30 : memref<!tpu.dma_semaphore, #tpu.memory_space<semaphore_mem>>) src(%dma_wait3A_1099 : memref<40xf32, #tpu.memory_space<hbm>>) dst(%dma_wait3A_1096 : memref<40xf32, #tpu.memory_space<vmem>>)
        %dma_start3A_1100 = arith.constant 1 : i32
        %dma_start3A_1101 = arith.constant 0 : i32
        %dma_start3A_1102 = tpu.memref_slice %arg14[%dma_start3A_1100, %dma_start3A_1101] : memref<12x40xi32, #tpu.memory_space<vmem>> -> memref<1x40xi32, #tpu.memory_space<vmem>>
        %dma_start3A_1103 = tpu.memref_squeeze %dma_start3A_1102 : memref<1x40xi32, #tpu.memory_space<vmem>> -> memref<40xi32, #tpu.memory_space<vmem>>
        %dma_start3A_1104 = arith.constant 0 : i32
        %dma_start3A_1105 = arith.constant 0 : i32
        %dma_start3A_1106 = tpu.memref_slice %arg2[%dma_start3A_1104, %dma_start3A_1105] : memref<20000x128xf32, #tpu.memory_space<hbm>> -> memref<20000x128xf32, #tpu.memory_space<hbm>>
        tpu.enqueue_indirect_dma source(%dma_start3A_1106 : memref<20000x128xf32, #tpu.memory_space<hbm>>) target(%arg9 : memref<40x128xf32, #tpu.memory_space<vmem>>) offsets(%dma_start3A_1103 : memref<40xi32, #tpu.memory_space<vmem>>) semaphore(%arg18 : memref<!tpu.dma_semaphore, #tpu.memory_space<semaphore_mem>>)
      } else {
      }
      %add3A_950 = arith.constant 8 : i32
      %add3A_951 = arith.addi %add3A_920, %add3A_950 : i32
      %lt3A_952 = arith.constant 252 : i32
      %lt3A_953 = arith.cmpi slt, %add3A_951, %lt3A_952 : i32
      %convert_element_type3A_954 = arith.extui %lt3A_953 : i1 to i32
      %cond3A_955 = arith.constant 0 : i32
      %cond3A_956 = arith.cmpi ne, %convert_element_type3A_954, %cond3A_955 : i32
      scf.if %cond3A_956 {
        %add3A_1055 = arith.constant 8 : i32
        %add3A_1056 = arith.addi %add3A_920, %add3A_1055 : i32
        %dma_start3A_1057 = arith.constant 5 : i32
        %dma_start3A_1058 = arith.constant 0 : i32
        %dma_start3A_1059 = tpu.memref_slice %arg14[%dma_start3A_1057, %dma_start3A_1058] : memref<12x40xi32, #tpu.memory_space<vmem>> -> memref<1x40xi32, #tpu.memory_space<vmem>>
        %dma_start3A_1060 = tpu.memref_squeeze %dma_start3A_1059 : memref<1x40xi32, #tpu.memory_space<vmem>> -> memref<40xi32, #tpu.memory_space<vmem>>
        %dma_start3A_1061 = arith.constant 0 : i32
        %dma_start3A_1062 = tpu.memref_slice %arg3[%add3A, %add3A_1056, %dma_start3A_1061] : memref<32x252x40xi32, #tpu.memory_space<hbm>> -> memref<1x1x40xi32, #tpu.memory_space<hbm>>
        %dma_start3A_1063 = tpu.memref_squeeze %dma_start3A_1062 : memref<1x1x40xi32, #tpu.memory_space<hbm>> -> memref<40xi32, #tpu.memory_space<hbm>>
        %dma_start3A_1064 = arith.constant 0 : i32
        %dma_start3A_1065 = tpu.memref_slice %arg14[%dma_start3A_1057, %dma_start3A_1064] : memref<12x40xi32, #tpu.memory_space<vmem>> -> memref<1x40xi32, #tpu.memory_space<vmem>>
        %dma_start3A_1066 = tpu.memref_squeeze %dma_start3A_1065 : memref<1x40xi32, #tpu.memory_space<vmem>> -> memref<40xi32, #tpu.memory_space<vmem>>
        %dma_start3A_1067 = arith.constant 0 : i32
        %dma_start3A_1068 = tpu.memref_slice %arg3[%add3A, %add3A_1056, %dma_start3A_1067] : memref<32x252x40xi32, #tpu.memory_space<hbm>> -> memref<1x1x40xi32, #tpu.memory_space<hbm>>
        %dma_start3A_1069 = tpu.memref_squeeze %dma_start3A_1068 : memref<1x1x40xi32, #tpu.memory_space<hbm>> -> memref<40xi32, #tpu.memory_space<hbm>>
        tpu.enqueue_dma source(%dma_start3A_1069 : memref<40xi32, #tpu.memory_space<hbm>>) target(%dma_start3A_1066 : memref<40xi32, #tpu.memory_space<vmem>>) target_semaphore(%arg34 : memref<!tpu.dma_semaphore, #tpu.memory_space<semaphore_mem>>)
        %dma_start3A_1070 = arith.constant 5 : i32
        %dma_start3A_1071 = arith.constant 0 : i32
        %dma_start3A_1072 = tpu.memref_slice %arg15[%dma_start3A_1070, %dma_start3A_1071] : memref<12x40xi32, #tpu.memory_space<vmem>> -> memref<1x40xi32, #tpu.memory_space<vmem>>
        %dma_start3A_1073 = tpu.memref_squeeze %dma_start3A_1072 : memref<1x40xi32, #tpu.memory_space<vmem>> -> memref<40xi32, #tpu.memory_space<vmem>>
        %dma_start3A_1074 = arith.constant 0 : i32
        %dma_start3A_1075 = tpu.memref_slice %arg4[%add3A, %add3A_1056, %dma_start3A_1074] : memref<32x252x40xi32, #tpu.memory_space<hbm>> -> memref<1x1x40xi32, #tpu.memory_space<hbm>>
        %dma_start3A_1076 = tpu.memref_squeeze %dma_start3A_1075 : memref<1x1x40xi32, #tpu.memory_space<hbm>> -> memref<40xi32, #tpu.memory_space<hbm>>
        %dma_start3A_1077 = arith.constant 0 : i32
        %dma_start3A_1078 = tpu.memref_slice %arg15[%dma_start3A_1070, %dma_start3A_1077] : memref<12x40xi32, #tpu.memory_space<vmem>> -> memref<1x40xi32, #tpu.memory_space<vmem>>
        %dma_start3A_1079 = tpu.memref_squeeze %dma_start3A_1078 : memref<1x40xi32, #tpu.memory_space<vmem>> -> memref<40xi32, #tpu.memory_space<vmem>>
        %dma_start3A_1080 = arith.constant 0 : i32
        %dma_start3A_1081 = tpu.memref_slice %arg4[%add3A, %add3A_1056, %dma_start3A_1080] : memref<32x252x40xi32, #tpu.memory_space<hbm>> -> memref<1x1x40xi32, #tpu.memory_space<hbm>>
        %dma_start3A_1082 = tpu.memref_squeeze %dma_start3A_1081 : memref<1x1x40xi32, #tpu.memory_space<hbm>> -> memref<40xi32, #tpu.memory_space<hbm>>
        tpu.enqueue_dma source(%dma_start3A_1082 : memref<40xi32, #tpu.memory_space<hbm>>) target(%dma_start3A_1079 : memref<40xi32, #tpu.memory_space<vmem>>) target_semaphore(%arg34 : memref<!tpu.dma_semaphore, #tpu.memory_space<semaphore_mem>>)
        %dma_start3A_1083 = arith.constant 5 : i32
        %dma_start3A_1084 = arith.constant 0 : i32
        %dma_start3A_1085 = tpu.memref_slice %arg16[%dma_start3A_1083, %dma_start3A_1084] : memref<12x40xf32, #tpu.memory_space<vmem>> -> memref<1x40xf32, #tpu.memory_space<vmem>>
        %dma_start3A_1086 = tpu.memref_squeeze %dma_start3A_1085 : memref<1x40xf32, #tpu.memory_space<vmem>> -> memref<40xf32, #tpu.memory_space<vmem>>
        %dma_start3A_1087 = arith.constant 0 : i32
        %dma_start3A_1088 = tpu.memref_slice %arg5[%add3A, %add3A_1056, %dma_start3A_1087] : memref<32x252x40xf32, #tpu.memory_space<hbm>> -> memref<1x1x40xf32, #tpu.memory_space<hbm>>
        %dma_start3A_1089 = tpu.memref_squeeze %dma_start3A_1088 : memref<1x1x40xf32, #tpu.memory_space<hbm>> -> memref<40xf32, #tpu.memory_space<hbm>>
        %dma_start3A_1090 = arith.constant 0 : i32
        %dma_start3A_1091 = tpu.memref_slice %arg16[%dma_start3A_1083, %dma_start3A_1090] : memref<12x40xf32, #tpu.memory_space<vmem>> -> memref<1x40xf32, #tpu.memory_space<vmem>>
        %dma_start3A_1092 = tpu.memref_squeeze %dma_start3A_1091 : memref<1x40xf32, #tpu.memory_space<vmem>> -> memref<40xf32, #tpu.memory_space<vmem>>
        %dma_start3A_1093 = arith.constant 0 : i32
        %dma_start3A_1094 = tpu.memref_slice %arg5[%add3A, %add3A_1056, %dma_start3A_1093] : memref<32x252x40xf32, #tpu.memory_space<hbm>> -> memref<1x1x40xf32, #tpu.memory_space<hbm>>
        %dma_start3A_1095 = tpu.memref_squeeze %dma_start3A_1094 : memref<1x1x40xf32, #tpu.memory_space<hbm>> -> memref<40xf32, #tpu.memory_space<hbm>>
        tpu.enqueue_dma source(%dma_start3A_1095 : memref<40xf32, #tpu.memory_space<hbm>>) target(%dma_start3A_1092 : memref<40xf32, #tpu.memory_space<vmem>>) target_semaphore(%arg34 : memref<!tpu.dma_semaphore, #tpu.memory_space<semaphore_mem>>)
      } else {
      }
      %eq3A_957 = arith.constant 20 : i32
      %eq3A_958 = arith.cmpi eq, %scan3A_543, %eq3A_957 : i32
      %convert_element_type3A_959 = arith.extui %eq3A_958 : i1 to i32
      %cond3A_960 = arith.constant 9 : i32
      %cond3A_961 = arith.constant 0 : i32
      %cond3A_962 = arith.cmpi ne, %convert_element_type3A_959, %cond3A_961 : i32
      scf.if %cond3A_962 {
        %dma_wait3A_1055 = arith.constant 0 : i32
        %dma_wait3A_1056 = tpu.memref_slice %arg15[%cond3A_960, %dma_wait3A_1055] : memref<12x40xi32, #tpu.memory_space<vmem>> -> memref<1x40xi32, #tpu.memory_space<vmem>>
        %dma_wait3A_1057 = tpu.memref_squeeze %dma_wait3A_1056 : memref<1x40xi32, #tpu.memory_space<vmem>> -> memref<40xi32, #tpu.memory_space<vmem>>
        %dma_wait3A_1058 = arith.constant 0 : i32
        %dma_wait3A_1059 = arith.constant 0 : i32
        %dma_wait3A_1060 = tpu.memref_slice %arg41[%dma_wait3A_1058, %dma_wait3A_1059] : memref<10240x128xf32, #tpu.memory_space<vmem_shared>> -> memref<10240x128xf32, #tpu.memory_space<vmem_shared>>
        tpu.wait_indirect_dma semaphore(%arg26 : memref<!tpu.dma_semaphore, #tpu.memory_space<semaphore_mem>>) src(%arg11 : memref<40x128xf32, #tpu.memory_space<vmem>>) dst(%dma_wait3A_1060 : memref<10240x128xf32, #tpu.memory_space<vmem_shared>>)
      } else {
      }
      %mul3A_963 = arith.constant 12 : i32
      %mul3A_964 = arith.muli %scan3A_543, %mul3A_963 : i32
      %add3A_965 = arith.constant 10 : i32
      %add3A_966 = arith.addi %mul3A_964, %add3A_965 : i32
      %dma_wait3A_967 = arith.constant 10 : i32
      %dma_wait3A_968 = arith.constant 0 : i32
      %dma_wait3A_969 = tpu.memref_slice %arg14[%dma_wait3A_967, %dma_wait3A_968] : memref<12x40xi32, #tpu.memory_space<vmem>> -> memref<1x40xi32, #tpu.memory_space<vmem>>
      %dma_wait3A_970 = tpu.memref_squeeze %dma_wait3A_969 : memref<1x40xi32, #tpu.memory_space<vmem>> -> memref<40xi32, #tpu.memory_space<vmem>>
      %dma_wait3A_971 = arith.constant 0 : i32
      %dma_wait3A_972 = arith.constant 0 : i32
      %dma_wait3A_973 = tpu.memref_slice %arg2[%dma_wait3A_971, %dma_wait3A_972] : memref<20000x128xf32, #tpu.memory_space<hbm>> -> memref<20000x128xf32, #tpu.memory_space<hbm>>
      tpu.wait_indirect_dma semaphore(%arg21 : memref<!tpu.dma_semaphore, #tpu.memory_space<semaphore_mem>>) src(%dma_wait3A_973 : memref<20000x128xf32, #tpu.memory_space<hbm>>) dst(%arg12 : memref<40x128xf32, #tpu.memory_space<vmem>>)
      %broadcast_in_dim3A_974 = arith.constant 10 : i32
      %broadcast_in_dim3A_975 = vector.broadcast %broadcast_in_dim3A_974 : i32 to vector<16xi32>
      %scan3A_976 = arith.constant 0 : i32
      %scan3A_977 = arith.constant 0 : i32
      %scan3A_978 = arith.constant 40 : i32
      %scan3A_979 = arith.addi %scan3A_977, %scan3A_978 : i32
      %scan3A_980 = arith.constant 1 : i32
      scf.for %scan3A_1055 = %scan3A_977 to %scan3A_979 step %scan3A_980  : i32 {
        %broadcast_in_dim3A_1056 = vector.broadcast %scan3A_1055 : i32 to vector<16xi32>
        %gather3A = tpu.vector_load_idx %arg16[%broadcast_in_dim3A_975, %broadcast_in_dim3A_1056] : memref<12x40xf32, #tpu.memory_space<vmem>>[vector<16xi32>, vector<16xi32>], vector<16xf32>,
        %get3A = arith.index_cast %scan3A_1055 : i32 to index
        %get3A_1057 = arith.constant 0 : index
        %get3A_1058 = tpu.vector_load %arg12[%get3A, %get3A_1057] {strides = array<i32>} : memref<40x128xf32, #tpu.memory_space<vmem>>, vector<16xf32>,
        %mul3A_1059 = arith.mulf %get3A_1058, %gather3A : vector<16xf32>
        %swap3A = arith.index_cast %scan3A_1055 : i32 to index
        %swap3A_1060 = arith.constant 0 : index
        %swap3A_1061 = tpu.vector_load %arg12[%swap3A, %swap3A_1060] {strides = array<i32>} : memref<40x128xf32, #tpu.memory_space<vmem>>, vector<16xf32>,
        tpu.vector_store %arg12[%swap3A, %swap3A_1060], %mul3A_1059 {strides = array<i32>} : memref<40x128xf32, #tpu.memory_space<vmem>>, vector<16xf32>,
        %get3A_1062 = arith.index_cast %scan3A_1055 : i32 to index
        %get3A_1063 = arith.constant 16 : index
        %get3A_1064 = tpu.vector_load %arg12[%get3A_1062, %get3A_1063] {strides = array<i32>} : memref<40x128xf32, #tpu.memory_space<vmem>>, vector<16xf32>,
        %mul3A_1065 = arith.mulf %get3A_1064, %gather3A : vector<16xf32>
        %swap3A_1066 = arith.index_cast %scan3A_1055 : i32 to index
        %swap3A_1067 = arith.constant 16 : index
        %swap3A_1068 = tpu.vector_load %arg12[%swap3A_1066, %swap3A_1067] {strides = array<i32>} : memref<40x128xf32, #tpu.memory_space<vmem>>, vector<16xf32>,
        tpu.vector_store %arg12[%swap3A_1066, %swap3A_1067], %mul3A_1065 {strides = array<i32>} : memref<40x128xf32, #tpu.memory_space<vmem>>, vector<16xf32>,
        %get3A_1069 = arith.index_cast %scan3A_1055 : i32 to index
        %get3A_1070 = arith.constant 32 : index
        %get3A_1071 = tpu.vector_load %arg12[%get3A_1069, %get3A_1070] {strides = array<i32>} : memref<40x128xf32, #tpu.memory_space<vmem>>, vector<16xf32>,
        %mul3A_1072 = arith.mulf %get3A_1071, %gather3A : vector<16xf32>
        %swap3A_1073 = arith.index_cast %scan3A_1055 : i32 to index
        %swap3A_1074 = arith.constant 32 : index
        %swap3A_1075 = tpu.vector_load %arg12[%swap3A_1073, %swap3A_1074] {strides = array<i32>} : memref<40x128xf32, #tpu.memory_space<vmem>>, vector<16xf32>,
        tpu.vector_store %arg12[%swap3A_1073, %swap3A_1074], %mul3A_1072 {strides = array<i32>} : memref<40x128xf32, #tpu.memory_space<vmem>>, vector<16xf32>,
        %get3A_1076 = arith.index_cast %scan3A_1055 : i32 to index
        %get3A_1077 = arith.constant 48 : index
        %get3A_1078 = tpu.vector_load %arg12[%get3A_1076, %get3A_1077] {strides = array<i32>} : memref<40x128xf32, #tpu.memory_space<vmem>>, vector<16xf32>,
        %mul3A_1079 = arith.mulf %get3A_1078, %gather3A : vector<16xf32>
        %swap3A_1080 = arith.index_cast %scan3A_1055 : i32 to index
        %swap3A_1081 = arith.constant 48 : index
        %swap3A_1082 = tpu.vector_load %arg12[%swap3A_1080, %swap3A_1081] {strides = array<i32>} : memref<40x128xf32, #tpu.memory_space<vmem>>, vector<16xf32>,
        tpu.vector_store %arg12[%swap3A_1080, %swap3A_1081], %mul3A_1079 {strides = array<i32>} : memref<40x128xf32, #tpu.memory_space<vmem>>, vector<16xf32>,
        %get3A_1083 = arith.index_cast %scan3A_1055 : i32 to index
        %get3A_1084 = arith.constant 64 : index
        %get3A_1085 = tpu.vector_load %arg12[%get3A_1083, %get3A_1084] {strides = array<i32>} : memref<40x128xf32, #tpu.memory_space<vmem>>, vector<16xf32>,
        %mul3A_1086 = arith.mulf %get3A_1085, %gather3A : vector<16xf32>
        %swap3A_1087 = arith.index_cast %scan3A_1055 : i32 to index
        %swap3A_1088 = arith.constant 64 : index
        %swap3A_1089 = tpu.vector_load %arg12[%swap3A_1087, %swap3A_1088] {strides = array<i32>} : memref<40x128xf32, #tpu.memory_space<vmem>>, vector<16xf32>,
        tpu.vector_store %arg12[%swap3A_1087, %swap3A_1088], %mul3A_1086 {strides = array<i32>} : memref<40x128xf32, #tpu.memory_space<vmem>>, vector<16xf32>,
        %get3A_1090 = arith.index_cast %scan3A_1055 : i32 to index
        %get3A_1091 = arith.constant 80 : index
        %get3A_1092 = tpu.vector_load %arg12[%get3A_1090, %get3A_1091] {strides = array<i32>} : memref<40x128xf32, #tpu.memory_space<vmem>>, vector<16xf32>,
        %mul3A_1093 = arith.mulf %get3A_1092, %gather3A : vector<16xf32>
        %swap3A_1094 = arith.index_cast %scan3A_1055 : i32 to index
        %swap3A_1095 = arith.constant 80 : index
        %swap3A_1096 = tpu.vector_load %arg12[%swap3A_1094, %swap3A_1095] {strides = array<i32>} : memref<40x128xf32, #tpu.memory_space<vmem>>, vector<16xf32>,
        tpu.vector_store %arg12[%swap3A_1094, %swap3A_1095], %mul3A_1093 {strides = array<i32>} : memref<40x128xf32, #tpu.memory_space<vmem>>, vector<16xf32>,
        %get3A_1097 = arith.index_cast %scan3A_1055 : i32 to index
        %get3A_1098 = arith.constant 96 : index
        %get3A_1099 = tpu.vector_load %arg12[%get3A_1097, %get3A_1098] {strides = array<i32>} : memref<40x128xf32, #tpu.memory_space<vmem>>, vector<16xf32>,
        %mul3A_1100 = arith.mulf %get3A_1099, %gather3A : vector<16xf32>
        %swap3A_1101 = arith.index_cast %scan3A_1055 : i32 to index
        %swap3A_1102 = arith.constant 96 : index
        %swap3A_1103 = tpu.vector_load %arg12[%swap3A_1101, %swap3A_1102] {strides = array<i32>} : memref<40x128xf32, #tpu.memory_space<vmem>>, vector<16xf32>,
        tpu.vector_store %arg12[%swap3A_1101, %swap3A_1102], %mul3A_1100 {strides = array<i32>} : memref<40x128xf32, #tpu.memory_space<vmem>>, vector<16xf32>,
        %get3A_1104 = arith.index_cast %scan3A_1055 : i32 to index
        %get3A_1105 = arith.constant 112 : index
        %get3A_1106 = tpu.vector_load %arg12[%get3A_1104, %get3A_1105] {strides = array<i32>} : memref<40x128xf32, #tpu.memory_space<vmem>>, vector<16xf32>,
        %mul3A_1107 = arith.mulf %get3A_1106, %gather3A : vector<16xf32>
        %swap3A_1108 = arith.index_cast %scan3A_1055 : i32 to index
        %swap3A_1109 = arith.constant 112 : index
        %swap3A_1110 = tpu.vector_load %arg12[%swap3A_1108, %swap3A_1109] {strides = array<i32>} : memref<40x128xf32, #tpu.memory_space<vmem>>, vector<16xf32>,
        tpu.vector_store %arg12[%swap3A_1108, %swap3A_1109], %mul3A_1107 {strides = array<i32>} : memref<40x128xf32, #tpu.memory_space<vmem>>, vector<16xf32>,
      }
      %scan3A_981 = arith.constant 40 : i32
      %dma_start3A_982 = arith.constant 10 : i32
      %dma_start3A_983 = arith.constant 0 : i32
      %dma_start3A_984 = tpu.memref_slice %arg15[%dma_start3A_982, %dma_start3A_983] : memref<12x40xi32, #tpu.memory_space<vmem>> -> memref<1x40xi32, #tpu.memory_space<vmem>>
      %dma_start3A_985 = tpu.memref_squeeze %dma_start3A_984 : memref<1x40xi32, #tpu.memory_space<vmem>> -> memref<40xi32, #tpu.memory_space<vmem>>
      %dma_start3A_986 = arith.constant 0 : i32
      %dma_start3A_987 = arith.constant 0 : i32
      %dma_start3A_988 = tpu.memref_slice %arg41[%dma_start3A_986, %dma_start3A_987] : memref<10240x128xf32, #tpu.memory_space<vmem_shared>> -> memref<10240x128xf32, #tpu.memory_space<vmem_shared>>
      tpu.enqueue_indirect_dma source(%arg12 : memref<40x128xf32, #tpu.memory_space<vmem>>) target(%dma_start3A_988 : memref<10240x128xf32, #tpu.memory_space<vmem_shared>>) offsets(%dma_start3A_985 : memref<40xi32, #tpu.memory_space<vmem>>) semaphore(%arg27 : memref<!tpu.dma_semaphore, #tpu.memory_space<semaphore_mem>>) {add = true}
      %add3A_989 = arith.constant 4 : i32
      %add3A_990 = arith.addi %add3A_966, %add3A_989 : i32
      %lt3A_991 = arith.constant 252 : i32
      %lt3A_992 = arith.cmpi slt, %add3A_990, %lt3A_991 : i32
      %convert_element_type3A_993 = arith.extui %lt3A_992 : i1 to i32
      %cond3A_994 = arith.constant 0 : i32
      %cond3A_995 = arith.cmpi ne, %convert_element_type3A_993, %cond3A_994 : i32
      scf.if %cond3A_995 {
        %ge3A = arith.constant 2 : i32
        %ge3A_1055 = arith.cmpi sge, %add3A_966, %ge3A : i32
        %convert_element_type3A_1056 = arith.extui %ge3A_1055 : i1 to i32
        %cond3A_1057 = arith.constant 0 : i32
        %cond3A_1058 = arith.cmpi ne, %convert_element_type3A_1056, %cond3A_1057 : i32
        scf.if %cond3A_1058 {
          %dma_wait3A_1107 = arith.constant 2 : i32
          %dma_wait3A_1108 = arith.constant 0 : i32
          %dma_wait3A_1109 = tpu.memref_slice %arg15[%dma_wait3A_1107, %dma_wait3A_1108] : memref<12x40xi32, #tpu.memory_space<vmem>> -> memref<1x40xi32, #tpu.memory_space<vmem>>
          %dma_wait3A_1110 = tpu.memref_squeeze %dma_wait3A_1109 : memref<1x40xi32, #tpu.memory_space<vmem>> -> memref<40xi32, #tpu.memory_space<vmem>>
          %dma_wait3A_1111 = arith.constant 0 : i32
          %dma_wait3A_1112 = arith.constant 0 : i32
          %dma_wait3A_1113 = tpu.memref_slice %arg41[%dma_wait3A_1111, %dma_wait3A_1112] : memref<10240x128xf32, #tpu.memory_space<vmem_shared>> -> memref<10240x128xf32, #tpu.memory_space<vmem_shared>>
          tpu.wait_indirect_dma semaphore(%arg25 : memref<!tpu.dma_semaphore, #tpu.memory_space<semaphore_mem>>) src(%arg10 : memref<40x128xf32, #tpu.memory_space<vmem>>) dst(%dma_wait3A_1113 : memref<10240x128xf32, #tpu.memory_space<vmem_shared>>)
        } else {
        }
        %add3A_1059 = arith.constant 4 : i32
        %add3A_1060 = arith.addi %add3A_966, %add3A_1059 : i32
        %dma_wait3A_1061 = arith.constant 2 : i32
        %dma_wait3A_1062 = arith.constant 0 : i32
        %dma_wait3A_1063 = tpu.memref_slice %arg14[%dma_wait3A_1061, %dma_wait3A_1062] : memref<12x40xi32, #tpu.memory_space<vmem>> -> memref<1x40xi32, #tpu.memory_space<vmem>>
        %dma_wait3A_1064 = tpu.memref_squeeze %dma_wait3A_1063 : memref<1x40xi32, #tpu.memory_space<vmem>> -> memref<40xi32, #tpu.memory_space<vmem>>
        %dma_wait3A_1065 = arith.constant 0 : i32
        %dma_wait3A_1066 = tpu.memref_slice %arg3[%add3A, %add3A_1060, %dma_wait3A_1065] : memref<32x252x40xi32, #tpu.memory_space<hbm>> -> memref<1x1x40xi32, #tpu.memory_space<hbm>>
        %dma_wait3A_1067 = tpu.memref_squeeze %dma_wait3A_1066 : memref<1x1x40xi32, #tpu.memory_space<hbm>> -> memref<40xi32, #tpu.memory_space<hbm>>
        %dma_wait3A_1068 = arith.constant 0 : i32
        %dma_wait3A_1069 = tpu.memref_slice %arg14[%dma_wait3A_1061, %dma_wait3A_1068] : memref<12x40xi32, #tpu.memory_space<vmem>> -> memref<1x40xi32, #tpu.memory_space<vmem>>
        %dma_wait3A_1070 = tpu.memref_squeeze %dma_wait3A_1069 : memref<1x40xi32, #tpu.memory_space<vmem>> -> memref<40xi32, #tpu.memory_space<vmem>>
        %dma_wait3A_1071 = arith.constant 0 : i32
        %dma_wait3A_1072 = tpu.memref_slice %arg3[%add3A, %add3A_1060, %dma_wait3A_1071] : memref<32x252x40xi32, #tpu.memory_space<hbm>> -> memref<1x1x40xi32, #tpu.memory_space<hbm>>
        %dma_wait3A_1073 = tpu.memref_squeeze %dma_wait3A_1072 : memref<1x1x40xi32, #tpu.memory_space<hbm>> -> memref<40xi32, #tpu.memory_space<hbm>>
        tpu.wait_dma2 semaphore(%arg31 : memref<!tpu.dma_semaphore, #tpu.memory_space<semaphore_mem>>) src(%dma_wait3A_1073 : memref<40xi32, #tpu.memory_space<hbm>>) dst(%dma_wait3A_1070 : memref<40xi32, #tpu.memory_space<vmem>>)
        %dma_wait3A_1074 = arith.constant 2 : i32
        %dma_wait3A_1075 = arith.constant 0 : i32
        %dma_wait3A_1076 = tpu.memref_slice %arg15[%dma_wait3A_1074, %dma_wait3A_1075] : memref<12x40xi32, #tpu.memory_space<vmem>> -> memref<1x40xi32, #tpu.memory_space<vmem>>
        %dma_wait3A_1077 = tpu.memref_squeeze %dma_wait3A_1076 : memref<1x40xi32, #tpu.memory_space<vmem>> -> memref<40xi32, #tpu.memory_space<vmem>>
        %dma_wait3A_1078 = arith.constant 0 : i32
        %dma_wait3A_1079 = tpu.memref_slice %arg4[%add3A, %add3A_1060, %dma_wait3A_1078] : memref<32x252x40xi32, #tpu.memory_space<hbm>> -> memref<1x1x40xi32, #tpu.memory_space<hbm>>
        %dma_wait3A_1080 = tpu.memref_squeeze %dma_wait3A_1079 : memref<1x1x40xi32, #tpu.memory_space<hbm>> -> memref<40xi32, #tpu.memory_space<hbm>>
        %dma_wait3A_1081 = arith.constant 0 : i32
        %dma_wait3A_1082 = tpu.memref_slice %arg15[%dma_wait3A_1074, %dma_wait3A_1081] : memref<12x40xi32, #tpu.memory_space<vmem>> -> memref<1x40xi32, #tpu.memory_space<vmem>>
        %dma_wait3A_1083 = tpu.memref_squeeze %dma_wait3A_1082 : memref<1x40xi32, #tpu.memory_space<vmem>> -> memref<40xi32, #tpu.memory_space<vmem>>
        %dma_wait3A_1084 = arith.constant 0 : i32
        %dma_wait3A_1085 = tpu.memref_slice %arg4[%add3A, %add3A_1060, %dma_wait3A_1084] : memref<32x252x40xi32, #tpu.memory_space<hbm>> -> memref<1x1x40xi32, #tpu.memory_space<hbm>>
        %dma_wait3A_1086 = tpu.memref_squeeze %dma_wait3A_1085 : memref<1x1x40xi32, #tpu.memory_space<hbm>> -> memref<40xi32, #tpu.memory_space<hbm>>
        tpu.wait_dma2 semaphore(%arg31 : memref<!tpu.dma_semaphore, #tpu.memory_space<semaphore_mem>>) src(%dma_wait3A_1086 : memref<40xi32, #tpu.memory_space<hbm>>) dst(%dma_wait3A_1083 : memref<40xi32, #tpu.memory_space<vmem>>)
        %dma_wait3A_1087 = arith.constant 2 : i32
        %dma_wait3A_1088 = arith.constant 0 : i32
        %dma_wait3A_1089 = tpu.memref_slice %arg16[%dma_wait3A_1087, %dma_wait3A_1088] : memref<12x40xf32, #tpu.memory_space<vmem>> -> memref<1x40xf32, #tpu.memory_space<vmem>>
        %dma_wait3A_1090 = tpu.memref_squeeze %dma_wait3A_1089 : memref<1x40xf32, #tpu.memory_space<vmem>> -> memref<40xf32, #tpu.memory_space<vmem>>
        %dma_wait3A_1091 = arith.constant 0 : i32
        %dma_wait3A_1092 = tpu.memref_slice %arg5[%add3A, %add3A_1060, %dma_wait3A_1091] : memref<32x252x40xf32, #tpu.memory_space<hbm>> -> memref<1x1x40xf32, #tpu.memory_space<hbm>>
        %dma_wait3A_1093 = tpu.memref_squeeze %dma_wait3A_1092 : memref<1x1x40xf32, #tpu.memory_space<hbm>> -> memref<40xf32, #tpu.memory_space<hbm>>
        %dma_wait3A_1094 = arith.constant 0 : i32
        %dma_wait3A_1095 = tpu.memref_slice %arg16[%dma_wait3A_1087, %dma_wait3A_1094] : memref<12x40xf32, #tpu.memory_space<vmem>> -> memref<1x40xf32, #tpu.memory_space<vmem>>
        %dma_wait3A_1096 = tpu.memref_squeeze %dma_wait3A_1095 : memref<1x40xf32, #tpu.memory_space<vmem>> -> memref<40xf32, #tpu.memory_space<vmem>>
        %dma_wait3A_1097 = arith.constant 0 : i32
        %dma_wait3A_1098 = tpu.memref_slice %arg5[%add3A, %add3A_1060, %dma_wait3A_1097] : memref<32x252x40xf32, #tpu.memory_space<hbm>> -> memref<1x1x40xf32, #tpu.memory_space<hbm>>
        %dma_wait3A_1099 = tpu.memref_squeeze %dma_wait3A_1098 : memref<1x1x40xf32, #tpu.memory_space<hbm>> -> memref<40xf32, #tpu.memory_space<hbm>>
        tpu.wait_dma2 semaphore(%arg31 : memref<!tpu.dma_semaphore, #tpu.memory_space<semaphore_mem>>) src(%dma_wait3A_1099 : memref<40xf32, #tpu.memory_space<hbm>>) dst(%dma_wait3A_1096 : memref<40xf32, #tpu.memory_space<vmem>>)
        %dma_start3A_1100 = arith.constant 2 : i32
        %dma_start3A_1101 = arith.constant 0 : i32
        %dma_start3A_1102 = tpu.memref_slice %arg14[%dma_start3A_1100, %dma_start3A_1101] : memref<12x40xi32, #tpu.memory_space<vmem>> -> memref<1x40xi32, #tpu.memory_space<vmem>>
        %dma_start3A_1103 = tpu.memref_squeeze %dma_start3A_1102 : memref<1x40xi32, #tpu.memory_space<vmem>> -> memref<40xi32, #tpu.memory_space<vmem>>
        %dma_start3A_1104 = arith.constant 0 : i32
        %dma_start3A_1105 = arith.constant 0 : i32
        %dma_start3A_1106 = tpu.memref_slice %arg2[%dma_start3A_1104, %dma_start3A_1105] : memref<20000x128xf32, #tpu.memory_space<hbm>> -> memref<20000x128xf32, #tpu.memory_space<hbm>>
        tpu.enqueue_indirect_dma source(%dma_start3A_1106 : memref<20000x128xf32, #tpu.memory_space<hbm>>) target(%arg10 : memref<40x128xf32, #tpu.memory_space<vmem>>) offsets(%dma_start3A_1103 : memref<40xi32, #tpu.memory_space<vmem>>) semaphore(%arg19 : memref<!tpu.dma_semaphore, #tpu.memory_space<semaphore_mem>>)
      } else {
      }
      %add3A_996 = arith.constant 8 : i32
      %add3A_997 = arith.addi %add3A_966, %add3A_996 : i32
      %lt3A_998 = arith.constant 252 : i32
      %lt3A_999 = arith.cmpi slt, %add3A_997, %lt3A_998 : i32
      %convert_element_type3A_1000 = arith.extui %lt3A_999 : i1 to i32
      %cond3A_1001 = arith.constant 0 : i32
      %cond3A_1002 = arith.cmpi ne, %convert_element_type3A_1000, %cond3A_1001 : i32
      scf.if %cond3A_1002 {
        %add3A_1055 = arith.constant 8 : i32
        %add3A_1056 = arith.addi %add3A_966, %add3A_1055 : i32
        %dma_start3A_1057 = arith.constant 6 : i32
        %dma_start3A_1058 = arith.constant 0 : i32
        %dma_start3A_1059 = tpu.memref_slice %arg14[%dma_start3A_1057, %dma_start3A_1058] : memref<12x40xi32, #tpu.memory_space<vmem>> -> memref<1x40xi32, #tpu.memory_space<vmem>>
        %dma_start3A_1060 = tpu.memref_squeeze %dma_start3A_1059 : memref<1x40xi32, #tpu.memory_space<vmem>> -> memref<40xi32, #tpu.memory_space<vmem>>
        %dma_start3A_1061 = arith.constant 0 : i32
        %dma_start3A_1062 = tpu.memref_slice %arg3[%add3A, %add3A_1056, %dma_start3A_1061] : memref<32x252x40xi32, #tpu.memory_space<hbm>> -> memref<1x1x40xi32, #tpu.memory_space<hbm>>
        %dma_start3A_1063 = tpu.memref_squeeze %dma_start3A_1062 : memref<1x1x40xi32, #tpu.memory_space<hbm>> -> memref<40xi32, #tpu.memory_space<hbm>>
        %dma_start3A_1064 = arith.constant 0 : i32
        %dma_start3A_1065 = tpu.memref_slice %arg14[%dma_start3A_1057, %dma_start3A_1064] : memref<12x40xi32, #tpu.memory_space<vmem>> -> memref<1x40xi32, #tpu.memory_space<vmem>>
        %dma_start3A_1066 = tpu.memref_squeeze %dma_start3A_1065 : memref<1x40xi32, #tpu.memory_space<vmem>> -> memref<40xi32, #tpu.memory_space<vmem>>
        %dma_start3A_1067 = arith.constant 0 : i32
        %dma_start3A_1068 = tpu.memref_slice %arg3[%add3A, %add3A_1056, %dma_start3A_1067] : memref<32x252x40xi32, #tpu.memory_space<hbm>> -> memref<1x1x40xi32, #tpu.memory_space<hbm>>
        %dma_start3A_1069 = tpu.memref_squeeze %dma_start3A_1068 : memref<1x1x40xi32, #tpu.memory_space<hbm>> -> memref<40xi32, #tpu.memory_space<hbm>>
        tpu.enqueue_dma source(%dma_start3A_1069 : memref<40xi32, #tpu.memory_space<hbm>>) target(%dma_start3A_1066 : memref<40xi32, #tpu.memory_space<vmem>>) target_semaphore(%arg35 : memref<!tpu.dma_semaphore, #tpu.memory_space<semaphore_mem>>)
        %dma_start3A_1070 = arith.constant 6 : i32
        %dma_start3A_1071 = arith.constant 0 : i32
        %dma_start3A_1072 = tpu.memref_slice %arg15[%dma_start3A_1070, %dma_start3A_1071] : memref<12x40xi32, #tpu.memory_space<vmem>> -> memref<1x40xi32, #tpu.memory_space<vmem>>
        %dma_start3A_1073 = tpu.memref_squeeze %dma_start3A_1072 : memref<1x40xi32, #tpu.memory_space<vmem>> -> memref<40xi32, #tpu.memory_space<vmem>>
        %dma_start3A_1074 = arith.constant 0 : i32
        %dma_start3A_1075 = tpu.memref_slice %arg4[%add3A, %add3A_1056, %dma_start3A_1074] : memref<32x252x40xi32, #tpu.memory_space<hbm>> -> memref<1x1x40xi32, #tpu.memory_space<hbm>>
        %dma_start3A_1076 = tpu.memref_squeeze %dma_start3A_1075 : memref<1x1x40xi32, #tpu.memory_space<hbm>> -> memref<40xi32, #tpu.memory_space<hbm>>
        %dma_start3A_1077 = arith.constant 0 : i32
        %dma_start3A_1078 = tpu.memref_slice %arg15[%dma_start3A_1070, %dma_start3A_1077] : memref<12x40xi32, #tpu.memory_space<vmem>> -> memref<1x40xi32, #tpu.memory_space<vmem>>
        %dma_start3A_1079 = tpu.memref_squeeze %dma_start3A_1078 : memref<1x40xi32, #tpu.memory_space<vmem>> -> memref<40xi32, #tpu.memory_space<vmem>>
        %dma_start3A_1080 = arith.constant 0 : i32
        %dma_start3A_1081 = tpu.memref_slice %arg4[%add3A, %add3A_1056, %dma_start3A_1080] : memref<32x252x40xi32, #tpu.memory_space<hbm>> -> memref<1x1x40xi32, #tpu.memory_space<hbm>>
        %dma_start3A_1082 = tpu.memref_squeeze %dma_start3A_1081 : memref<1x1x40xi32, #tpu.memory_space<hbm>> -> memref<40xi32, #tpu.memory_space<hbm>>
        tpu.enqueue_dma source(%dma_start3A_1082 : memref<40xi32, #tpu.memory_space<hbm>>) target(%dma_start3A_1079 : memref<40xi32, #tpu.memory_space<vmem>>) target_semaphore(%arg35 : memref<!tpu.dma_semaphore, #tpu.memory_space<semaphore_mem>>)
        %dma_start3A_1083 = arith.constant 6 : i32
        %dma_start3A_1084 = arith.constant 0 : i32
        %dma_start3A_1085 = tpu.memref_slice %arg16[%dma_start3A_1083, %dma_start3A_1084] : memref<12x40xf32, #tpu.memory_space<vmem>> -> memref<1x40xf32, #tpu.memory_space<vmem>>
        %dma_start3A_1086 = tpu.memref_squeeze %dma_start3A_1085 : memref<1x40xf32, #tpu.memory_space<vmem>> -> memref<40xf32, #tpu.memory_space<vmem>>
        %dma_start3A_1087 = arith.constant 0 : i32
        %dma_start3A_1088 = tpu.memref_slice %arg5[%add3A, %add3A_1056, %dma_start3A_1087] : memref<32x252x40xf32, #tpu.memory_space<hbm>> -> memref<1x1x40xf32, #tpu.memory_space<hbm>>
        %dma_start3A_1089 = tpu.memref_squeeze %dma_start3A_1088 : memref<1x1x40xf32, #tpu.memory_space<hbm>> -> memref<40xf32, #tpu.memory_space<hbm>>
        %dma_start3A_1090 = arith.constant 0 : i32
        %dma_start3A_1091 = tpu.memref_slice %arg16[%dma_start3A_1083, %dma_start3A_1090] : memref<12x40xf32, #tpu.memory_space<vmem>> -> memref<1x40xf32, #tpu.memory_space<vmem>>
        %dma_start3A_1092 = tpu.memref_squeeze %dma_start3A_1091 : memref<1x40xf32, #tpu.memory_space<vmem>> -> memref<40xf32, #tpu.memory_space<vmem>>
        %dma_start3A_1093 = arith.constant 0 : i32
        %dma_start3A_1094 = tpu.memref_slice %arg5[%add3A, %add3A_1056, %dma_start3A_1093] : memref<32x252x40xf32, #tpu.memory_space<hbm>> -> memref<1x1x40xf32, #tpu.memory_space<hbm>>
        %dma_start3A_1095 = tpu.memref_squeeze %dma_start3A_1094 : memref<1x1x40xf32, #tpu.memory_space<hbm>> -> memref<40xf32, #tpu.memory_space<hbm>>
        tpu.enqueue_dma source(%dma_start3A_1095 : memref<40xf32, #tpu.memory_space<hbm>>) target(%dma_start3A_1092 : memref<40xf32, #tpu.memory_space<vmem>>) target_semaphore(%arg35 : memref<!tpu.dma_semaphore, #tpu.memory_space<semaphore_mem>>)
      } else {
      }
      %eq3A_1003 = arith.constant 20 : i32
      %eq3A_1004 = arith.cmpi eq, %scan3A_543, %eq3A_1003 : i32
      %convert_element_type3A_1005 = arith.extui %eq3A_1004 : i1 to i32
      %cond3A_1006 = arith.constant 10 : i32
      %cond3A_1007 = arith.constant 0 : i32
      %cond3A_1008 = arith.cmpi ne, %convert_element_type3A_1005, %cond3A_1007 : i32
      scf.if %cond3A_1008 {
        %dma_wait3A_1055 = arith.constant 0 : i32
        %dma_wait3A_1056 = tpu.memref_slice %arg15[%cond3A_1006, %dma_wait3A_1055] : memref<12x40xi32, #tpu.memory_space<vmem>> -> memref<1x40xi32, #tpu.memory_space<vmem>>
        %dma_wait3A_1057 = tpu.memref_squeeze %dma_wait3A_1056 : memref<1x40xi32, #tpu.memory_space<vmem>> -> memref<40xi32, #tpu.memory_space<vmem>>
        %dma_wait3A_1058 = arith.constant 0 : i32
        %dma_wait3A_1059 = arith.constant 0 : i32
        %dma_wait3A_1060 = tpu.memref_slice %arg41[%dma_wait3A_1058, %dma_wait3A_1059] : memref<10240x128xf32, #tpu.memory_space<vmem_shared>> -> memref<10240x128xf32, #tpu.memory_space<vmem_shared>>
        tpu.wait_indirect_dma semaphore(%arg27 : memref<!tpu.dma_semaphore, #tpu.memory_space<semaphore_mem>>) src(%arg12 : memref<40x128xf32, #tpu.memory_space<vmem>>) dst(%dma_wait3A_1060 : memref<10240x128xf32, #tpu.memory_space<vmem_shared>>)
      } else {
      }
      %mul3A_1009 = arith.constant 12 : i32
      %mul3A_1010 = arith.muli %scan3A_543, %mul3A_1009 : i32
      %add3A_1011 = arith.constant 11 : i32
      %add3A_1012 = arith.addi %mul3A_1010, %add3A_1011 : i32
      %dma_wait3A_1013 = arith.constant 11 : i32
      %dma_wait3A_1014 = arith.constant 0 : i32
      %dma_wait3A_1015 = tpu.memref_slice %arg14[%dma_wait3A_1013, %dma_wait3A_1014] : memref<12x40xi32, #tpu.memory_space<vmem>> -> memref<1x40xi32, #tpu.memory_space<vmem>>
      %dma_wait3A_1016 = tpu.memref_squeeze %dma_wait3A_1015 : memref<1x40xi32, #tpu.memory_space<vmem>> -> memref<40xi32, #tpu.memory_space<vmem>>
      %dma_wait3A_1017 = arith.constant 0 : i32
      %dma_wait3A_1018 = arith.constant 0 : i32
      %dma_wait3A_1019 = tpu.memref_slice %arg2[%dma_wait3A_1017, %dma_wait3A_1018] : memref<20000x128xf32, #tpu.memory_space<hbm>> -> memref<20000x128xf32, #tpu.memory_space<hbm>>
      tpu.wait_indirect_dma semaphore(%arg22 : memref<!tpu.dma_semaphore, #tpu.memory_space<semaphore_mem>>) src(%dma_wait3A_1019 : memref<20000x128xf32, #tpu.memory_space<hbm>>) dst(%arg13 : memref<40x128xf32, #tpu.memory_space<vmem>>)
      %broadcast_in_dim3A_1020 = arith.constant 11 : i32
      %broadcast_in_dim3A_1021 = vector.broadcast %broadcast_in_dim3A_1020 : i32 to vector<16xi32>
      %scan3A_1022 = arith.constant 0 : i32
      %scan3A_1023 = arith.constant 0 : i32
      %scan3A_1024 = arith.constant 40 : i32
      %scan3A_1025 = arith.addi %scan3A_1023, %scan3A_1024 : i32
      %scan3A_1026 = arith.constant 1 : i32
      scf.for %scan3A_1055 = %scan3A_1023 to %scan3A_1025 step %scan3A_1026  : i32 {
        %broadcast_in_dim3A_1056 = vector.broadcast %scan3A_1055 : i32 to vector<16xi32>
        %gather3A = tpu.vector_load_idx %arg16[%broadcast_in_dim3A_1021, %broadcast_in_dim3A_1056] : memref<12x40xf32, #tpu.memory_space<vmem>>[vector<16xi32>, vector<16xi32>], vector<16xf32>,
        %get3A = arith.index_cast %scan3A_1055 : i32 to index
        %get3A_1057 = arith.constant 0 : index
        %get3A_1058 = tpu.vector_load %arg13[%get3A, %get3A_1057] {strides = array<i32>} : memref<40x128xf32, #tpu.memory_space<vmem>>, vector<16xf32>,
        %mul3A_1059 = arith.mulf %get3A_1058, %gather3A : vector<16xf32>
        %swap3A = arith.index_cast %scan3A_1055 : i32 to index
        %swap3A_1060 = arith.constant 0 : index
        %swap3A_1061 = tpu.vector_load %arg13[%swap3A, %swap3A_1060] {strides = array<i32>} : memref<40x128xf32, #tpu.memory_space<vmem>>, vector<16xf32>,
        tpu.vector_store %arg13[%swap3A, %swap3A_1060], %mul3A_1059 {strides = array<i32>} : memref<40x128xf32, #tpu.memory_space<vmem>>, vector<16xf32>,
        %get3A_1062 = arith.index_cast %scan3A_1055 : i32 to index
        %get3A_1063 = arith.constant 16 : index
        %get3A_1064 = tpu.vector_load %arg13[%get3A_1062, %get3A_1063] {strides = array<i32>} : memref<40x128xf32, #tpu.memory_space<vmem>>, vector<16xf32>,
        %mul3A_1065 = arith.mulf %get3A_1064, %gather3A : vector<16xf32>
        %swap3A_1066 = arith.index_cast %scan3A_1055 : i32 to index
        %swap3A_1067 = arith.constant 16 : index
        %swap3A_1068 = tpu.vector_load %arg13[%swap3A_1066, %swap3A_1067] {strides = array<i32>} : memref<40x128xf32, #tpu.memory_space<vmem>>, vector<16xf32>,
        tpu.vector_store %arg13[%swap3A_1066, %swap3A_1067], %mul3A_1065 {strides = array<i32>} : memref<40x128xf32, #tpu.memory_space<vmem>>, vector<16xf32>,
        %get3A_1069 = arith.index_cast %scan3A_1055 : i32 to index
        %get3A_1070 = arith.constant 32 : index
        %get3A_1071 = tpu.vector_load %arg13[%get3A_1069, %get3A_1070] {strides = array<i32>} : memref<40x128xf32, #tpu.memory_space<vmem>>, vector<16xf32>,
        %mul3A_1072 = arith.mulf %get3A_1071, %gather3A : vector<16xf32>
        %swap3A_1073 = arith.index_cast %scan3A_1055 : i32 to index
        %swap3A_1074 = arith.constant 32 : index
        %swap3A_1075 = tpu.vector_load %arg13[%swap3A_1073, %swap3A_1074] {strides = array<i32>} : memref<40x128xf32, #tpu.memory_space<vmem>>, vector<16xf32>,
        tpu.vector_store %arg13[%swap3A_1073, %swap3A_1074], %mul3A_1072 {strides = array<i32>} : memref<40x128xf32, #tpu.memory_space<vmem>>, vector<16xf32>,
        %get3A_1076 = arith.index_cast %scan3A_1055 : i32 to index
        %get3A_1077 = arith.constant 48 : index
        %get3A_1078 = tpu.vector_load %arg13[%get3A_1076, %get3A_1077] {strides = array<i32>} : memref<40x128xf32, #tpu.memory_space<vmem>>, vector<16xf32>,
        %mul3A_1079 = arith.mulf %get3A_1078, %gather3A : vector<16xf32>
        %swap3A_1080 = arith.index_cast %scan3A_1055 : i32 to index
        %swap3A_1081 = arith.constant 48 : index
        %swap3A_1082 = tpu.vector_load %arg13[%swap3A_1080, %swap3A_1081] {strides = array<i32>} : memref<40x128xf32, #tpu.memory_space<vmem>>, vector<16xf32>,
        tpu.vector_store %arg13[%swap3A_1080, %swap3A_1081], %mul3A_1079 {strides = array<i32>} : memref<40x128xf32, #tpu.memory_space<vmem>>, vector<16xf32>,
        %get3A_1083 = arith.index_cast %scan3A_1055 : i32 to index
        %get3A_1084 = arith.constant 64 : index
        %get3A_1085 = tpu.vector_load %arg13[%get3A_1083, %get3A_1084] {strides = array<i32>} : memref<40x128xf32, #tpu.memory_space<vmem>>, vector<16xf32>,
        %mul3A_1086 = arith.mulf %get3A_1085, %gather3A : vector<16xf32>
        %swap3A_1087 = arith.index_cast %scan3A_1055 : i32 to index
        %swap3A_1088 = arith.constant 64 : index
        %swap3A_1089 = tpu.vector_load %arg13[%swap3A_1087, %swap3A_1088] {strides = array<i32>} : memref<40x128xf32, #tpu.memory_space<vmem>>, vector<16xf32>,
        tpu.vector_store %arg13[%swap3A_1087, %swap3A_1088], %mul3A_1086 {strides = array<i32>} : memref<40x128xf32, #tpu.memory_space<vmem>>, vector<16xf32>,
        %get3A_1090 = arith.index_cast %scan3A_1055 : i32 to index
        %get3A_1091 = arith.constant 80 : index
        %get3A_1092 = tpu.vector_load %arg13[%get3A_1090, %get3A_1091] {strides = array<i32>} : memref<40x128xf32, #tpu.memory_space<vmem>>, vector<16xf32>,
        %mul3A_1093 = arith.mulf %get3A_1092, %gather3A : vector<16xf32>
        %swap3A_1094 = arith.index_cast %scan3A_1055 : i32 to index
        %swap3A_1095 = arith.constant 80 : index
        %swap3A_1096 = tpu.vector_load %arg13[%swap3A_1094, %swap3A_1095] {strides = array<i32>} : memref<40x128xf32, #tpu.memory_space<vmem>>, vector<16xf32>,
        tpu.vector_store %arg13[%swap3A_1094, %swap3A_1095], %mul3A_1093 {strides = array<i32>} : memref<40x128xf32, #tpu.memory_space<vmem>>, vector<16xf32>,
        %get3A_1097 = arith.index_cast %scan3A_1055 : i32 to index
        %get3A_1098 = arith.constant 96 : index
        %get3A_1099 = tpu.vector_load %arg13[%get3A_1097, %get3A_1098] {strides = array<i32>} : memref<40x128xf32, #tpu.memory_space<vmem>>, vector<16xf32>,
        %mul3A_1100 = arith.mulf %get3A_1099, %gather3A : vector<16xf32>
        %swap3A_1101 = arith.index_cast %scan3A_1055 : i32 to index
        %swap3A_1102 = arith.constant 96 : index
        %swap3A_1103 = tpu.vector_load %arg13[%swap3A_1101, %swap3A_1102] {strides = array<i32>} : memref<40x128xf32, #tpu.memory_space<vmem>>, vector<16xf32>,
        tpu.vector_store %arg13[%swap3A_1101, %swap3A_1102], %mul3A_1100 {strides = array<i32>} : memref<40x128xf32, #tpu.memory_space<vmem>>, vector<16xf32>,
        %get3A_1104 = arith.index_cast %scan3A_1055 : i32 to index
        %get3A_1105 = arith.constant 112 : index
        %get3A_1106 = tpu.vector_load %arg13[%get3A_1104, %get3A_1105] {strides = array<i32>} : memref<40x128xf32, #tpu.memory_space<vmem>>, vector<16xf32>,
        %mul3A_1107 = arith.mulf %get3A_1106, %gather3A : vector<16xf32>
        %swap3A_1108 = arith.index_cast %scan3A_1055 : i32 to index
        %swap3A_1109 = arith.constant 112 : index
        %swap3A_1110 = tpu.vector_load %arg13[%swap3A_1108, %swap3A_1109] {strides = array<i32>} : memref<40x128xf32, #tpu.memory_space<vmem>>, vector<16xf32>,
        tpu.vector_store %arg13[%swap3A_1108, %swap3A_1109], %mul3A_1107 {strides = array<i32>} : memref<40x128xf32, #tpu.memory_space<vmem>>, vector<16xf32>,
      }
      %scan3A_1027 = arith.constant 40 : i32
      %dma_start3A_1028 = arith.constant 11 : i32
      %dma_start3A_1029 = arith.constant 0 : i32
      %dma_start3A_1030 = tpu.memref_slice %arg15[%dma_start3A_1028, %dma_start3A_1029] : memref<12x40xi32, #tpu.memory_space<vmem>> -> memref<1x40xi32, #tpu.memory_space<vmem>>
      %dma_start3A_1031 = tpu.memref_squeeze %dma_start3A_1030 : memref<1x40xi32, #tpu.memory_space<vmem>> -> memref<40xi32, #tpu.memory_space<vmem>>
      %dma_start3A_1032 = arith.constant 0 : i32
      %dma_start3A_1033 = arith.constant 0 : i32
      %dma_start3A_1034 = tpu.memref_slice %arg41[%dma_start3A_1032, %dma_start3A_1033] : memref<10240x128xf32, #tpu.memory_space<vmem_shared>> -> memref<10240x128xf32, #tpu.memory_space<vmem_shared>>
      tpu.enqueue_indirect_dma source(%arg13 : memref<40x128xf32, #tpu.memory_space<vmem>>) target(%dma_start3A_1034 : memref<10240x128xf32, #tpu.memory_space<vmem_shared>>) offsets(%dma_start3A_1031 : memref<40xi32, #tpu.memory_space<vmem>>) semaphore(%arg28 : memref<!tpu.dma_semaphore, #tpu.memory_space<semaphore_mem>>) {add = true}
      %add3A_1035 = arith.constant 4 : i32
      %add3A_1036 = arith.addi %add3A_1012, %add3A_1035 : i32
      %lt3A_1037 = arith.constant 252 : i32
      %lt3A_1038 = arith.cmpi slt, %add3A_1036, %lt3A_1037 : i32
      %convert_element_type3A_1039 = arith.extui %lt3A_1038 : i1 to i32
      %cond3A_1040 = arith.constant 0 : i32
      %cond3A_1041 = arith.cmpi ne, %convert_element_type3A_1039, %cond3A_1040 : i32
      scf.if %cond3A_1041 {
        %ge3A = arith.constant 2 : i32
        %ge3A_1055 = arith.cmpi sge, %add3A_1012, %ge3A : i32
        %convert_element_type3A_1056 = arith.extui %ge3A_1055 : i1 to i32
        %cond3A_1057 = arith.constant 0 : i32
        %cond3A_1058 = arith.cmpi ne, %convert_element_type3A_1056, %cond3A_1057 : i32
        scf.if %cond3A_1058 {
          %dma_wait3A_1107 = arith.constant 3 : i32
          %dma_wait3A_1108 = arith.constant 0 : i32
          %dma_wait3A_1109 = tpu.memref_slice %arg15[%dma_wait3A_1107, %dma_wait3A_1108] : memref<12x40xi32, #tpu.memory_space<vmem>> -> memref<1x40xi32, #tpu.memory_space<vmem>>
          %dma_wait3A_1110 = tpu.memref_squeeze %dma_wait3A_1109 : memref<1x40xi32, #tpu.memory_space<vmem>> -> memref<40xi32, #tpu.memory_space<vmem>>
          %dma_wait3A_1111 = arith.constant 0 : i32
          %dma_wait3A_1112 = arith.constant 0 : i32
          %dma_wait3A_1113 = tpu.memref_slice %arg41[%dma_wait3A_1111, %dma_wait3A_1112] : memref<10240x128xf32, #tpu.memory_space<vmem_shared>> -> memref<10240x128xf32, #tpu.memory_space<vmem_shared>>
          tpu.wait_indirect_dma semaphore(%arg26 : memref<!tpu.dma_semaphore, #tpu.memory_space<semaphore_mem>>) src(%arg11 : memref<40x128xf32, #tpu.memory_space<vmem>>) dst(%dma_wait3A_1113 : memref<10240x128xf32, #tpu.memory_space<vmem_shared>>)
        } else {
        }
        %add3A_1059 = arith.constant 4 : i32
        %add3A_1060 = arith.addi %add3A_1012, %add3A_1059 : i32
        %dma_wait3A_1061 = arith.constant 3 : i32
        %dma_wait3A_1062 = arith.constant 0 : i32
        %dma_wait3A_1063 = tpu.memref_slice %arg14[%dma_wait3A_1061, %dma_wait3A_1062] : memref<12x40xi32, #tpu.memory_space<vmem>> -> memref<1x40xi32, #tpu.memory_space<vmem>>
        %dma_wait3A_1064 = tpu.memref_squeeze %dma_wait3A_1063 : memref<1x40xi32, #tpu.memory_space<vmem>> -> memref<40xi32, #tpu.memory_space<vmem>>
        %dma_wait3A_1065 = arith.constant 0 : i32
        %dma_wait3A_1066 = tpu.memref_slice %arg3[%add3A, %add3A_1060, %dma_wait3A_1065] : memref<32x252x40xi32, #tpu.memory_space<hbm>> -> memref<1x1x40xi32, #tpu.memory_space<hbm>>
        %dma_wait3A_1067 = tpu.memref_squeeze %dma_wait3A_1066 : memref<1x1x40xi32, #tpu.memory_space<hbm>> -> memref<40xi32, #tpu.memory_space<hbm>>
        %dma_wait3A_1068 = arith.constant 0 : i32
        %dma_wait3A_1069 = tpu.memref_slice %arg14[%dma_wait3A_1061, %dma_wait3A_1068] : memref<12x40xi32, #tpu.memory_space<vmem>> -> memref<1x40xi32, #tpu.memory_space<vmem>>
        %dma_wait3A_1070 = tpu.memref_squeeze %dma_wait3A_1069 : memref<1x40xi32, #tpu.memory_space<vmem>> -> memref<40xi32, #tpu.memory_space<vmem>>
        %dma_wait3A_1071 = arith.constant 0 : i32
        %dma_wait3A_1072 = tpu.memref_slice %arg3[%add3A, %add3A_1060, %dma_wait3A_1071] : memref<32x252x40xi32, #tpu.memory_space<hbm>> -> memref<1x1x40xi32, #tpu.memory_space<hbm>>
        %dma_wait3A_1073 = tpu.memref_squeeze %dma_wait3A_1072 : memref<1x1x40xi32, #tpu.memory_space<hbm>> -> memref<40xi32, #tpu.memory_space<hbm>>
        tpu.wait_dma2 semaphore(%arg32 : memref<!tpu.dma_semaphore, #tpu.memory_space<semaphore_mem>>) src(%dma_wait3A_1073 : memref<40xi32, #tpu.memory_space<hbm>>) dst(%dma_wait3A_1070 : memref<40xi32, #tpu.memory_space<vmem>>)
        %dma_wait3A_1074 = arith.constant 3 : i32
        %dma_wait3A_1075 = arith.constant 0 : i32
        %dma_wait3A_1076 = tpu.memref_slice %arg15[%dma_wait3A_1074, %dma_wait3A_1075] : memref<12x40xi32, #tpu.memory_space<vmem>> -> memref<1x40xi32, #tpu.memory_space<vmem>>
        %dma_wait3A_1077 = tpu.memref_squeeze %dma_wait3A_1076 : memref<1x40xi32, #tpu.memory_space<vmem>> -> memref<40xi32, #tpu.memory_space<vmem>>
        %dma_wait3A_1078 = arith.constant 0 : i32
        %dma_wait3A_1079 = tpu.memref_slice %arg4[%add3A, %add3A_1060, %dma_wait3A_1078] : memref<32x252x40xi32, #tpu.memory_space<hbm>> -> memref<1x1x40xi32, #tpu.memory_space<hbm>>
        %dma_wait3A_1080 = tpu.memref_squeeze %dma_wait3A_1079 : memref<1x1x40xi32, #tpu.memory_space<hbm>> -> memref<40xi32, #tpu.memory_space<hbm>>
        %dma_wait3A_1081 = arith.constant 0 : i32
        %dma_wait3A_1082 = tpu.memref_slice %arg15[%dma_wait3A_1074, %dma_wait3A_1081] : memref<12x40xi32, #tpu.memory_space<vmem>> -> memref<1x40xi32, #tpu.memory_space<vmem>>
        %dma_wait3A_1083 = tpu.memref_squeeze %dma_wait3A_1082 : memref<1x40xi32, #tpu.memory_space<vmem>> -> memref<40xi32, #tpu.memory_space<vmem>>
        %dma_wait3A_1084 = arith.constant 0 : i32
        %dma_wait3A_1085 = tpu.memref_slice %arg4[%add3A, %add3A_1060, %dma_wait3A_1084] : memref<32x252x40xi32, #tpu.memory_space<hbm>> -> memref<1x1x40xi32, #tpu.memory_space<hbm>>
        %dma_wait3A_1086 = tpu.memref_squeeze %dma_wait3A_1085 : memref<1x1x40xi32, #tpu.memory_space<hbm>> -> memref<40xi32, #tpu.memory_space<hbm>>
        tpu.wait_dma2 semaphore(%arg32 : memref<!tpu.dma_semaphore, #tpu.memory_space<semaphore_mem>>) src(%dma_wait3A_1086 : memref<40xi32, #tpu.memory_space<hbm>>) dst(%dma_wait3A_1083 : memref<40xi32, #tpu.memory_space<vmem>>)
        %dma_wait3A_1087 = arith.constant 3 : i32
        %dma_wait3A_1088 = arith.constant 0 : i32
        %dma_wait3A_1089 = tpu.memref_slice %arg16[%dma_wait3A_1087, %dma_wait3A_1088] : memref<12x40xf32, #tpu.memory_space<vmem>> -> memref<1x40xf32, #tpu.memory_space<vmem>>
        %dma_wait3A_1090 = tpu.memref_squeeze %dma_wait3A_1089 : memref<1x40xf32, #tpu.memory_space<vmem>> -> memref<40xf32, #tpu.memory_space<vmem>>
        %dma_wait3A_1091 = arith.constant 0 : i32
        %dma_wait3A_1092 = tpu.memref_slice %arg5[%add3A, %add3A_1060, %dma_wait3A_1091] : memref<32x252x40xf32, #tpu.memory_space<hbm>> -> memref<1x1x40xf32, #tpu.memory_space<hbm>>
        %dma_wait3A_1093 = tpu.memref_squeeze %dma_wait3A_1092 : memref<1x1x40xf32, #tpu.memory_space<hbm>> -> memref<40xf32, #tpu.memory_space<hbm>>
        %dma_wait3A_1094 = arith.constant 0 : i32
        %dma_wait3A_1095 = tpu.memref_slice %arg16[%dma_wait3A_1087, %dma_wait3A_1094] : memref<12x40xf32, #tpu.memory_space<vmem>> -> memref<1x40xf32, #tpu.memory_space<vmem>>
        %dma_wait3A_1096 = tpu.memref_squeeze %dma_wait3A_1095 : memref<1x40xf32, #tpu.memory_space<vmem>> -> memref<40xf32, #tpu.memory_space<vmem>>
        %dma_wait3A_1097 = arith.constant 0 : i32
        %dma_wait3A_1098 = tpu.memref_slice %arg5[%add3A, %add3A_1060, %dma_wait3A_1097] : memref<32x252x40xf32, #tpu.memory_space<hbm>> -> memref<1x1x40xf32, #tpu.memory_space<hbm>>
        %dma_wait3A_1099 = tpu.memref_squeeze %dma_wait3A_1098 : memref<1x1x40xf32, #tpu.memory_space<hbm>> -> memref<40xf32, #tpu.memory_space<hbm>>
        tpu.wait_dma2 semaphore(%arg32 : memref<!tpu.dma_semaphore, #tpu.memory_space<semaphore_mem>>) src(%dma_wait3A_1099 : memref<40xf32, #tpu.memory_space<hbm>>) dst(%dma_wait3A_1096 : memref<40xf32, #tpu.memory_space<vmem>>)
        %dma_start3A_1100 = arith.constant 3 : i32
        %dma_start3A_1101 = arith.constant 0 : i32
        %dma_start3A_1102 = tpu.memref_slice %arg14[%dma_start3A_1100, %dma_start3A_1101] : memref<12x40xi32, #tpu.memory_space<vmem>> -> memref<1x40xi32, #tpu.memory_space<vmem>>
        %dma_start3A_1103 = tpu.memref_squeeze %dma_start3A_1102 : memref<1x40xi32, #tpu.memory_space<vmem>> -> memref<40xi32, #tpu.memory_space<vmem>>
        %dma_start3A_1104 = arith.constant 0 : i32
        %dma_start3A_1105 = arith.constant 0 : i32
        %dma_start3A_1106 = tpu.memref_slice %arg2[%dma_start3A_1104, %dma_start3A_1105] : memref<20000x128xf32, #tpu.memory_space<hbm>> -> memref<20000x128xf32, #tpu.memory_space<hbm>>
        tpu.enqueue_indirect_dma source(%dma_start3A_1106 : memref<20000x128xf32, #tpu.memory_space<hbm>>) target(%arg11 : memref<40x128xf32, #tpu.memory_space<vmem>>) offsets(%dma_start3A_1103 : memref<40xi32, #tpu.memory_space<vmem>>) semaphore(%arg20 : memref<!tpu.dma_semaphore, #tpu.memory_space<semaphore_mem>>)
      } else {
      }
      %add3A_1042 = arith.constant 8 : i32
      %add3A_1043 = arith.addi %add3A_1012, %add3A_1042 : i32
      %lt3A_1044 = arith.constant 252 : i32
      %lt3A_1045 = arith.cmpi slt, %add3A_1043, %lt3A_1044 : i32
      %convert_element_type3A_1046 = arith.extui %lt3A_1045 : i1 to i32
      %cond3A_1047 = arith.constant 0 : i32
      %cond3A_1048 = arith.cmpi ne, %convert_element_type3A_1046, %cond3A_1047 : i32
      scf.if %cond3A_1048 {
        %add3A_1055 = arith.constant 8 : i32
        %add3A_1056 = arith.addi %add3A_1012, %add3A_1055 : i32
        %dma_start3A_1057 = arith.constant 7 : i32
        %dma_start3A_1058 = arith.constant 0 : i32
        %dma_start3A_1059 = tpu.memref_slice %arg14[%dma_start3A_1057, %dma_start3A_1058] : memref<12x40xi32, #tpu.memory_space<vmem>> -> memref<1x40xi32, #tpu.memory_space<vmem>>
        %dma_start3A_1060 = tpu.memref_squeeze %dma_start3A_1059 : memref<1x40xi32, #tpu.memory_space<vmem>> -> memref<40xi32, #tpu.memory_space<vmem>>
        %dma_start3A_1061 = arith.constant 0 : i32
        %dma_start3A_1062 = tpu.memref_slice %arg3[%add3A, %add3A_1056, %dma_start3A_1061] : memref<32x252x40xi32, #tpu.memory_space<hbm>> -> memref<1x1x40xi32, #tpu.memory_space<hbm>>
        %dma_start3A_1063 = tpu.memref_squeeze %dma_start3A_1062 : memref<1x1x40xi32, #tpu.memory_space<hbm>> -> memref<40xi32, #tpu.memory_space<hbm>>
        %dma_start3A_1064 = arith.constant 0 : i32
        %dma_start3A_1065 = tpu.memref_slice %arg14[%dma_start3A_1057, %dma_start3A_1064] : memref<12x40xi32, #tpu.memory_space<vmem>> -> memref<1x40xi32, #tpu.memory_space<vmem>>
        %dma_start3A_1066 = tpu.memref_squeeze %dma_start3A_1065 : memref<1x40xi32, #tpu.memory_space<vmem>> -> memref<40xi32, #tpu.memory_space<vmem>>
        %dma_start3A_1067 = arith.constant 0 : i32
        %dma_start3A_1068 = tpu.memref_slice %arg3[%add3A, %add3A_1056, %dma_start3A_1067] : memref<32x252x40xi32, #tpu.memory_space<hbm>> -> memref<1x1x40xi32, #tpu.memory_space<hbm>>
        %dma_start3A_1069 = tpu.memref_squeeze %dma_start3A_1068 : memref<1x1x40xi32, #tpu.memory_space<hbm>> -> memref<40xi32, #tpu.memory_space<hbm>>
        tpu.enqueue_dma source(%dma_start3A_1069 : memref<40xi32, #tpu.memory_space<hbm>>) target(%dma_start3A_1066 : memref<40xi32, #tpu.memory_space<vmem>>) target_semaphore(%arg36 : memref<!tpu.dma_semaphore, #tpu.memory_space<semaphore_mem>>)
        %dma_start3A_1070 = arith.constant 7 : i32
        %dma_start3A_1071 = arith.constant 0 : i32
        %dma_start3A_1072 = tpu.memref_slice %arg15[%dma_start3A_1070, %dma_start3A_1071] : memref<12x40xi32, #tpu.memory_space<vmem>> -> memref<1x40xi32, #tpu.memory_space<vmem>>
        %dma_start3A_1073 = tpu.memref_squeeze %dma_start3A_1072 : memref<1x40xi32, #tpu.memory_space<vmem>> -> memref<40xi32, #tpu.memory_space<vmem>>
        %dma_start3A_1074 = arith.constant 0 : i32
        %dma_start3A_1075 = tpu.memref_slice %arg4[%add3A, %add3A_1056, %dma_start3A_1074] : memref<32x252x40xi32, #tpu.memory_space<hbm>> -> memref<1x1x40xi32, #tpu.memory_space<hbm>>
        %dma_start3A_1076 = tpu.memref_squeeze %dma_start3A_1075 : memref<1x1x40xi32, #tpu.memory_space<hbm>> -> memref<40xi32, #tpu.memory_space<hbm>>
        %dma_start3A_1077 = arith.constant 0 : i32
        %dma_start3A_1078 = tpu.memref_slice %arg15[%dma_start3A_1070, %dma_start3A_1077] : memref<12x40xi32, #tpu.memory_space<vmem>> -> memref<1x40xi32, #tpu.memory_space<vmem>>
        %dma_start3A_1079 = tpu.memref_squeeze %dma_start3A_1078 : memref<1x40xi32, #tpu.memory_space<vmem>> -> memref<40xi32, #tpu.memory_space<vmem>>
        %dma_start3A_1080 = arith.constant 0 : i32
        %dma_start3A_1081 = tpu.memref_slice %arg4[%add3A, %add3A_1056, %dma_start3A_1080] : memref<32x252x40xi32, #tpu.memory_space<hbm>> -> memref<1x1x40xi32, #tpu.memory_space<hbm>>
        %dma_start3A_1082 = tpu.memref_squeeze %dma_start3A_1081 : memref<1x1x40xi32, #tpu.memory_space<hbm>> -> memref<40xi32, #tpu.memory_space<hbm>>
        tpu.enqueue_dma source(%dma_start3A_1082 : memref<40xi32, #tpu.memory_space<hbm>>) target(%dma_start3A_1079 : memref<40xi32, #tpu.memory_space<vmem>>) target_semaphore(%arg36 : memref<!tpu.dma_semaphore, #tpu.memory_space<semaphore_mem>>)
        %dma_start3A_1083 = arith.constant 7 : i32
        %dma_start3A_1084 = arith.constant 0 : i32
        %dma_start3A_1085 = tpu.memref_slice %arg16[%dma_start3A_1083, %dma_start3A_1084] : memref<12x40xf32, #tpu.memory_space<vmem>> -> memref<1x40xf32, #tpu.memory_space<vmem>>
        %dma_start3A_1086 = tpu.memref_squeeze %dma_start3A_1085 : memref<1x40xf32, #tpu.memory_space<vmem>> -> memref<40xf32, #tpu.memory_space<vmem>>
        %dma_start3A_1087 = arith.constant 0 : i32
        %dma_start3A_1088 = tpu.memref_slice %arg5[%add3A, %add3A_1056, %dma_start3A_1087] : memref<32x252x40xf32, #tpu.memory_space<hbm>> -> memref<1x1x40xf32, #tpu.memory_space<hbm>>
        %dma_start3A_1089 = tpu.memref_squeeze %dma_start3A_1088 : memref<1x1x40xf32, #tpu.memory_space<hbm>> -> memref<40xf32, #tpu.memory_space<hbm>>
        %dma_start3A_1090 = arith.constant 0 : i32
        %dma_start3A_1091 = tpu.memref_slice %arg16[%dma_start3A_1083, %dma_start3A_1090] : memref<12x40xf32, #tpu.memory_space<vmem>> -> memref<1x40xf32, #tpu.memory_space<vmem>>
        %dma_start3A_1092 = tpu.memref_squeeze %dma_start3A_1091 : memref<1x40xf32, #tpu.memory_space<vmem>> -> memref<40xf32, #tpu.memory_space<vmem>>
        %dma_start3A_1093 = arith.constant 0 : i32
        %dma_start3A_1094 = tpu.memref_slice %arg5[%add3A, %add3A_1056, %dma_start3A_1093] : memref<32x252x40xf32, #tpu.memory_space<hbm>> -> memref<1x1x40xf32, #tpu.memory_space<hbm>>
        %dma_start3A_1095 = tpu.memref_squeeze %dma_start3A_1094 : memref<1x1x40xf32, #tpu.memory_space<hbm>> -> memref<40xf32, #tpu.memory_space<hbm>>
        tpu.enqueue_dma source(%dma_start3A_1095 : memref<40xf32, #tpu.memory_space<hbm>>) target(%dma_start3A_1092 : memref<40xf32, #tpu.memory_space<vmem>>) target_semaphore(%arg36 : memref<!tpu.dma_semaphore, #tpu.memory_space<semaphore_mem>>)
      } else {
      }
      %eq3A_1049 = arith.constant 20 : i32
      %eq3A_1050 = arith.cmpi eq, %scan3A_543, %eq3A_1049 : i32
      %convert_element_type3A_1051 = arith.extui %eq3A_1050 : i1 to i32
      %cond3A_1052 = arith.constant 11 : i32
      %cond3A_1053 = arith.constant 0 : i32
      %cond3A_1054 = arith.cmpi ne, %convert_element_type3A_1051, %cond3A_1053 : i32
      scf.if %cond3A_1054 {
        %dma_wait3A_1055 = arith.constant 0 : i32
        %dma_wait3A_1056 = tpu.memref_slice %arg15[%cond3A_1052, %dma_wait3A_1055] : memref<12x40xi32, #tpu.memory_space<vmem>> -> memref<1x40xi32, #tpu.memory_space<vmem>>
        %dma_wait3A_1057 = tpu.memref_squeeze %dma_wait3A_1056 : memref<1x40xi32, #tpu.memory_space<vmem>> -> memref<40xi32, #tpu.memory_space<vmem>>
        %dma_wait3A_1058 = arith.constant 0 : i32
        %dma_wait3A_1059 = arith.constant 0 : i32
        %dma_wait3A_1060 = tpu.memref_slice %arg41[%dma_wait3A_1058, %dma_wait3A_1059] : memref<10240x128xf32, #tpu.memory_space<vmem_shared>> -> memref<10240x128xf32, #tpu.memory_space<vmem_shared>>
        tpu.wait_indirect_dma semaphore(%arg28 : memref<!tpu.dma_semaphore, #tpu.memory_space<semaphore_mem>>) src(%arg13 : memref<40x128xf32, #tpu.memory_space<vmem>>) dst(%dma_wait3A_1060 : memref<10240x128xf32, #tpu.memory_space<vmem_shared>>)
      } else {
      }
    }
    %scan3A_537 = arith.constant 21 : i32
    %barrier3A_538 = arith.constant 0 : index
    tpu.barrier barrier_id(%barrier3A_538)
    %mul3A_539 = arith.constant 640 : i32
    %mul3A_540 = arith.muli %arg1, %mul3A_539 : i32
    %mul3A_541 = arith.constant 640 : i32
    %mul3A_542 = arith.muli %arg1, %mul3A_541 : i32
    "tpu.region"() ({
      %run_scoped3A = tpu.sem_alloc : memref<!tpu.dma_semaphore, #tpu.memory_space<semaphore_mem>>
      %dma_start3A_543 = arith.constant 0 : i32
      %dma_start3A_544 = tpu.memref_slice %arg7[%arg0, %mul3A_542, %dma_start3A_543] : memref<2x10240x128xf32, #tpu.memory_space<hbm>> -> memref<1x640x128xf32, #tpu.memory_space<hbm>>
      %dma_start3A_545 = tpu.memref_squeeze %dma_start3A_544 : memref<1x640x128xf32, #tpu.memory_space<hbm>> -> memref<640x128xf32, #tpu.memory_space<hbm>>
      %dma_start3A_546 = arith.constant 0 : i32
      %dma_start3A_547 = tpu.memref_slice %arg41[%mul3A_540, %dma_start3A_546] : memref<10240x128xf32, #tpu.memory_space<vmem_shared>> -> memref<640x128xf32, #tpu.memory_space<vmem_shared>>
      tpu.enqueue_dma source(%dma_start3A_547 : memref<640x128xf32, #tpu.memory_space<vmem_shared>>) target(%dma_start3A_545 : memref<640x128xf32, #tpu.memory_space<hbm>>) target_semaphore(%run_scoped3A : memref<!tpu.dma_semaphore, #tpu.memory_space<semaphore_mem>>)
      %dma_wait3A_548 = arith.constant 0 : i32
      %dma_wait3A_549 = tpu.memref_slice %arg7[%arg0, %mul3A_542, %dma_wait3A_548] : memref<2x10240x128xf32, #tpu.memory_space<hbm>> -> memref<1x640x128xf32, #tpu.memory_space<hbm>>
      %dma_wait3A_550 = tpu.memref_squeeze %dma_wait3A_549 : memref<1x640x128xf32, #tpu.memory_space<hbm>> -> memref<640x128xf32, #tpu.memory_space<hbm>>
      %dma_wait3A_551 = arith.constant 0 : i32
      %dma_wait3A_552 = tpu.memref_slice %arg41[%mul3A_540, %dma_wait3A_551] : memref<10240x128xf32, #tpu.memory_space<vmem_shared>> -> memref<640x128xf32, #tpu.memory_space<vmem_shared>>
      tpu.wait_dma2 semaphore(%run_scoped3A : memref<!tpu.dma_semaphore, #tpu.memory_space<semaphore_mem>>) src(%dma_wait3A_552 : memref<640x128xf32, #tpu.memory_space<vmem_shared>>) dst(%dma_wait3A_550 : memref<640x128xf32, #tpu.memory_space<hbm>>)
      tpu.yield
    }) : () -> ()
    return
  }
}

module attributes {stable_mosaic.version = 14 : i64} {
  func.func @_mm_body(%arg0: i32, %arg1: memref<2x1280x128xf32, #tpu.memory_space<vmem>>, %arg2: memref<128x128xf32, #tpu.memory_space<vmem>>, %arg3: memref<1280x128xf32, #tpu.memory_space<vmem>>) attributes {dimension_semantics = [#tpu.dimension_semantics<arbitrary>], iteration_bounds = array<i64: 8>, scalar_prefetch = 0 : i64, scratch_operands = 0 : i64, tpu.core_type = #tpu.core_type<tc>, window_params = [{transform_indices = @transform_0, window_bounds = array<i64: 2, 1280, 128>}, {pipeline_mode = #tpu.pipeline_mode<synchronous>, transform_indices = @transform_1, window_bounds = array<i64: 128, 128>}, {transform_indices = @transform_2, window_bounds = array<i64: 1280, 128>}]} {
    %get3A = arith.constant 0 : index
    %get3A_0 = arith.constant 0 : index
    %get3A_1 = arith.constant 0 : index
    %get3A_2 = vector.load %arg1[%get3A, %get3A_0, %get3A_1] : memref<2x1280x128xf32, #tpu.memory_space<vmem>>, vector<1x1280x128xf32>
    %get3A_3 = vector.shape_cast %get3A_2 : vector<1x1280x128xf32> to vector<1280x128xf32>
    %get3A_4 = arith.constant 1 : index
    %get3A_5 = arith.constant 0 : index
    %get3A_6 = arith.constant 0 : index
    %get3A_7 = vector.load %arg1[%get3A_4, %get3A_5, %get3A_6] : memref<2x1280x128xf32, #tpu.memory_space<vmem>>, vector<1x1280x128xf32>
    %get3A_8 = vector.shape_cast %get3A_7 : vector<1x1280x128xf32> to vector<1280x128xf32>
    %add3A = arith.addf %get3A_3, %get3A_8 : vector<1280x128xf32>
    %get3A_9 = arith.constant 0 : index
    %get3A_10 = arith.constant 0 : index
    %get3A_11 = vector.load %arg2[%get3A_9, %get3A_10] : memref<128x128xf32, #tpu.memory_space<vmem>>, vector<128x128xf32>
    %dot_general3A = arith.constant dense<0.000000e+00> : vector<1280x128xf32>
    %dot_general3A_12 = tpu.matmul %add3A, %get3A_11, %dot_general3A {dimension_numbers = #tpu.dot_dimension_numbers<[1], [0], [0], [1], [0, 0, 1, 1], [], []>, transpose_lhs_hint = false} : vector<1280x128xf32>, vector<128x128xf32>, vector<1280x128xf32> -> vector<1280x128xf32>
    %swap3A = arith.constant 0 : index
    %swap3A_13 = arith.constant 0 : index
    %swap3A_14 = vector.load %arg3[%swap3A, %swap3A_13] : memref<1280x128xf32, #tpu.memory_space<vmem>>, vector<1280x128xf32>
    tpu.vector_store %arg3[%swap3A, %swap3A_13], %dot_general3A_12 {strides = array<i32>} : memref<1280x128xf32, #tpu.memory_space<vmem>>, vector<1280x128xf32>,
    return
  }
  func.func @transform_0(%arg0: i32) -> (i32, i32, i32) {
    %c0_i32 = arith.constant 0 : i32
    %c0_i32_0 = arith.constant 0 : i32
    %c0_i32_1 = arith.constant 0 : i32
    return %c0_i32, %arg0, %c0_i32_0 : i32, i32, i32
  }
  func.func @transform_1(%arg0: i32) -> (i32, i32) {
    %c0_i32 = arith.constant 0 : i32
    %c0_i32_0 = arith.constant 0 : i32
    %c0_i32_1 = arith.constant 0 : i32
    return %c0_i32, %c0_i32_0 : i32, i32
  }
  func.func @transform_2(%arg0: i32) -> (i32, i32) {
    %c0_i32 = arith.constant 0 : i32
    %c0_i32_0 = arith.constant 0 : i32
    return %arg0, %c0_i32 : i32, i32
  }
}

</mosaic_0001>

<sc_bundles>
// kernel: kernel.4.cloned.1.call-start
scs
__scs_entry_jumppad:
0x0: {  	(pc) =	sbr.rel $0x88, $3  }
0x1: {  	(tag) =	ssettag $0x0;
	lr =	simm.s32 $0x1  }
0x2: {  	[smem:$0x3F9D] =	sst lr;
	_ =	strace $0xD0000000  }
0x3: {  	_ = 	snop  }
0x4: {  	_ = 	snop  }
0x5: {  	_ = 	snop  }
0x6: {  	_ = 	snop  }
0x7: {  	_ = 	snop  }
__scs_overlays_trampoline_lowered:
0x8: {  	[smem:$0x3FAC] =	sst s0  }
0x9: {  	[smem:$0x3FAD] =	sst s1  }
0xa: {  	[smem:$0x3FAE] =	sst s2  }
0xb: {  	[smem:$0x3FAF] =	sst s3  }
0xc: {  	[smem:$0x3FB0] =	sst s4  }
0xd: {  	[smem:$0x3FB1] =	sst s5  }
0xe: {  	[smem:$0x3FB2] =	sst s6  }
0xf: {  	[smem:$0x3FB3] =	sst s7  }
0x10: {  	[smem:$0x3FB4] =	sst s8  }
0x11: {  	[smem:$0x3FB5] =	sst s9;
	s0 =	simm.s32 @!p0 $0x0  }
0x12: {  	s1 =	sld [smem:$0x3F9B];
	s0 =	simm.s32 @p0 $0x1  }
0x13: {  	[smem:$0x3FB6] =	sst s0;
	s0 =	simm.s32 @!p1 $0x0  }
0x14: {  	s2 =	sld [smem:$0x3F9A];
	s0 =	simm.s32 @p1 $0x1  }
0x15: {  	[smem:$0x3FB7] =	sst s0;
	s0 =	simm.s32 @!p2 $0x0  }
0x16: {  	s3 =	sld [smem:$0x3FDB];
	s0 =	simm.s32 @p2 $0x1  }
0x17: {  	s4 =	simm.s32 $0x1BF5;
	[smem:$0x3FB9] =	sst s0  }
0x18: {  	s0 =	sld [smem:$0x3F9C];
	_ =	swait.ge [sflag:s4], $0x0  }
0x19: {  	s7 =	sld [smem:$0x3F9D]  }
0x1a: {  	s8 =	sadd.s32 $0xFFFFE003, lr  }
0x1b: {  	s9 =	sadd.s32 $0xFFFFFEF7, lr;
	s5 =	simm.s32 $0xFFFFFFFF;
	p2 =	slt.u32 s8, $0xFFFFF086  }
0x1c: {  	p1 =	slt.u32 s9, $0xF7A;
	s5 =	simm.s32 @!p2 $0x0  }
0x1d: {  	s5 =	simm.s32 @p1 $0x1;
	p0 =	seq.s32 s7, s2  }
0x1e: {  	s7 =	smul.u32 @!p0 $0xF7A, s2;
	p2 =	seq.s32 @!p0 s5, $0x0  }
0x1f: {  	s9 =	smul.u32 $0xF7A, s1;
	s8 =	simm.s32 @!p0 $0x1BF5;
	p2 =	por !p2, p0  }
0x20: {  	[sflag:s8] =	ssyncset.s32 @!p0 $0xFFFFF086;
	s6 =	sadd.s32 @!p0 s3, s7;
	s7 =	simm.s32 @!p0 $0x108  }
0x21: {  	s3 =	sadd.s32 s3, s9;
	s6 =	sadd.s32 @!p0 $0x88, s6;
	s7 =	simm.s32 @p2 $0x1082  }
0x22: {  	[simem:s7], [sflag:s8] =	dma.local @!p0 [hbm:s6], $0xF7A  }
0x23: {  	s9 =	sor.u32 $0xD0000000, s2;
	s6 =	simm.s32 $0x108;
	_ =	swait.ge @!p0 [sflag:s8], $0x0  }
0x24: {  	s3 =	sadd.s32 $0x88, s3;
	s6 =	simm.s32 @!p1 $0x1082;
	[sflag:s4] =	ssyncset.s32 $0xFFFFF086  }
0x25: {  	[simem:s6], [sflag:s4] =	dma.local [hbm:s3], $0xF7A  }
0x26: {  	[smem:$0x3F9D] =	sst s1;
	(tag) =	ssettag s2;
	_ =	strace s9  }
0x27: {  	s1 =	sld [smem:$0x3FAD]  }
0x28: {  	s2 =	sld [smem:$0x3FAE]  }
0x29: {  	s4 =	sld [smem:$0x3FB0]  }
0x2a: {  	p0 =	seq.s32 s5, $0x0;
	s5 =	sld [smem:$0x3FB1]  }
0x2b: {  	s6 =	sld [smem:$0x3FB2]  }
0x2c: {  	s7 =	sld [smem:$0x3FB3]  }
0x2d: {  	s3 =	simm.s32 $0x108;
	s8 =	sld [smem:$0x3FB4]  }
0x2e: {  	s3 =	simm.s32 @!p0 $0x1082;
	s9 =	sld [smem:$0x3FB5]  }
0x2f: {  	lr =	sadd.s32 s0, s3;
	s0 =	sld [smem:$0x3FAC]  }
0x30: {  	s3 =	sld [smem:$0x3FAF]  }
0x31: {  	[smem:$0x3FB8] =	sst s10  }
0x32: {  	s10 =	sld [smem:$0x3FB6];
	_ =	sdelay $0x3  }
0x33: {  	p0 =	seq.s32 s10, $0x1;
	s10 =	sld [smem:$0x3FB8];
	_ =	sdelay $0x3  }
0x34: {  	[smem:$0x3FB8] =	sst s10  }
0x35: {  	s10 =	sld [smem:$0x3FB7];
	_ =	sdelay $0x3  }
0x36: {  	p1 =	seq.s32 s10, $0x1;
	s10 =	sld [smem:$0x3FB8];
	_ =	sdelay $0x3  }
0x37: {  	[smem:$0x3FB8] =	sst s10  }
0x38: {  	s10 =	sld [smem:$0x3FB9]  }
0x39: {  	_ = 	snop;
	(pc) =	sbr.ind lr, $3  }
0x3a: {  	_ = 	snop  }
0x3b: {  	_ = 	snop  }
0x3c: {  	p2 =	seq.s32 s10, $0x1;
	s10 =	sld [smem:$0x3FB8]  }
0x3d: {  	_ =	shalt  }
0x3e: {  	_ =	shalt  }
0x3f: {  	_ =	shalt  }
0x40: {  	_ =	shalt  }
0x41: {  	_ =	shalt  }
0x42: {  	_ =	shalt  }
0x43: {  	_ =	shalt  }
0x44: {  	_ =	shalt  }
0x45: {  	_ =	shalt  }
0x46: {  	_ =	shalt  }
0x47: {  	_ =	shalt  }
0x48: {  	_ =	shalt  }
0x49: {  	_ =	shalt  }
0x4a: {  	_ =	shalt  }
0x4b: {  	_ =	shalt  }
0x4c: {  	_ =	shalt  }
0x4d: {  	_ =	shalt  }
0x4e: {  	_ =	shalt  }
0x4f: {  	_ =	shalt  }
0x50: {  	_ =	shalt  }
0x51: {  	_ =	shalt  }
0x52: {  	_ =	shalt  }
0x53: {  	_ =	shalt  }
0x54: {  	_ =	shalt  }
0x55: {  	_ =	shalt  }
0x56: {  	_ =	shalt  }
0x57: {  	_ =	shalt  }
0x58: {  	_ =	shalt  }
0x59: {  	_ =	shalt  }
0x5a: {  	_ =	shalt  }
0x5b: {  	_ =	shalt  }
0x5c: {  	_ =	shalt  }
0x5d: {  	_ =	shalt  }
0x5e: {  	_ =	shalt  }
0x5f: {  	_ =	shalt  }
0x60: {  	_ =	shalt  }
0x61: {  	_ =	shalt  }
0x62: {  	_ =	shalt  }
0x63: {  	_ =	shalt  }
0x64: {  	_ =	shalt  }
0x65: {  	_ =	shalt  }
0x66: {  	_ =	shalt  }
0x67: {  	_ =	shalt  }
0x68: {  	_ =	shalt  }
0x69: {  	_ =	shalt  }
0x6a: {  	_ =	shalt  }
0x6b: {  	_ =	shalt  }
0x6c: {  	_ =	shalt  }
0x6d: {  	_ =	shalt  }
0x6e: {  	_ =	shalt  }
0x6f: {  	_ =	shalt  }
0x70: {  	_ =	shalt  }
0x71: {  	_ =	shalt  }
0x72: {  	_ =	shalt  }
0x73: {  	_ =	shalt  }
0x74: {  	_ =	shalt  }
0x75: {  	_ =	shalt  }
0x76: {  	_ =	shalt  }
0x77: {  	_ =	shalt  }
0x78: {  	_ =	shalt  }
0x79: {  	_ =	shalt  }
0x7a: {  	_ =	shalt  }
0x7b: {  	_ =	shalt  }
0x7c: {  	_ =	shalt  }
0x7d: {  	_ =	shalt  }
0x7e: {  	_ =	shalt  }
0x7f: {  	_ =	shalt  }
0x80: {  	_ =	shalt  }
0x81: {  	_ =	shalt  }
0x82: {  	_ =	shalt  }
0x83: {  	_ =	shalt  }
0x84: {  	_ =	shalt  }
0x85: {  	_ =	shalt  }
0x86: {  	_ =	shalt  }
0x87: {  	_ =	shalt  }
.Lfunc_end0:
.L_simem_size_0:
called_computation_lowered:
.L_overlay_start_0:
0x88: {  	s2 =	sld [smem:$0x3FD9]  }
0x89: {  	s3 =	sld [smem:$0x3FFE];
	_ =	sdelay $0x1  }
0x8a: {  	s1 =	srdreg.scid  }
0x8b: {  	s0 =	sand.u32 $0x1, s1  }
0x8c: {  	s17 =	sshll.u32 s0, $0xA;
	s2 =	sadd.s32 s3, s2  }
0x8d: {  	s2 =	sadd.s32 s2, s17  }
0x8e: {  	[smem:$0x3FC4] =	sst s2  }
0x8f: {  	_ = 	snop  }
0x90: {  	s2 =	sld [smem:$0x3FD0];
	(tm) =	ssettm $0x1  }
0x91: {  	s18 =	sld [smem:$0x3FFB];
	_ =	sdelay $0x3  }
0x92: {  	_ =	strace s18  }
0x93: {  	s3 =	sld [smem:$0x3FFC];
	_ =	sdelay $0x3  }
0x94: {  	_ =	strace s3  }
0x95: {  	s3 =	sld [smem:$0x3FFD];
	_ =	sdelay $0x3  }
0x96: {  	_ =	strace s3  }
0x97: {  	_ =	strace $0x8FFFFFFF  }
0x98: {  	s19 =	sld [smem:$0x3FDB];
	_ =	sdelay $0x1  }
0x99: {  	s4 =	simm.s32 $_scs_section_size  }
0x9a: {  	s5 =	simm.s32 $_size__tile_overlayer_lowered;
	s6 =	simm.s32 $_tile_overlayer_lowered  }
0x9b: {  	s22 =	simm.s32 $0x1BFF;
	s21 =	sshll.u32 s6, $0x1;
	s3 =	sadd.s32 s4, s19  }
0x9c: {  	s7 =	simm.s32 $0x0;
	s20 =	sshll.u32 s5, $0x1;
	s5 =	sadd.s32 s21, s3  }
0x9d: {  	[timem:s7], [sflag:s22] =	dma.local [hbm:s5], s20  }
0x9e: {  	_ =	swait.ge [sflag:s22], s20  }
0x9f: {  	s4 =	ssub.s32 $0x0, s20;
	[sflag:s22] =	ssyncset.done $0x0  }
0xa0: {  	[sflag:s22] =	ssyncadd.s32 s4;
	_ =	sdelay $0x1  }
0xa1: {  	s23 =	simm.s32 $0x1B8B  }
0xa2: {  	_ =	swait.ge [sflag:s23], $0x1  }
0xa3: {  	[sflag:s23] =	ssyncset.done $0x0  }
0xa4: {  	s25 =	simm.s32 $0x1B8E;
	s24 =	sld [smem:$0x3FFE];
	[sflag:s23] =	ssyncadd.s32 $0xFFFFFFFF  }
0xa5: {  	s26 =	simm.s32 $execute0_lowered;
	[smem:$0x3FD2] =	sst s25  }
0xa6: {  	s5 =	sshll.u32 s26, $0x1;
	_ =	strace $0x80000046;
	[dreg:$0x1] =	wrdreg $0xFFFFFFFF  }
0xa7: {  	s28 =	simm.s32 $_size_execute0_lowered;
	s3 =	sadd.s32 s3, s5;
	[dreg:$0x0] =	wrdreg $0x0  }
0xa8: {  	s5 =	sshll.u32 s28, $0x1;
	[dreg:$0x2] =	wrdreg s3  }
0xa9: {  	[dreg:$0x3] =	wrdreg s5  }
0xaa: {  	[dreg:$0x4] =	wrdreg $0xC0  }
0xab: {  	_ =	task [dreg:s7], $0x5FFFF  }
0xac: {  	[dreg:$0x1] =	wrdreg $0xFFFFFFFF  }
0xad: {  	[dreg:$0x0] =	wrdreg $0x60  }
0xae: {  	[dreg:$0x2] =	wrdreg s24  }
0xaf: {  	[dreg:$0x3] =	wrdreg s2  }
0xb0: {  	[dreg:$0x4] =	wrdreg $0x90000  }
0xb1: {  	[dreg:$0x5] =	wrdreg $0x9  }
0xb2: {  	_ =	task.clear_ibuf [dreg:s7], $0x6FFFF;
	_ =	strace $0x90000046  }
0xb3: {  	s29 =	simm.s32 $0x9;
	_ =	strace $0x80000048  }
0xb4: {  	_ =	swait.ge [sflag:s29], $0x1  }
0xb5: {  	[sflag:s29] =	ssyncadd.s32 $0xFFFFFFFF  }
0xb6: {  	_ =	strace $0x90000048  }
0xb7: {  	_ =	sfence  }
0xb8: {  	s30 =	sld [smem:$0x0];
	_ =	sdelay $0x2  }
0xb9: {  	s31 =	sshll.u32 s1, $0xD;
	s1 =	sshrl.u32 s1, $0x2  }
0xba: {  	s3 =	sand.u32 $0x4000, s31;
	s1 =	sadd.s32 s1, s30  }
0xbb: {  	s0 =	sor.u32 s3, s0;
	s1 =	sshll.u32 s1, $0x11  }
0xbc: {  	s0 =	sor.u32 s1, s0  }
0xbd: {  	s0 =	sadd.s32 $0x8F2B, s0  }
0xbe: {  	[sflag:s0] =	ssyncadd.remote.s32 $0x1  }
0xbf: {  	_ =	sfence.sel $0xFFFF  }
0xc0: {  	[dreg:$0x0] =	wrdreg $0xFFFFFFFF;
	(pc) =	sbr.abs _section_cstart, $3  }
0xc1: {  	[dreg:$0x1] =	wrdreg $0xFFFFFFFF  }
0xc2: {  	_ =	task.clear_ibuf [dreg:s7], $0x2FFFF;
	_ =	strace $0x9FFFFFFF  }
0xc3: {  	(tm) =	ssettm $0x7FFFFFFF  }
tec
execute0_lowered:
.L_overlay_start_1:
0x0: {  	(tag) =	ssettag $0x1  }
0x1: {  	s0 =	rddreg [dreg:$0x0]  }
0x2: {  	s1 =	rddreg [dreg:$0x1]  }
0x3: {  	s2 =	rddreg [dreg:$0x2];
	s3 =	simm.s32 $0x0;
	s4 =	srdreg.scid  }
0x4: {  	[smem:$0x7FF] =	sst s3;
	s4 =	sand.u32 $0x1, s4  }
0x5: {  	s3 =	stileid.u32;
	s8 =	smul.u32 $0x140000, s4  }
0x6: {  	s30 =	simm.s32 $0x8380;
	s31 =	simm.s32 $0x11;
	s9 =	smul.u32 $0x14000, s3  }
0x7: {  	s5 =	sadd.s32 $0x20A00, s0;
	s26 =	sshll.u32 s4, $0x13;
	s11 =	sshll.u32 s3, $0xF  }
0x8: {  	s6 =	sadd.s32 $0xA00, s0;
	s8 =	sadd.s32 s9, s8;
	s9 =	sor.u32 s11, s26  }
0x9: {  	s7 =	sadd.s32 $0x6EC00, s0;
	s10 =	sadd.s32 $0x8EC00, s0;
	s11 =	sshrl.u32 s9, $0x3  }
0xa: {  	_ =	strace $0x80000047;
	[dreg:$0x4] =	wrdreg s10;
	s13 =	sor.u32 $0x10, s11  }
0xb: {  	s4 =	ssub.s32 $0x2, s4;
	s8 =	sshrl.u32 s8, $0x3;
	s14 =	sadd.s32 s1, s13  }
0xc: {  	s0 =	sadd.s32 s8, s0;
	s15 =	sadd.s32 s6, s13;
	[dreg:$0x5] =	wrdreg s14  }
0xd: {  	s16 =	sor.u32 $0x20, s11;
	s8 =	sadd.s32 s7, s13;
	[dreg:$0x6] =	wrdreg s15  }
0xe: {  	s12 =	sshrl.u32 s4, $0x1;
	s17 =	sadd.s32 s1, s16;
	[dreg:$0x7] =	wrdreg s8  }
0xf: {  	s4 =	ssub.s32 s4, s12;
	s12 =	sadd.s32 s6, s16;
	[dreg:$0x8] =	wrdreg s17  }
0x10: {  	s18 =	sor.u32 $0x30, s11;
	s10 =	sadd.s32 s7, s16;
	[dreg:$0x9] =	wrdreg s12  }
0x11: {  	s28 =	simm.s32 $0x14;
	s19 =	sadd.s32 s1, s18;
	[dreg:$0xa] =	wrdreg s10  }
0x12: {  	s21 =	sor.u32 $0x40, s11;
	s20 =	sadd.s32 s6, s18;
	[dreg:$0xb] =	wrdreg s19  }
0x13: {  	s29 =	simm.s32 $0x16;
	s22 =	sadd.s32 s1, s21;
	[dreg:$0xc] =	wrdreg s20  }
0x14: {  	s24 =	sor.u32 $0x50, s11;
	s23 =	sadd.s32 s6, s21;
	[dreg:$0xe] =	wrdreg s22  }
0x15: {  	s25 =	sadd.s32 s1, s24;
	s26 =	sadd.s32 s6, s24;
	[dreg:$0xf] =	wrdreg s23  }
0x16: {  	s13 =	sadd.s32 s6, s11;
	s16 =	sor.u32 $0x70, s11;
	[dreg:$0x11] =	wrdreg s25  }
0x17: {  	s0 =	sadd.s32 $0x91400, s0;
	s8 =	sadd.s32 s7, s18;
	[dreg:$0x12] =	wrdreg s26  }
0x18: {  	s10 =	sadd.s32 s7, s24;
	s12 =	sadd.s32 s1, s11;
	[dreg:$0x15] =	wrdreg s13  }
0x19: {  	s14 =	sadd.s32 s7, s11;
	s15 =	sor.u32 $0x60, s11;
	[dreg:$0x1f] =	wrdreg s0  }
0x1a: {  	s19 =	smul.u32 $0x50000, s3;
	s20 =	sadd.s32 s1, s16;
	[dreg:$0xd] =	wrdreg s8  }
0x1b: {  	s22 =	sadd.s32 s7, s16;
	s24 =	sshll.u32 s3, $0x6;
	[dreg:$0x13] =	wrdreg s10  }
0x1c: {  	s26 =	smax.u32 s4, $0x1;
	s0 =	simm.s32 $0x28;
	[dreg:$0x14] =	wrdreg s12  }
0x1d: {  	s13 =	simm.s32 $0x10;
	s11 =	simm.s32 $0x0;
	[dreg:$0x16] =	wrdreg s14  }
0x1e: {  	s8 =	sadd.s32 s7, s21;
	s17 =	sadd.s32 s1, s15;
	[dreg:$0x1a] =	wrdreg s20  }
0x1f: {  	s18 =	sadd.s32 s6, s15;
	s21 =	sadd.s32 s6, s16;
	[dreg:$0x1c] =	wrdreg s22  }
0x20: {  	s10 =	sor.u32 $0x1C19, s24;
	[smem:$0x7FD] =	sst s26;
	s14 =	simm.s32 $0x2  }
0x21: {  	s20 =	simm.s32 $0x3;
	s22 =	simm.s32 $0x13;
	[dreg:$0x10] =	wrdreg s8  }
0x22: {  	s24 =	simm.s32 $0x6;
	s26 =	simm.s32 $0x18;
	[dreg:$0x17] =	wrdreg s17  }
.Ltmp0:
0x23: {  	[dreg:$0x18] =	wrdreg s18;
	s8 =	sadd.s32 s7, s15;
	(pc) =	sbr.rel .LBB2_1-.Ltmp0, $4  }
0x24: {  	[dreg:$0x1b] =	wrdreg s21;
	s23 =	sshrl.u32 s19, $0x2;
	s15 =	simm.s32 $0x8800  }
0x25: {  	s17 =	simm.s32 $0x12;
	s19 =	simm.s32 $0x5;
	[dreg:$0x1e] =	wrdreg s10  }
0x26: {  	[dreg:$0x19] =	wrdreg s8;
	s25 =	sadd.s32 s23, s2;
	s23 =	simm.s32 $0x15  }
0x27: {  	s8 =	simm.s32 $0x17;
	[dreg:$0x1d] =	wrdreg s25;
	s25 =	simm.s32 $0x4  }
.LBB2_28:
0x28: {  	s3 =	simm.s32 $0xC  }
0x29: {  	_ =	swait.ge [sflag:s3], $0x1400  }
0x2a: {  	[sflag:s3] =	ssyncset.done $0x0  }
0x2b: {  	[sflag:s3] =	ssyncadd.s32 $0xFFFFEC00  }
0x2c: {  	[bflag:$0x0] =	sbarrier.arrive $0xFFFF  }
0x2d: {  	s4 =	sld [smem:$0x7FC]  }
0x2e: {  	s10 =	rddreg [dreg:$0x1e]  }
0x2f: {  	s18 =	simm.s32 $0x19;
	s16 =	rddreg [dreg:$0x1f]  }
0x30: {  	[hbm:s16], [sflag:s10] =	dma.local [spmem:s4], $0x2800  }
0x31: {  	_ =	swait.ge [sflag:s18], $0x2800  }
0x32: {  	s11 =	sld [smem:$0x7FB]  }
0x33: {  	s21 =	sld [smem:$0x7FD];
	_ =	sdelay $0x1  }
0x34: {  	s11 =	sadd.s32 $0x1, s11  }
0x35: {  	p0 =	sne.s32 s11, s21  }
.Ltmp1:
0x36: {  	_ = 	snop;
	(pc) =	sbr.rel @!p0 .LBB2_29-.Ltmp1, $3  }
0x37: {  	_ =	sdelay $0x1  }
0x38: {  	[sflag:s18] =	ssyncset.done $0x0  }
0x39: {  	[sflag:s18] =	ssyncadd.s32 $0xFFFFD800  }
.LBB2_1:
0x3a: {  	[smem:$0x7FB] =	sst s11  }
0x3b: {  	s3 =	simm.s32 $0x0;
	s4 =	rddreg [dreg:$0x14];
	s12 =	simm.s32 $0x7800  }
0x3c: {  	[tilespmem:s12], [sflag:$0xD] =	stream.linear.gather [hbm4b:s4+s3], $0x80, $0x38;
	[tilespmem:$0x1D000] =	vst v63  }
0x3d: {  	s18 =	rddreg [dreg:$0x15];
	s21 =	simm.s32 $0x8000  }
0x3e: {  	[tilespmem:s21], [sflag:$0xD] =	stream.linear.gather [hbm4b:s18+s3], $0x80, $0x38;
	[tilespmem:$0x1D000] =	vst v63  }
0x3f: {  	s16 =	rddreg [dreg:$0x16]  }
0x40: {  	[tilespmem:s15], [sflag:$0xD] =	stream.linear.gather [hbm4b:s16+s3], $0x80, $0x38;
	[tilespmem:$0x1D000] =	vst v63  }
0x41: {  	s12 =	simm.s32 $0x7880;
	s18 =	rddreg [dreg:$0x5]  }
0x42: {  	[tilespmem:s12], [sflag:$0xE] =	stream.linear.gather [hbm4b:s18+s3], $0x80, $0x38;
	[tilespmem:$0x1D000] =	vst v63  }
0x43: {  	s21 =	rddreg [dreg:$0x6];
	s16 =	simm.s32 $0x8080  }
0x44: {  	[tilespmem:s16], [sflag:$0xE] =	stream.linear.gather [hbm4b:s21+s3], $0x80, $0x38;
	[tilespmem:$0x1D000] =	vst v63  }
0x45: {  	s18 =	rddreg [dreg:$0x7];
	s21 =	simm.s32 $0x8880  }
0x46: {  	[tilespmem:s21], [sflag:$0xE] =	stream.linear.gather [hbm4b:s18+s3], $0x80, $0x38;
	[tilespmem:$0x1D000] =	vst v63  }
0x47: {  	s16 =	simm.s32 $0x7900;
	s18 =	rddreg [dreg:$0x8]  }
0x48: {  	[tilespmem:s16], [sflag:$0xF] =	stream.linear.gather [hbm4b:s18+s3], $0x80, $0x38;
	[tilespmem:$0x1D000] =	vst v63  }
0x49: {  	s21 =	rddreg [dreg:$0x9];
	s18 =	simm.s32 $0x8100  }
0x4a: {  	[tilespmem:s18], [sflag:$0xF] =	stream.linear.gather [hbm4b:s21+s3], $0x80, $0x38;
	[tilespmem:$0x1D000] =	vst v63  }
0x4b: {  	s18 =	rddreg [dreg:$0xa];
	s21 =	simm.s32 $0x8900  }
0x4c: {  	[tilespmem:s21], [sflag:$0xF] =	stream.linear.gather [hbm4b:s18+s3], $0x80, $0x38;
	[tilespmem:$0x1D000] =	vst v63  }
0x4d: {  	s21 =	rddreg [dreg:$0xb];
	s18 =	simm.s32 $0x7980  }
0x4e: {  	[tilespmem:s18], [sflag:$0x10] =	stream.linear.gather [hbm4b:s21+s3], $0x80, $0x38;
	[tilespmem:$0x1D000] =	vst v63  }
0x4f: {  	s4 =	rddreg [dreg:$0xc];
	s21 =	simm.s32 $0x8180  }
0x50: {  	[tilespmem:s21], [sflag:$0x10] =	stream.linear.gather [hbm4b:s4+s3], $0x80, $0x38;
	[tilespmem:$0x1D000] =	vst v63  }
0x51: {  	s4 =	rddreg [dreg:$0xd];
	s21 =	simm.s32 $0x8980  }
0x52: {  	[tilespmem:s21], [sflag:$0x10] =	stream.linear.gather [hbm4b:s4+s3], $0x80, $0x38;
	[tilespmem:$0x1D000] =	vst v63  }
0x53: {  	s4 =	rddreg [dreg:$0xe];
	s21 =	simm.s32 $0x7A00  }
0x54: {  	[tilespmem:s21], [sflag:$0x11] =	stream.linear.gather [hbm4b:s4+s3], $0x80, $0x38;
	[tilespmem:$0x1D000] =	vst v63  }
0x55: {  	s4 =	rddreg [dreg:$0xf];
	s21 =	simm.s32 $0x8200  }
0x56: {  	[tilespmem:s21], [sflag:$0x11] =	stream.linear.gather [hbm4b:s4+s3], $0x80, $0x38;
	[tilespmem:$0x1D000] =	vst v63  }
0x57: {  	s4 =	rddreg [dreg:$0x10];
	s21 =	simm.s32 $0x8A00  }
0x58: {  	[tilespmem:s21], [sflag:$0x11] =	stream.linear.gather [hbm4b:s4+s3], $0x80, $0x38;
	[tilespmem:$0x1D000] =	vst v63  }
0x59: {  	s4 =	rddreg [dreg:$0x11];
	s21 =	simm.s32 $0x7A80  }
0x5a: {  	[tilespmem:s21], [sflag:$0x12] =	stream.linear.gather [hbm4b:s4+s3], $0x80, $0x38;
	[tilespmem:$0x1D000] =	vst v63  }
0x5b: {  	s4 =	rddreg [dreg:$0x12];
	s21 =	simm.s32 $0x8280  }
0x5c: {  	[tilespmem:s21], [sflag:$0x12] =	stream.linear.gather [hbm4b:s4+s3], $0x80, $0x38;
	[tilespmem:$0x1D000] =	vst v63  }
0x5d: {  	s4 =	rddreg [dreg:$0x13];
	s21 =	simm.s32 $0x8A80  }
0x5e: {  	[tilespmem:s21], [sflag:$0x12] =	stream.linear.gather [hbm4b:s4+s3], $0x80, $0x38;
	[tilespmem:$0x1D000] =	vst v63  }
0x5f: {  	s4 =	rddreg [dreg:$0x17];
	s21 =	simm.s32 $0x7B00  }
0x60: {  	[tilespmem:s21], [sflag:$0x13] =	stream.linear.gather [hbm4b:s4+s3], $0x80, $0x38;
	[tilespmem:$0x1D000] =	vst v63  }
0x61: {  	s4 =	rddreg [dreg:$0x18];
	s21 =	simm.s32 $0x8300  }
0x62: {  	[tilespmem:s21], [sflag:$0x13] =	stream.linear.gather [hbm4b:s4+s3], $0x80, $0x38;
	[tilespmem:$0x1D000] =	vst v63  }
0x63: {  	s4 =	rddreg [dreg:$0x19];
	s21 =	simm.s32 $0x8B00  }
0x64: {  	[tilespmem:s21], [sflag:$0x13] =	stream.linear.gather [hbm4b:s4+s3], $0x80, $0x38;
	[tilespmem:$0x1D000] =	vst v63  }
0x65: {  	s4 =	rddreg [dreg:$0x1a];
	s21 =	simm.s32 $0x7B80  }
0x66: {  	[tilespmem:s21], [sflag:$0x14] =	stream.linear.gather [hbm4b:s4+s3], $0x80, $0x38;
	[tilespmem:$0x1D000] =	vst v63  }
0x67: {  	s21 =	rddreg [dreg:$0x1b]  }
0x68: {  	[tilespmem:s30], [sflag:$0x14] =	stream.linear.gather [hbm4b:s21+s3], $0x80, $0x38;
	[tilespmem:$0x1D000] =	vst v63  }
0x69: {  	s4 =	rddreg [dreg:$0x1c];
	s21 =	simm.s32 $0x8B80  }
0x6a: {  	[tilespmem:s21], [sflag:$0x14] =	stream.linear.gather [hbm4b:s4+s3], $0x80, $0x38;
	[tilespmem:$0x1D000] =	vst v63  }
0x6b: {  	s21 =	rddreg [dreg:$0x1d]  }
0x6c: {  	s4 =	rddreg [dreg:$0x4];
	s21 =	sshrl.u32 s21, $0x3  }
0x6d: {  	s11 =	simm.s32 $0x19;
	[smem:$0x7FC] =	sst s21  }
0x6e: {  	[spmem:s21], [sflag:s10] =	dma.local [hbm:s4], $0x2800  }
0x6f: {  	_ =	swait.ge [sflag:s11], $0x2800  }
0x70: {  	[sflag:s11] =	ssyncset.done $0x0  }
0x71: {  	[sflag:s11] =	ssyncadd.s32 $0xFFFFD800;
	s11 =	simm.s32 $0xD  }
0x72: {  	_ =	swait.ge [sflag:s11], $0x80  }
0x73: {  	[sflag:s11] =	ssyncset.done $0x0  }
0x74: {  	[sflag:s11] =	ssyncadd.s32 $0xFFFFFF80  }
0x75: {  	_ =	swait.ge [sflag:s11], $0x80  }
0x76: {  	[sflag:s11] =	ssyncset.done $0x0  }
0x77: {  	[sflag:s11] =	ssyncadd.s32 $0xFFFFFF80  }
0x78: {  	_ =	swait.ge [sflag:s11], $0x80  }
0x79: {  	[sflag:s11] =	ssyncset.done $0x0  }
0x7a: {  	s21 =	simm.s32 $0x7800;
	s4 =	simm.s32 $0xE;
	[sflag:s11] =	ssyncadd.s32 $0xFFFFFF80  }
0x7b: {  	[tilespmem:s3], [sflag:$0x1] =	stream.indirect.gather [hbm4b:s5+s0], $0x80, s21, s0, $0xb8;
	[tilespmem:$0x1D000] =	vst v63  }
0x7c: {  	_ =	swait.ge [sflag:s4], $0x80  }
0x7d: {  	[sflag:s4] =	ssyncset.done $0x0  }
0x7e: {  	[sflag:s4] =	ssyncadd.s32 $0xFFFFFF80  }
0x7f: {  	_ =	swait.ge [sflag:s4], $0x80  }
0x80: {  	[sflag:s4] =	ssyncset.done $0x0  }
0x81: {  	[sflag:s4] =	ssyncadd.s32 $0xFFFFFF80  }
0x82: {  	_ =	swait.ge [sflag:s4], $0x80  }
0x83: {  	[sflag:s4] =	ssyncset.done $0x0  }
0x84: {  	s10 =	simm.s32 $0x1400;
	s11 =	simm.s32 $0xF;
	[sflag:s4] =	ssyncadd.s32 $0xFFFFFF80  }
0x85: {  	[tilespmem:s10], [sflag:$0x2] =	stream.indirect.gather [hbm4b:s5+s0], $0x80, s12, s0, $0xb8;
	[tilespmem:$0x1D000] =	vst v63  }
0x86: {  	_ =	swait.ge [sflag:s11], $0x80  }
0x87: {  	[sflag:s11] =	ssyncset.done $0x0  }
0x88: {  	[sflag:s11] =	ssyncadd.s32 $0xFFFFFF80  }
0x89: {  	_ =	swait.ge [sflag:s11], $0x80  }
0x8a: {  	[sflag:s11] =	ssyncset.done $0x0  }
0x8b: {  	[sflag:s11] =	ssyncadd.s32 $0xFFFFFF80  }
0x8c: {  	_ =	swait.ge [sflag:s11], $0x80  }
0x8d: {  	[sflag:s11] =	ssyncset.done $0x0  }
0x8e: {  	s12 =	simm.s32 $0x2800;
	[sflag:s11] =	ssyncadd.s32 $0xFFFFFF80  }
0x8f: {  	[tilespmem:s12], [sflag:$0x3] =	stream.indirect.gather [hbm4b:s5+s0], $0x80, s16, s0, $0xb8;
	[tilespmem:$0x1D000] =	vst v63  }
0x90: {  	_ =	swait.ge [sflag:s13], $0x80  }
0x91: {  	[sflag:s13] =	ssyncset.done $0x0  }
0x92: {  	[sflag:s13] =	ssyncadd.s32 $0xFFFFFF80  }
0x93: {  	_ =	swait.ge [sflag:s13], $0x80  }
0x94: {  	[sflag:s13] =	ssyncset.done $0x0  }
0x95: {  	[sflag:s13] =	ssyncadd.s32 $0xFFFFFF80  }
0x96: {  	_ =	swait.ge [sflag:s13], $0x80  }
0x97: {  	[sflag:s13] =	ssyncset.done $0x0  }
0x98: {  	s21 =	simm.s32 $0x3C00;
	[sflag:s13] =	ssyncadd.s32 $0xFFFFFF80  }
0x99: {  	[tilespmem:s21], [sflag:$0x4] =	stream.indirect.gather [hbm4b:s5+s0], $0x80, s18, s0, $0xb8;
	[tilespmem:$0x1D000] =	vst v63  }
0x9a: {  	s30 =	simm.s32 $0x0;
	s16 =	simm.s32 $0x0;
	[bflag:$0x0] =	sbarrier.arrive $0xFFFF  }
.LBB2_2:
0x9b: {  	s3 =	simm.s32 $0x1  }
0x9c: {  	s4 =	simm.s32 $0x0;
	_ =	swait.ge [sflag:s3], $0x1400  }
0x9d: {  	v0 =	vmov s4;
	[sflag:s3] =	ssyncset.done $0x0  }
0x9e: {  	s11 =	simm.s32 $0x40;
	[sflag:s3] =	ssyncadd.s32 $0xFFFFEC00  }
0x9f: {  	v4 =	vld [tilespmem:s11+$0x30]  }
0xa0: {  	v7 =	vld [tilespmem:s11+$0x10]  }
0xa1: {  	v5 =	vld [tilespmem:s11+$0xFFFFFFC0]  }
0xa2: {  	v1 =	vld.idx.msk [tilespmem:v0+s15+$0x0], $0xffff  }
0xa3: {  	v9 =	vld [tilespmem:s11+$0xFFFFFFE0]  }
0xa4: {  	v2 =	vld [tilespmem:s11+$0x20]  }
0xa5: {  	v3 =	vld [tilespmem:s11+$0xFFFFFFD0]  }
0xa6: {  	v0 =	vld [tilespmem:s11+$0xFFFFFFF0]  }
0xa7: {  	v8 =	vmul.f32 v4, v1;
	v4 =	vld [tilespmem:s11+$0x0]  }
0xa8: {  	v6 =	vmul.f32 v5, v1  }
0xa9: {  	s12 =	simm.s32 $0x40;
	s4 =	simm.s32 $0x1;
	v5 =	vmul.f32 v9, v1;
	v7 =	vmul.f32 v7, v1  }
.LBB2_3:
0xaa: {  	p0 =	sne.s32 s4, $0x27  }
0xab: {  	v3 =	vmul.f32 v3, v1;
	v2 =	vmul.f32 v2, v1;
	[tilespmem:s11+$0x30] =	vst v8;
	s12 =	sadd.s32 $0x80, s12;
	s18 =	smov.u32 s4;
	s4 =	sadd.s32 $0x1, s4  }
0xac: {  	[tilespmem:s11+$0xFFFFFFC0] =	vst v6;
	v6 =	vmul.f32 v0, v1;
	v1 =	vmul.f32 v4, v1  }
0xad: {  	[tilespmem:s11+$0x10] =	vst v7  }
0xae: {  	v4 =	vmov s18;
	[tilespmem:s11+$0xFFFFFFE0] =	vst v5  }
0xaf: {  	v0 =	vld [tilespmem:s12+$0xFFFFFFF0];
	[tilespmem:s11+$0xFFFFFFF0] =	vst v6  }
0xb0: {  	v5 =	vld [tilespmem:s12+$0x30];
	[tilespmem:s11+$0x0] =	vst v1  }
0xb1: {  	v7 =	vld [tilespmem:s12+$0x10];
	[tilespmem:s11+$0x20] =	vst v2  }
0xb2: {  	v6 =	vld [tilespmem:s12+$0xFFFFFFC0];
	[tilespmem:s11+$0xFFFFFFD0] =	vst v3;
	s11 =	smov.u32 s12  }
0xb3: {  	v1 =	vld.idx.msk [tilespmem:v4+s15+$0x0], $0xffff  }
0xb4: {  	v9 =	vld [tilespmem:s12+$0xFFFFFFE0]  }
0xb5: {  	v2 =	vld [tilespmem:s12+$0x20]  }
.Ltmp2:
0xb6: {  	v3 =	vld [tilespmem:s12+$0xFFFFFFD0];
	(pc) =	sbr.rel @p0 .LBB2_3-.Ltmp2, $3  }
0xb7: {  	v4 =	vld [tilespmem:s12+$0x0];
	_ =	sdelay $0x1  }
0xb8: {  	v6 =	vmul.f32 v6, v1;
	v8 =	vmul.f32 v5, v1  }
0xb9: {  	v7 =	vmul.f32 v7, v1;
	v5 =	vmul.f32 v9, v1  }
0xba: {  	[tilespmem:s11+$0x30] =	vst v8  }
0xbb: {  	[tilespmem:s11+$0xFFFFFFC0] =	vst v6  }
0xbc: {  	v0 =	vmul.f32 v0, v1;
	[tilespmem:s11+$0x10] =	vst v7  }
0xbd: {  	v2 =	vmul.f32 v2, v1;
	[tilespmem:s11+$0xFFFFFFE0] =	vst v5  }
0xbe: {  	v4 =	vmul.f32 v4, v1;
	[tilespmem:s11+$0xFFFFFFF0] =	vst v0  }
0xbf: {  	v0 =	vmul.f32 v3, v1;
	[tilespmem:s11+$0x20] =	vst v2  }
0xc0: {  	p0 =	seq.s32 s16, $0x0;
	[tilespmem:s11+$0x0] =	vst v4  }
0xc1: {  	s3 =	simm.s32 $0x8000;
	s4 =	simm.s32 @!p0 $0xB;
	[tilespmem:s11+$0xFFFFFFD0] =	vst v0  }
0xc2: {  	[spmem:s2] =	stream.indirect.scatter.add.f32 [tilespmem:s30], [sflag:$0x7], $0x80, s3, s0, $0xb8;
	[tilespmem:$0x1D000] =	vst v63  }
0xc3: {  	_ =	swait.ge @!p0 [sflag:s4], $0x1400  }
0xc4: {  	[sflag:s4] =	ssyncset.done @!p0 $0x0  }
0xc5: {  	[sflag:s4] =	ssyncadd.s32 @!p0 $0xFFFFEC00  }
0xc6: {  	_ =	swait.ge [sflag:s31], $0x80  }
0xc7: {  	[sflag:s31] =	ssyncset.done $0x0  }
0xc8: {  	s21 =	smul.u32 $0x600, s16;
	[sflag:s31] =	ssyncadd.s32 $0xFFFFFF80  }
0xc9: {  	_ =	swait.ge [sflag:s31], $0x80  }
0xca: {  	s12 =	sadd.s32 $0x400, s21;
	[sflag:s31] =	ssyncset.done $0x0  }
0xcb: {  	s18 =	sshll.u32 s16, $0x9;
	s4 =	sand.u32 $0x1FC00, s12;
	[sflag:s31] =	ssyncadd.s32 $0xFFFFFF80  }
0xcc: {  	s12 =	sand.u32 $0x200, s18;
	s4 =	sadd.s32 s9, s4;
	_ =	swait.ge [sflag:s31], $0x80  }
0xcd: {  	s10 =	simm.s32 $0x7A00;
	s4 =	sor.u32 s12, s4;
	[sflag:s31] =	ssyncset.done $0x0  }
0xce: {  	s11 =	simm.s32 $0x5000;
	s4 =	sshrl.u32 s4, $0x3;
	[sflag:s31] =	ssyncadd.s32 $0xFFFFFF80  }
0xcf: {  	[tilespmem:s11], [sflag:$0x5] =	stream.indirect.gather [hbm4b:s5+s0], $0x80, s10, s0, $0xb8;
	[tilespmem:$0x1D000] =	vst v63  }
0xd0: {  	s18 =	simm.s32 $0x0;
	s3 =	sadd.s32 s1, s4;
	s10 =	simm.s32 $0x7C00  }
0xd1: {  	[tilespmem:s10], [sflag:$0x15] =	stream.linear.gather [hbm4b:s3+s18], $0x80, $0x38;
	[tilespmem:$0x1D000] =	vst v63  }
0xd2: {  	s3 =	sadd.s32 s6, s4;
	s10 =	simm.s32 $0x8400  }
0xd3: {  	v0 =	vmov s18;
	[tilespmem:s10], [sflag:$0x15] =	stream.linear.gather [hbm4b:s3+s18], $0x80, $0x38;
	[tilespmem:$0x1D000] =	vst v63  }
0xd4: {  	v0 =	vand.u32 $0x7F, v0;
	s11 =	simm.s32 $0x8C00;
	s4 =	sadd.s32 s7, s4  }
0xd5: {  	v0 =	vor.u32 $0x80, v0;
	[tilespmem:s11], [sflag:$0x15] =	stream.linear.gather [hbm4b:s4+s18], $0x80, $0x38;
	[tilespmem:$0x1D000] =	vst v63  }
0xd6: {  	v0 =	vbroadcast v0, $0x0;
	_ =	swait.ge [sflag:s14], $0x1400  }
0xd7: {  	[sflag:s14] =	ssyncset.done $0x0  }
0xd8: {  	s11 =	simm.s32 $0x1440;
	[sflag:s14] =	ssyncadd.s32 $0xFFFFEC00  }
0xd9: {  	v4 =	vld [tilespmem:s11+$0x30]  }
0xda: {  	v7 =	vld [tilespmem:s11+$0x10]  }
0xdb: {  	v5 =	vld [tilespmem:s11+$0xFFFFFFC0]  }
0xdc: {  	v1 =	vld.idx.msk [tilespmem:v0+s15+$0x0], $0xffff  }
0xdd: {  	v10 =	vld [tilespmem:s11+$0xFFFFFFE0]  }
0xde: {  	v0 =	vld [tilespmem:s11+$0xFFFFFFF0]  }
0xdf: {  	v2 =	vld [tilespmem:s11+$0x20]  }
0xe0: {  	v3 =	vld [tilespmem:s11+$0xFFFFFFD0]  }
0xe1: {  	v8 =	vmul.f32 v4, v1;
	v4 =	vld [tilespmem:s11+$0x0]  }
0xe2: {  	s10 =	simm.s32 $0x1;
	v6 =	vmul.f32 v5, v1  }
0xe3: {  	v9 =	vmov s10;
	s18 =	simm.s32 $0x2;
	s4 =	simm.s32 $0x1440;
	v5 =	vmul.f32 v10, v1;
	v7 =	vmul.f32 v7, v1  }
.LBB2_5:
0xe4: {  	p1 =	sne.s32 s18, $0x27  }
0xe5: {  	v9 =	vand.u32 $0x7F, v9;
	v3 =	vmul.f32 v3, v1;
	v2 =	vmul.f32 v2, v1;
	[tilespmem:s11+$0x30] =	vst v8;
	s4 =	sadd.s32 $0x80, s4;
	s3 =	smov.u32 s18;
	s18 =	sadd.s32 $0x1, s18  }
0xe6: {  	v8 =	vor.u32 $0x80, v9;
	[tilespmem:s11+$0xFFFFFFC0] =	vst v6;
	v6 =	vmul.f32 v0, v1;
	v1 =	vmul.f32 v4, v1  }
0xe7: {  	v4 =	vbroadcast v8, $0x0;
	[tilespmem:s11+$0x10] =	vst v7  }
0xe8: {  	[tilespmem:s11+$0xFFFFFFE0] =	vst v5  }
0xe9: {  	v0 =	vld [tilespmem:s4+$0xFFFFFFF0];
	[tilespmem:s11+$0xFFFFFFF0] =	vst v6  }
0xea: {  	v5 =	vld [tilespmem:s4+$0x30];
	[tilespmem:s11+$0x0] =	vst v1  }
0xeb: {  	v7 =	vld [tilespmem:s4+$0x10];
	[tilespmem:s11+$0x20] =	vst v2  }
0xec: {  	v6 =	vld [tilespmem:s4+$0xFFFFFFC0];
	[tilespmem:s11+$0xFFFFFFD0] =	vst v3;
	s11 =	smov.u32 s4  }
0xed: {  	v1 =	vld.idx.msk [tilespmem:v4+s15+$0x0], $0xffff  }
0xee: {  	v10 =	vld [tilespmem:s4+$0xFFFFFFE0]  }
0xef: {  	v2 =	vld [tilespmem:s4+$0x20]  }
.Ltmp3:
0xf0: {  	v3 =	vld [tilespmem:s4+$0xFFFFFFD0];
	(pc) =	sbr.rel @p1 .LBB2_5-.Ltmp3, $3  }
0xf1: {  	v4 =	vld [tilespmem:s4+$0x0];
	_ =	sdelay $0x1  }
0xf2: {  	v6 =	vmul.f32 v6, v1;
	v8 =	vmul.f32 v5, v1  }
0xf3: {  	v9 =	vmov s3;
	v7 =	vmul.f32 v7, v1;
	v5 =	vmul.f32 v10, v1  }
0xf4: {  	[tilespmem:s11+$0xFFFFFFC0] =	vst v6;
	v6 =	vand.u32 $0x7F, v9  }
0xf5: {  	[tilespmem:s11+$0x30] =	vst v8;
	v6 =	vor.u32 $0x80, v6  }
0xf6: {  	v0 =	vmul.f32 v0, v1;
	[tilespmem:s11+$0xFFFFFFE0] =	vst v5;
	v5 =	vbroadcast v6, $0x0  }
0xf7: {  	s3 =	sadd.s32 $0x80, s4;
	[tilespmem:s11+$0x10] =	vst v7;
	v4 =	vmul.f32 v4, v1  }
0xf8: {  	v2 =	vmul.f32 v2, v1;
	v6 =	vld [tilespmem:s3+$0xFFFFFFF0];
	[tilespmem:s11+$0xFFFFFFF0] =	vst v0  }
0xf9: {  	v1 =	vmul.f32 v3, v1;
	v0 =	vld [tilespmem:s3+$0x30];
	[tilespmem:s11+$0x0] =	vst v4  }
0xfa: {  	v3 =	vld [tilespmem:s3+$0x10];
	[tilespmem:s11+$0x20] =	vst v2  }
0xfb: {  	v2 =	vld [tilespmem:s3+$0xFFFFFFC0];
	[tilespmem:s11+$0xFFFFFFD0] =	vst v1  }
0xfc: {  	v1 =	vld.idx.msk [tilespmem:v5+s15+$0x0], $0xffff;
	_ =	sdelay $0x2  }
0xfd: {  	v4 =	vld [tilespmem:s3+$0xFFFFFFE0];
	_ =	sdelay $0x1  }
0xfe: {  	v5 =	vld [tilespmem:s3+$0x0];
	v0 =	vmul.f32 v0, v1  }
0xff: {  	v7 =	vld [tilespmem:s3+$0x20];
	v2 =	vmul.f32 v2, v1  }
0x100: {  	v8 =	vld [tilespmem:s3+$0xFFFFFFD0];
	v3 =	vmul.f32 v3, v1;
	[tilespmem:s3+$0x30] =	vst v0  }
0x101: {  	v0 =	vmul.f32 v4, v1;
	[tilespmem:s3+$0xFFFFFFC0] =	vst v2  }
0x102: {  	v2 =	vmul.f32 v6, v1;
	[tilespmem:s3+$0x10] =	vst v3  }
0x103: {  	v3 =	vmul.f32 v5, v1;
	[tilespmem:s3+$0xFFFFFFE0] =	vst v0  }
0x104: {  	v0 =	vmul.f32 v7, v1;
	[tilespmem:s3+$0xFFFFFFF0] =	vst v2  }
0x105: {  	v1 =	vmul.f32 v8, v1;
	[tilespmem:s3+$0x0] =	vst v3  }
0x106: {  	[tilespmem:s3+$0x20] =	vst v0  }
0x107: {  	s4 =	simm.s32 $0x8080;
	s10 =	simm.s32 $0x1400;
	[tilespmem:s3+$0xFFFFFFD0] =	vst v1;
	s3 =	simm.s32 @!p0 $0xC  }
0x108: {  	[spmem:s2] =	stream.indirect.scatter.add.f32 [tilespmem:s10], [sflag:$0x8], $0x80, s4, s0, $0xb8;
	[tilespmem:$0x1D000] =	vst v63  }
0x109: {  	_ =	swait.ge @!p0 [sflag:s3], $0x1400  }
0x10a: {  	[sflag:s3] =	ssyncset.done @!p0 $0x0  }
0x10b: {  	[sflag:s3] =	ssyncadd.s32 @!p0 $0xFFFFEC00  }
0x10c: {  	_ =	swait.ge [sflag:s17], $0x80  }
0x10d: {  	[sflag:s17] =	ssyncset.done $0x0  }
0x10e: {  	[sflag:s17] =	ssyncadd.s32 $0xFFFFFF80  }
0x10f: {  	_ =	swait.ge [sflag:s17], $0x80  }
0x110: {  	[sflag:s17] =	ssyncset.done $0x0  }
0x111: {  	[sflag:s17] =	ssyncadd.s32 $0xFFFFFF80  }
0x112: {  	_ =	swait.ge [sflag:s17], $0x80  }
0x113: {  	s18 =	simm.s32 $0x6400;
	[sflag:s17] =	ssyncset.done $0x0  }
0x114: {  	s11 =	simm.s32 $0x7A80;
	s10 =	sadd.s32 $0x480, s21;
	[sflag:s17] =	ssyncadd.s32 $0xFFFFFF80  }
0x115: {  	[tilespmem:s18], [sflag:$0x6] =	stream.indirect.gather [hbm4b:s5+s0], $0x80, s11, s0, $0xb8;
	[tilespmem:$0x1D000] =	vst v63  }
0x116: {  	s11 =	sand.u32 $0x1FC00, s10  }
0x117: {  	s3 =	sand.u32 $0x280, s10;
	s4 =	sadd.s32 s9, s11  }
0x118: {  	s3 =	sor.u32 s3, s4  }
0x119: {  	s3 =	sshrl.u32 s3, $0x3  }
0x11a: {  	s10 =	simm.s32 $0x7C80;
	s11 =	simm.s32 $0x0;
	s18 =	sadd.s32 s1, s3  }
0x11b: {  	[tilespmem:s10], [sflag:$0x16] =	stream.linear.gather [hbm4b:s18+s11], $0x80, $0x38;
	[tilespmem:$0x1D000] =	vst v63  }
0x11c: {  	s10 =	sadd.s32 s6, s3;
	s18 =	simm.s32 $0x8480  }
0x11d: {  	v0 =	vmov s11;
	[tilespmem:s18], [sflag:$0x16] =	stream.linear.gather [hbm4b:s10+s11], $0x80, $0x38;
	[tilespmem:$0x1D000] =	vst v63  }
0x11e: {  	v0 =	vand.u32 $0x7F, v0;
	s3 =	sadd.s32 s7, s3;
	s18 =	simm.s32 $0x8C80  }
0x11f: {  	v0 =	vor.u32 $0x100, v0;
	[tilespmem:s18], [sflag:$0x16] =	stream.linear.gather [hbm4b:s3+s11], $0x80, $0x38;
	[tilespmem:$0x1D000] =	vst v63  }
0x120: {  	v0 =	vbroadcast v0, $0x0;
	_ =	swait.ge [sflag:s20], $0x1400  }
0x121: {  	[sflag:s20] =	ssyncset.done $0x0  }
0x122: {  	s11 =	simm.s32 $0x2840;
	[sflag:s20] =	ssyncadd.s32 $0xFFFFEC00  }
0x123: {  	v4 =	vld [tilespmem:s11+$0x30]  }
0x124: {  	v7 =	vld [tilespmem:s11+$0x10]  }
0x125: {  	v5 =	vld [tilespmem:s11+$0xFFFFFFC0]  }
0x126: {  	v1 =	vld.idx.msk [tilespmem:v0+s15+$0x0], $0xffff  }
0x127: {  	v10 =	vld [tilespmem:s11+$0xFFFFFFE0]  }
0x128: {  	v0 =	vld [tilespmem:s11+$0xFFFFFFF0]  }
0x129: {  	v2 =	vld [tilespmem:s11+$0x20]  }
0x12a: {  	v3 =	vld [tilespmem:s11+$0xFFFFFFD0]  }
0x12b: {  	v8 =	vmul.f32 v4, v1;
	v4 =	vld [tilespmem:s11+$0x0]  }
0x12c: {  	s10 =	simm.s32 $0x1;
	v6 =	vmul.f32 v5, v1  }
0x12d: {  	s4 =	simm.s32 $0x2840;
	v9 =	vmov s10;
	s18 =	simm.s32 $0x2;
	v5 =	vmul.f32 v10, v1;
	v7 =	vmul.f32 v7, v1  }
.LBB2_7:
0x12e: {  	p0 =	sne.s32 s18, $0x27  }
0x12f: {  	v9 =	vand.u32 $0x7F, v9;
	v3 =	vmul.f32 v3, v1;
	v2 =	vmul.f32 v2, v1;
	[tilespmem:s11+$0x30] =	vst v8;
	s4 =	sadd.s32 $0x80, s4;
	s3 =	smov.u32 s18;
	s18 =	sadd.s32 $0x1, s18  }
0x130: {  	v8 =	vor.u32 $0x100, v9;
	[tilespmem:s11+$0xFFFFFFC0] =	vst v6;
	v6 =	vmul.f32 v0, v1;
	v1 =	vmul.f32 v4, v1  }
0x131: {  	v4 =	vbroadcast v8, $0x0;
	[tilespmem:s11+$0x10] =	vst v7  }
0x132: {  	[tilespmem:s11+$0xFFFFFFE0] =	vst v5  }
0x133: {  	v0 =	vld [tilespmem:s4+$0xFFFFFFF0];
	[tilespmem:s11+$0xFFFFFFF0] =	vst v6  }
0x134: {  	v5 =	vld [tilespmem:s4+$0x30];
	[tilespmem:s11+$0x0] =	vst v1  }
0x135: {  	v7 =	vld [tilespmem:s4+$0x10];
	[tilespmem:s11+$0x20] =	vst v2  }
0x136: {  	v6 =	vld [tilespmem:s4+$0xFFFFFFC0];
	[tilespmem:s11+$0xFFFFFFD0] =	vst v3;
	s11 =	smov.u32 s4  }
0x137: {  	v1 =	vld.idx.msk [tilespmem:v4+s15+$0x0], $0xffff  }
0x138: {  	v10 =	vld [tilespmem:s4+$0xFFFFFFE0]  }
0x139: {  	v2 =	vld [tilespmem:s4+$0x20]  }
.Ltmp4:
0x13a: {  	v3 =	vld [tilespmem:s4+$0xFFFFFFD0];
	(pc) =	sbr.rel @p0 .LBB2_7-.Ltmp4, $3  }
0x13b: {  	v4 =	vld [tilespmem:s4+$0x0];
	_ =	sdelay $0x1  }
0x13c: {  	v6 =	vmul.f32 v6, v1;
	v8 =	vmul.f32 v5, v1  }
0x13d: {  	v9 =	vmov s3;
	v7 =	vmul.f32 v7, v1;
	v5 =	vmul.f32 v10, v1  }
0x13e: {  	[tilespmem:s11+$0xFFFFFFC0] =	vst v6;
	v6 =	vand.u32 $0x7F, v9  }
0x13f: {  	[tilespmem:s11+$0x30] =	vst v8;
	v6 =	vor.u32 $0x100, v6  }
0x140: {  	v0 =	vmul.f32 v0, v1;
	[tilespmem:s11+$0xFFFFFFE0] =	vst v5;
	v5 =	vbroadcast v6, $0x0  }
0x141: {  	s3 =	sadd.s32 $0x80, s4;
	[tilespmem:s11+$0x10] =	vst v7;
	v4 =	vmul.f32 v4, v1  }
0x142: {  	v2 =	vmul.f32 v2, v1;
	v6 =	vld [tilespmem:s3+$0xFFFFFFF0];
	[tilespmem:s11+$0xFFFFFFF0] =	vst v0  }
0x143: {  	v1 =	vmul.f32 v3, v1;
	v0 =	vld [tilespmem:s3+$0x30];
	[tilespmem:s11+$0x0] =	vst v4  }
0x144: {  	v3 =	vld [tilespmem:s3+$0x10];
	[tilespmem:s11+$0x20] =	vst v2  }
0x145: {  	v2 =	vld [tilespmem:s3+$0xFFFFFFC0];
	[tilespmem:s11+$0xFFFFFFD0] =	vst v1  }
0x146: {  	v1 =	vld.idx.msk [tilespmem:v5+s15+$0x0], $0xffff;
	_ =	sdelay $0x2  }
0x147: {  	v4 =	vld [tilespmem:s3+$0xFFFFFFE0];
	_ =	sdelay $0x1  }
0x148: {  	v5 =	vld [tilespmem:s3+$0x0];
	v0 =	vmul.f32 v0, v1  }
0x149: {  	v7 =	vld [tilespmem:s3+$0x20];
	v2 =	vmul.f32 v2, v1  }
0x14a: {  	v8 =	vld [tilespmem:s3+$0xFFFFFFD0];
	v3 =	vmul.f32 v3, v1;
	[tilespmem:s3+$0x30] =	vst v0  }
0x14b: {  	v0 =	vmul.f32 v4, v1;
	[tilespmem:s3+$0xFFFFFFC0] =	vst v2  }
0x14c: {  	v2 =	vmul.f32 v6, v1;
	[tilespmem:s3+$0x10] =	vst v3  }
0x14d: {  	v3 =	vmul.f32 v5, v1;
	[tilespmem:s3+$0xFFFFFFE0] =	vst v0  }
0x14e: {  	v0 =	vmul.f32 v7, v1;
	[tilespmem:s3+$0xFFFFFFF0] =	vst v2  }
0x14f: {  	v1 =	vmul.f32 v8, v1;
	[tilespmem:s3+$0x0] =	vst v3  }
0x150: {  	[tilespmem:s3+$0x20] =	vst v0  }
0x151: {  	s18 =	simm.s32 $0x2800;
	s10 =	simm.s32 $0x7;
	s11 =	simm.s32 $0x8100;
	[tilespmem:s3+$0xFFFFFFD0] =	vst v1  }
0x152: {  	[spmem:s2] =	stream.indirect.scatter.add.f32 [tilespmem:s18], [sflag:$0x9], $0x80, s11, s0, $0xb8;
	[tilespmem:$0x1D000] =	vst v63  }
0x153: {  	_ =	swait.ge [sflag:s10], $0x1400  }
0x154: {  	[sflag:s10] =	ssyncset.done $0x0  }
0x155: {  	[sflag:s10] =	ssyncadd.s32 $0xFFFFEC00  }
0x156: {  	_ =	swait.ge [sflag:s22], $0x80  }
0x157: {  	[sflag:s22] =	ssyncset.done $0x0  }
0x158: {  	[sflag:s22] =	ssyncadd.s32 $0xFFFFFF80  }
0x159: {  	_ =	swait.ge [sflag:s22], $0x80  }
0x15a: {  	[sflag:s22] =	ssyncset.done $0x0  }
0x15b: {  	[sflag:s22] =	ssyncadd.s32 $0xFFFFFF80  }
0x15c: {  	_ =	swait.ge [sflag:s22], $0x80  }
0x15d: {  	s3 =	simm.s32 $0x0;
	s18 =	sadd.s32 $0x500, s21;
	[sflag:s22] =	ssyncset.done $0x0  }
0x15e: {  	s11 =	simm.s32 $0x7B00;
	s10 =	sand.u32 $0x1FC00, s18;
	[sflag:s22] =	ssyncadd.s32 $0xFFFFFF80  }
0x15f: {  	[tilespmem:s3], [sflag:$0x1] =	stream.indirect.gather [hbm4b:s5+s0], $0x80, s11, s0, $0xb8;
	[tilespmem:$0x1D000] =	vst v63  }
0x160: {  	s4 =	sand.u32 $0x300, s18;
	s11 =	sadd.s32 s9, s10  }
0x161: {  	s4 =	sor.u32 s4, s11  }
0x162: {  	s4 =	sshrl.u32 s4, $0x3  }
0x163: {  	s10 =	simm.s32 $0x7D00;
	s18 =	sadd.s32 s1, s4  }
0x164: {  	[tilespmem:s10], [sflag:$0x17] =	stream.linear.gather [hbm4b:s18+s3], $0x80, $0x38;
	[tilespmem:$0x1D000] =	vst v63  }
0x165: {  	s10 =	sadd.s32 s6, s4;
	s18 =	simm.s32 $0x8500  }
0x166: {  	v0 =	vmov s3;
	[tilespmem:s18], [sflag:$0x17] =	stream.linear.gather [hbm4b:s10+s3], $0x80, $0x38;
	[tilespmem:$0x1D000] =	vst v63  }
0x167: {  	v0 =	vand.u32 $0x7F, v0;
	s4 =	sadd.s32 s7, s4;
	s18 =	simm.s32 $0x8D00  }
0x168: {  	v0 =	vor.u32 $0x180, v0;
	[tilespmem:s18], [sflag:$0x17] =	stream.linear.gather [hbm4b:s4+s3], $0x80, $0x38;
	[tilespmem:$0x1D000] =	vst v63  }
0x169: {  	v0 =	vbroadcast v0, $0x0;
	_ =	swait.ge [sflag:s25], $0x1400  }
0x16a: {  	[sflag:s25] =	ssyncset.done $0x0  }
0x16b: {  	s11 =	simm.s32 $0x3C40;
	[sflag:s25] =	ssyncadd.s32 $0xFFFFEC00  }
0x16c: {  	v4 =	vld [tilespmem:s11+$0x30]  }
0x16d: {  	v7 =	vld [tilespmem:s11+$0x10]  }
0x16e: {  	v5 =	vld [tilespmem:s11+$0xFFFFFFC0]  }
0x16f: {  	v1 =	vld.idx.msk [tilespmem:v0+s15+$0x0], $0xffff  }
0x170: {  	v10 =	vld [tilespmem:s11+$0xFFFFFFE0]  }
0x171: {  	v0 =	vld [tilespmem:s11+$0xFFFFFFF0]  }
0x172: {  	v2 =	vld [tilespmem:s11+$0x20]  }
0x173: {  	v3 =	vld [tilespmem:s11+$0xFFFFFFD0]  }
0x174: {  	v8 =	vmul.f32 v4, v1;
	v4 =	vld [tilespmem:s11+$0x0]  }
0x175: {  	s10 =	simm.s32 $0x1;
	v6 =	vmul.f32 v5, v1  }
0x176: {  	v9 =	vmov s10;
	s18 =	simm.s32 $0x2;
	s4 =	simm.s32 $0x3C40;
	v5 =	vmul.f32 v10, v1;
	v7 =	vmul.f32 v7, v1  }
.LBB2_9:
0x177: {  	p0 =	sne.s32 s18, $0x27  }
0x178: {  	v9 =	vand.u32 $0x7F, v9;
	v3 =	vmul.f32 v3, v1;
	v2 =	vmul.f32 v2, v1;
	[tilespmem:s11+$0x30] =	vst v8;
	s4 =	sadd.s32 $0x80, s4;
	s3 =	smov.u32 s18;
	s18 =	sadd.s32 $0x1, s18  }
0x179: {  	v8 =	vor.u32 $0x180, v9;
	[tilespmem:s11+$0xFFFFFFC0] =	vst v6;
	v6 =	vmul.f32 v0, v1;
	v1 =	vmul.f32 v4, v1  }
0x17a: {  	v4 =	vbroadcast v8, $0x0;
	[tilespmem:s11+$0x10] =	vst v7  }
0x17b: {  	[tilespmem:s11+$0xFFFFFFE0] =	vst v5  }
0x17c: {  	v0 =	vld [tilespmem:s4+$0xFFFFFFF0];
	[tilespmem:s11+$0xFFFFFFF0] =	vst v6  }
0x17d: {  	v5 =	vld [tilespmem:s4+$0x30];
	[tilespmem:s11+$0x0] =	vst v1  }
0x17e: {  	v7 =	vld [tilespmem:s4+$0x10];
	[tilespmem:s11+$0x20] =	vst v2  }
0x17f: {  	v6 =	vld [tilespmem:s4+$0xFFFFFFC0];
	[tilespmem:s11+$0xFFFFFFD0] =	vst v3;
	s11 =	smov.u32 s4  }
0x180: {  	v1 =	vld.idx.msk [tilespmem:v4+s15+$0x0], $0xffff  }
0x181: {  	v10 =	vld [tilespmem:s4+$0xFFFFFFE0]  }
0x182: {  	v2 =	vld [tilespmem:s4+$0x20]  }
.Ltmp5:
0x183: {  	v3 =	vld [tilespmem:s4+$0xFFFFFFD0];
	(pc) =	sbr.rel @p0 .LBB2_9-.Ltmp5, $3  }
0x184: {  	v4 =	vld [tilespmem:s4+$0x0];
	_ =	sdelay $0x1  }
0x185: {  	v6 =	vmul.f32 v6, v1;
	v8 =	vmul.f32 v5, v1  }
0x186: {  	v9 =	vmov s3;
	v7 =	vmul.f32 v7, v1;
	v5 =	vmul.f32 v10, v1  }
0x187: {  	[tilespmem:s11+$0xFFFFFFC0] =	vst v6;
	v6 =	vand.u32 $0x7F, v9  }
0x188: {  	[tilespmem:s11+$0x30] =	vst v8;
	v6 =	vor.u32 $0x180, v6  }
0x189: {  	v0 =	vmul.f32 v0, v1;
	[tilespmem:s11+$0xFFFFFFE0] =	vst v5;
	v5 =	vbroadcast v6, $0x0  }
0x18a: {  	s3 =	sadd.s32 $0x80, s4;
	[tilespmem:s11+$0x10] =	vst v7;
	v4 =	vmul.f32 v4, v1  }
0x18b: {  	v2 =	vmul.f32 v2, v1;
	v6 =	vld [tilespmem:s3+$0xFFFFFFF0];
	[tilespmem:s11+$0xFFFFFFF0] =	vst v0  }
0x18c: {  	v1 =	vmul.f32 v3, v1;
	v0 =	vld [tilespmem:s3+$0x30];
	[tilespmem:s11+$0x0] =	vst v4  }
0x18d: {  	v3 =	vld [tilespmem:s3+$0x10];
	[tilespmem:s11+$0x20] =	vst v2  }
0x18e: {  	v2 =	vld [tilespmem:s3+$0xFFFFFFC0];
	[tilespmem:s11+$0xFFFFFFD0] =	vst v1  }
0x18f: {  	v1 =	vld.idx.msk [tilespmem:v5+s15+$0x0], $0xffff;
	_ =	sdelay $0x2  }
0x190: {  	v4 =	vld [tilespmem:s3+$0xFFFFFFE0];
	_ =	sdelay $0x1  }
0x191: {  	v5 =	vld [tilespmem:s3+$0x0];
	v0 =	vmul.f32 v0, v1  }
0x192: {  	v7 =	vld [tilespmem:s3+$0x20];
	v2 =	vmul.f32 v2, v1  }
0x193: {  	v8 =	vld [tilespmem:s3+$0xFFFFFFD0];
	v3 =	vmul.f32 v3, v1;
	[tilespmem:s3+$0x30] =	vst v0  }
0x194: {  	v0 =	vmul.f32 v4, v1;
	[tilespmem:s3+$0xFFFFFFC0] =	vst v2  }
0x195: {  	v2 =	vmul.f32 v6, v1;
	[tilespmem:s3+$0x10] =	vst v3  }
0x196: {  	v3 =	vmul.f32 v5, v1;
	[tilespmem:s3+$0xFFFFFFE0] =	vst v0  }
0x197: {  	v0 =	vmul.f32 v7, v1;
	[tilespmem:s3+$0xFFFFFFF0] =	vst v2  }
0x198: {  	v1 =	vmul.f32 v8, v1;
	[tilespmem:s3+$0x0] =	vst v3  }
0x199: {  	[tilespmem:s3+$0x20] =	vst v0  }
0x19a: {  	s18 =	simm.s32 $0x3C00;
	s10 =	simm.s32 $0x8;
	s11 =	simm.s32 $0x8180;
	[tilespmem:s3+$0xFFFFFFD0] =	vst v1  }
0x19b: {  	[spmem:s2] =	stream.indirect.scatter.add.f32 [tilespmem:s18], [sflag:$0xA], $0x80, s11, s0, $0xb8;
	[tilespmem:$0x1D000] =	vst v63  }
0x19c: {  	_ =	swait.ge [sflag:s10], $0x1400  }
0x19d: {  	[sflag:s10] =	ssyncset.done $0x0  }
0x19e: {  	[sflag:s10] =	ssyncadd.s32 $0xFFFFEC00  }
0x19f: {  	_ =	swait.ge [sflag:s28], $0x80  }
0x1a0: {  	[sflag:s28] =	ssyncset.done $0x0  }
0x1a1: {  	[sflag:s28] =	ssyncadd.s32 $0xFFFFFF80  }
0x1a2: {  	_ =	swait.ge [sflag:s28], $0x80  }
0x1a3: {  	[sflag:s28] =	ssyncset.done $0x0  }
0x1a4: {  	[sflag:s28] =	ssyncadd.s32 $0xFFFFFF80  }
0x1a5: {  	_ =	swait.ge [sflag:s28], $0x80  }
0x1a6: {  	s11 =	simm.s32 $0x7B80;
	[sflag:s28] =	ssyncset.done $0x0  }
0x1a7: {  	s18 =	simm.s32 $0x1400;
	s10 =	sadd.s32 $0x580, s21;
	[sflag:s28] =	ssyncadd.s32 $0xFFFFFF80  }
0x1a8: {  	[tilespmem:s18], [sflag:$0x2] =	stream.indirect.gather [hbm4b:s5+s0], $0x80, s11, s0, $0xb8;
	[tilespmem:$0x1D000] =	vst v63  }
0x1a9: {  	s11 =	sand.u32 $0x1FC00, s10  }
0x1aa: {  	s3 =	sand.u32 $0x380, s10;
	s4 =	sadd.s32 s9, s11  }
0x1ab: {  	s3 =	sor.u32 s3, s4  }
0x1ac: {  	s3 =	sshrl.u32 s3, $0x3  }
0x1ad: {  	s10 =	simm.s32 $0x7D80;
	s11 =	simm.s32 $0x0;
	s18 =	sadd.s32 s1, s3  }
0x1ae: {  	[tilespmem:s10], [sflag:$0x18] =	stream.linear.gather [hbm4b:s18+s11], $0x80, $0x38;
	[tilespmem:$0x1D000] =	vst v63  }
0x1af: {  	s10 =	sadd.s32 s6, s3;
	s18 =	simm.s32 $0x8580  }
0x1b0: {  	v0 =	vmov s11;
	[tilespmem:s18], [sflag:$0x18] =	stream.linear.gather [hbm4b:s10+s11], $0x80, $0x38;
	[tilespmem:$0x1D000] =	vst v63  }
0x1b1: {  	v0 =	vand.u32 $0x7F, v0;
	s3 =	sadd.s32 s7, s3;
	s18 =	simm.s32 $0x8D80  }
0x1b2: {  	v0 =	vor.u32 $0x200, v0;
	[tilespmem:s18], [sflag:$0x18] =	stream.linear.gather [hbm4b:s3+s11], $0x80, $0x38;
	[tilespmem:$0x1D000] =	vst v63  }
0x1b3: {  	v0 =	vbroadcast v0, $0x0;
	_ =	swait.ge [sflag:s19], $0x1400  }
0x1b4: {  	[sflag:s19] =	ssyncset.done $0x0  }
0x1b5: {  	s11 =	simm.s32 $0x5040;
	[sflag:s19] =	ssyncadd.s32 $0xFFFFEC00  }
0x1b6: {  	v4 =	vld [tilespmem:s11+$0x30]  }
0x1b7: {  	v7 =	vld [tilespmem:s11+$0x10]  }
0x1b8: {  	v5 =	vld [tilespmem:s11+$0xFFFFFFC0]  }
0x1b9: {  	v1 =	vld.idx.msk [tilespmem:v0+s15+$0x0], $0xffff  }
0x1ba: {  	v10 =	vld [tilespmem:s11+$0xFFFFFFE0]  }
0x1bb: {  	v0 =	vld [tilespmem:s11+$0xFFFFFFF0]  }
0x1bc: {  	v2 =	vld [tilespmem:s11+$0x20]  }
0x1bd: {  	v3 =	vld [tilespmem:s11+$0xFFFFFFD0]  }
0x1be: {  	v8 =	vmul.f32 v4, v1;
	v4 =	vld [tilespmem:s11+$0x0]  }
0x1bf: {  	s10 =	simm.s32 $0x1;
	v6 =	vmul.f32 v5, v1  }
0x1c0: {  	s4 =	simm.s32 $0x5040;
	v9 =	vmov s10;
	s18 =	simm.s32 $0x2;
	v5 =	vmul.f32 v10, v1;
	v7 =	vmul.f32 v7, v1  }
.LBB2_11:
0x1c1: {  	p0 =	sne.s32 s18, $0x27  }
0x1c2: {  	v9 =	vand.u32 $0x7F, v9;
	v3 =	vmul.f32 v3, v1;
	v2 =	vmul.f32 v2, v1;
	[tilespmem:s11+$0x30] =	vst v8;
	s4 =	sadd.s32 $0x80, s4;
	s3 =	smov.u32 s18;
	s18 =	sadd.s32 $0x1, s18  }
0x1c3: {  	v8 =	vor.u32 $0x200, v9;
	[tilespmem:s11+$0xFFFFFFC0] =	vst v6;
	v6 =	vmul.f32 v0, v1;
	v1 =	vmul.f32 v4, v1  }
0x1c4: {  	v4 =	vbroadcast v8, $0x0;
	[tilespmem:s11+$0x10] =	vst v7  }
0x1c5: {  	[tilespmem:s11+$0xFFFFFFE0] =	vst v5  }
0x1c6: {  	v0 =	vld [tilespmem:s4+$0xFFFFFFF0];
	[tilespmem:s11+$0xFFFFFFF0] =	vst v6  }
0x1c7: {  	v5 =	vld [tilespmem:s4+$0x30];
	[tilespmem:s11+$0x0] =	vst v1  }
0x1c8: {  	v7 =	vld [tilespmem:s4+$0x10];
	[tilespmem:s11+$0x20] =	vst v2  }
0x1c9: {  	v6 =	vld [tilespmem:s4+$0xFFFFFFC0];
	[tilespmem:s11+$0xFFFFFFD0] =	vst v3;
	s11 =	smov.u32 s4  }
0x1ca: {  	v1 =	vld.idx.msk [tilespmem:v4+s15+$0x0], $0xffff  }
0x1cb: {  	v10 =	vld [tilespmem:s4+$0xFFFFFFE0]  }
0x1cc: {  	v2 =	vld [tilespmem:s4+$0x20]  }
.Ltmp6:
0x1cd: {  	v3 =	vld [tilespmem:s4+$0xFFFFFFD0];
	(pc) =	sbr.rel @p0 .LBB2_11-.Ltmp6, $3  }
0x1ce: {  	v4 =	vld [tilespmem:s4+$0x0];
	_ =	sdelay $0x1  }
0x1cf: {  	v6 =	vmul.f32 v6, v1;
	v8 =	vmul.f32 v5, v1  }
0x1d0: {  	v9 =	vmov s3;
	v7 =	vmul.f32 v7, v1;
	v5 =	vmul.f32 v10, v1  }
0x1d1: {  	[tilespmem:s11+$0xFFFFFFC0] =	vst v6;
	v6 =	vand.u32 $0x7F, v9  }
0x1d2: {  	[tilespmem:s11+$0x30] =	vst v8;
	v6 =	vor.u32 $0x200, v6  }
0x1d3: {  	v0 =	vmul.f32 v0, v1;
	[tilespmem:s11+$0xFFFFFFE0] =	vst v5;
	v5 =	vbroadcast v6, $0x0  }
0x1d4: {  	s3 =	sadd.s32 $0x80, s4;
	[tilespmem:s11+$0x10] =	vst v7;
	v4 =	vmul.f32 v4, v1  }
0x1d5: {  	v2 =	vmul.f32 v2, v1;
	v6 =	vld [tilespmem:s3+$0xFFFFFFF0];
	[tilespmem:s11+$0xFFFFFFF0] =	vst v0  }
0x1d6: {  	v1 =	vmul.f32 v3, v1;
	v0 =	vld [tilespmem:s3+$0x30];
	[tilespmem:s11+$0x0] =	vst v4  }
0x1d7: {  	v3 =	vld [tilespmem:s3+$0x10];
	[tilespmem:s11+$0x20] =	vst v2  }
0x1d8: {  	v2 =	vld [tilespmem:s3+$0xFFFFFFC0];
	[tilespmem:s11+$0xFFFFFFD0] =	vst v1  }
0x1d9: {  	v1 =	vld.idx.msk [tilespmem:v5+s15+$0x0], $0xffff;
	_ =	sdelay $0x2  }
0x1da: {  	v4 =	vld [tilespmem:s3+$0xFFFFFFE0];
	_ =	sdelay $0x1  }
0x1db: {  	v5 =	vld [tilespmem:s3+$0x0];
	v0 =	vmul.f32 v0, v1  }
0x1dc: {  	v7 =	vld [tilespmem:s3+$0x20];
	v2 =	vmul.f32 v2, v1  }
0x1dd: {  	v8 =	vld [tilespmem:s3+$0xFFFFFFD0];
	v3 =	vmul.f32 v3, v1;
	[tilespmem:s3+$0x30] =	vst v0  }
0x1de: {  	v0 =	vmul.f32 v4, v1;
	[tilespmem:s3+$0xFFFFFFC0] =	vst v2  }
0x1df: {  	v2 =	vmul.f32 v6, v1;
	[tilespmem:s3+$0x10] =	vst v3  }
0x1e0: {  	v3 =	vmul.f32 v5, v1;
	[tilespmem:s3+$0xFFFFFFE0] =	vst v0  }
0x1e1: {  	v0 =	vmul.f32 v7, v1;
	[tilespmem:s3+$0xFFFFFFF0] =	vst v2  }
0x1e2: {  	v1 =	vmul.f32 v8, v1;
	[tilespmem:s3+$0x0] =	vst v3  }
0x1e3: {  	[tilespmem:s3+$0x20] =	vst v0  }
0x1e4: {  	s18 =	simm.s32 $0x5000;
	s10 =	simm.s32 $0x9;
	s11 =	simm.s32 $0x8200;
	[tilespmem:s3+$0xFFFFFFD0] =	vst v1  }
0x1e5: {  	[spmem:s2] =	stream.indirect.scatter.add.f32 [tilespmem:s18], [sflag:$0xB], $0x80, s11, s0, $0xb8;
	[tilespmem:$0x1D000] =	vst v63  }
0x1e6: {  	_ =	swait.ge [sflag:s10], $0x1400  }
0x1e7: {  	[sflag:s10] =	ssyncset.done $0x0  }
0x1e8: {  	[sflag:s10] =	ssyncadd.s32 $0xFFFFEC00  }
0x1e9: {  	_ =	swait.ge [sflag:s23], $0x80  }
0x1ea: {  	[sflag:s23] =	ssyncset.done $0x0  }
0x1eb: {  	[sflag:s23] =	ssyncadd.s32 $0xFFFFFF80  }
0x1ec: {  	p0 =	seq.s32 s16, $0x14;
	_ =	swait.ge [sflag:s23], $0x80  }
0x1ed: {  	s3 =	sadd.s32 @!p0 $0x600, s21;
	[sflag:s23] =	ssyncset.done $0x0  }
0x1ee: {  	s4 =	sand.u32 @!p0 $0x1FC00, s3;
	[sflag:s23] =	ssyncadd.s32 $0xFFFFFF80  }
0x1ef: {  	s3 =	sand.u32 @!p0 $0x200, s3;
	s4 =	sadd.s32 @!p0 s9, s4;
	_ =	swait.ge [sflag:s23], $0x80  }
0x1f0: {  	s11 =	simm.s32 $0x2800;
	s3 =	sor.u32 @!p0 s3, s4;
	[sflag:s23] =	ssyncset.done $0x0  }
0x1f1: {  	s18 =	simm.s32 $0x7C00;
	s3 =	sshrl.u32 @!p0 s3, $0x3;
	[sflag:s23] =	ssyncadd.s32 $0xFFFFFF80  }
0x1f2: {  	[tilespmem:s11], [sflag:$0x3] =	stream.indirect.gather [hbm4b:s5+s0], $0x80, s18, s0, $0xb8;
	[tilespmem:$0x1D000] =	vst v63  }
0x1f3: {  	s4 =	sadd.s32 @!p0 s1, s3;
	s11 =	simm.s32 @!p0 $0x0;
	s18 =	simm.s32 @!p0 $0x7800  }
0x1f4: {  	[tilespmem:s18], [sflag:$0xD] =	stream.linear.gather @!p0 [hbm4b:s4+s11], $0x80, $0x38;
	[tilespmem:$0x1D000] =	vst v63  }
0x1f5: {  	s10 =	simm.s32 $0x0;
	s4 =	sadd.s32 @!p0 s6, s3;
	s18 =	simm.s32 @!p0 $0x8000  }
0x1f6: {  	v0 =	vmov s10;
	[tilespmem:s18], [sflag:$0xD] =	stream.linear.gather @!p0 [hbm4b:s4+s11], $0x80, $0x38;
	[tilespmem:$0x1D000] =	vst v63  }
0x1f7: {  	v0 =	vand.u32 $0x7F, v0;
	s3 =	sadd.s32 @!p0 s7, s3;
	s4 =	simm.s32 @!p0 $0x8800  }
0x1f8: {  	v0 =	vor.u32 $0x280, v0;
	[tilespmem:s4], [sflag:$0xD] =	stream.linear.gather @!p0 [hbm4b:s3+s11], $0x80, $0x38;
	[tilespmem:$0x1D000] =	vst v63  }
0x1f9: {  	v0 =	vbroadcast v0, $0x0;
	_ =	swait.ge [sflag:s24], $0x1400  }
0x1fa: {  	[sflag:s24] =	ssyncset.done $0x0  }
0x1fb: {  	s11 =	simm.s32 $0x6440;
	[sflag:s24] =	ssyncadd.s32 $0xFFFFEC00  }
0x1fc: {  	v4 =	vld [tilespmem:s11+$0x30]  }
0x1fd: {  	v7 =	vld [tilespmem:s11+$0x10]  }
0x1fe: {  	v5 =	vld [tilespmem:s11+$0xFFFFFFC0]  }
0x1ff: {  	v1 =	vld.idx.msk [tilespmem:v0+s15+$0x0], $0xffff  }
0x200: {  	v10 =	vld [tilespmem:s11+$0xFFFFFFE0]  }
0x201: {  	v0 =	vld [tilespmem:s11+$0xFFFFFFF0]  }
0x202: {  	v2 =	vld [tilespmem:s11+$0x20]  }
0x203: {  	v3 =	vld [tilespmem:s11+$0xFFFFFFD0]  }
0x204: {  	v8 =	vmul.f32 v4, v1;
	v4 =	vld [tilespmem:s11+$0x0]  }
0x205: {  	s10 =	simm.s32 $0x1;
	v6 =	vmul.f32 v5, v1  }
0x206: {  	v9 =	vmov s10;
	s18 =	simm.s32 $0x2;
	s4 =	simm.s32 $0x6440;
	v5 =	vmul.f32 v10, v1;
	v7 =	vmul.f32 v7, v1  }
.LBB2_13:
0x207: {  	p1 =	sne.s32 s18, $0x27  }
0x208: {  	v9 =	vand.u32 $0x7F, v9;
	v3 =	vmul.f32 v3, v1;
	v2 =	vmul.f32 v2, v1;
	[tilespmem:s11+$0x30] =	vst v8;
	s4 =	sadd.s32 $0x80, s4;
	s3 =	smov.u32 s18;
	s18 =	sadd.s32 $0x1, s18  }
0x209: {  	v8 =	vor.u32 $0x280, v9;
	[tilespmem:s11+$0xFFFFFFC0] =	vst v6;
	v6 =	vmul.f32 v0, v1;
	v1 =	vmul.f32 v4, v1  }
0x20a: {  	v4 =	vbroadcast v8, $0x0;
	[tilespmem:s11+$0x10] =	vst v7  }
0x20b: {  	[tilespmem:s11+$0xFFFFFFE0] =	vst v5  }
0x20c: {  	v0 =	vld [tilespmem:s4+$0xFFFFFFF0];
	[tilespmem:s11+$0xFFFFFFF0] =	vst v6  }
0x20d: {  	v5 =	vld [tilespmem:s4+$0x30];
	[tilespmem:s11+$0x0] =	vst v1  }
0x20e: {  	v7 =	vld [tilespmem:s4+$0x10];
	[tilespmem:s11+$0x20] =	vst v2  }
0x20f: {  	v6 =	vld [tilespmem:s4+$0xFFFFFFC0];
	[tilespmem:s11+$0xFFFFFFD0] =	vst v3;
	s11 =	smov.u32 s4  }
0x210: {  	v1 =	vld.idx.msk [tilespmem:v4+s15+$0x0], $0xffff  }
0x211: {  	v10 =	vld [tilespmem:s4+$0xFFFFFFE0]  }
0x212: {  	v2 =	vld [tilespmem:s4+$0x20]  }
.Ltmp7:
0x213: {  	v3 =	vld [tilespmem:s4+$0xFFFFFFD0];
	(pc) =	sbr.rel @p1 .LBB2_13-.Ltmp7, $3  }
0x214: {  	v4 =	vld [tilespmem:s4+$0x0];
	_ =	sdelay $0x1  }
0x215: {  	v6 =	vmul.f32 v6, v1;
	v8 =	vmul.f32 v5, v1  }
0x216: {  	v9 =	vmov s3;
	v7 =	vmul.f32 v7, v1;
	v5 =	vmul.f32 v10, v1  }
0x217: {  	[tilespmem:s11+$0xFFFFFFC0] =	vst v6;
	v6 =	vand.u32 $0x7F, v9  }
0x218: {  	[tilespmem:s11+$0x30] =	vst v8;
	v6 =	vor.u32 $0x280, v6  }
0x219: {  	v0 =	vmul.f32 v0, v1;
	[tilespmem:s11+$0xFFFFFFE0] =	vst v5;
	v5 =	vbroadcast v6, $0x0  }
0x21a: {  	s3 =	sadd.s32 $0x80, s4;
	[tilespmem:s11+$0x10] =	vst v7;
	v4 =	vmul.f32 v4, v1  }
0x21b: {  	v2 =	vmul.f32 v2, v1;
	v6 =	vld [tilespmem:s3+$0xFFFFFFF0];
	[tilespmem:s11+$0xFFFFFFF0] =	vst v0  }
0x21c: {  	v1 =	vmul.f32 v3, v1;
	v0 =	vld [tilespmem:s3+$0x30];
	[tilespmem:s11+$0x0] =	vst v4  }
0x21d: {  	v3 =	vld [tilespmem:s3+$0x10];
	[tilespmem:s11+$0x20] =	vst v2  }
0x21e: {  	v2 =	vld [tilespmem:s3+$0xFFFFFFC0];
	[tilespmem:s11+$0xFFFFFFD0] =	vst v1  }
0x21f: {  	v1 =	vld.idx.msk [tilespmem:v5+s15+$0x0], $0xffff;
	_ =	sdelay $0x2  }
0x220: {  	v4 =	vld [tilespmem:s3+$0xFFFFFFE0];
	_ =	sdelay $0x1  }
0x221: {  	v5 =	vld [tilespmem:s3+$0x0];
	v0 =	vmul.f32 v0, v1  }
0x222: {  	v7 =	vld [tilespmem:s3+$0x20];
	v2 =	vmul.f32 v2, v1  }
0x223: {  	v8 =	vld [tilespmem:s3+$0xFFFFFFD0];
	v3 =	vmul.f32 v3, v1;
	[tilespmem:s3+$0x30] =	vst v0  }
0x224: {  	v0 =	vmul.f32 v4, v1;
	[tilespmem:s3+$0xFFFFFFC0] =	vst v2  }
0x225: {  	v2 =	vmul.f32 v6, v1;
	[tilespmem:s3+$0x10] =	vst v3  }
0x226: {  	v3 =	vmul.f32 v5, v1;
	[tilespmem:s3+$0xFFFFFFE0] =	vst v0  }
0x227: {  	v0 =	vmul.f32 v7, v1;
	[tilespmem:s3+$0xFFFFFFF0] =	vst v2  }
0x228: {  	v1 =	vmul.f32 v8, v1;
	[tilespmem:s3+$0x0] =	vst v3  }
0x229: {  	[tilespmem:s3+$0x20] =	vst v0  }
0x22a: {  	s18 =	simm.s32 $0x6400;
	s10 =	simm.s32 $0xA;
	s11 =	simm.s32 $0x8280;
	[tilespmem:s3+$0xFFFFFFD0] =	vst v1  }
0x22b: {  	[spmem:s2] =	stream.indirect.scatter.add.f32 [tilespmem:s18], [sflag:$0xC], $0x80, s11, s0, $0xb8;
	[tilespmem:$0x1D000] =	vst v63  }
0x22c: {  	_ =	swait.ge [sflag:s10], $0x1400  }
0x22d: {  	[sflag:s10] =	ssyncset.done $0x0  }
0x22e: {  	[sflag:s10] =	ssyncadd.s32 $0xFFFFEC00  }
0x22f: {  	_ =	swait.ge [sflag:s29], $0x80  }
0x230: {  	[sflag:s29] =	ssyncset.done $0x0  }
0x231: {  	[sflag:s29] =	ssyncadd.s32 $0xFFFFFF80  }
0x232: {  	_ =	swait.ge [sflag:s29], $0x80  }
0x233: {  	s3 =	sadd.s32 @!p0 $0x680, s21;
	[sflag:s29] =	ssyncset.done $0x0  }
0x234: {  	s4 =	sand.u32 @!p0 $0x1FC00, s3;
	[sflag:s29] =	ssyncadd.s32 $0xFFFFFF80  }
0x235: {  	s3 =	sand.u32 @!p0 $0x280, s3;
	s4 =	sadd.s32 @!p0 s9, s4;
	_ =	swait.ge [sflag:s29], $0x80  }
0x236: {  	s11 =	simm.s32 $0x3C00;
	s3 =	sor.u32 @!p0 s3, s4;
	[sflag:s29] =	ssyncset.done $0x0  }
0x237: {  	s18 =	simm.s32 $0x7C80;
	s3 =	sshrl.u32 @!p0 s3, $0x3;
	[sflag:s29] =	ssyncadd.s32 $0xFFFFFF80  }
0x238: {  	[tilespmem:s11], [sflag:$0x4] =	stream.indirect.gather [hbm4b:s5+s0], $0x80, s18, s0, $0xb8;
	[tilespmem:$0x1D000] =	vst v63  }
0x239: {  	s10 =	simm.s32 @!p0 $0x0;
	s4 =	sadd.s32 @!p0 s1, s3;
	s11 =	simm.s32 @!p0 $0x7880  }
0x23a: {  	[tilespmem:s11], [sflag:$0xE] =	stream.linear.gather @!p0 [hbm4b:s4+s10], $0x80, $0x38;
	[tilespmem:$0x1D000] =	vst v63  }
0x23b: {  	s18 =	simm.s32 $0x0;
	s4 =	sadd.s32 @!p0 s6, s3;
	s11 =	simm.s32 @!p0 $0x8080  }
0x23c: {  	[tilespmem:s11], [sflag:$0xE] =	stream.linear.gather @!p0 [hbm4b:s4+s10], $0x80, $0x38;
	[tilespmem:$0x1D000] =	vst v63  }
0x23d: {  	v0 =	vmov s18;
	s3 =	sadd.s32 @!p0 s7, s3;
	s4 =	simm.s32 @!p0 $0x8880  }
0x23e: {  	v0 =	vand.u32 $0x7F, v0;
	[tilespmem:s4], [sflag:$0xE] =	stream.linear.gather @!p0 [hbm4b:s3+s10], $0x80, $0x38;
	[tilespmem:$0x1D000] =	vst v63  }
0x23f: {  	v0 =	vor.u32 $0x300, v0;
	s4 =	simm.s32 $0x1  }
0x240: {  	v0 =	vbroadcast v0, $0x0;
	_ =	swait.ge [sflag:s4], $0x1400  }
0x241: {  	[sflag:s4] =	ssyncset.done $0x0  }
0x242: {  	s11 =	simm.s32 $0x40;
	[sflag:s4] =	ssyncadd.s32 $0xFFFFEC00  }
0x243: {  	v4 =	vld [tilespmem:s11+$0x30]  }
0x244: {  	v7 =	vld [tilespmem:s11+$0x10]  }
0x245: {  	v5 =	vld [tilespmem:s11+$0xFFFFFFC0]  }
0x246: {  	v1 =	vld.idx.msk [tilespmem:v0+s15+$0x0], $0xffff  }
0x247: {  	v10 =	vld [tilespmem:s11+$0xFFFFFFE0]  }
0x248: {  	v0 =	vld [tilespmem:s11+$0xFFFFFFF0]  }
0x249: {  	v2 =	vld [tilespmem:s11+$0x20]  }
0x24a: {  	v3 =	vld [tilespmem:s11+$0xFFFFFFD0]  }
0x24b: {  	v8 =	vmul.f32 v4, v1;
	v4 =	vld [tilespmem:s11+$0x0]  }
0x24c: {  	s10 =	simm.s32 $0x1;
	v6 =	vmul.f32 v5, v1  }
0x24d: {  	s18 =	simm.s32 $0x2;
	v9 =	vmov s10;
	s4 =	simm.s32 $0x40;
	v5 =	vmul.f32 v10, v1;
	v7 =	vmul.f32 v7, v1  }
.LBB2_15:
0x24e: {  	p1 =	sne.s32 s18, $0x27  }
0x24f: {  	v9 =	vand.u32 $0x7F, v9;
	v3 =	vmul.f32 v3, v1;
	v2 =	vmul.f32 v2, v1;
	[tilespmem:s11+$0x30] =	vst v8;
	s4 =	sadd.s32 $0x80, s4;
	s3 =	smov.u32 s18;
	s18 =	sadd.s32 $0x1, s18  }
0x250: {  	v8 =	vor.u32 $0x300, v9;
	[tilespmem:s11+$0xFFFFFFC0] =	vst v6;
	v6 =	vmul.f32 v0, v1;
	v1 =	vmul.f32 v4, v1  }
0x251: {  	v4 =	vbroadcast v8, $0x0;
	[tilespmem:s11+$0x10] =	vst v7  }
0x252: {  	[tilespmem:s11+$0xFFFFFFE0] =	vst v5  }
0x253: {  	v0 =	vld [tilespmem:s4+$0xFFFFFFF0];
	[tilespmem:s11+$0xFFFFFFF0] =	vst v6  }
0x254: {  	v5 =	vld [tilespmem:s4+$0x30];
	[tilespmem:s11+$0x0] =	vst v1  }
0x255: {  	v7 =	vld [tilespmem:s4+$0x10];
	[tilespmem:s11+$0x20] =	vst v2  }
0x256: {  	v6 =	vld [tilespmem:s4+$0xFFFFFFC0];
	[tilespmem:s11+$0xFFFFFFD0] =	vst v3;
	s11 =	smov.u32 s4  }
0x257: {  	v1 =	vld.idx.msk [tilespmem:v4+s15+$0x0], $0xffff  }
0x258: {  	v10 =	vld [tilespmem:s4+$0xFFFFFFE0]  }
0x259: {  	v2 =	vld [tilespmem:s4+$0x20]  }
.Ltmp8:
0x25a: {  	v3 =	vld [tilespmem:s4+$0xFFFFFFD0];
	(pc) =	sbr.rel @p1 .LBB2_15-.Ltmp8, $3  }
0x25b: {  	v4 =	vld [tilespmem:s4+$0x0];
	_ =	sdelay $0x1  }
0x25c: {  	v6 =	vmul.f32 v6, v1;
	v8 =	vmul.f32 v5, v1  }
0x25d: {  	v9 =	vmov s3;
	v7 =	vmul.f32 v7, v1;
	v5 =	vmul.f32 v10, v1  }
0x25e: {  	[tilespmem:s11+$0xFFFFFFC0] =	vst v6;
	v6 =	vand.u32 $0x7F, v9  }
0x25f: {  	[tilespmem:s11+$0x30] =	vst v8;
	v6 =	vor.u32 $0x300, v6  }
0x260: {  	v0 =	vmul.f32 v0, v1;
	[tilespmem:s11+$0xFFFFFFE0] =	vst v5;
	v5 =	vbroadcast v6, $0x0  }
0x261: {  	s3 =	sadd.s32 $0x80, s4;
	[tilespmem:s11+$0x10] =	vst v7;
	v4 =	vmul.f32 v4, v1  }
0x262: {  	v2 =	vmul.f32 v2, v1;
	v6 =	vld [tilespmem:s3+$0xFFFFFFF0];
	[tilespmem:s11+$0xFFFFFFF0] =	vst v0  }
0x263: {  	v1 =	vmul.f32 v3, v1;
	v0 =	vld [tilespmem:s3+$0x30];
	[tilespmem:s11+$0x0] =	vst v4  }
0x264: {  	v3 =	vld [tilespmem:s3+$0x10];
	[tilespmem:s11+$0x20] =	vst v2  }
0x265: {  	v2 =	vld [tilespmem:s3+$0xFFFFFFC0];
	[tilespmem:s11+$0xFFFFFFD0] =	vst v1  }
0x266: {  	v1 =	vld.idx.msk [tilespmem:v5+s15+$0x0], $0xffff;
	_ =	sdelay $0x2  }
0x267: {  	v4 =	vld [tilespmem:s3+$0xFFFFFFE0];
	_ =	sdelay $0x1  }
0x268: {  	v5 =	vld [tilespmem:s3+$0x0];
	v0 =	vmul.f32 v0, v1  }
0x269: {  	v7 =	vld [tilespmem:s3+$0x20];
	v2 =	vmul.f32 v2, v1  }
0x26a: {  	v8 =	vld [tilespmem:s3+$0xFFFFFFD0];
	v3 =	vmul.f32 v3, v1;
	[tilespmem:s3+$0x30] =	vst v0  }
0x26b: {  	v0 =	vmul.f32 v4, v1;
	[tilespmem:s3+$0xFFFFFFC0] =	vst v2  }
0x26c: {  	v2 =	vmul.f32 v6, v1;
	[tilespmem:s3+$0x10] =	vst v3  }
0x26d: {  	v3 =	vmul.f32 v5, v1;
	[tilespmem:s3+$0xFFFFFFE0] =	vst v0  }
0x26e: {  	v0 =	vmul.f32 v7, v1;
	[tilespmem:s3+$0xFFFFFFF0] =	vst v2  }
0x26f: {  	v1 =	vmul.f32 v8, v1;
	[tilespmem:s3+$0x0] =	vst v3  }
0x270: {  	[tilespmem:s3+$0x20] =	vst v0  }
0x271: {  	s4 =	simm.s32 $0x8300;
	s10 =	simm.s32 $0xB;
	[tilespmem:s3+$0xFFFFFFD0] =	vst v1  }
0x272: {  	[spmem:s2] =	stream.indirect.scatter.add.f32 [tilespmem:s30], [sflag:$0x7], $0x80, s4, s0, $0xb8;
	[tilespmem:$0x1D000] =	vst v63  }
0x273: {  	_ =	swait.ge [sflag:s10], $0x1400  }
0x274: {  	[sflag:s10] =	ssyncset.done $0x0  }
0x275: {  	[sflag:s10] =	ssyncadd.s32 $0xFFFFEC00  }
0x276: {  	_ =	swait.ge [sflag:s8], $0x80  }
0x277: {  	[sflag:s8] =	ssyncset.done $0x0  }
0x278: {  	[sflag:s8] =	ssyncadd.s32 $0xFFFFFF80  }
0x279: {  	_ =	swait.ge [sflag:s8], $0x80  }
0x27a: {  	[sflag:s8] =	ssyncset.done $0x0  }
0x27b: {  	s18 =	simm.s32 $0x7D00;
	[sflag:s8] =	ssyncadd.s32 $0xFFFFFF80  }
0x27c: {  	s11 =	simm.s32 $0x5000;
	s3 =	sadd.s32 @!p0 $0x700, s21;
	_ =	swait.ge [sflag:s8], $0x80  }
0x27d: {  	s4 =	simm.s32 @p0 $0x7;
	s10 =	sand.u32 @!p0 $0x1FC00, s3;
	[sflag:s8] =	ssyncset.done $0x0  }
0x27e: {  	s3 =	sand.u32 @!p0 $0x300, s3;
	s10 =	sadd.s32 @!p0 s9, s10;
	[sflag:s8] =	ssyncadd.s32 $0xFFFFFF80  }
0x27f: {  	[tilespmem:s11], [sflag:$0x5] =	stream.indirect.gather [hbm4b:s5+s0], $0x80, s18, s0, $0xb8;
	[tilespmem:$0x1D000] =	vst v63  }
0x280: {  	s3 =	sor.u32 @!p0 s3, s10;
	_ =	swait.ge @p0 [sflag:s4], $0x1400  }
0x281: {  	s10 =	simm.s32 @!p0 $0x0;
	s3 =	sshrl.u32 @!p0 s3, $0x3;
	[sflag:s4] =	ssyncset.done @p0 $0x0  }
0x282: {  	s11 =	simm.s32 @!p0 $0x7900;
	[sflag:s4] =	ssyncadd.s32 @p0 $0xFFFFEC00;
	s4 =	sadd.s32 @!p0 s1, s3  }
0x283: {  	[tilespmem:s11], [sflag:$0xF] =	stream.linear.gather @!p0 [hbm4b:s4+s10], $0x80, $0x38;
	[tilespmem:$0x1D000] =	vst v63  }
0x284: {  	s18 =	simm.s32 $0x0;
	s4 =	sadd.s32 @!p0 s6, s3;
	s11 =	simm.s32 @!p0 $0x8100  }
0x285: {  	v0 =	vmov s18;
	[tilespmem:s11], [sflag:$0xF] =	stream.linear.gather @!p0 [hbm4b:s4+s10], $0x80, $0x38;
	[tilespmem:$0x1D000] =	vst v63  }
0x286: {  	v0 =	vand.u32 $0x7F, v0;
	s3 =	sadd.s32 @!p0 s7, s3;
	s4 =	simm.s32 @!p0 $0x8900  }
0x287: {  	v0 =	vor.u32 $0x380, v0;
	[tilespmem:s4], [sflag:$0xF] =	stream.linear.gather @!p0 [hbm4b:s3+s10], $0x80, $0x38;
	[tilespmem:$0x1D000] =	vst v63  }
0x288: {  	v0 =	vbroadcast v0, $0x0;
	_ =	swait.ge [sflag:s14], $0x1400  }
0x289: {  	[sflag:s14] =	ssyncset.done $0x0  }
0x28a: {  	s11 =	simm.s32 $0x1440;
	[sflag:s14] =	ssyncadd.s32 $0xFFFFEC00  }
0x28b: {  	v4 =	vld [tilespmem:s11+$0x30]  }
0x28c: {  	v7 =	vld [tilespmem:s11+$0x10]  }
0x28d: {  	v5 =	vld [tilespmem:s11+$0xFFFFFFC0]  }
0x28e: {  	v1 =	vld.idx.msk [tilespmem:v0+s15+$0x0], $0xffff  }
0x28f: {  	v10 =	vld [tilespmem:s11+$0xFFFFFFE0]  }
0x290: {  	v0 =	vld [tilespmem:s11+$0xFFFFFFF0]  }
0x291: {  	v2 =	vld [tilespmem:s11+$0x20]  }
0x292: {  	v3 =	vld [tilespmem:s11+$0xFFFFFFD0]  }
0x293: {  	v8 =	vmul.f32 v4, v1;
	v4 =	vld [tilespmem:s11+$0x0]  }
0x294: {  	s30 =	simm.s32 $0x1;
	v6 =	vmul.f32 v5, v1  }
0x295: {  	v9 =	vmov s30;
	s18 =	simm.s32 $0x2;
	s4 =	simm.s32 $0x1440;
	v5 =	vmul.f32 v10, v1;
	v7 =	vmul.f32 v7, v1  }
.LBB2_17:
0x296: {  	p1 =	sne.s32 s18, $0x27  }
0x297: {  	v9 =	vand.u32 $0x7F, v9;
	v3 =	vmul.f32 v3, v1;
	v2 =	vmul.f32 v2, v1;
	[tilespmem:s11+$0x30] =	vst v8;
	s4 =	sadd.s32 $0x80, s4;
	s3 =	smov.u32 s18;
	s18 =	sadd.s32 $0x1, s18  }
0x298: {  	v8 =	vor.u32 $0x380, v9;
	[tilespmem:s11+$0xFFFFFFC0] =	vst v6;
	v6 =	vmul.f32 v0, v1;
	v1 =	vmul.f32 v4, v1  }
0x299: {  	v4 =	vbroadcast v8, $0x0;
	[tilespmem:s11+$0x10] =	vst v7  }
0x29a: {  	[tilespmem:s11+$0xFFFFFFE0] =	vst v5  }
0x29b: {  	v0 =	vld [tilespmem:s4+$0xFFFFFFF0];
	[tilespmem:s11+$0xFFFFFFF0] =	vst v6  }
0x29c: {  	v5 =	vld [tilespmem:s4+$0x30];
	[tilespmem:s11+$0x0] =	vst v1  }
0x29d: {  	v7 =	vld [tilespmem:s4+$0x10];
	[tilespmem:s11+$0x20] =	vst v2  }
0x29e: {  	v6 =	vld [tilespmem:s4+$0xFFFFFFC0];
	[tilespmem:s11+$0xFFFFFFD0] =	vst v3;
	s11 =	smov.u32 s4  }
0x29f: {  	v1 =	vld.idx.msk [tilespmem:v4+s15+$0x0], $0xffff  }
0x2a0: {  	v10 =	vld [tilespmem:s4+$0xFFFFFFE0]  }
0x2a1: {  	v2 =	vld [tilespmem:s4+$0x20]  }
.Ltmp9:
0x2a2: {  	v3 =	vld [tilespmem:s4+$0xFFFFFFD0];
	(pc) =	sbr.rel @p1 .LBB2_17-.Ltmp9, $3  }
0x2a3: {  	v4 =	vld [tilespmem:s4+$0x0];
	_ =	sdelay $0x1  }
0x2a4: {  	v6 =	vmul.f32 v6, v1;
	v8 =	vmul.f32 v5, v1  }
0x2a5: {  	v9 =	vmov s3;
	v7 =	vmul.f32 v7, v1;
	v5 =	vmul.f32 v10, v1  }
0x2a6: {  	[tilespmem:s11+$0xFFFFFFC0] =	vst v6;
	v6 =	vand.u32 $0x7F, v9  }
0x2a7: {  	[tilespmem:s11+$0x30] =	vst v8;
	v6 =	vor.u32 $0x380, v6  }
0x2a8: {  	v0 =	vmul.f32 v0, v1;
	[tilespmem:s11+$0xFFFFFFE0] =	vst v5;
	v5 =	vbroadcast v6, $0x0  }
0x2a9: {  	s3 =	sadd.s32 $0x80, s4;
	[tilespmem:s11+$0x10] =	vst v7;
	v4 =	vmul.f32 v4, v1  }
0x2aa: {  	v2 =	vmul.f32 v2, v1;
	v6 =	vld [tilespmem:s3+$0xFFFFFFF0];
	[tilespmem:s11+$0xFFFFFFF0] =	vst v0  }
0x2ab: {  	v1 =	vmul.f32 v3, v1;
	v0 =	vld [tilespmem:s3+$0x30];
	[tilespmem:s11+$0x0] =	vst v4  }
0x2ac: {  	v3 =	vld [tilespmem:s3+$0x10];
	[tilespmem:s11+$0x20] =	vst v2  }
0x2ad: {  	v2 =	vld [tilespmem:s3+$0xFFFFFFC0];
	[tilespmem:s11+$0xFFFFFFD0] =	vst v1  }
0x2ae: {  	v1 =	vld.idx.msk [tilespmem:v5+s15+$0x0], $0xffff;
	_ =	sdelay $0x2  }
0x2af: {  	v4 =	vld [tilespmem:s3+$0xFFFFFFE0];
	_ =	sdelay $0x1  }
0x2b0: {  	v5 =	vld [tilespmem:s3+$0x0];
	v0 =	vmul.f32 v0, v1  }
0x2b1: {  	v7 =	vld [tilespmem:s3+$0x20];
	v2 =	vmul.f32 v2, v1  }
0x2b2: {  	v8 =	vld [tilespmem:s3+$0xFFFFFFD0];
	v3 =	vmul.f32 v3, v1;
	[tilespmem:s3+$0x30] =	vst v0  }
0x2b3: {  	v0 =	vmul.f32 v4, v1;
	[tilespmem:s3+$0xFFFFFFC0] =	vst v2  }
0x2b4: {  	v2 =	vmul.f32 v6, v1;
	[tilespmem:s3+$0x10] =	vst v3  }
0x2b5: {  	v3 =	vmul.f32 v5, v1;
	[tilespmem:s3+$0xFFFFFFE0] =	vst v0  }
0x2b6: {  	v0 =	vmul.f32 v7, v1;
	[tilespmem:s3+$0xFFFFFFF0] =	vst v2  }
0x2b7: {  	v1 =	vmul.f32 v8, v1;
	[tilespmem:s3+$0x0] =	vst v3  }
0x2b8: {  	[tilespmem:s3+$0x20] =	vst v0  }
0x2b9: {  	s30 =	simm.s32 $0x8380;
	s4 =	simm.s32 $0x1400;
	s10 =	simm.s32 $0xC;
	[tilespmem:s3+$0xFFFFFFD0] =	vst v1  }
0x2ba: {  	[spmem:s2] =	stream.indirect.scatter.add.f32 [tilespmem:s4], [sflag:$0x8], $0x80, s30, s0, $0xb8;
	[tilespmem:$0x1D000] =	vst v63  }
0x2bb: {  	_ =	swait.ge [sflag:s10], $0x1400  }
0x2bc: {  	[sflag:s10] =	ssyncset.done $0x0  }
0x2bd: {  	[sflag:s10] =	ssyncadd.s32 $0xFFFFEC00  }
0x2be: {  	_ =	swait.ge [sflag:s26], $0x80  }
0x2bf: {  	[sflag:s26] =	ssyncset.done $0x0  }
0x2c0: {  	[sflag:s26] =	ssyncadd.s32 $0xFFFFFF80  }
0x2c1: {  	_ =	swait.ge [sflag:s26], $0x80  }
0x2c2: {  	[sflag:s26] =	ssyncset.done $0x0  }
0x2c3: {  	s18 =	simm.s32 $0x7D80;
	[sflag:s26] =	ssyncadd.s32 $0xFFFFFF80  }
0x2c4: {  	s11 =	simm.s32 $0x6400;
	s3 =	sadd.s32 @!p0 $0x780, s21;
	_ =	swait.ge [sflag:s26], $0x80  }
0x2c5: {  	s4 =	simm.s32 @p0 $0x8;
	s10 =	sand.u32 @!p0 $0x1FC00, s3;
	[sflag:s26] =	ssyncset.done $0x0  }
0x2c6: {  	s3 =	sand.u32 @!p0 $0x380, s3;
	s10 =	sadd.s32 @!p0 s9, s10;
	[sflag:s26] =	ssyncadd.s32 $0xFFFFFF80  }
0x2c7: {  	[tilespmem:s11], [sflag:$0x6] =	stream.indirect.gather [hbm4b:s5+s0], $0x80, s18, s0, $0xb8;
	[tilespmem:$0x1D000] =	vst v63  }
0x2c8: {  	s3 =	sor.u32 @!p0 s3, s10;
	_ =	swait.ge @p0 [sflag:s4], $0x1400  }
0x2c9: {  	s10 =	simm.s32 @!p0 $0x0;
	s3 =	sshrl.u32 @!p0 s3, $0x3;
	[sflag:s4] =	ssyncset.done @p0 $0x0  }
0x2ca: {  	s11 =	simm.s32 @!p0 $0x7980;
	[sflag:s4] =	ssyncadd.s32 @p0 $0xFFFFEC00;
	s4 =	sadd.s32 @!p0 s1, s3  }
0x2cb: {  	[tilespmem:s11], [sflag:$0x10] =	stream.linear.gather @!p0 [hbm4b:s4+s10], $0x80, $0x38;
	[tilespmem:$0x1D000] =	vst v63  }
0x2cc: {  	s18 =	simm.s32 $0x0;
	s4 =	sadd.s32 @!p0 s6, s3;
	s11 =	simm.s32 @!p0 $0x8180  }
0x2cd: {  	v0 =	vmov s18;
	[tilespmem:s11], [sflag:$0x10] =	stream.linear.gather @!p0 [hbm4b:s4+s10], $0x80, $0x38;
	[tilespmem:$0x1D000] =	vst v63  }
0x2ce: {  	v0 =	vand.u32 $0x7F, v0;
	s3 =	sadd.s32 @!p0 s7, s3;
	s4 =	simm.s32 @!p0 $0x8980  }
0x2cf: {  	v0 =	vor.u32 $0x400, v0;
	[tilespmem:s4], [sflag:$0x10] =	stream.linear.gather @!p0 [hbm4b:s3+s10], $0x80, $0x38;
	[tilespmem:$0x1D000] =	vst v63  }
0x2d0: {  	v0 =	vbroadcast v0, $0x0;
	_ =	swait.ge [sflag:s20], $0x1400  }
0x2d1: {  	[sflag:s20] =	ssyncset.done $0x0  }
0x2d2: {  	s11 =	simm.s32 $0x2840;
	[sflag:s20] =	ssyncadd.s32 $0xFFFFEC00  }
0x2d3: {  	v4 =	vld [tilespmem:s11+$0x30]  }
0x2d4: {  	v7 =	vld [tilespmem:s11+$0x10]  }
0x2d5: {  	v5 =	vld [tilespmem:s11+$0xFFFFFFC0]  }
0x2d6: {  	v1 =	vld.idx.msk [tilespmem:v0+s15+$0x0], $0xffff  }
0x2d7: {  	v10 =	vld [tilespmem:s11+$0xFFFFFFE0]  }
0x2d8: {  	v0 =	vld [tilespmem:s11+$0xFFFFFFF0]  }
0x2d9: {  	v2 =	vld [tilespmem:s11+$0x20]  }
0x2da: {  	v3 =	vld [tilespmem:s11+$0xFFFFFFD0]  }
0x2db: {  	v8 =	vmul.f32 v4, v1;
	v4 =	vld [tilespmem:s11+$0x0]  }
0x2dc: {  	s10 =	simm.s32 $0x1;
	v6 =	vmul.f32 v5, v1  }
0x2dd: {  	s18 =	simm.s32 $0x2;
	s4 =	simm.s32 $0x2840;
	v9 =	vmov s10;
	v5 =	vmul.f32 v10, v1;
	v7 =	vmul.f32 v7, v1  }
.LBB2_19:
0x2de: {  	p1 =	sne.s32 s18, $0x27  }
0x2df: {  	v9 =	vand.u32 $0x7F, v9;
	v3 =	vmul.f32 v3, v1;
	v2 =	vmul.f32 v2, v1;
	[tilespmem:s11+$0x30] =	vst v8;
	s4 =	sadd.s32 $0x80, s4;
	s3 =	smov.u32 s18;
	s18 =	sadd.s32 $0x1, s18  }
0x2e0: {  	v8 =	vor.u32 $0x400, v9;
	[tilespmem:s11+$0xFFFFFFC0] =	vst v6;
	v6 =	vmul.f32 v0, v1;
	v1 =	vmul.f32 v4, v1  }
0x2e1: {  	v4 =	vbroadcast v8, $0x0;
	[tilespmem:s11+$0x10] =	vst v7  }
0x2e2: {  	[tilespmem:s11+$0xFFFFFFE0] =	vst v5  }
0x2e3: {  	v0 =	vld [tilespmem:s4+$0xFFFFFFF0];
	[tilespmem:s11+$0xFFFFFFF0] =	vst v6  }
0x2e4: {  	v5 =	vld [tilespmem:s4+$0x30];
	[tilespmem:s11+$0x0] =	vst v1  }
0x2e5: {  	v7 =	vld [tilespmem:s4+$0x10];
	[tilespmem:s11+$0x20] =	vst v2  }
0x2e6: {  	v6 =	vld [tilespmem:s4+$0xFFFFFFC0];
	[tilespmem:s11+$0xFFFFFFD0] =	vst v3;
	s11 =	smov.u32 s4  }
0x2e7: {  	v1 =	vld.idx.msk [tilespmem:v4+s15+$0x0], $0xffff  }
0x2e8: {  	v10 =	vld [tilespmem:s4+$0xFFFFFFE0]  }
0x2e9: {  	v2 =	vld [tilespmem:s4+$0x20]  }
.Ltmp10:
0x2ea: {  	v3 =	vld [tilespmem:s4+$0xFFFFFFD0];
	(pc) =	sbr.rel @p1 .LBB2_19-.Ltmp10, $3  }
0x2eb: {  	v4 =	vld [tilespmem:s4+$0x0];
	_ =	sdelay $0x1  }
0x2ec: {  	v6 =	vmul.f32 v6, v1;
	v8 =	vmul.f32 v5, v1  }
0x2ed: {  	v9 =	vmov s3;
	v7 =	vmul.f32 v7, v1;
	v5 =	vmul.f32 v10, v1  }
0x2ee: {  	[tilespmem:s11+$0xFFFFFFC0] =	vst v6;
	v6 =	vand.u32 $0x7F, v9  }
0x2ef: {  	[tilespmem:s11+$0x30] =	vst v8;
	v6 =	vor.u32 $0x400, v6  }
0x2f0: {  	v0 =	vmul.f32 v0, v1;
	[tilespmem:s11+$0xFFFFFFE0] =	vst v5;
	v5 =	vbroadcast v6, $0x0  }
0x2f1: {  	s3 =	sadd.s32 $0x80, s4;
	[tilespmem:s11+$0x10] =	vst v7;
	v4 =	vmul.f32 v4, v1  }
0x2f2: {  	v2 =	vmul.f32 v2, v1;
	v6 =	vld [tilespmem:s3+$0xFFFFFFF0];
	[tilespmem:s11+$0xFFFFFFF0] =	vst v0  }
0x2f3: {  	v1 =	vmul.f32 v3, v1;
	v0 =	vld [tilespmem:s3+$0x30];
	[tilespmem:s11+$0x0] =	vst v4  }
0x2f4: {  	v3 =	vld [tilespmem:s3+$0x10];
	[tilespmem:s11+$0x20] =	vst v2  }
0x2f5: {  	v2 =	vld [tilespmem:s3+$0xFFFFFFC0];
	[tilespmem:s11+$0xFFFFFFD0] =	vst v1  }
0x2f6: {  	v1 =	vld.idx.msk [tilespmem:v5+s15+$0x0], $0xffff;
	_ =	sdelay $0x2  }
0x2f7: {  	v4 =	vld [tilespmem:s3+$0xFFFFFFE0];
	_ =	sdelay $0x1  }
0x2f8: {  	v5 =	vld [tilespmem:s3+$0x0];
	v0 =	vmul.f32 v0, v1  }
0x2f9: {  	v7 =	vld [tilespmem:s3+$0x20];
	v2 =	vmul.f32 v2, v1  }
0x2fa: {  	v8 =	vld [tilespmem:s3+$0xFFFFFFD0];
	v3 =	vmul.f32 v3, v1;
	[tilespmem:s3+$0x30] =	vst v0  }
0x2fb: {  	v0 =	vmul.f32 v4, v1;
	[tilespmem:s3+$0xFFFFFFC0] =	vst v2  }
0x2fc: {  	v2 =	vmul.f32 v6, v1;
	[tilespmem:s3+$0x10] =	vst v3  }
0x2fd: {  	v3 =	vmul.f32 v5, v1;
	[tilespmem:s3+$0xFFFFFFE0] =	vst v0  }
0x2fe: {  	v0 =	vmul.f32 v7, v1;
	[tilespmem:s3+$0xFFFFFFF0] =	vst v2  }
0x2ff: {  	v1 =	vmul.f32 v8, v1;
	[tilespmem:s3+$0x0] =	vst v3  }
0x300: {  	[tilespmem:s3+$0x20] =	vst v0  }
0x301: {  	s10 =	simm.s32 $0x2800;
	s11 =	simm.s32 $0x8400;
	[tilespmem:s3+$0xFFFFFFD0] =	vst v1;
	s3 =	simm.s32 @p0 $0x9  }
0x302: {  	[spmem:s2] =	stream.indirect.scatter.add.f32 [tilespmem:s10], [sflag:$0x9], $0x80, s11, s0, $0xb8;
	[tilespmem:$0x1D000] =	vst v63  }
0x303: {  	_ =	swait.ge @p0 [sflag:s3], $0x1400  }
0x304: {  	[sflag:s3] =	ssyncset.done @p0 $0x0  }
0x305: {  	[sflag:s3] =	ssyncadd.s32 @p0 $0xFFFFEC00;
	s3 =	simm.s32 @!p0 $0x7  }
0x306: {  	_ =	swait.ge @!p0 [sflag:s3], $0x1400  }
0x307: {  	[sflag:s3] =	ssyncset.done @!p0 $0x0  }
0x308: {  	[sflag:s3] =	ssyncadd.s32 @!p0 $0xFFFFEC00;
	s3 =	simm.s32 @!p0 $0xD  }
0x309: {  	_ =	swait.ge @!p0 [sflag:s3], $0x80  }
0x30a: {  	[sflag:s3] =	ssyncset.done @!p0 $0x0  }
0x30b: {  	[sflag:s3] =	ssyncadd.s32 @!p0 $0xFFFFFF80  }
0x30c: {  	_ =	swait.ge @!p0 [sflag:s3], $0x80  }
0x30d: {  	[sflag:s3] =	ssyncset.done @!p0 $0x0  }
0x30e: {  	[sflag:s3] =	ssyncadd.s32 @!p0 $0xFFFFFF80  }
0x30f: {  	_ =	swait.ge @!p0 [sflag:s3], $0x80  }
0x310: {  	s4 =	simm.s32 @!p0 $0x7800;
	[sflag:s3] =	ssyncset.done @!p0 $0x0  }
0x311: {  	s10 =	simm.s32 @!p0 $0x0;
	[sflag:s3] =	ssyncadd.s32 @!p0 $0xFFFFFF80;
	s3 =	simm.s32 @!p0 $0x28  }
0x312: {  	[tilespmem:s10], [sflag:$0x1] =	stream.indirect.gather @!p0 [hbm4b:s5+s3], $0x80, s4, s3, $0xb8;
	[tilespmem:$0x1D000] =	vst v63  }
0x313: {  	s3 =	sadd.s32 @!p0 $0x800, s21  }
0x314: {  	s3 =	sand.u32 @!p0 $0x1FC00, s3  }
0x315: {  	s3 =	sadd.s32 @!p0 s9, s3  }
0x316: {  	s3 =	sor.u32 @!p0 s12, s3  }
0x317: {  	s3 =	sshrl.u32 @!p0 s3, $0x3  }
0x318: {  	s11 =	simm.s32 @!p0 $0x7A00;
	s4 =	sadd.s32 @!p0 s1, s3  }
0x319: {  	[tilespmem:s11], [sflag:$0x11] =	stream.linear.gather @!p0 [hbm4b:s4+s10], $0x80, $0x38;
	[tilespmem:$0x1D000] =	vst v63  }
0x31a: {  	s18 =	simm.s32 $0x0;
	s4 =	sadd.s32 @!p0 s6, s3;
	s11 =	simm.s32 @!p0 $0x8200  }
0x31b: {  	v0 =	vmov s18;
	[tilespmem:s11], [sflag:$0x11] =	stream.linear.gather @!p0 [hbm4b:s4+s10], $0x80, $0x38;
	[tilespmem:$0x1D000] =	vst v63  }
0x31c: {  	v0 =	vand.u32 $0x7F, v0;
	s3 =	sadd.s32 @!p0 s7, s3;
	s4 =	simm.s32 @!p0 $0x8A00  }
0x31d: {  	v0 =	vor.u32 $0x480, v0;
	[tilespmem:s4], [sflag:$0x11] =	stream.linear.gather @!p0 [hbm4b:s3+s10], $0x80, $0x38;
	[tilespmem:$0x1D000] =	vst v63  }
0x31e: {  	v0 =	vbroadcast v0, $0x0;
	_ =	swait.ge [sflag:s25], $0x1400  }
0x31f: {  	[sflag:s25] =	ssyncset.done $0x0  }
0x320: {  	s11 =	simm.s32 $0x3C40;
	[sflag:s25] =	ssyncadd.s32 $0xFFFFEC00  }
0x321: {  	v4 =	vld [tilespmem:s11+$0x30]  }
0x322: {  	v7 =	vld [tilespmem:s11+$0x10]  }
0x323: {  	v5 =	vld [tilespmem:s11+$0xFFFFFFC0]  }
0x324: {  	v1 =	vld.idx.msk [tilespmem:v0+s15+$0x0], $0xffff  }
0x325: {  	v10 =	vld [tilespmem:s11+$0xFFFFFFE0]  }
0x326: {  	v0 =	vld [tilespmem:s11+$0xFFFFFFF0]  }
0x327: {  	v2 =	vld [tilespmem:s11+$0x20]  }
0x328: {  	v3 =	vld [tilespmem:s11+$0xFFFFFFD0]  }
0x329: {  	v8 =	vmul.f32 v4, v1;
	v4 =	vld [tilespmem:s11+$0x0]  }
0x32a: {  	s18 =	simm.s32 $0x1;
	v6 =	vmul.f32 v5, v1  }
0x32b: {  	v9 =	vmov s18;
	s12 =	simm.s32 $0x2;
	s4 =	simm.s32 $0x3C40;
	v5 =	vmul.f32 v10, v1;
	v7 =	vmul.f32 v7, v1  }
.LBB2_21:
0x32c: {  	p1 =	sne.s32 s12, $0x27  }
0x32d: {  	v9 =	vand.u32 $0x7F, v9;
	v3 =	vmul.f32 v3, v1;
	v2 =	vmul.f32 v2, v1;
	[tilespmem:s11+$0x30] =	vst v8;
	s4 =	sadd.s32 $0x80, s4;
	s3 =	smov.u32 s12;
	s12 =	sadd.s32 $0x1, s12  }
0x32e: {  	v8 =	vor.u32 $0x480, v9;
	[tilespmem:s11+$0xFFFFFFC0] =	vst v6;
	v6 =	vmul.f32 v0, v1;
	v1 =	vmul.f32 v4, v1  }
0x32f: {  	v4 =	vbroadcast v8, $0x0;
	[tilespmem:s11+$0x10] =	vst v7  }
0x330: {  	[tilespmem:s11+$0xFFFFFFE0] =	vst v5  }
0x331: {  	v0 =	vld [tilespmem:s4+$0xFFFFFFF0];
	[tilespmem:s11+$0xFFFFFFF0] =	vst v6  }
0x332: {  	v5 =	vld [tilespmem:s4+$0x30];
	[tilespmem:s11+$0x0] =	vst v1  }
0x333: {  	v7 =	vld [tilespmem:s4+$0x10];
	[tilespmem:s11+$0x20] =	vst v2  }
0x334: {  	v6 =	vld [tilespmem:s4+$0xFFFFFFC0];
	[tilespmem:s11+$0xFFFFFFD0] =	vst v3;
	s11 =	smov.u32 s4  }
0x335: {  	v1 =	vld.idx.msk [tilespmem:v4+s15+$0x0], $0xffff  }
0x336: {  	v10 =	vld [tilespmem:s4+$0xFFFFFFE0]  }
0x337: {  	v2 =	vld [tilespmem:s4+$0x20]  }
.Ltmp11:
0x338: {  	v3 =	vld [tilespmem:s4+$0xFFFFFFD0];
	(pc) =	sbr.rel @p1 .LBB2_21-.Ltmp11, $3  }
0x339: {  	v4 =	vld [tilespmem:s4+$0x0];
	_ =	sdelay $0x1  }
0x33a: {  	v6 =	vmul.f32 v6, v1;
	v8 =	vmul.f32 v5, v1  }
0x33b: {  	v9 =	vmov s3;
	v7 =	vmul.f32 v7, v1;
	v5 =	vmul.f32 v10, v1  }
0x33c: {  	[tilespmem:s11+$0xFFFFFFC0] =	vst v6;
	v6 =	vand.u32 $0x7F, v9  }
0x33d: {  	[tilespmem:s11+$0x30] =	vst v8;
	v6 =	vor.u32 $0x480, v6  }
0x33e: {  	v0 =	vmul.f32 v0, v1;
	[tilespmem:s11+$0xFFFFFFE0] =	vst v5;
	v5 =	vbroadcast v6, $0x0  }
0x33f: {  	s3 =	sadd.s32 $0x80, s4;
	[tilespmem:s11+$0x10] =	vst v7;
	v4 =	vmul.f32 v4, v1  }
0x340: {  	v2 =	vmul.f32 v2, v1;
	v6 =	vld [tilespmem:s3+$0xFFFFFFF0];
	[tilespmem:s11+$0xFFFFFFF0] =	vst v0  }
0x341: {  	v1 =	vmul.f32 v3, v1;
	v0 =	vld [tilespmem:s3+$0x30];
	[tilespmem:s11+$0x0] =	vst v4  }
0x342: {  	v3 =	vld [tilespmem:s3+$0x10];
	[tilespmem:s11+$0x20] =	vst v2  }
0x343: {  	v2 =	vld [tilespmem:s3+$0xFFFFFFC0];
	[tilespmem:s11+$0xFFFFFFD0] =	vst v1  }
0x344: {  	v1 =	vld.idx.msk [tilespmem:v5+s15+$0x0], $0xffff;
	_ =	sdelay $0x2  }
0x345: {  	v4 =	vld [tilespmem:s3+$0xFFFFFFE0];
	_ =	sdelay $0x1  }
0x346: {  	v5 =	vld [tilespmem:s3+$0x0];
	v0 =	vmul.f32 v0, v1  }
0x347: {  	v7 =	vld [tilespmem:s3+$0x20];
	v2 =	vmul.f32 v2, v1  }
0x348: {  	v8 =	vld [tilespmem:s3+$0xFFFFFFD0];
	v3 =	vmul.f32 v3, v1;
	[tilespmem:s3+$0x30] =	vst v0  }
0x349: {  	v0 =	vmul.f32 v4, v1;
	[tilespmem:s3+$0xFFFFFFC0] =	vst v2  }
0x34a: {  	v2 =	vmul.f32 v6, v1;
	[tilespmem:s3+$0x10] =	vst v3  }
0x34b: {  	v3 =	vmul.f32 v5, v1;
	[tilespmem:s3+$0xFFFFFFE0] =	vst v0  }
0x34c: {  	v0 =	vmul.f32 v7, v1;
	[tilespmem:s3+$0xFFFFFFF0] =	vst v2  }
0x34d: {  	v1 =	vmul.f32 v8, v1;
	[tilespmem:s3+$0x0] =	vst v3  }
0x34e: {  	[tilespmem:s3+$0x20] =	vst v0  }
0x34f: {  	s12 =	simm.s32 $0x8480;
	s11 =	simm.s32 $0x3C00;
	[tilespmem:s3+$0xFFFFFFD0] =	vst v1;
	s3 =	simm.s32 @p0 $0xA  }
0x350: {  	[spmem:s2] =	stream.indirect.scatter.add.f32 [tilespmem:s11], [sflag:$0xA], $0x80, s12, s0, $0xb8;
	[tilespmem:$0x1D000] =	vst v63  }
0x351: {  	_ =	swait.ge @p0 [sflag:s3], $0x1400  }
0x352: {  	[sflag:s3] =	ssyncset.done @p0 $0x0  }
0x353: {  	[sflag:s3] =	ssyncadd.s32 @p0 $0xFFFFEC00;
	s3 =	simm.s32 @!p0 $0x8  }
0x354: {  	_ =	swait.ge @!p0 [sflag:s3], $0x1400  }
0x355: {  	[sflag:s3] =	ssyncset.done @!p0 $0x0  }
0x356: {  	[sflag:s3] =	ssyncadd.s32 @!p0 $0xFFFFEC00;
	s3 =	simm.s32 @!p0 $0xE  }
0x357: {  	_ =	swait.ge @!p0 [sflag:s3], $0x80  }
0x358: {  	[sflag:s3] =	ssyncset.done @!p0 $0x0  }
0x359: {  	[sflag:s3] =	ssyncadd.s32 @!p0 $0xFFFFFF80  }
0x35a: {  	_ =	swait.ge @!p0 [sflag:s3], $0x80  }
0x35b: {  	[sflag:s3] =	ssyncset.done @!p0 $0x0  }
0x35c: {  	[sflag:s3] =	ssyncadd.s32 @!p0 $0xFFFFFF80  }
0x35d: {  	_ =	swait.ge @!p0 [sflag:s3], $0x80  }
0x35e: {  	s4 =	simm.s32 @!p0 $0x7880;
	[sflag:s3] =	ssyncset.done @!p0 $0x0  }
0x35f: {  	s10 =	simm.s32 @!p0 $0x1400;
	[sflag:s3] =	ssyncadd.s32 @!p0 $0xFFFFFF80;
	s3 =	simm.s32 @!p0 $0x28  }
0x360: {  	[tilespmem:s10], [sflag:$0x2] =	stream.indirect.gather @!p0 [hbm4b:s5+s3], $0x80, s4, s3, $0xb8;
	[tilespmem:$0x1D000] =	vst v63  }
0x361: {  	s3 =	sadd.s32 @!p0 $0x880, s21  }
0x362: {  	s4 =	sand.u32 @!p0 $0x1FC00, s3  }
0x363: {  	s3 =	sand.u32 @!p0 $0x280, s3;
	s4 =	sadd.s32 @!p0 s9, s4  }
0x364: {  	s3 =	sor.u32 @!p0 s3, s4  }
0x365: {  	s3 =	sshrl.u32 @!p0 s3, $0x3  }
0x366: {  	s11 =	simm.s32 @!p0 $0x7A80;
	s10 =	simm.s32 @!p0 $0x0;
	s4 =	sadd.s32 @!p0 s1, s3  }
0x367: {  	[tilespmem:s11], [sflag:$0x12] =	stream.linear.gather @!p0 [hbm4b:s4+s10], $0x80, $0x38;
	[tilespmem:$0x1D000] =	vst v63  }
0x368: {  	s12 =	simm.s32 $0x0;
	s4 =	sadd.s32 @!p0 s6, s3;
	s11 =	simm.s32 @!p0 $0x8280  }
0x369: {  	v0 =	vmov s12;
	[tilespmem:s11], [sflag:$0x12] =	stream.linear.gather @!p0 [hbm4b:s4+s10], $0x80, $0x38;
	[tilespmem:$0x1D000] =	vst v63  }
0x36a: {  	v0 =	vand.u32 $0x7F, v0;
	s3 =	sadd.s32 @!p0 s7, s3;
	s4 =	simm.s32 @!p0 $0x8A80  }
0x36b: {  	v0 =	vor.u32 $0x500, v0;
	[tilespmem:s4], [sflag:$0x12] =	stream.linear.gather @!p0 [hbm4b:s3+s10], $0x80, $0x38;
	[tilespmem:$0x1D000] =	vst v63  }
0x36c: {  	v0 =	vbroadcast v0, $0x0;
	_ =	swait.ge [sflag:s19], $0x1400  }
0x36d: {  	[sflag:s19] =	ssyncset.done $0x0  }
0x36e: {  	s11 =	simm.s32 $0x5040;
	[sflag:s19] =	ssyncadd.s32 $0xFFFFEC00  }
0x36f: {  	v4 =	vld [tilespmem:s11+$0x30]  }
0x370: {  	v7 =	vld [tilespmem:s11+$0x10]  }
0x371: {  	v5 =	vld [tilespmem:s11+$0xFFFFFFC0]  }
0x372: {  	v1 =	vld.idx.msk [tilespmem:v0+s15+$0x0], $0xffff  }
0x373: {  	v10 =	vld [tilespmem:s11+$0xFFFFFFE0]  }
0x374: {  	v0 =	vld [tilespmem:s11+$0xFFFFFFF0]  }
0x375: {  	v2 =	vld [tilespmem:s11+$0x20]  }
0x376: {  	v3 =	vld [tilespmem:s11+$0xFFFFFFD0]  }
0x377: {  	v8 =	vmul.f32 v4, v1;
	v4 =	vld [tilespmem:s11+$0x0]  }
0x378: {  	s18 =	simm.s32 $0x1;
	v6 =	vmul.f32 v5, v1  }
0x379: {  	v9 =	vmov s18;
	s12 =	simm.s32 $0x2;
	s4 =	simm.s32 $0x5040;
	v5 =	vmul.f32 v10, v1;
	v7 =	vmul.f32 v7, v1  }
.LBB2_23:
0x37a: {  	p1 =	sne.s32 s12, $0x27  }
0x37b: {  	v9 =	vand.u32 $0x7F, v9;
	v3 =	vmul.f32 v3, v1;
	v2 =	vmul.f32 v2, v1;
	[tilespmem:s11+$0x30] =	vst v8;
	s4 =	sadd.s32 $0x80, s4;
	s3 =	smov.u32 s12;
	s12 =	sadd.s32 $0x1, s12  }
0x37c: {  	v8 =	vor.u32 $0x500, v9;
	[tilespmem:s11+$0xFFFFFFC0] =	vst v6;
	v6 =	vmul.f32 v0, v1;
	v1 =	vmul.f32 v4, v1  }
0x37d: {  	v4 =	vbroadcast v8, $0x0;
	[tilespmem:s11+$0x10] =	vst v7  }
0x37e: {  	[tilespmem:s11+$0xFFFFFFE0] =	vst v5  }
0x37f: {  	v0 =	vld [tilespmem:s4+$0xFFFFFFF0];
	[tilespmem:s11+$0xFFFFFFF0] =	vst v6  }
0x380: {  	v5 =	vld [tilespmem:s4+$0x30];
	[tilespmem:s11+$0x0] =	vst v1  }
0x381: {  	v7 =	vld [tilespmem:s4+$0x10];
	[tilespmem:s11+$0x20] =	vst v2  }
0x382: {  	v6 =	vld [tilespmem:s4+$0xFFFFFFC0];
	[tilespmem:s11+$0xFFFFFFD0] =	vst v3;
	s11 =	smov.u32 s4  }
0x383: {  	v1 =	vld.idx.msk [tilespmem:v4+s15+$0x0], $0xffff  }
0x384: {  	v10 =	vld [tilespmem:s4+$0xFFFFFFE0]  }
0x385: {  	v2 =	vld [tilespmem:s4+$0x20]  }
.Ltmp12:
0x386: {  	v3 =	vld [tilespmem:s4+$0xFFFFFFD0];
	(pc) =	sbr.rel @p1 .LBB2_23-.Ltmp12, $3  }
0x387: {  	v4 =	vld [tilespmem:s4+$0x0];
	_ =	sdelay $0x1  }
0x388: {  	v6 =	vmul.f32 v6, v1;
	v8 =	vmul.f32 v5, v1  }
0x389: {  	v9 =	vmov s3;
	v7 =	vmul.f32 v7, v1;
	v5 =	vmul.f32 v10, v1  }
0x38a: {  	[tilespmem:s11+$0xFFFFFFC0] =	vst v6;
	v6 =	vand.u32 $0x7F, v9  }
0x38b: {  	[tilespmem:s11+$0x30] =	vst v8;
	v6 =	vor.u32 $0x500, v6  }
0x38c: {  	v0 =	vmul.f32 v0, v1;
	[tilespmem:s11+$0xFFFFFFE0] =	vst v5;
	v5 =	vbroadcast v6, $0x0  }
0x38d: {  	s3 =	sadd.s32 $0x80, s4;
	[tilespmem:s11+$0x10] =	vst v7;
	v4 =	vmul.f32 v4, v1  }
0x38e: {  	v2 =	vmul.f32 v2, v1;
	v6 =	vld [tilespmem:s3+$0xFFFFFFF0];
	[tilespmem:s11+$0xFFFFFFF0] =	vst v0  }
0x38f: {  	v1 =	vmul.f32 v3, v1;
	v0 =	vld [tilespmem:s3+$0x30];
	[tilespmem:s11+$0x0] =	vst v4  }
0x390: {  	v3 =	vld [tilespmem:s3+$0x10];
	[tilespmem:s11+$0x20] =	vst v2  }
0x391: {  	v2 =	vld [tilespmem:s3+$0xFFFFFFC0];
	[tilespmem:s11+$0xFFFFFFD0] =	vst v1  }
0x392: {  	v1 =	vld.idx.msk [tilespmem:v5+s15+$0x0], $0xffff;
	_ =	sdelay $0x2  }
0x393: {  	v4 =	vld [tilespmem:s3+$0xFFFFFFE0];
	_ =	sdelay $0x1  }
0x394: {  	v5 =	vld [tilespmem:s3+$0x0];
	v0 =	vmul.f32 v0, v1  }
0x395: {  	v7 =	vld [tilespmem:s3+$0x20];
	v2 =	vmul.f32 v2, v1  }
0x396: {  	v8 =	vld [tilespmem:s3+$0xFFFFFFD0];
	v3 =	vmul.f32 v3, v1;
	[tilespmem:s3+$0x30] =	vst v0  }
0x397: {  	v0 =	vmul.f32 v4, v1;
	[tilespmem:s3+$0xFFFFFFC0] =	vst v2  }
0x398: {  	v2 =	vmul.f32 v6, v1;
	[tilespmem:s3+$0x10] =	vst v3  }
0x399: {  	v3 =	vmul.f32 v5, v1;
	[tilespmem:s3+$0xFFFFFFE0] =	vst v0  }
0x39a: {  	v0 =	vmul.f32 v7, v1;
	[tilespmem:s3+$0xFFFFFFF0] =	vst v2  }
0x39b: {  	v1 =	vmul.f32 v8, v1;
	[tilespmem:s3+$0x0] =	vst v3  }
0x39c: {  	[tilespmem:s3+$0x20] =	vst v0  }
0x39d: {  	s12 =	simm.s32 $0x8500;
	s11 =	simm.s32 $0x5000;
	[tilespmem:s3+$0xFFFFFFD0] =	vst v1;
	s3 =	simm.s32 @p0 $0xB  }
0x39e: {  	[spmem:s2] =	stream.indirect.scatter.add.f32 [tilespmem:s11], [sflag:$0xB], $0x80, s12, s0, $0xb8;
	[tilespmem:$0x1D000] =	vst v63  }
0x39f: {  	_ =	swait.ge @p0 [sflag:s3], $0x1400  }
0x3a0: {  	[sflag:s3] =	ssyncset.done @p0 $0x0  }
0x3a1: {  	[sflag:s3] =	ssyncadd.s32 @p0 $0xFFFFEC00;
	s3 =	simm.s32 @!p0 $0x9  }
0x3a2: {  	_ =	swait.ge @!p0 [sflag:s3], $0x1400  }
0x3a3: {  	[sflag:s3] =	ssyncset.done @!p0 $0x0  }
0x3a4: {  	[sflag:s3] =	ssyncadd.s32 @!p0 $0xFFFFEC00;
	s3 =	simm.s32 @!p0 $0xF  }
0x3a5: {  	_ =	swait.ge @!p0 [sflag:s3], $0x80  }
0x3a6: {  	[sflag:s3] =	ssyncset.done @!p0 $0x0  }
0x3a7: {  	[sflag:s3] =	ssyncadd.s32 @!p0 $0xFFFFFF80  }
0x3a8: {  	_ =	swait.ge @!p0 [sflag:s3], $0x80  }
0x3a9: {  	[sflag:s3] =	ssyncset.done @!p0 $0x0  }
0x3aa: {  	[sflag:s3] =	ssyncadd.s32 @!p0 $0xFFFFFF80  }
0x3ab: {  	_ =	swait.ge @!p0 [sflag:s3], $0x80  }
0x3ac: {  	s4 =	simm.s32 @!p0 $0x7900;
	[sflag:s3] =	ssyncset.done @!p0 $0x0  }
0x3ad: {  	s10 =	simm.s32 @!p0 $0x2800;
	[sflag:s3] =	ssyncadd.s32 @!p0 $0xFFFFFF80;
	s3 =	simm.s32 @!p0 $0x28  }
0x3ae: {  	[tilespmem:s10], [sflag:$0x3] =	stream.indirect.gather @!p0 [hbm4b:s5+s3], $0x80, s4, s3, $0xb8;
	[tilespmem:$0x1D000] =	vst v63  }
0x3af: {  	s3 =	sadd.s32 @!p0 $0x900, s21  }
0x3b0: {  	s4 =	sand.u32 @!p0 $0x1FC00, s3  }
0x3b1: {  	s3 =	sand.u32 @!p0 $0x300, s3;
	s4 =	sadd.s32 @!p0 s9, s4  }
0x3b2: {  	s3 =	sor.u32 @!p0 s3, s4  }
0x3b3: {  	s3 =	sshrl.u32 @!p0 s3, $0x3  }
0x3b4: {  	s11 =	simm.s32 @!p0 $0x7B00;
	s10 =	simm.s32 @!p0 $0x0;
	s4 =	sadd.s32 @!p0 s1, s3  }
0x3b5: {  	[tilespmem:s11], [sflag:$0x13] =	stream.linear.gather @!p0 [hbm4b:s4+s10], $0x80, $0x38;
	[tilespmem:$0x1D000] =	vst v63  }
0x3b6: {  	s12 =	simm.s32 $0x0;
	s4 =	sadd.s32 @!p0 s6, s3;
	s11 =	simm.s32 @!p0 $0x8300  }
0x3b7: {  	v0 =	vmov s12;
	[tilespmem:s11], [sflag:$0x13] =	stream.linear.gather @!p0 [hbm4b:s4+s10], $0x80, $0x38;
	[tilespmem:$0x1D000] =	vst v63  }
0x3b8: {  	v0 =	vand.u32 $0x7F, v0;
	s3 =	sadd.s32 @!p0 s7, s3;
	s4 =	simm.s32 @!p0 $0x8B00  }
0x3b9: {  	v0 =	vor.u32 $0x580, v0;
	[tilespmem:s4], [sflag:$0x13] =	stream.linear.gather @!p0 [hbm4b:s3+s10], $0x80, $0x38;
	[tilespmem:$0x1D000] =	vst v63  }
0x3ba: {  	v0 =	vbroadcast v0, $0x0;
	_ =	swait.ge [sflag:s24], $0x1400  }
0x3bb: {  	[sflag:s24] =	ssyncset.done $0x0  }
0x3bc: {  	s11 =	simm.s32 $0x6440;
	[sflag:s24] =	ssyncadd.s32 $0xFFFFEC00  }
0x3bd: {  	v4 =	vld [tilespmem:s11+$0x30]  }
0x3be: {  	v7 =	vld [tilespmem:s11+$0x10]  }
0x3bf: {  	v5 =	vld [tilespmem:s11+$0xFFFFFFC0]  }
0x3c0: {  	v1 =	vld.idx.msk [tilespmem:v0+s15+$0x0], $0xffff  }
0x3c1: {  	v10 =	vld [tilespmem:s11+$0xFFFFFFE0]  }
0x3c2: {  	v0 =	vld [tilespmem:s11+$0xFFFFFFF0]  }
0x3c3: {  	v2 =	vld [tilespmem:s11+$0x20]  }
0x3c4: {  	v3 =	vld [tilespmem:s11+$0xFFFFFFD0]  }
0x3c5: {  	v8 =	vmul.f32 v4, v1;
	v4 =	vld [tilespmem:s11+$0x0]  }
0x3c6: {  	s18 =	simm.s32 $0x1;
	v6 =	vmul.f32 v5, v1  }
0x3c7: {  	v9 =	vmov s18;
	s12 =	simm.s32 $0x2;
	s4 =	simm.s32 $0x6440;
	v5 =	vmul.f32 v10, v1;
	v7 =	vmul.f32 v7, v1  }
.LBB2_25:
0x3c8: {  	p1 =	sne.s32 s12, $0x27  }
0x3c9: {  	v9 =	vand.u32 $0x7F, v9;
	v3 =	vmul.f32 v3, v1;
	v2 =	vmul.f32 v2, v1;
	[tilespmem:s11+$0x30] =	vst v8;
	s4 =	sadd.s32 $0x80, s4;
	s3 =	smov.u32 s12;
	s12 =	sadd.s32 $0x1, s12  }
0x3ca: {  	v8 =	vor.u32 $0x580, v9;
	[tilespmem:s11+$0xFFFFFFC0] =	vst v6;
	v6 =	vmul.f32 v0, v1;
	v1 =	vmul.f32 v4, v1  }
0x3cb: {  	v4 =	vbroadcast v8, $0x0;
	[tilespmem:s11+$0x10] =	vst v7  }
0x3cc: {  	[tilespmem:s11+$0xFFFFFFE0] =	vst v5  }
0x3cd: {  	v0 =	vld [tilespmem:s4+$0xFFFFFFF0];
	[tilespmem:s11+$0xFFFFFFF0] =	vst v6  }
0x3ce: {  	v5 =	vld [tilespmem:s4+$0x30];
	[tilespmem:s11+$0x0] =	vst v1  }
0x3cf: {  	v7 =	vld [tilespmem:s4+$0x10];
	[tilespmem:s11+$0x20] =	vst v2  }
0x3d0: {  	v6 =	vld [tilespmem:s4+$0xFFFFFFC0];
	[tilespmem:s11+$0xFFFFFFD0] =	vst v3;
	s11 =	smov.u32 s4  }
0x3d1: {  	v1 =	vld.idx.msk [tilespmem:v4+s15+$0x0], $0xffff  }
0x3d2: {  	v10 =	vld [tilespmem:s4+$0xFFFFFFE0]  }
0x3d3: {  	v2 =	vld [tilespmem:s4+$0x20]  }
.Ltmp13:
0x3d4: {  	v3 =	vld [tilespmem:s4+$0xFFFFFFD0];
	(pc) =	sbr.rel @p1 .LBB2_25-.Ltmp13, $3  }
0x3d5: {  	v4 =	vld [tilespmem:s4+$0x0];
	_ =	sdelay $0x1  }
0x3d6: {  	v6 =	vmul.f32 v6, v1;
	v8 =	vmul.f32 v5, v1  }
0x3d7: {  	v9 =	vmov s3;
	v7 =	vmul.f32 v7, v1;
	v5 =	vmul.f32 v10, v1  }
0x3d8: {  	[tilespmem:s11+$0x30] =	vst v8;
	v51 =	vand.u32 $0x7F, v9  }
0x3d9: {  	[tilespmem:s11+$0xFFFFFFC0] =	vst v6;
	v6 =	vor.u32 $0x580, v51  }
0x3da: {  	v0 =	vmul.f32 v0, v1;
	[tilespmem:s11+$0x10] =	vst v7;
	v52 =	vbroadcast v6, $0x0  }
0x3db: {  	s3 =	sadd.s32 $0x80, s4;
	[tilespmem:s11+$0xFFFFFFE0] =	vst v5;
	v4 =	vmul.f32 v4, v1  }
0x3dc: {  	v55 =	vmul.f32 v3, v1;
	v53 =	vld [tilespmem:s3+$0xFFFFFFF0];
	[tilespmem:s11+$0xFFFFFFF0] =	vst v0  }
0x3dd: {  	v2 =	vmul.f32 v2, v1;
	v54 =	vld [tilespmem:s3+$0x30];
	[tilespmem:s11+$0x0] =	vst v4  }
0x3de: {  	v57 =	vld [tilespmem:s3+$0xFFFFFFC0];
	[tilespmem:s11+$0xFFFFFFD0] =	vst v55  }
0x3df: {  	v56 =	vld [tilespmem:s3+$0x10];
	[tilespmem:s11+$0x20] =	vst v2  }
0x3e0: {  	v1 =	vld.idx.msk [tilespmem:v52+s15+$0x0], $0xffff;
	_ =	sdelay $0x2  }
0x3e1: {  	v4 =	vld [tilespmem:s3+$0xFFFFFFE0];
	_ =	sdelay $0x1  }
0x3e2: {  	v58 =	vld [tilespmem:s3+$0x0];
	v0 =	vmul.f32 v54, v1  }
0x3e3: {  	v7 =	vld [tilespmem:s3+$0x20];
	v2 =	vmul.f32 v57, v1  }
0x3e4: {  	v59 =	vld [tilespmem:s3+$0xFFFFFFD0];
	v3 =	vmul.f32 v56, v1;
	[tilespmem:s3+$0x30] =	vst v0  }
0x3e5: {  	v60 =	vmul.f32 v4, v1;
	[tilespmem:s3+$0xFFFFFFC0] =	vst v2  }
0x3e6: {  	v61 =	vmul.f32 v53, v1;
	[tilespmem:s3+$0x10] =	vst v3  }
0x3e7: {  	v62 =	vmul.f32 v58, v1;
	[tilespmem:s3+$0xFFFFFFE0] =	vst v60  }
.Ltmp14:
0x3e8: {  	v63 =	vmul.f32 v7, v1;
	[tilespmem:s3+$0xFFFFFFF0] =	vst v61;
	(pc) =	sbr.rel @p0 .LBB2_28-.Ltmp14, $4  }
0x3e9: {  	v1 =	vmul.f32 v59, v1;
	[tilespmem:s3+$0x0] =	vst v62  }
0x3ea: {  	[tilespmem:s3+$0x20] =	vst v63  }
0x3eb: {  	s12 =	simm.s32 $0x6400;
	s18 =	simm.s32 $0x8580;
	[tilespmem:s3+$0xFFFFFFD0] =	vst v1  }
0x3ec: {  	[spmem:s2] =	stream.indirect.scatter.add.f32 [tilespmem:s12], [sflag:$0xC], $0x80, s18, s0, $0xb8;
	[tilespmem:$0x1D000] =	vst v63  }
0x3ed: {  	s3 =	simm.s32 $0xA  }
0x3ee: {  	_ =	swait.ge [sflag:s3], $0x1400  }
0x3ef: {  	[sflag:s3] =	ssyncset.done $0x0  }
0x3f0: {  	[sflag:s3] =	ssyncadd.s32 $0xFFFFEC00  }
0x3f1: {  	_ =	swait.ge [sflag:s13], $0x80  }
0x3f2: {  	[sflag:s13] =	ssyncset.done $0x0  }
0x3f3: {  	[sflag:s13] =	ssyncadd.s32 $0xFFFFFF80  }
0x3f4: {  	_ =	swait.ge [sflag:s13], $0x80  }
0x3f5: {  	[sflag:s13] =	ssyncset.done $0x0  }
0x3f6: {  	[sflag:s13] =	ssyncadd.s32 $0xFFFFFF80  }
0x3f7: {  	_ =	swait.ge [sflag:s13], $0x80  }
0x3f8: {  	s18 =	simm.s32 $0x7980;
	s10 =	sadd.s32 $0x980, s21;
	[sflag:s13] =	ssyncset.done $0x0  }
0x3f9: {  	s4 =	simm.s32 $0x3C00;
	s11 =	sand.u32 $0x1FC00, s10;
	[sflag:s13] =	ssyncadd.s32 $0xFFFFFF80  }
0x3fa: {  	[tilespmem:s4], [sflag:$0x4] =	stream.indirect.gather [hbm4b:s5+s0], $0x80, s18, s0, $0xb8;
	[tilespmem:$0x1D000] =	vst v63  }
0x3fb: {  	s3 =	sand.u32 $0x380, s10;
	s4 =	sadd.s32 s9, s11  }
0x3fc: {  	s3 =	sor.u32 s3, s4  }
0x3fd: {  	s3 =	sshrl.u32 s3, $0x3  }
0x3fe: {  	s10 =	simm.s32 $0x0;
	s11 =	simm.s32 $0x7B80;
	s12 =	sadd.s32 s1, s3  }
0x3ff: {  	[tilespmem:s11], [sflag:$0x14] =	stream.linear.gather [hbm4b:s12+s10], $0x80, $0x38;
	[tilespmem:$0x1D000] =	vst v63  }
.Ltmp15:
0x400: {  	_ = 	snop;
	(pc) =	sbr.rel .LBB2_2-.Ltmp15, $4  }
0x401: {  	s21 =	simm.s32 $0x8B80;
	s18 =	sadd.s32 s6, s3  }
0x402: {  	[tilespmem:s30], [sflag:$0x14] =	stream.linear.gather [hbm4b:s18+s10], $0x80, $0x38;
	[tilespmem:$0x1D000] =	vst v63  }
0x403: {  	s16 =	sadd.s32 $0x1, s16;
	s3 =	sadd.s32 s7, s3;
	s30 =	simm.s32 $0x0  }
0x404: {  	[tilespmem:s21], [sflag:$0x14] =	stream.linear.gather [hbm4b:s3+s10], $0x80, $0x38;
	[tilespmem:$0x1D000] =	vst v63  }
.LBB2_29:
0x405: {  	_ =	sfence.sel $0x180000  }
0x406: {  	[bflag:$0x0] =	sbarrier.arrive $0xFFFF  }
0x407: {  	_ =	strace $0x90000047  }
0x408: {  	s0 =	stileid.u32;
	[bflag:$0x2] =	sbarrier.arrive $0xFFFF  }
0x409: {  	p0 =	sne.s32 s0, $0x0;
	s0 =	rddreg [dreg:$0x3]  }
0x40a: {  	s0 =	sadd.s32 @!p0 $0x100000, s0  }
0x40b: {  	[sflag:s0] =	ssyncadd.tile.s32 @!p0 $0x1;
	_ =	shalt  }
.Lfunc_end2:
_tile_overlayer_lowered:
.L_overlay_start_2:
0x40c: {  	(tag) =	ssettag $0x2  }
0x40d: {  	s0 =	rddreg [dreg:$0x0];
	s2 =	stileid.u32  }
0x40e: {  	s1 =	rddreg [dreg:$0x1];
	p0 =	sne.s32 s2, $0x0  }
0x40f: {  	s3 =	rddreg [dreg:$0x2];
	[bflag:$0x3] =	sbarrier.arrive $0xFFFF;
	s2 =	simm.s32 @!p0 $0x1C19  }
0x410: {  	[timem:s3], [sflag:s2] =	dma.local @!p0 [hbm:s0], s1  }
0x411: {  	s0 =	simm.s32 @!p0 $0x19  }
0x412: {  	_ =	swait.ge @!p0 [sflag:s0], s1  }
0x413: {  	s1 =	ssub.s32 @!p0 $0x0, s1;
	[sflag:s0] =	ssyncset.done @!p0 $0x0  }
0x414: {  	[sflag:s0] =	ssyncadd.s32 @!p0 s1  }
0x415: {  	[bflag:$0x3] =	sbarrier.arrive $0xFFFF  }
0x416: {  	_ =	shalt  }

</sc_bundles>
